<compile_context>
chip_gen: v7x
topology: tpu7x:2x2x1
jax: 0.10.2.dev20260603
libtpu: 0.0.44.dev20260713+nightly
codegen_flags: <defaults>
</compile_context>

<pallas_src>
import jax
import jax.numpy as jnp
from jax import lax
from jax.experimental import pallas as pl
from jax.experimental.pallas import tpu as pltpu
from jax.experimental.pallas import tpu_sc as plsc

_B, _N, _K = 4, 2048, 16
_CIN = 128
_CP = 256
_CW = 128
_TNQ = 512
_TN = 256
_GW = 128



def _knn_body(q_ref, p_ref, o_ref):
    q = jnp.transpose(q_ref[0])
    p = p_ref[0]
    q2 = jnp.sum(q * q, axis=1, keepdims=True)
    p2 = jnp.sum(p * p, axis=0, keepdims=True)
    qp = jnp.dot(q, p, preferred_element_type=jnp.float32)
    d = q2 + p2 - 2.0 * qp
    iota = lax.broadcasted_iota(jnp.int32, d.shape, 1)
    bound = jnp.max(jnp.min(d.reshape(_TNQ, _K, _N // _K), axis=2),
                    axis=1, keepdims=True)
    scale = jnp.float32(2 ** 19 - 2) / jnp.maximum(bound, jnp.float32(1e-30))
    ki = jnp.clip((d * scale).astype(jnp.int32),
                  jnp.int32(0), jnp.int32(2 ** 19 - 1))
    key = lax.bitcast_convert_type(
        jnp.bitwise_or(jnp.left_shift(ki, 11), iota) + jnp.int32(2 ** 28),
        jnp.float32)
    big = jnp.float32(1e30)
    prev = jnp.zeros((_TNQ, 1), jnp.float32)
    cols = []
    for t in range(_K):
        prev = jnp.min(jnp.where(key > prev, key, big), axis=1, keepdims=True)
        cols.append(prev)
    ids = jnp.bitwise_and(
        lax.bitcast_convert_type(jnp.concatenate(cols, axis=1), jnp.int32),
        jnp.int32(2047))
    o_ref[0] = jnp.transpose(ids) + pl.program_id(0) * _N


def _knn(q8t, p8t):
    return pl.pallas_call(
        _knn_body,
        grid=(q8t.shape[0], _N // _TNQ),
        in_specs=[
            pl.BlockSpec((1, 8, _TNQ), lambda b, i: (b, 0, i)),
            pl.BlockSpec((1, 8, _N), lambda b, i: (b, 0, 0)),
        ],
        out_specs=pl.BlockSpec((1, _K, _TNQ), lambda b, i: (b, 0, i)),
        out_shape=jax.ShapeDtypeStruct((q8t.shape[0], _K, _N), jnp.int32),
    )(q8t, p8t)



def _pack_body(f_ref, p_ref, o_ref):
    i32 = jnp.int32

    def rb(x):
        b = lax.bitcast_convert_type(x, i32)
        return jnp.right_shift(
            b + i32(0x7FFF) + jnp.bitwise_and(jnp.right_shift(b, 16), 1), 16)

    ft = jnp.transpose(f_ref[0])
    pt = jnp.transpose(p_ref[0])
    lo = jnp.bitwise_and(rb(ft), i32(0xFFFF))
    hi = jnp.pad(jnp.left_shift(rb(pt), 16), ((0, 0), (0, _CW - 8)))
    o_ref[0] = jnp.bitwise_or(lo, hi)


def _pack(pf, p8t):
    return pl.pallas_call(
        _pack_body,
        grid=(pf.shape[0],),
        in_specs=[
            pl.BlockSpec((1, _CIN, _N), lambda b: (b, 0, 0)),
            pl.BlockSpec((1, 8, _N), lambda b: (b, 0, 0)),
        ],
        out_specs=pl.BlockSpec((1, _N, _CW), lambda b: (b, 0, 0)),
        out_shape=jax.ShapeDtypeStruct((pf.shape[0], _N, _CW), jnp.int32),
    )(pf, p8t)



def _sc_gather(table, idx2):
    rows, n = idx2.shape
    num = rows * n

    @pl.kernel(
        out_type=jax.ShapeDtypeStruct((num, _CW), jnp.int32),
        mesh=plsc.VectorSubcoreMesh(core_axis_name="c", subcore_axis_name="s"),
    )
    def gather_kernel(t_hbm, i_hbm, o_hbm):
        def body(i_vmem, o_vmem):
            pltpu.sync_copy(t_hbm.at[i_vmem.at[0]], o_vmem)

        pltpu.emit_pipeline(
            body,
            grid=(rows, n // _GW),
            in_specs=[pl.BlockSpec((1, _GW), index_map=lambda r, c: (r, c))],
            out_specs=[pl.BlockSpec((_GW, _CW),
                                    index_map=lambda r, c: (r * (n // _GW) + c, 0))],
            core_axis_name=("c", "s"),
            dimension_semantics=(pltpu.PARALLEL, pltpu.PARALLEL),
        )(i_hbm, o_hbm)

    return gather_kernel(table, idx2)



def _mlp_body(g_ref, pt_ref,
              w1e_ref, w1o_ref, w1q_ref, b1_ref,
              w2_ref, b2_ref, w3_ref, b3_ref,
              wse_ref, wso_ref, wsq_ref, bs_ref,
              wo1_ref, bo1_ref, wo2_ref, bo2_ref, o_ref):
    bf16 = jnp.bfloat16
    f32 = jnp.float32
    g = g_ref[0]
    ge = lax.bitcast_convert_type(jnp.left_shift(g, 16), f32).astype(bf16)
    go = lax.bitcast_convert_type(
        jnp.bitwise_and(g[:, :, 0:8], jnp.int32(-65536)), f32).astype(bf16)
    pt = jnp.transpose(pt_ref[0]).astype(bf16)

    gef = ge.reshape(_K * _TN, _CW)
    gof = go.reshape(_K * _TN, 8)

    h = (jnp.dot(gef, w1e_ref[...], preferred_element_type=f32)
         + jnp.dot(gof, w1o_ref[...], preferred_element_type=f32))
    h = h.reshape(_K, _TN, 128)
    h = h - jnp.dot(pt, w1q_ref[...], preferred_element_type=f32)[None, :, :]
    h = jnp.maximum(h + b1_ref[...], 0.0)
    h = h.reshape(_K * _TN, 128).astype(bf16)
    h = jnp.maximum(jnp.dot(h, w2_ref[...], preferred_element_type=f32)
                    + b2_ref[...], 0.0).astype(bf16)
    h = jnp.maximum(jnp.dot(h, w3_ref[...], preferred_element_type=f32)
                    + b3_ref[...], 0.0)
    h = h.astype(bf16)

    gem = ge[0]
    gom = go[0]
    for k in range(1, _K):
        gem = jnp.maximum(gem, ge[k])
        gom = jnp.maximum(gom, go[k])
    sk = (jnp.dot(gem, wse_ref[...], preferred_element_type=f32)
          + jnp.dot(gom, wso_ref[...], preferred_element_type=f32)
          - jnp.dot(pt, wsq_ref[...], preferred_element_type=f32))
    sk = jnp.maximum(sk + bs_ref[...], 0.0)

    acc = jnp.dot(h[0:_TN], wo1_ref[0], preferred_element_type=f32)
    for k in range(1, _K):
        acc = acc + jnp.dot(h[k * _TN:(k + 1) * _TN], wo1_ref[k],
                            preferred_element_type=f32)
    out1 = (jnp.maximum(acc + bo1_ref[...], 0.0) + sk).astype(bf16)
    out = jnp.maximum(jnp.dot(out1, wo2_ref[...], preferred_element_type=f32)
                      + bo2_ref[...], 0.0)
    o_ref[0] = out


def _mlp(g4, p8, weights):
    full = lambda shape: pl.BlockSpec(shape, lambda b, i: tuple(0 for _ in shape))
    w_specs = [
        full((_CW, 128)), full((8, 128)), full((8, 128)), full((1, 128)),
        full((128, 128)), full((1, 128)), full((128, 256)), full((1, 256)),
        full((_CW, 256)), full((8, 256)), full((8, 256)), full((1, 256)),
        full((_K, 256, 256)), full((1, 256)), full((256, 256)), full((1, 256)),
    ]
    return pl.pallas_call(
        _mlp_body,
        grid=(g4.shape[0], _N // _TN),
        in_specs=[
            pl.BlockSpec((1, _K, _TN, _CW), lambda b, i: (b, 0, i, 0)),
            pl.BlockSpec((1, 8, _TN), lambda b, i: (b, 0, i)),
        ] + w_specs,
        out_specs=pl.BlockSpec((1, _TN, 256), lambda b, i: (b, i, 0)),
        out_shape=jax.ShapeDtypeStruct((g4.shape[0], _N, 256), jnp.float32),
    )(g4, p8, *weights)



def kernel(points, point_features, query_points, W_skip, b_skip,
           W1, b1, W2, b2, W3, b3, Wo1, bo1, Wo2, bo2):
    p8t = jnp.pad(points, ((0, 0), (0, 5), (0, 0)))
    q8t = jnp.pad(query_points, ((0, 0), (0, 5), (0, 0)))

    table = _pack(point_features, p8t)

    pad_w = lambda w: jnp.pad(w, ((0, 5), (0, 0)))
    W1t, W2t, W3t = W1.T, W2.T, W3.T
    Wst, Wo2t = W_skip.T, Wo2.T

    w1e = W1t[3:3 + _CIN, :]
    w1o = pad_w(W1t[0:3, :] + W1t[131:134, :])
    w1q = pad_w(W1t[131:134, :])
    wse = Wst[3:3 + _CIN, :]
    wso = pad_w(Wst[0:3, :] + Wst[131:134, :])
    wsq = pad_w(Wst[131:134, :])
    wo1t = jnp.transpose(Wo1, (1, 2, 0))
    row = lambda b: b.reshape(1, -1)
    bf = lambda w: w.astype(jnp.bfloat16)
    weights = [bf(w1e), bf(w1o), bf(w1q), row(b1), bf(W2t), row(b2),
               bf(W3t), row(b3), bf(wse), bf(wso), bf(wsq), row(b_skip),
               bf(wo1t), row(bo1), bf(Wo2t), row(bo2)]

    hs = []
    for b in range(_B):
        gidx_b = _knn(q8t[b:b + 1], p8t[b:b + 1])
        g_b = _sc_gather(table[b], gidx_b.reshape(_K, _N))
        hs.append(_mlp(g_b.reshape(1, _K, _N, _CW), p8t[b:b + 1], weights))
    h = jnp.concatenate(hs, axis=0)
    return (points, jnp.transpose(h, (0, 2, 1)))

# --- scband reference (transcript-rebuilt; emitter-appended) ---
"""Pipeline reference for scband-point-shuffle-62319975465504 (READ-ONLY COPY).

The authoritative reference and input builder live on the scoring server;
editing this copy changes nothing except your own understanding.
"""

import jax, jax.numpy as jnp
import numpy as np

B, N, K = 4, 2048, 16
CIN = 128
C_GROUP = CIN + 3 + 3  # abs grouped points + features + relative points = 134
C_OUT = 256


def setup_inputs(seed: int = 0) -> dict:
    key = jax.random.key(seed)
    ks = jax.random.split(key, 20)
    points = jax.random.normal(ks[0], (B, 3, N), dtype=jnp.float32)
    point_features = jax.random.normal(ks[1], (B, CIN, N), dtype=jnp.float32)
    query_points = jax.random.normal(ks[2], (B, 3, N), dtype=jnp.float32)
    W_skip = jax.random.normal(ks[3], (C_OUT, C_GROUP), dtype=jnp.float32) * 0.05
    b_skip = jnp.zeros((C_OUT,), dtype=jnp.float32)
    W1 = jax.random.normal(ks[4], (128, C_GROUP), dtype=jnp.float32) * 0.05
    b1 = jnp.zeros((128,), dtype=jnp.float32)
    W2 = jax.random.normal(ks[5], (128, 128), dtype=jnp.float32) * 0.05
    b2 = jnp.zeros((128,), dtype=jnp.float32)
    W3 = jax.random.normal(ks[6], (256, 128), dtype=jnp.float32) * 0.05
    b3 = jnp.zeros((256,), dtype=jnp.float32)
    Wo1 = jax.random.normal(ks[7], (C_OUT, K, C_OUT), dtype=jnp.float32) * 0.05
    bo1 = jnp.zeros((C_OUT,), dtype=jnp.float32)
    Wo2 = jax.random.normal(ks[8], (C_OUT, C_OUT), dtype=jnp.float32) * 0.05
    bo2 = jnp.zeros((C_OUT,), dtype=jnp.float32)
    return {
        'points': points, 'point_features': point_features, 'query_points': query_points,
        'W_skip': W_skip, 'b_skip': b_skip,
        'W1': W1, 'b1': b1, 'W2': W2, 'b2': b2, 'W3': W3, 'b3': b3,
        'Wo1': Wo1, 'bo1': bo1, 'Wo2': Wo2, 'bo2': bo2,
    }


def _knn_idx(query, pts, k):
    # query, pts: [B, 3, N]; squared euclidean distances [B, Nq, Np]
    q2 = jnp.sum(query * query, axis=1)[:, :, None]
    p2 = jnp.sum(pts * pts, axis=1)[:, None, :]
    d2 = q2 + p2 - 2.0 * jnp.einsum('bci,bcj->bij', query, pts)
    _, idx = jax.lax.top_k(-d2, k)  # k nearest
    return idx  # [B, Nq, K]


def _gather(x, idx):
    # x: [B, C, N], idx: [B, Nq, K] -> [B, C, Nq, K]
    bidx = jnp.arange(x.shape[0])[:, None, None]
    g = x[bidx, :, idx]  # [B, Nq, K, C]
    return jnp.transpose(g, (0, 3, 1, 2))


def _conv1d(x, W, b):
    return jax.nn.relu(jnp.einsum('oc,bcn->bon', W, x) + b[None, :, None])


def _conv2d(x, W, b):
    return jax.nn.relu(jnp.einsum('oc,bcnk->bonk', W, x) + b[None, :, None, None])


def reference(points, point_features, query_points, W_skip, b_skip, W1, b1, W2, b2, W3, b3, Wo1, bo1, Wo2, bo2):
    new_points = points
    idx = _knn_idx(query_points, points, K)
    grouped_points = _gather(points, idx)            # [B, 3, N, K]
    grouped_features = _gather(point_features, idx)  # [B, CIN, N, K]
    # use_points=True: concat absolute grouped points with features
    grouped_features = jnp.concatenate([grouped_points, grouped_features], axis=1)
    # relative coordinates
    grouped_points = grouped_points - new_points[:, :, :, None]
    grouped_features = jnp.concatenate([grouped_features, grouped_points], axis=1)  # [B, 134, N, K]
    # spatial skip: max over neighbors then 1x1 conv
    spatial_skip = jnp.max(grouped_features, axis=3)
    spatial_skip = _conv1d(spatial_skip, W_skip, b_skip)  # [B, 256, N]
    h = _conv2d(grouped_features, W1, b1)
    h = _conv2d(h, W2, b2)
    h = _conv2d(h, W3, b3)                          # [B, 256, N, K]
    h = jnp.transpose(h, (0, 3, 2, 1))              # [B, K, N, 256]
    # output_mlp1: Conv2d(K -> 256, kernel [1, 256]) collapses last dim
    h = jax.nn.relu(jnp.einsum('ocw,bcnw->bon', Wo1, h) + bo1[None, :, None])  # [B, 256, N]
    h = h + spatial_skip
    h = _conv1d(h, Wo2, bo2)
    return (new_points, h)

if __name__ == "__main__":
    import jax
    _d = setup_inputs()
    print(jax.jit(kernel)(*tuple(_d.values())))

</pallas_src>

<mosaic_0001>
#map = affine_map<(d0, d1) -> (0, 0)>
module attributes {stable_mosaic.version = 14 : i64} {
  func.func @gather_kernel(%arg0: i32, %arg1: i32, %arg2: memref<2048x128xi32, #tpu.memory_space<hbm>>, %arg3: memref<16x2048xi32, #tpu.memory_space<hbm>>, %arg4: memref<32768x128xi32, #tpu.memory_space<hbm>>) attributes {dimension_semantics = [#tpu.dimension_semantics<core_parallel>, #tpu.dimension_semantics<subcore_parallel>], iteration_bounds = array<i64: 2, 16>, scalar_prefetch = 0 : i64, scratch_operands = 0 : i64, tpu.core_type = #tpu.core_type<sc_vector_subcore>, window_params = [{transform_indices = #map}, {transform_indices = #map}, {transform_indices = #map}]} {
    %mul3A = arith.constant 1 : i32
    %mul3A_0 = arith.muli %arg1, %mul3A : i32
    %add3A = arith.constant 0 : i32
    %add3A_1 = arith.addi %add3A, %mul3A_0 : i32
    %mul3A_2 = arith.constant 16 : i32
    %mul3A_3 = arith.muli %arg0, %mul3A_2 : i32
    %add3A_4 = arith.addi %add3A_1, %mul3A_3 : i32
    %lt3A = arith.constant 16 : i32
    %lt3A_5 = arith.cmpi slt, %add3A_4, %lt3A : i32
    %jit3A = arith.constant 1 : i32
    %jit3A_6 = arith.constant 0 : i32
    %select_n3A = arith.select %lt3A_5, %jit3A, %jit3A_6 : i32
    %lt3A_7 = arith.constant 16 : i32
    %lt3A_8 = arith.cmpi slt, %add3A_4, %lt3A_7 : i32
    %mul3A_9 = arith.muli %add3A_4, %select_n3A : i32
    %mul3A_10 = arith.constant 0 : i32
    %mul3A_11 = arith.muli %add3A_4, %mul3A_10 : i32
    %add3A_12 = arith.constant 16 : i32
    %add3A_13 = arith.addi %mul3A_11, %add3A_12 : i32
    %select_n3A_14 = arith.select %lt3A_8, %mul3A_9, %add3A_13 : i32
    %mul3A_15 = arith.constant 1 : i32
    %mul3A_16 = arith.muli %mul3A_15, %select_n3A : i32
    %mul3A_17 = arith.constant 16 : i32
    %mul3A_18 = arith.muli %mul3A_16, %mul3A_17 : i32
    "tpu.region"() ({
      %run_scoped3A = memref.alloca() : memref<2x1x128xi32, #tpu.memory_space<vmem>>
      %run_scoped3A_19 = tpu.sem_alloc : memref<2x!tpu.dma_semaphore, #tpu.memory_space<semaphore_mem>>
      %run_scoped3A_20 = memref.alloca() : memref<2x128x128xi32, #tpu.memory_space<vmem>>
      %run_scoped3A_21 = tpu.sem_alloc : memref<2x!tpu.dma_semaphore, #tpu.memory_space<semaphore_mem>>
      %gt3A = arith.constant 0 : i32
      %gt3A_22 = arith.cmpi sgt, %mul3A_18, %gt3A : i32
      %convert_element_type3A = arith.extui %gt3A_22 : i1 to i32
      %cond3A = arith.constant 0 : i32
      %cond3A_23 = arith.cmpi ne, %convert_element_type3A, %cond3A : i32
      scf.if %cond3A_23 {
        %mul3A_24 = arith.constant 1 : i32
        %mul3A_25 = arith.muli %mul3A_24, %select_n3A : i32
        %mul3A_26 = arith.constant 16 : i32
        %mul3A_27 = arith.muli %mul3A_25, %mul3A_26 : i32
        %sub3A = arith.constant 1 : i32
        %sub3A_28 = arith.subi %mul3A_27, %sub3A : i32
        %eq3A = arith.constant 0 : i32
        %eq3A_29 = arith.cmpi eq, %sub3A_28, %eq3A : i32
        %add3A_30 = arith.constant 0 : i32
        %add3A_31 = arith.addi %add3A_30, %select_n3A_14 : i32
        %select_n3A_32 = arith.constant true
        %select_n3A_33 = arith.constant 0 : i32
        %select_n3A_34 = arith.constant -1 : i32
        %select_n3A_35 = arith.select %select_n3A_32, %select_n3A_34, %select_n3A_33 : i32
        %eq3A_36 = arith.constant -1 : i32
        %eq3A_37 = arith.cmpi eq, %select_n3A_35, %eq3A_36 : i32
        %select_n3A_38 = arith.constant 15 : i32
        %select_n3A_39 = arith.select %eq3A_37, %select_n3A_38, %select_n3A_35 : i32
        %select_n3A_40 = arith.constant 0 : i32
        %select_n3A_41 = arith.constant -1 : i32
        %select_n3A_42 = arith.select %eq3A_37, %select_n3A_41, %select_n3A_40 : i32
        %eq3A_43 = arith.constant -1 : i32
        %eq3A_44 = arith.cmpi eq, %select_n3A_42, %eq3A_43 : i32
        %sub3A_45 = arith.constant 1 : i32
        %sub3A_46 = arith.subi %select_n3A, %sub3A_45 : i32
        %select_n3A_47 = arith.select %eq3A_44, %sub3A_46, %select_n3A_42 : i32
        %add3A_48 = arith.addi %select_n3A_47, %select_n3A_14 : i32
        %add3A_49 = arith.constant 0 : i32
        %add3A_50 = arith.addi %select_n3A_39, %add3A_49 : i32
        %select_n3A_51 = arith.constant true
        %select_n3A_52 = arith.constant 0 : i32
        %select_n3A_53 = arith.constant 1 : i32
        %select_n3A_54 = arith.select %select_n3A_51, %select_n3A_53, %select_n3A_52 : i32
        %eq3A_55 = arith.constant 16 : i32
        %eq3A_56 = arith.cmpi eq, %select_n3A_54, %eq3A_55 : i32
        %select_n3A_57 = arith.constant 0 : i32
        %select_n3A_58 = arith.select %eq3A_56, %select_n3A_57, %select_n3A_54 : i32
        %select_n3A_59 = arith.constant 0 : i32
        %select_n3A_60 = arith.constant 1 : i32
        %select_n3A_61 = arith.select %eq3A_56, %select_n3A_60, %select_n3A_59 : i32
        %eq3A_62 = arith.cmpi eq, %select_n3A_61, %select_n3A : i32
        %select_n3A_63 = arith.constant 0 : i32
        %select_n3A_64 = arith.select %eq3A_62, %select_n3A_63, %select_n3A_61 : i32
        %add3A_65 = arith.addi %select_n3A_64, %select_n3A_14 : i32
        %add3A_66 = arith.constant 0 : i32
        %add3A_67 = arith.addi %select_n3A_58, %add3A_66 : i32
        %add3A_68 = arith.constant 1 : i32
        %add3A_69 = arith.addi %select_n3A_58, %add3A_68 : i32
        %select_n3A_70 = arith.constant true
        %select_n3A_71 = arith.select %select_n3A_70, %add3A_69, %select_n3A_58 : i32
        %eq3A_72 = arith.constant 16 : i32
        %eq3A_73 = arith.cmpi eq, %select_n3A_71, %eq3A_72 : i32
        %select_n3A_74 = arith.constant 0 : i32
        %select_n3A_75 = arith.select %eq3A_73, %select_n3A_74, %select_n3A_71 : i32
        %add3A_76 = arith.constant 1 : i32
        %add3A_77 = arith.addi %select_n3A_64, %add3A_76 : i32
        %select_n3A_78 = arith.select %eq3A_73, %add3A_77, %select_n3A_64 : i32
        %eq3A_79 = arith.cmpi eq, %select_n3A_78, %select_n3A : i32
        %select_n3A_80 = arith.constant 0 : i32
        %select_n3A_81 = arith.select %eq3A_79, %select_n3A_80, %select_n3A_78 : i32
        %add3A_82 = arith.addi %select_n3A_81, %select_n3A_14 : i32
        %add3A_83 = arith.constant 0 : i32
        %add3A_84 = arith.addi %select_n3A_75, %add3A_83 : i32
        "tpu.trace_start"() <{level = 10 : i32, message = "ep_initialize_0"}> : () -> ()
        %rem3A = arith.constant 0 : i32
        %rem3A_85 = arith.constant 2 : i32
        %rem3A_86 = arith.remui %rem3A, %rem3A_85 : i32
        %mul3A_87 = arith.constant 1 : i32
        %mul3A_88 = arith.muli %mul3A_87, %add3A_31 : i32
        %dma_start3A = arith.constant 0 : i32
        %dma_start3A_89 = arith.constant 0 : i32
        %dma_start3A_90 = tpu.memref_slice %run_scoped3A[%rem3A_86, %dma_start3A, %dma_start3A_89] : memref<2x1x128xi32, #tpu.memory_space<vmem>> -> memref<1x1x128xi32, #tpu.memory_space<vmem>>
        %dma_start3A_91 = tpu.memref_squeeze %dma_start3A_90 : memref<1x1x128xi32, #tpu.memory_space<vmem>> -> memref<1x128xi32, #tpu.memory_space<vmem>>
        %dma_start3A_92 = arith.constant 0 : i32
        %dma_start3A_93 = tpu.memref_slice %arg3[%mul3A_88, %dma_start3A_92] : memref<16x2048xi32, #tpu.memory_space<hbm>> -> memref<1x128xi32, #tpu.memory_space<hbm>>
        %dma_start3A_94 = tpu.memref_slice %run_scoped3A_19[%rem3A_86] : memref<2x!tpu.dma_semaphore, #tpu.memory_space<semaphore_mem>> -> memref<1x!tpu.dma_semaphore, #tpu.memory_space<semaphore_mem>>
        %dma_start3A_95 = tpu.memref_squeeze %dma_start3A_94 : memref<1x!tpu.dma_semaphore, #tpu.memory_space<semaphore_mem>> -> memref<!tpu.dma_semaphore, #tpu.memory_space<semaphore_mem>>
        %dma_start3A_96 = arith.constant 0 : i32
        %dma_start3A_97 = arith.constant 0 : i32
        %dma_start3A_98 = tpu.memref_slice %run_scoped3A[%rem3A_86, %dma_start3A_96, %dma_start3A_97] : memref<2x1x128xi32, #tpu.memory_space<vmem>> -> memref<1x1x128xi32, #tpu.memory_space<vmem>>
        %dma_start3A_99 = tpu.memref_squeeze %dma_start3A_98 : memref<1x1x128xi32, #tpu.memory_space<vmem>> -> memref<1x128xi32, #tpu.memory_space<vmem>>
        %dma_start3A_100 = arith.constant 0 : i32
        %dma_start3A_101 = tpu.memref_slice %arg3[%mul3A_88, %dma_start3A_100] : memref<16x2048xi32, #tpu.memory_space<hbm>> -> memref<1x128xi32, #tpu.memory_space<hbm>>
        tpu.enqueue_dma source(%dma_start3A_101 : memref<1x128xi32, #tpu.memory_space<hbm>>) target(%dma_start3A_99 : memref<1x128xi32, #tpu.memory_space<vmem>>) target_semaphore(%dma_start3A_95 : memref<!tpu.dma_semaphore, #tpu.memory_space<semaphore_mem>>)
        %add3A_102 = arith.constant 0 : i32
        %add3A_103 = arith.constant 1 : i32
        %add3A_104 = arith.addi %add3A_102, %add3A_103 : i32
        %select_n3A_105 = arith.constant true
        %select_n3A_106 = arith.constant 0 : i32
        %select_n3A_107 = arith.select %select_n3A_105, %add3A_104, %select_n3A_106 : i32
        %while3A = arith.constant 0 : i32
        %while3A_108 = arith.constant 0 : i32
        %while3A_109 = arith.constant 0 : i32
        %while3A_110 = arith.constant 0 : i32
        %while3A_111 = arith.constant 0 : i32
        %while3A_112 = arith.constant 0 : i32
        "tpu.trace_stop"() : () -> ()
        %while3A_113 = arith.subi %mul3A_18, %while3A : i32
        %while3A_114 = arith.addi %while3A, %while3A_113 : i32
        %while3A_115 = arith.constant 1 : i32
        %while3A_116 = arith.divsi %while3A_113, %while3A_115 : i32
        %while3A_117 = arith.muli %while3A_116, %while3A_115 : i32
        %while3A_118 = arith.addi %while3A, %while3A_117 : i32
        %while3A_119 = arith.constant 1 : i32
        %while3A_120:6 = scf.for %while3A_212 = %while3A to %while3A_118 step %while3A_119 iter_args(%while3A_213 = %select_n3A_107, %while3A_214 = %while3A_108, %while3A_215 = %while3A_109, %while3A_216 = %while3A_110, %while3A_217 = %while3A_111, %while3A_218 = %while3A_112) -> (i32, i32, i32, i32, i32, i32)  : i32 {
          %mul3A_219 = arith.constant 1 : i32
          %mul3A_220 = arith.muli %mul3A_219, %select_n3A : i32
          %mul3A_221 = arith.constant 16 : i32
          %mul3A_222 = arith.muli %mul3A_220, %mul3A_221 : i32
          %eq3A_223 = arith.constant 0 : i32
          %eq3A_224 = arith.cmpi eq, %while3A_212, %eq3A_223 : i32
          %sub3A_225 = arith.constant 1 : i32
          %sub3A_226 = arith.subi %mul3A_222, %sub3A_225 : i32
          %eq3A_227 = arith.cmpi eq, %while3A_212, %sub3A_226 : i32
          %add3A_228 = arith.addi %while3A_217, %select_n3A_14 : i32
          %add3A_229 = arith.constant 0 : i32
          %add3A_230 = arith.addi %while3A_218, %add3A_229 : i32
          %sub3A_231 = arith.constant 1 : i32
          %sub3A_232 = arith.subi %while3A_218, %sub3A_231 : i32
          %select_n3A_233 = arith.constant true
          %select_n3A_234 = arith.select %select_n3A_233, %sub3A_232, %while3A_218 : i32
          %eq3A_235 = arith.constant -1 : i32
          %eq3A_236 = arith.cmpi eq, %select_n3A_234, %eq3A_235 : i32
          %select_n3A_237 = arith.constant 15 : i32
          %select_n3A_238 = arith.select %eq3A_236, %select_n3A_237, %select_n3A_234 : i32
          %sub3A_239 = arith.constant 1 : i32
          %sub3A_240 = arith.subi %while3A_217, %sub3A_239 : i32
          %select_n3A_241 = arith.select %eq3A_236, %sub3A_240, %while3A_217 : i32
          %eq3A_242 = arith.constant -1 : i32
          %eq3A_243 = arith.cmpi eq, %select_n3A_241, %eq3A_242 : i32
          %sub3A_244 = arith.constant 1 : i32
          %sub3A_245 = arith.subi %select_n3A, %sub3A_244 : i32
          %select_n3A_246 = arith.select %eq3A_243, %sub3A_245, %select_n3A_241 : i32
          %add3A_247 = arith.addi %select_n3A_246, %select_n3A_14 : i32
          %add3A_248 = arith.constant 0 : i32
          %add3A_249 = arith.addi %select_n3A_238, %add3A_248 : i32
          %add3A_250 = arith.constant 1 : i32
          %add3A_251 = arith.addi %while3A_218, %add3A_250 : i32
          %select_n3A_252 = arith.constant true
          %select_n3A_253 = arith.select %select_n3A_252, %add3A_251, %while3A_218 : i32
          %eq3A_254 = arith.constant 16 : i32
          %eq3A_255 = arith.cmpi eq, %select_n3A_253, %eq3A_254 : i32
          %select_n3A_256 = arith.constant 0 : i32
          %select_n3A_257 = arith.select %eq3A_255, %select_n3A_256, %select_n3A_253 : i32
          %add3A_258 = arith.constant 1 : i32
          %add3A_259 = arith.addi %while3A_217, %add3A_258 : i32
          %select_n3A_260 = arith.select %eq3A_255, %add3A_259, %while3A_217 : i32
          %eq3A_261 = arith.cmpi eq, %select_n3A_260, %select_n3A : i32
          %select_n3A_262 = arith.constant 0 : i32
          %select_n3A_263 = arith.select %eq3A_261, %select_n3A_262, %select_n3A_260 : i32
          %add3A_264 = arith.addi %select_n3A_263, %select_n3A_14 : i32
          %add3A_265 = arith.constant 0 : i32
          %add3A_266 = arith.addi %select_n3A_257, %add3A_265 : i32
          %add3A_267 = arith.constant 1 : i32
          %add3A_268 = arith.addi %select_n3A_257, %add3A_267 : i32
          %select_n3A_269 = arith.constant true
          %select_n3A_270 = arith.select %select_n3A_269, %add3A_268, %select_n3A_257 : i32
          %eq3A_271 = arith.constant 16 : i32
          %eq3A_272 = arith.cmpi eq, %select_n3A_270, %eq3A_271 : i32
          %select_n3A_273 = arith.constant 0 : i32
          %select_n3A_274 = arith.select %eq3A_272, %select_n3A_273, %select_n3A_270 : i32
          %add3A_275 = arith.constant 1 : i32
          %add3A_276 = arith.addi %select_n3A_263, %add3A_275 : i32
          %select_n3A_277 = arith.select %eq3A_272, %add3A_276, %select_n3A_263 : i32
          %eq3A_278 = arith.cmpi eq, %select_n3A_277, %select_n3A : i32
          %select_n3A_279 = arith.constant 0 : i32
          %select_n3A_280 = arith.select %eq3A_278, %select_n3A_279, %select_n3A_277 : i32
          %add3A_281 = arith.addi %select_n3A_280, %select_n3A_14 : i32
          %add3A_282 = arith.constant 0 : i32
          %add3A_283 = arith.addi %select_n3A_274, %add3A_282 : i32
          %ne3A = arith.cmpi ne, %add3A_228, %add3A_264 : i32
          %ne3A_284 = arith.cmpi ne, %add3A_230, %add3A_266 : i32
          %or3A = arith.constant false
          %or3A_285 = arith.ori %or3A, %ne3A : i1
          %or3A_286 = arith.ori %or3A_285, %ne3A_284 : i1
          %sub3A_287 = arith.constant 2 : i32
          %sub3A_288 = arith.subi %mul3A_222, %sub3A_287 : i32
          %add3A_289 = arith.constant 1 : i32
          %add3A_290 = arith.addi %sub3A_288, %add3A_289 : i32
          %ge3A = arith.cmpi sge, %while3A_212, %add3A_290 : i32
          %not3A = arith.constant true
          %not3A_291 = arith.xori %ge3A, %not3A : i1
          %and3A = arith.andi %or3A_286, %not3A_291 : i1
          %convert_element_type3A_292 = arith.extui %and3A : i1 to i32
          %cond3A_293 = arith.constant 0 : i32
          %cond3A_294 = arith.cmpi ne, %convert_element_type3A_292, %cond3A_293 : i32
          scf.if %cond3A_294 {
            "tpu.trace_start"() <{level = 10 : i32, message = "ep_copy_in"}> : () -> ()
            %rem3A_437 = arith.constant 2 : i32
            %rem3A_438 = arith.remui %while3A_213, %rem3A_437 : i32
            %mul3A_439 = arith.constant 1 : i32
            %mul3A_440 = arith.muli %mul3A_439, %add3A_264 : i32
            %mul3A_441 = arith.constant 128 : i32
            %mul3A_442 = arith.muli %mul3A_441, %add3A_266 : i32
            %dma_start3A_443 = arith.constant 0 : i32
            %dma_start3A_444 = arith.constant 0 : i32
            %dma_start3A_445 = tpu.memref_slice %run_scoped3A[%rem3A_438, %dma_start3A_443, %dma_start3A_444] : memref<2x1x128xi32, #tpu.memory_space<vmem>> -> memref<1x1x128xi32, #tpu.memory_space<vmem>>
            %dma_start3A_446 = tpu.memref_squeeze %dma_start3A_445 : memref<1x1x128xi32, #tpu.memory_space<vmem>> -> memref<1x128xi32, #tpu.memory_space<vmem>>
            %dma_start3A_447 = tpu.memref_slice %arg3[%mul3A_440, %mul3A_442] : memref<16x2048xi32, #tpu.memory_space<hbm>> -> memref<1x128xi32, #tpu.memory_space<hbm>>
            %dma_start3A_448 = tpu.memref_slice %run_scoped3A_19[%rem3A_438] : memref<2x!tpu.dma_semaphore, #tpu.memory_space<semaphore_mem>> -> memref<1x!tpu.dma_semaphore, #tpu.memory_space<semaphore_mem>>
            %dma_start3A_449 = tpu.memref_squeeze %dma_start3A_448 : memref<1x!tpu.dma_semaphore, #tpu.memory_space<semaphore_mem>> -> memref<!tpu.dma_semaphore, #tpu.memory_space<semaphore_mem>>
            %dma_start3A_450 = arith.constant 0 : i32
            %dma_start3A_451 = arith.constant 0 : i32
            %dma_start3A_452 = tpu.memref_slice %run_scoped3A[%rem3A_438, %dma_start3A_450, %dma_start3A_451] : memref<2x1x128xi32, #tpu.memory_space<vmem>> -> memref<1x1x128xi32, #tpu.memory_space<vmem>>
            %dma_start3A_453 = tpu.memref_squeeze %dma_start3A_452 : memref<1x1x128xi32, #tpu.memory_space<vmem>> -> memref<1x128xi32, #tpu.memory_space<vmem>>
            %dma_start3A_454 = tpu.memref_slice %arg3[%mul3A_440, %mul3A_442] : memref<16x2048xi32, #tpu.memory_space<hbm>> -> memref<1x128xi32, #tpu.memory_space<hbm>>
            tpu.enqueue_dma source(%dma_start3A_454 : memref<1x128xi32, #tpu.memory_space<hbm>>) target(%dma_start3A_453 : memref<1x128xi32, #tpu.memory_space<vmem>>) target_semaphore(%dma_start3A_449 : memref<!tpu.dma_semaphore, #tpu.memory_space<semaphore_mem>>)
            "tpu.trace_stop"() : () -> ()
          } else {
          }
          %and3A_295 = arith.constant true
          %and3A_296 = arith.andi %and3A, %and3A_295 : i1
          %add3A_297 = arith.constant 1 : i32
          %add3A_298 = arith.addi %while3A_213, %add3A_297 : i32
          %select_n3A_299 = arith.select %and3A_296, %add3A_298, %while3A_213 : i32
          %mul3A_300 = arith.constant 16 : i32
          %mul3A_301 = arith.muli %add3A_228, %mul3A_300 : i32
          %add3A_302 = arith.addi %mul3A_301, %add3A_230 : i32
          %mul3A_303 = arith.constant 16 : i32
          %mul3A_304 = arith.muli %add3A_264, %mul3A_303 : i32
          %add3A_305 = arith.addi %mul3A_304, %add3A_266 : i32
          %ne3A_306 = arith.cmpi ne, %add3A_302, %add3A_305 : i32
          %or3A_307 = arith.constant false
          %or3A_308 = arith.ori %or3A_307, %ne3A_306 : i1
          %or3A_309 = arith.constant false
          %or3A_310 = arith.ori %or3A_308, %or3A_309 : i1
          %sub3A_311 = arith.constant 2 : i32
          %sub3A_312 = arith.subi %mul3A_222, %sub3A_311 : i32
          %add3A_313 = arith.constant 1 : i32
          %add3A_314 = arith.addi %sub3A_312, %add3A_313 : i32
          %ge3A_315 = arith.cmpi sge, %while3A_212, %add3A_314 : i32
          %not3A_316 = arith.constant true
          %not3A_317 = arith.xori %ge3A_315, %not3A_316 : i1
          %and3A_318 = arith.andi %or3A_310, %not3A_317 : i1
          %ne3A_319 = arith.cmpi ne, %add3A_228, %add3A_247 : i32
          %ne3A_320 = arith.cmpi ne, %add3A_230, %add3A_249 : i32
          %or3A_321 = arith.constant false
          %or3A_322 = arith.ori %or3A_321, %ne3A_319 : i1
          %or3A_323 = arith.ori %or3A_322, %ne3A_320 : i1
          %or3A_324 = arith.ori %or3A_323, %eq3A_224 : i1
          %convert_element_type3A_325 = arith.extui %or3A_324 : i1 to i32
          %cond3A_326 = arith.constant 0 : i32
          %cond3A_327 = arith.cmpi ne, %convert_element_type3A_325, %cond3A_326 : i32
          scf.if %cond3A_327 {
            "tpu.trace_start"() <{level = 10 : i32, message = "ep_wait_in"}> : () -> ()
            %mul3A_437 = arith.constant 1 : i32
            %mul3A_438 = arith.muli %mul3A_437, %add3A_228 : i32
            %mul3A_439 = arith.constant 128 : i32
            %mul3A_440 = arith.muli %mul3A_439, %add3A_230 : i32
            %rem3A_441 = arith.constant 2 : i32
            %rem3A_442 = arith.remui %while3A_214, %rem3A_441 : i32
            %dma_wait3A = arith.constant 0 : i32
            %dma_wait3A_443 = arith.constant 0 : i32
            %dma_wait3A_444 = tpu.memref_slice %run_scoped3A[%rem3A_442, %dma_wait3A, %dma_wait3A_443] : memref<2x1x128xi32, #tpu.memory_space<vmem>> -> memref<1x1x128xi32, #tpu.memory_space<vmem>>
            %dma_wait3A_445 = tpu.memref_squeeze %dma_wait3A_444 : memref<1x1x128xi32, #tpu.memory_space<vmem>> -> memref<1x128xi32, #tpu.memory_space<vmem>>
            %dma_wait3A_446 = tpu.memref_slice %arg3[%mul3A_438, %mul3A_440] : memref<16x2048xi32, #tpu.memory_space<hbm>> -> memref<1x128xi32, #tpu.memory_space<hbm>>
            %dma_wait3A_447 = tpu.memref_slice %run_scoped3A_19[%rem3A_442] : memref<2x!tpu.dma_semaphore, #tpu.memory_space<semaphore_mem>> -> memref<1x!tpu.dma_semaphore, #tpu.memory_space<semaphore_mem>>
            %dma_wait3A_448 = tpu.memref_squeeze %dma_wait3A_447 : memref<1x!tpu.dma_semaphore, #tpu.memory_space<semaphore_mem>> -> memref<!tpu.dma_semaphore, #tpu.memory_space<semaphore_mem>>
            %dma_wait3A_449 = arith.constant 0 : i32
            %dma_wait3A_450 = arith.constant 0 : i32
            %dma_wait3A_451 = tpu.memref_slice %run_scoped3A[%rem3A_442, %dma_wait3A_449, %dma_wait3A_450] : memref<2x1x128xi32, #tpu.memory_space<vmem>> -> memref<1x1x128xi32, #tpu.memory_space<vmem>>
            %dma_wait3A_452 = tpu.memref_squeeze %dma_wait3A_451 : memref<1x1x128xi32, #tpu.memory_space<vmem>> -> memref<1x128xi32, #tpu.memory_space<vmem>>
            %dma_wait3A_453 = tpu.memref_slice %arg3[%mul3A_438, %mul3A_440] : memref<16x2048xi32, #tpu.memory_space<hbm>> -> memref<1x128xi32, #tpu.memory_space<hbm>>
            tpu.wait_dma2 semaphore(%dma_wait3A_448 : memref<!tpu.dma_semaphore, #tpu.memory_space<semaphore_mem>>) src(%dma_wait3A_453 : memref<1x128xi32, #tpu.memory_space<hbm>>) dst(%dma_wait3A_452 : memref<1x128xi32, #tpu.memory_space<vmem>>)
            "tpu.trace_stop"() : () -> ()
          } else {
          }
          %mul3A_328 = arith.constant 16 : i32
          %mul3A_329 = arith.muli %add3A_228, %mul3A_328 : i32
          %add3A_330 = arith.addi %mul3A_329, %add3A_230 : i32
          %mul3A_331 = arith.constant 16 : i32
          %mul3A_332 = arith.muli %add3A_247, %mul3A_331 : i32
          %add3A_333 = arith.addi %mul3A_332, %add3A_249 : i32
          %ne3A_334 = arith.cmpi ne, %add3A_330, %add3A_333 : i32
          %or3A_335 = arith.constant false
          %or3A_336 = arith.ori %or3A_335, %ne3A_334 : i1
          %or3A_337 = arith.constant false
          %or3A_338 = arith.ori %or3A_336, %or3A_337 : i1
          %or3A_339 = arith.ori %or3A_338, %eq3A_224 : i1
          %convert_element_type3A_340 = arith.extui %or3A_339 : i1 to i32
          %cond3A_341 = arith.constant 0 : i32
          %cond3A_342 = arith.cmpi ne, %convert_element_type3A_340, %cond3A_341 : i32
          scf.if %cond3A_342 {
          } else {
          }
          %rem3A_343 = arith.constant 2 : i32
          %rem3A_344 = arith.remui %while3A_214, %rem3A_343 : i32
          %rem3A_345 = arith.constant 2 : i32
          %rem3A_346 = arith.remui %while3A_215, %rem3A_345 : i32
          %run_scoped3A_347 = arith.constant 0 : i32
          "tpu.trace_start"() <{level = 10 : i32, message = "ep_run_kernel"}> : () -> ()
          "tpu.region"() ({
            %run_scoped3A_437 = tpu.sem_alloc : memref<!tpu.dma_semaphore, #tpu.memory_space<semaphore_mem>>
            %dma_start3A_438 = arith.constant 0 : i32
            %dma_start3A_439 = arith.constant 0 : i32
            %dma_start3A_440 = tpu.memref_slice %run_scoped3A_20[%rem3A_346, %dma_start3A_438, %dma_start3A_439] : memref<2x128x128xi32, #tpu.memory_space<vmem>> -> memref<1x128x128xi32, #tpu.memory_space<vmem>>
            %dma_start3A_441 = tpu.memref_squeeze %dma_start3A_440 : memref<1x128x128xi32, #tpu.memory_space<vmem>> -> memref<128x128xi32, #tpu.memory_space<vmem>>
            %dma_start3A_442 = arith.constant 0 : i32
            %dma_start3A_443 = arith.constant 0 : i32
            %dma_start3A_444 = tpu.memref_slice %run_scoped3A[%rem3A_344, %dma_start3A_442, %dma_start3A_443] : memref<2x1x128xi32, #tpu.memory_space<vmem>> -> memref<1x1x128xi32, #tpu.memory_space<vmem>>
            %dma_start3A_445 = tpu.memref_squeeze %dma_start3A_444 : memref<1x1x128xi32, #tpu.memory_space<vmem>> -> memref<1x128xi32, #tpu.memory_space<vmem>>
            %dma_start3A_446 = arith.constant 0 : i32
            %dma_start3A_447 = tpu.memref_slice %dma_start3A_445[%run_scoped3A_347, %dma_start3A_446] : memref<1x128xi32, #tpu.memory_space<vmem>> -> memref<1x128xi32, #tpu.memory_space<vmem>>
            %dma_start3A_448 = tpu.memref_squeeze %dma_start3A_447 : memref<1x128xi32, #tpu.memory_space<vmem>> -> memref<128xi32, #tpu.memory_space<vmem>>
            %dma_start3A_449 = arith.constant 0 : i32
            %dma_start3A_450 = arith.constant 0 : i32
            %dma_start3A_451 = tpu.memref_slice %arg2[%dma_start3A_449, %dma_start3A_450] : memref<2048x128xi32, #tpu.memory_space<hbm>> -> memref<2048x128xi32, #tpu.memory_space<hbm>>
            tpu.enqueue_indirect_dma source(%dma_start3A_451 : memref<2048x128xi32, #tpu.memory_space<hbm>>) target(%dma_start3A_441 : memref<128x128xi32, #tpu.memory_space<vmem>>) offsets(%dma_start3A_448 : memref<128xi32, #tpu.memory_space<vmem>>) semaphore(%run_scoped3A_437 : memref<!tpu.dma_semaphore, #tpu.memory_space<semaphore_mem>>)
            %dma_wait3A = arith.constant 0 : i32
            %dma_wait3A_452 = arith.constant 0 : i32
            %dma_wait3A_453 = tpu.memref_slice %run_scoped3A_20[%rem3A_346, %dma_wait3A, %dma_wait3A_452] : memref<2x128x128xi32, #tpu.memory_space<vmem>> -> memref<1x128x128xi32, #tpu.memory_space<vmem>>
            %dma_wait3A_454 = tpu.memref_squeeze %dma_wait3A_453 : memref<1x128x128xi32, #tpu.memory_space<vmem>> -> memref<128x128xi32, #tpu.memory_space<vmem>>
            %dma_wait3A_455 = arith.constant 0 : i32
            %dma_wait3A_456 = arith.constant 0 : i32
            %dma_wait3A_457 = tpu.memref_slice %run_scoped3A[%rem3A_344, %dma_wait3A_455, %dma_wait3A_456] : memref<2x1x128xi32, #tpu.memory_space<vmem>> -> memref<1x1x128xi32, #tpu.memory_space<vmem>>
            %dma_wait3A_458 = tpu.memref_squeeze %dma_wait3A_457 : memref<1x1x128xi32, #tpu.memory_space<vmem>> -> memref<1x128xi32, #tpu.memory_space<vmem>>
            %dma_wait3A_459 = arith.constant 0 : i32
            %dma_wait3A_460 = tpu.memref_slice %dma_wait3A_458[%run_scoped3A_347, %dma_wait3A_459] : memref<1x128xi32, #tpu.memory_space<vmem>> -> memref<1x128xi32, #tpu.memory_space<vmem>>
            %dma_wait3A_461 = tpu.memref_squeeze %dma_wait3A_460 : memref<1x128xi32, #tpu.memory_space<vmem>> -> memref<128xi32, #tpu.memory_space<vmem>>
            %dma_wait3A_462 = arith.constant 0 : i32
            %dma_wait3A_463 = arith.constant 0 : i32
            %dma_wait3A_464 = tpu.memref_slice %arg2[%dma_wait3A_462, %dma_wait3A_463] : memref<2048x128xi32, #tpu.memory_space<hbm>> -> memref<2048x128xi32, #tpu.memory_space<hbm>>
            tpu.wait_indirect_dma semaphore(%run_scoped3A_437 : memref<!tpu.dma_semaphore, #tpu.memory_space<semaphore_mem>>) src(%dma_wait3A_464 : memref<2048x128xi32, #tpu.memory_space<hbm>>) dst(%dma_wait3A_454 : memref<128x128xi32, #tpu.memory_space<vmem>>)
            tpu.yield
          }) : () -> ()
          "tpu.trace_stop"() : () -> ()
          %ne3A_348 = arith.cmpi ne, %add3A_228, %add3A_264 : i32
          %ne3A_349 = arith.cmpi ne, %add3A_230, %add3A_266 : i32
          %or3A_350 = arith.constant false
          %or3A_351 = arith.ori %or3A_350, %ne3A_348 : i1
          %or3A_352 = arith.ori %or3A_351, %ne3A_349 : i1
          %or3A_353 = arith.ori %or3A_352, %eq3A_227 : i1
          %convert_element_type3A_354 = arith.extui %or3A_353 : i1 to i32
          %cond3A_355 = arith.constant 0 : i32
          %cond3A_356 = arith.cmpi ne, %convert_element_type3A_354, %cond3A_355 : i32
          scf.if %cond3A_356 {
          } else {
          }
          %and3A_357 = arith.constant false
          %and3A_358 = arith.andi %or3A_353, %and3A_357 : i1
          %mul3A_359 = arith.constant 16 : i32
          %mul3A_360 = arith.muli %add3A_228, %mul3A_359 : i32
          %add3A_361 = arith.addi %mul3A_360, %add3A_230 : i32
          %mul3A_362 = arith.constant 16 : i32
          %mul3A_363 = arith.muli %add3A_264, %mul3A_362 : i32
          %add3A_364 = arith.addi %mul3A_363, %add3A_266 : i32
          %ne3A_365 = arith.cmpi ne, %add3A_361, %add3A_364 : i32
          %or3A_366 = arith.constant false
          %or3A_367 = arith.ori %or3A_366, %ne3A_365 : i1
          %or3A_368 = arith.constant false
          %or3A_369 = arith.ori %or3A_367, %or3A_368 : i1
          %or3A_370 = arith.ori %or3A_369, %eq3A_227 : i1
          %convert_element_type3A_371 = arith.extui %or3A_370 : i1 to i32
          %cond3A_372 = arith.constant 0 : i32
          %cond3A_373 = arith.cmpi ne, %convert_element_type3A_371, %cond3A_372 : i32
          scf.if %cond3A_373 {
            "tpu.trace_start"() <{level = 10 : i32, message = "ep_copy_out"}> : () -> ()
            %rem3A_437 = arith.constant 2 : i32
            %rem3A_438 = arith.remui %while3A_215, %rem3A_437 : i32
            %mul3A_439 = arith.constant 16 : i32
            %mul3A_440 = arith.muli %add3A_228, %mul3A_439 : i32
            %add3A_441 = arith.addi %mul3A_440, %add3A_230 : i32
            %mul3A_442 = arith.constant 128 : i32
            %mul3A_443 = arith.muli %mul3A_442, %add3A_441 : i32
            %dma_start3A_444 = arith.constant 0 : i32
            %dma_start3A_445 = arith.constant 0 : i32
            %dma_start3A_446 = tpu.memref_slice %run_scoped3A_20[%rem3A_438, %dma_start3A_444, %dma_start3A_445] : memref<2x128x128xi32, #tpu.memory_space<vmem>> -> memref<1x128x128xi32, #tpu.memory_space<vmem>>
            %dma_start3A_447 = tpu.memref_squeeze %dma_start3A_446 : memref<1x128x128xi32, #tpu.memory_space<vmem>> -> memref<128x128xi32, #tpu.memory_space<vmem>>
            %dma_start3A_448 = arith.constant 0 : i32
            %dma_start3A_449 = tpu.memref_slice %arg4[%mul3A_443, %dma_start3A_448] : memref<32768x128xi32, #tpu.memory_space<hbm>> -> memref<128x128xi32, #tpu.memory_space<hbm>>
            %dma_start3A_450 = tpu.memref_slice %run_scoped3A_21[%rem3A_438] : memref<2x!tpu.dma_semaphore, #tpu.memory_space<semaphore_mem>> -> memref<1x!tpu.dma_semaphore, #tpu.memory_space<semaphore_mem>>
            %dma_start3A_451 = tpu.memref_squeeze %dma_start3A_450 : memref<1x!tpu.dma_semaphore, #tpu.memory_space<semaphore_mem>> -> memref<!tpu.dma_semaphore, #tpu.memory_space<semaphore_mem>>
            %dma_start3A_452 = arith.constant 0 : i32
            %dma_start3A_453 = tpu.memref_slice %arg4[%mul3A_443, %dma_start3A_452] : memref<32768x128xi32, #tpu.memory_space<hbm>> -> memref<128x128xi32, #tpu.memory_space<hbm>>
            %dma_start3A_454 = arith.constant 0 : i32
            %dma_start3A_455 = arith.constant 0 : i32
            %dma_start3A_456 = tpu.memref_slice %run_scoped3A_20[%rem3A_438, %dma_start3A_454, %dma_start3A_455] : memref<2x128x128xi32, #tpu.memory_space<vmem>> -> memref<1x128x128xi32, #tpu.memory_space<vmem>>
            %dma_start3A_457 = tpu.memref_squeeze %dma_start3A_456 : memref<1x128x128xi32, #tpu.memory_space<vmem>> -> memref<128x128xi32, #tpu.memory_space<vmem>>
            tpu.enqueue_dma source(%dma_start3A_457 : memref<128x128xi32, #tpu.memory_space<vmem>>) target(%dma_start3A_453 : memref<128x128xi32, #tpu.memory_space<hbm>>) target_semaphore(%dma_start3A_451 : memref<!tpu.dma_semaphore, #tpu.memory_space<semaphore_mem>>)
            "tpu.trace_stop"() : () -> ()
          } else {
          }
          %and3A_374 = arith.constant true
          %and3A_375 = arith.andi %or3A_370, %and3A_374 : i1
          %add3A_376 = arith.constant 1 : i32
          %add3A_377 = arith.addi %while3A_215, %add3A_376 : i32
          %select_n3A_378 = arith.select %and3A_375, %add3A_377, %while3A_215 : i32
          %ne3A_379 = arith.cmpi ne, %add3A_228, %add3A_247 : i32
          %ne3A_380 = arith.cmpi ne, %add3A_230, %add3A_249 : i32
          %or3A_381 = arith.constant false
          %or3A_382 = arith.ori %or3A_381, %ne3A_379 : i1
          %or3A_383 = arith.ori %or3A_382, %ne3A_380 : i1
          %not3A_384 = arith.constant true
          %not3A_385 = arith.xori %eq3A_224, %not3A_384 : i1
          %and3A_386 = arith.andi %or3A_383, %not3A_385 : i1
          %convert_element_type3A_387 = arith.extui %and3A_386 : i1 to i32
          %cond3A_388 = arith.constant 0 : i32
          %cond3A_389 = arith.cmpi ne, %convert_element_type3A_387, %cond3A_388 : i32
          scf.if %cond3A_389 {
          } else {
          }
          %and3A_390 = arith.constant false
          %and3A_391 = arith.andi %and3A_386, %and3A_390 : i1
          %mul3A_392 = arith.constant 16 : i32
          %mul3A_393 = arith.muli %add3A_228, %mul3A_392 : i32
          %add3A_394 = arith.addi %mul3A_393, %add3A_230 : i32
          %mul3A_395 = arith.constant 16 : i32
          %mul3A_396 = arith.muli %add3A_247, %mul3A_395 : i32
          %add3A_397 = arith.addi %mul3A_396, %add3A_249 : i32
          %ne3A_398 = arith.cmpi ne, %add3A_394, %add3A_397 : i32
          %or3A_399 = arith.constant false
          %or3A_400 = arith.ori %or3A_399, %ne3A_398 : i1
          %or3A_401 = arith.constant false
          %or3A_402 = arith.ori %or3A_400, %or3A_401 : i1
          %not3A_403 = arith.constant true
          %not3A_404 = arith.xori %eq3A_224, %not3A_403 : i1
          %and3A_405 = arith.andi %or3A_402, %not3A_404 : i1
          %convert_element_type3A_406 = arith.extui %and3A_405 : i1 to i32
          %cond3A_407 = arith.constant 0 : i32
          %cond3A_408 = arith.cmpi ne, %convert_element_type3A_406, %cond3A_407 : i32
          scf.if %cond3A_408 {
            "tpu.trace_start"() <{level = 10 : i32, message = "ep_wait_out"}> : () -> ()
            %rem3A_437 = arith.constant 2 : i32
            %rem3A_438 = arith.remui %while3A_216, %rem3A_437 : i32
            %mul3A_439 = arith.constant 16 : i32
            %mul3A_440 = arith.muli %add3A_247, %mul3A_439 : i32
            %add3A_441 = arith.addi %mul3A_440, %add3A_249 : i32
            %mul3A_442 = arith.constant 128 : i32
            %mul3A_443 = arith.muli %mul3A_442, %add3A_441 : i32
            %dma_wait3A = arith.constant 0 : i32
            %dma_wait3A_444 = arith.constant 0 : i32
            %dma_wait3A_445 = tpu.memref_slice %run_scoped3A_20[%rem3A_438, %dma_wait3A, %dma_wait3A_444] : memref<2x128x128xi32, #tpu.memory_space<vmem>> -> memref<1x128x128xi32, #tpu.memory_space<vmem>>
            %dma_wait3A_446 = tpu.memref_squeeze %dma_wait3A_445 : memref<1x128x128xi32, #tpu.memory_space<vmem>> -> memref<128x128xi32, #tpu.memory_space<vmem>>
            %dma_wait3A_447 = arith.constant 0 : i32
            %dma_wait3A_448 = tpu.memref_slice %arg4[%mul3A_443, %dma_wait3A_447] : memref<32768x128xi32, #tpu.memory_space<hbm>> -> memref<128x128xi32, #tpu.memory_space<hbm>>
            %dma_wait3A_449 = tpu.memref_slice %run_scoped3A_21[%rem3A_438] : memref<2x!tpu.dma_semaphore, #tpu.memory_space<semaphore_mem>> -> memref<1x!tpu.dma_semaphore, #tpu.memory_space<semaphore_mem>>
            %dma_wait3A_450 = tpu.memref_squeeze %dma_wait3A_449 : memref<1x!tpu.dma_semaphore, #tpu.memory_space<semaphore_mem>> -> memref<!tpu.dma_semaphore, #tpu.memory_space<semaphore_mem>>
            %dma_wait3A_451 = arith.constant 0 : i32
            %dma_wait3A_452 = tpu.memref_slice %arg4[%mul3A_443, %dma_wait3A_451] : memref<32768x128xi32, #tpu.memory_space<hbm>> -> memref<128x128xi32, #tpu.memory_space<hbm>>
            %dma_wait3A_453 = arith.constant 0 : i32
            %dma_wait3A_454 = arith.constant 0 : i32
            %dma_wait3A_455 = tpu.memref_slice %run_scoped3A_20[%rem3A_438, %dma_wait3A_453, %dma_wait3A_454] : memref<2x128x128xi32, #tpu.memory_space<vmem>> -> memref<1x128x128xi32, #tpu.memory_space<vmem>>
            %dma_wait3A_456 = tpu.memref_squeeze %dma_wait3A_455 : memref<1x128x128xi32, #tpu.memory_space<vmem>> -> memref<128x128xi32, #tpu.memory_space<vmem>>
            tpu.wait_dma2 semaphore(%dma_wait3A_450 : memref<!tpu.dma_semaphore, #tpu.memory_space<semaphore_mem>>) src(%dma_wait3A_456 : memref<128x128xi32, #tpu.memory_space<vmem>>) dst(%dma_wait3A_452 : memref<128x128xi32, #tpu.memory_space<hbm>>)
            "tpu.trace_stop"() : () -> ()
          } else {
          }
          %and3A_409 = arith.constant true
          %and3A_410 = arith.andi %and3A_405, %and3A_409 : i1
          %add3A_411 = arith.constant 1 : i32
          %add3A_412 = arith.addi %while3A_216, %add3A_411 : i32
          %select_n3A_413 = arith.select %and3A_410, %add3A_412, %while3A_216 : i32
          %ne3A_414 = arith.cmpi ne, %add3A_228, %add3A_264 : i32
          %ne3A_415 = arith.cmpi ne, %add3A_230, %add3A_266 : i32
          %or3A_416 = arith.constant false
          %or3A_417 = arith.ori %or3A_416, %ne3A_414 : i1
          %or3A_418 = arith.ori %or3A_417, %ne3A_415 : i1
          %or3A_419 = arith.ori %or3A_418, %eq3A_227 : i1
          %add3A_420 = arith.constant 1 : i32
          %add3A_421 = arith.addi %while3A_214, %add3A_420 : i32
          %select_n3A_422 = arith.select %or3A_419, %add3A_421, %while3A_214 : i32
          %add3A_423 = arith.constant 1 : i32
          %add3A_424 = arith.addi %while3A_218, %add3A_423 : i32
          %select_n3A_425 = arith.constant true
          %select_n3A_426 = arith.select %select_n3A_425, %add3A_424, %while3A_218 : i32
          %eq3A_427 = arith.constant 16 : i32
          %eq3A_428 = arith.cmpi eq, %select_n3A_426, %eq3A_427 : i32
          %select_n3A_429 = arith.constant 0 : i32
          %select_n3A_430 = arith.select %eq3A_428, %select_n3A_429, %select_n3A_426 : i32
          %add3A_431 = arith.constant 1 : i32
          %add3A_432 = arith.addi %while3A_217, %add3A_431 : i32
          %select_n3A_433 = arith.select %eq3A_428, %add3A_432, %while3A_217 : i32
          %eq3A_434 = arith.cmpi eq, %select_n3A_433, %select_n3A : i32
          %select_n3A_435 = arith.constant 0 : i32
          %select_n3A_436 = arith.select %eq3A_434, %select_n3A_435, %select_n3A_433 : i32
          scf.yield %select_n3A_299, %select_n3A_422, %select_n3A_378, %select_n3A_413, %select_n3A_436, %select_n3A_430 : i32, i32, i32, i32, i32, i32
        }
        %while3A_121 = arith.constant 1 : i32
        %while3A_122:6 = scf.for %while3A_212 = %while3A_118 to %while3A_114 step %while3A_121 iter_args(%while3A_213 = %while3A_120#0, %while3A_214 = %while3A_120#1, %while3A_215 = %while3A_120#2, %while3A_216 = %while3A_120#3, %while3A_217 = %while3A_120#4, %while3A_218 = %while3A_120#5) -> (i32, i32, i32, i32, i32, i32)  : i32 {
          %mul3A_219 = arith.constant 1 : i32
          %mul3A_220 = arith.muli %mul3A_219, %select_n3A : i32
          %mul3A_221 = arith.constant 16 : i32
          %mul3A_222 = arith.muli %mul3A_220, %mul3A_221 : i32
          %eq3A_223 = arith.constant 0 : i32
          %eq3A_224 = arith.cmpi eq, %while3A_212, %eq3A_223 : i32
          %sub3A_225 = arith.constant 1 : i32
          %sub3A_226 = arith.subi %mul3A_222, %sub3A_225 : i32
          %eq3A_227 = arith.cmpi eq, %while3A_212, %sub3A_226 : i32
          %add3A_228 = arith.addi %while3A_217, %select_n3A_14 : i32
          %add3A_229 = arith.constant 0 : i32
          %add3A_230 = arith.addi %while3A_218, %add3A_229 : i32
          %sub3A_231 = arith.constant 1 : i32
          %sub3A_232 = arith.subi %while3A_218, %sub3A_231 : i32
          %select_n3A_233 = arith.constant true
          %select_n3A_234 = arith.select %select_n3A_233, %sub3A_232, %while3A_218 : i32
          %eq3A_235 = arith.constant -1 : i32
          %eq3A_236 = arith.cmpi eq, %select_n3A_234, %eq3A_235 : i32
          %select_n3A_237 = arith.constant 15 : i32
          %select_n3A_238 = arith.select %eq3A_236, %select_n3A_237, %select_n3A_234 : i32
          %sub3A_239 = arith.constant 1 : i32
          %sub3A_240 = arith.subi %while3A_217, %sub3A_239 : i32
          %select_n3A_241 = arith.select %eq3A_236, %sub3A_240, %while3A_217 : i32
          %eq3A_242 = arith.constant -1 : i32
          %eq3A_243 = arith.cmpi eq, %select_n3A_241, %eq3A_242 : i32
          %sub3A_244 = arith.constant 1 : i32
          %sub3A_245 = arith.subi %select_n3A, %sub3A_244 : i32
          %select_n3A_246 = arith.select %eq3A_243, %sub3A_245, %select_n3A_241 : i32
          %add3A_247 = arith.addi %select_n3A_246, %select_n3A_14 : i32
          %add3A_248 = arith.constant 0 : i32
          %add3A_249 = arith.addi %select_n3A_238, %add3A_248 : i32
          %add3A_250 = arith.constant 1 : i32
          %add3A_251 = arith.addi %while3A_218, %add3A_250 : i32
          %select_n3A_252 = arith.constant true
          %select_n3A_253 = arith.select %select_n3A_252, %add3A_251, %while3A_218 : i32
          %eq3A_254 = arith.constant 16 : i32
          %eq3A_255 = arith.cmpi eq, %select_n3A_253, %eq3A_254 : i32
          %select_n3A_256 = arith.constant 0 : i32
          %select_n3A_257 = arith.select %eq3A_255, %select_n3A_256, %select_n3A_253 : i32
          %add3A_258 = arith.constant 1 : i32
          %add3A_259 = arith.addi %while3A_217, %add3A_258 : i32
          %select_n3A_260 = arith.select %eq3A_255, %add3A_259, %while3A_217 : i32
          %eq3A_261 = arith.cmpi eq, %select_n3A_260, %select_n3A : i32
          %select_n3A_262 = arith.constant 0 : i32
          %select_n3A_263 = arith.select %eq3A_261, %select_n3A_262, %select_n3A_260 : i32
          %add3A_264 = arith.addi %select_n3A_263, %select_n3A_14 : i32
          %add3A_265 = arith.constant 0 : i32
          %add3A_266 = arith.addi %select_n3A_257, %add3A_265 : i32
          %add3A_267 = arith.constant 1 : i32
          %add3A_268 = arith.addi %select_n3A_257, %add3A_267 : i32
          %select_n3A_269 = arith.constant true
          %select_n3A_270 = arith.select %select_n3A_269, %add3A_268, %select_n3A_257 : i32
          %eq3A_271 = arith.constant 16 : i32
          %eq3A_272 = arith.cmpi eq, %select_n3A_270, %eq3A_271 : i32
          %select_n3A_273 = arith.constant 0 : i32
          %select_n3A_274 = arith.select %eq3A_272, %select_n3A_273, %select_n3A_270 : i32
          %add3A_275 = arith.constant 1 : i32
          %add3A_276 = arith.addi %select_n3A_263, %add3A_275 : i32
          %select_n3A_277 = arith.select %eq3A_272, %add3A_276, %select_n3A_263 : i32
          %eq3A_278 = arith.cmpi eq, %select_n3A_277, %select_n3A : i32
          %select_n3A_279 = arith.constant 0 : i32
          %select_n3A_280 = arith.select %eq3A_278, %select_n3A_279, %select_n3A_277 : i32
          %add3A_281 = arith.addi %select_n3A_280, %select_n3A_14 : i32
          %add3A_282 = arith.constant 0 : i32
          %add3A_283 = arith.addi %select_n3A_274, %add3A_282 : i32
          %ne3A = arith.cmpi ne, %add3A_228, %add3A_264 : i32
          %ne3A_284 = arith.cmpi ne, %add3A_230, %add3A_266 : i32
          %or3A = arith.constant false
          %or3A_285 = arith.ori %or3A, %ne3A : i1
          %or3A_286 = arith.ori %or3A_285, %ne3A_284 : i1
          %sub3A_287 = arith.constant 2 : i32
          %sub3A_288 = arith.subi %mul3A_222, %sub3A_287 : i32
          %add3A_289 = arith.constant 1 : i32
          %add3A_290 = arith.addi %sub3A_288, %add3A_289 : i32
          %ge3A = arith.cmpi sge, %while3A_212, %add3A_290 : i32
          %not3A = arith.constant true
          %not3A_291 = arith.xori %ge3A, %not3A : i1
          %and3A = arith.andi %or3A_286, %not3A_291 : i1
          %convert_element_type3A_292 = arith.extui %and3A : i1 to i32
          %cond3A_293 = arith.constant 0 : i32
          %cond3A_294 = arith.cmpi ne, %convert_element_type3A_292, %cond3A_293 : i32
          scf.if %cond3A_294 {
            "tpu.trace_start"() <{level = 10 : i32, message = "ep_copy_in"}> : () -> ()
            %rem3A_437 = arith.constant 2 : i32
            %rem3A_438 = arith.remui %while3A_213, %rem3A_437 : i32
            %mul3A_439 = arith.constant 1 : i32
            %mul3A_440 = arith.muli %mul3A_439, %add3A_264 : i32
            %mul3A_441 = arith.constant 128 : i32
            %mul3A_442 = arith.muli %mul3A_441, %add3A_266 : i32
            %dma_start3A_443 = arith.constant 0 : i32
            %dma_start3A_444 = arith.constant 0 : i32
            %dma_start3A_445 = tpu.memref_slice %run_scoped3A[%rem3A_438, %dma_start3A_443, %dma_start3A_444] : memref<2x1x128xi32, #tpu.memory_space<vmem>> -> memref<1x1x128xi32, #tpu.memory_space<vmem>>
            %dma_start3A_446 = tpu.memref_squeeze %dma_start3A_445 : memref<1x1x128xi32, #tpu.memory_space<vmem>> -> memref<1x128xi32, #tpu.memory_space<vmem>>
            %dma_start3A_447 = tpu.memref_slice %arg3[%mul3A_440, %mul3A_442] : memref<16x2048xi32, #tpu.memory_space<hbm>> -> memref<1x128xi32, #tpu.memory_space<hbm>>
            %dma_start3A_448 = tpu.memref_slice %run_scoped3A_19[%rem3A_438] : memref<2x!tpu.dma_semaphore, #tpu.memory_space<semaphore_mem>> -> memref<1x!tpu.dma_semaphore, #tpu.memory_space<semaphore_mem>>
            %dma_start3A_449 = tpu.memref_squeeze %dma_start3A_448 : memref<1x!tpu.dma_semaphore, #tpu.memory_space<semaphore_mem>> -> memref<!tpu.dma_semaphore, #tpu.memory_space<semaphore_mem>>
            %dma_start3A_450 = arith.constant 0 : i32
            %dma_start3A_451 = arith.constant 0 : i32
            %dma_start3A_452 = tpu.memref_slice %run_scoped3A[%rem3A_438, %dma_start3A_450, %dma_start3A_451] : memref<2x1x128xi32, #tpu.memory_space<vmem>> -> memref<1x1x128xi32, #tpu.memory_space<vmem>>
            %dma_start3A_453 = tpu.memref_squeeze %dma_start3A_452 : memref<1x1x128xi32, #tpu.memory_space<vmem>> -> memref<1x128xi32, #tpu.memory_space<vmem>>
            %dma_start3A_454 = tpu.memref_slice %arg3[%mul3A_440, %mul3A_442] : memref<16x2048xi32, #tpu.memory_space<hbm>> -> memref<1x128xi32, #tpu.memory_space<hbm>>
            tpu.enqueue_dma source(%dma_start3A_454 : memref<1x128xi32, #tpu.memory_space<hbm>>) target(%dma_start3A_453 : memref<1x128xi32, #tpu.memory_space<vmem>>) target_semaphore(%dma_start3A_449 : memref<!tpu.dma_semaphore, #tpu.memory_space<semaphore_mem>>)
            "tpu.trace_stop"() : () -> ()
          } else {
          }
          %and3A_295 = arith.constant true
          %and3A_296 = arith.andi %and3A, %and3A_295 : i1
          %add3A_297 = arith.constant 1 : i32
          %add3A_298 = arith.addi %while3A_213, %add3A_297 : i32
          %select_n3A_299 = arith.select %and3A_296, %add3A_298, %while3A_213 : i32
          %mul3A_300 = arith.constant 16 : i32
          %mul3A_301 = arith.muli %add3A_228, %mul3A_300 : i32
          %add3A_302 = arith.addi %mul3A_301, %add3A_230 : i32
          %mul3A_303 = arith.constant 16 : i32
          %mul3A_304 = arith.muli %add3A_264, %mul3A_303 : i32
          %add3A_305 = arith.addi %mul3A_304, %add3A_266 : i32
          %ne3A_306 = arith.cmpi ne, %add3A_302, %add3A_305 : i32
          %or3A_307 = arith.constant false
          %or3A_308 = arith.ori %or3A_307, %ne3A_306 : i1
          %or3A_309 = arith.constant false
          %or3A_310 = arith.ori %or3A_308, %or3A_309 : i1
          %sub3A_311 = arith.constant 2 : i32
          %sub3A_312 = arith.subi %mul3A_222, %sub3A_311 : i32
          %add3A_313 = arith.constant 1 : i32
          %add3A_314 = arith.addi %sub3A_312, %add3A_313 : i32
          %ge3A_315 = arith.cmpi sge, %while3A_212, %add3A_314 : i32
          %not3A_316 = arith.constant true
          %not3A_317 = arith.xori %ge3A_315, %not3A_316 : i1
          %and3A_318 = arith.andi %or3A_310, %not3A_317 : i1
          %ne3A_319 = arith.cmpi ne, %add3A_228, %add3A_247 : i32
          %ne3A_320 = arith.cmpi ne, %add3A_230, %add3A_249 : i32
          %or3A_321 = arith.constant false
          %or3A_322 = arith.ori %or3A_321, %ne3A_319 : i1
          %or3A_323 = arith.ori %or3A_322, %ne3A_320 : i1
          %or3A_324 = arith.ori %or3A_323, %eq3A_224 : i1
          %convert_element_type3A_325 = arith.extui %or3A_324 : i1 to i32
          %cond3A_326 = arith.constant 0 : i32
          %cond3A_327 = arith.cmpi ne, %convert_element_type3A_325, %cond3A_326 : i32
          scf.if %cond3A_327 {
            "tpu.trace_start"() <{level = 10 : i32, message = "ep_wait_in"}> : () -> ()
            %mul3A_437 = arith.constant 1 : i32
            %mul3A_438 = arith.muli %mul3A_437, %add3A_228 : i32
            %mul3A_439 = arith.constant 128 : i32
            %mul3A_440 = arith.muli %mul3A_439, %add3A_230 : i32
            %rem3A_441 = arith.constant 2 : i32
            %rem3A_442 = arith.remui %while3A_214, %rem3A_441 : i32
            %dma_wait3A = arith.constant 0 : i32
            %dma_wait3A_443 = arith.constant 0 : i32
            %dma_wait3A_444 = tpu.memref_slice %run_scoped3A[%rem3A_442, %dma_wait3A, %dma_wait3A_443] : memref<2x1x128xi32, #tpu.memory_space<vmem>> -> memref<1x1x128xi32, #tpu.memory_space<vmem>>
            %dma_wait3A_445 = tpu.memref_squeeze %dma_wait3A_444 : memref<1x1x128xi32, #tpu.memory_space<vmem>> -> memref<1x128xi32, #tpu.memory_space<vmem>>
            %dma_wait3A_446 = tpu.memref_slice %arg3[%mul3A_438, %mul3A_440] : memref<16x2048xi32, #tpu.memory_space<hbm>> -> memref<1x128xi32, #tpu.memory_space<hbm>>
            %dma_wait3A_447 = tpu.memref_slice %run_scoped3A_19[%rem3A_442] : memref<2x!tpu.dma_semaphore, #tpu.memory_space<semaphore_mem>> -> memref<1x!tpu.dma_semaphore, #tpu.memory_space<semaphore_mem>>
            %dma_wait3A_448 = tpu.memref_squeeze %dma_wait3A_447 : memref<1x!tpu.dma_semaphore, #tpu.memory_space<semaphore_mem>> -> memref<!tpu.dma_semaphore, #tpu.memory_space<semaphore_mem>>
            %dma_wait3A_449 = arith.constant 0 : i32
            %dma_wait3A_450 = arith.constant 0 : i32
            %dma_wait3A_451 = tpu.memref_slice %run_scoped3A[%rem3A_442, %dma_wait3A_449, %dma_wait3A_450] : memref<2x1x128xi32, #tpu.memory_space<vmem>> -> memref<1x1x128xi32, #tpu.memory_space<vmem>>
            %dma_wait3A_452 = tpu.memref_squeeze %dma_wait3A_451 : memref<1x1x128xi32, #tpu.memory_space<vmem>> -> memref<1x128xi32, #tpu.memory_space<vmem>>
            %dma_wait3A_453 = tpu.memref_slice %arg3[%mul3A_438, %mul3A_440] : memref<16x2048xi32, #tpu.memory_space<hbm>> -> memref<1x128xi32, #tpu.memory_space<hbm>>
            tpu.wait_dma2 semaphore(%dma_wait3A_448 : memref<!tpu.dma_semaphore, #tpu.memory_space<semaphore_mem>>) src(%dma_wait3A_453 : memref<1x128xi32, #tpu.memory_space<hbm>>) dst(%dma_wait3A_452 : memref<1x128xi32, #tpu.memory_space<vmem>>)
            "tpu.trace_stop"() : () -> ()
          } else {
          }
          %mul3A_328 = arith.constant 16 : i32
          %mul3A_329 = arith.muli %add3A_228, %mul3A_328 : i32
          %add3A_330 = arith.addi %mul3A_329, %add3A_230 : i32
          %mul3A_331 = arith.constant 16 : i32
          %mul3A_332 = arith.muli %add3A_247, %mul3A_331 : i32
          %add3A_333 = arith.addi %mul3A_332, %add3A_249 : i32
          %ne3A_334 = arith.cmpi ne, %add3A_330, %add3A_333 : i32
          %or3A_335 = arith.constant false
          %or3A_336 = arith.ori %or3A_335, %ne3A_334 : i1
          %or3A_337 = arith.constant false
          %or3A_338 = arith.ori %or3A_336, %or3A_337 : i1
          %or3A_339 = arith.ori %or3A_338, %eq3A_224 : i1
          %convert_element_type3A_340 = arith.extui %or3A_339 : i1 to i32
          %cond3A_341 = arith.constant 0 : i32
          %cond3A_342 = arith.cmpi ne, %convert_element_type3A_340, %cond3A_341 : i32
          scf.if %cond3A_342 {
          } else {
          }
          %rem3A_343 = arith.constant 2 : i32
          %rem3A_344 = arith.remui %while3A_214, %rem3A_343 : i32
          %rem3A_345 = arith.constant 2 : i32
          %rem3A_346 = arith.remui %while3A_215, %rem3A_345 : i32
          %run_scoped3A_347 = arith.constant 0 : i32
          "tpu.trace_start"() <{level = 10 : i32, message = "ep_run_kernel"}> : () -> ()
          "tpu.region"() ({
            %run_scoped3A_437 = tpu.sem_alloc : memref<!tpu.dma_semaphore, #tpu.memory_space<semaphore_mem>>
            %dma_start3A_438 = arith.constant 0 : i32
            %dma_start3A_439 = arith.constant 0 : i32
            %dma_start3A_440 = tpu.memref_slice %run_scoped3A_20[%rem3A_346, %dma_start3A_438, %dma_start3A_439] : memref<2x128x128xi32, #tpu.memory_space<vmem>> -> memref<1x128x128xi32, #tpu.memory_space<vmem>>
            %dma_start3A_441 = tpu.memref_squeeze %dma_start3A_440 : memref<1x128x128xi32, #tpu.memory_space<vmem>> -> memref<128x128xi32, #tpu.memory_space<vmem>>
            %dma_start3A_442 = arith.constant 0 : i32
            %dma_start3A_443 = arith.constant 0 : i32
            %dma_start3A_444 = tpu.memref_slice %run_scoped3A[%rem3A_344, %dma_start3A_442, %dma_start3A_443] : memref<2x1x128xi32, #tpu.memory_space<vmem>> -> memref<1x1x128xi32, #tpu.memory_space<vmem>>
            %dma_start3A_445 = tpu.memref_squeeze %dma_start3A_444 : memref<1x1x128xi32, #tpu.memory_space<vmem>> -> memref<1x128xi32, #tpu.memory_space<vmem>>
            %dma_start3A_446 = arith.constant 0 : i32
            %dma_start3A_447 = tpu.memref_slice %dma_start3A_445[%run_scoped3A_347, %dma_start3A_446] : memref<1x128xi32, #tpu.memory_space<vmem>> -> memref<1x128xi32, #tpu.memory_space<vmem>>
            %dma_start3A_448 = tpu.memref_squeeze %dma_start3A_447 : memref<1x128xi32, #tpu.memory_space<vmem>> -> memref<128xi32, #tpu.memory_space<vmem>>
            %dma_start3A_449 = arith.constant 0 : i32
            %dma_start3A_450 = arith.constant 0 : i32
            %dma_start3A_451 = tpu.memref_slice %arg2[%dma_start3A_449, %dma_start3A_450] : memref<2048x128xi32, #tpu.memory_space<hbm>> -> memref<2048x128xi32, #tpu.memory_space<hbm>>
            tpu.enqueue_indirect_dma source(%dma_start3A_451 : memref<2048x128xi32, #tpu.memory_space<hbm>>) target(%dma_start3A_441 : memref<128x128xi32, #tpu.memory_space<vmem>>) offsets(%dma_start3A_448 : memref<128xi32, #tpu.memory_space<vmem>>) semaphore(%run_scoped3A_437 : memref<!tpu.dma_semaphore, #tpu.memory_space<semaphore_mem>>)
            %dma_wait3A = arith.constant 0 : i32
            %dma_wait3A_452 = arith.constant 0 : i32
            %dma_wait3A_453 = tpu.memref_slice %run_scoped3A_20[%rem3A_346, %dma_wait3A, %dma_wait3A_452] : memref<2x128x128xi32, #tpu.memory_space<vmem>> -> memref<1x128x128xi32, #tpu.memory_space<vmem>>
            %dma_wait3A_454 = tpu.memref_squeeze %dma_wait3A_453 : memref<1x128x128xi32, #tpu.memory_space<vmem>> -> memref<128x128xi32, #tpu.memory_space<vmem>>
            %dma_wait3A_455 = arith.constant 0 : i32
            %dma_wait3A_456 = arith.constant 0 : i32
            %dma_wait3A_457 = tpu.memref_slice %run_scoped3A[%rem3A_344, %dma_wait3A_455, %dma_wait3A_456] : memref<2x1x128xi32, #tpu.memory_space<vmem>> -> memref<1x1x128xi32, #tpu.memory_space<vmem>>
            %dma_wait3A_458 = tpu.memref_squeeze %dma_wait3A_457 : memref<1x1x128xi32, #tpu.memory_space<vmem>> -> memref<1x128xi32, #tpu.memory_space<vmem>>
            %dma_wait3A_459 = arith.constant 0 : i32
            %dma_wait3A_460 = tpu.memref_slice %dma_wait3A_458[%run_scoped3A_347, %dma_wait3A_459] : memref<1x128xi32, #tpu.memory_space<vmem>> -> memref<1x128xi32, #tpu.memory_space<vmem>>
            %dma_wait3A_461 = tpu.memref_squeeze %dma_wait3A_460 : memref<1x128xi32, #tpu.memory_space<vmem>> -> memref<128xi32, #tpu.memory_space<vmem>>
            %dma_wait3A_462 = arith.constant 0 : i32
            %dma_wait3A_463 = arith.constant 0 : i32
            %dma_wait3A_464 = tpu.memref_slice %arg2[%dma_wait3A_462, %dma_wait3A_463] : memref<2048x128xi32, #tpu.memory_space<hbm>> -> memref<2048x128xi32, #tpu.memory_space<hbm>>
            tpu.wait_indirect_dma semaphore(%run_scoped3A_437 : memref<!tpu.dma_semaphore, #tpu.memory_space<semaphore_mem>>) src(%dma_wait3A_464 : memref<2048x128xi32, #tpu.memory_space<hbm>>) dst(%dma_wait3A_454 : memref<128x128xi32, #tpu.memory_space<vmem>>)
            tpu.yield
          }) : () -> ()
          "tpu.trace_stop"() : () -> ()
          %ne3A_348 = arith.cmpi ne, %add3A_228, %add3A_264 : i32
          %ne3A_349 = arith.cmpi ne, %add3A_230, %add3A_266 : i32
          %or3A_350 = arith.constant false
          %or3A_351 = arith.ori %or3A_350, %ne3A_348 : i1
          %or3A_352 = arith.ori %or3A_351, %ne3A_349 : i1
          %or3A_353 = arith.ori %or3A_352, %eq3A_227 : i1
          %convert_element_type3A_354 = arith.extui %or3A_353 : i1 to i32
          %cond3A_355 = arith.constant 0 : i32
          %cond3A_356 = arith.cmpi ne, %convert_element_type3A_354, %cond3A_355 : i32
          scf.if %cond3A_356 {
          } else {
          }
          %and3A_357 = arith.constant false
          %and3A_358 = arith.andi %or3A_353, %and3A_357 : i1
          %mul3A_359 = arith.constant 16 : i32
          %mul3A_360 = arith.muli %add3A_228, %mul3A_359 : i32
          %add3A_361 = arith.addi %mul3A_360, %add3A_230 : i32
          %mul3A_362 = arith.constant 16 : i32
          %mul3A_363 = arith.muli %add3A_264, %mul3A_362 : i32
          %add3A_364 = arith.addi %mul3A_363, %add3A_266 : i32
          %ne3A_365 = arith.cmpi ne, %add3A_361, %add3A_364 : i32
          %or3A_366 = arith.constant false
          %or3A_367 = arith.ori %or3A_366, %ne3A_365 : i1
          %or3A_368 = arith.constant false
          %or3A_369 = arith.ori %or3A_367, %or3A_368 : i1
          %or3A_370 = arith.ori %or3A_369, %eq3A_227 : i1
          %convert_element_type3A_371 = arith.extui %or3A_370 : i1 to i32
          %cond3A_372 = arith.constant 0 : i32
          %cond3A_373 = arith.cmpi ne, %convert_element_type3A_371, %cond3A_372 : i32
          scf.if %cond3A_373 {
            "tpu.trace_start"() <{level = 10 : i32, message = "ep_copy_out"}> : () -> ()
            %rem3A_437 = arith.constant 2 : i32
            %rem3A_438 = arith.remui %while3A_215, %rem3A_437 : i32
            %mul3A_439 = arith.constant 16 : i32
            %mul3A_440 = arith.muli %add3A_228, %mul3A_439 : i32
            %add3A_441 = arith.addi %mul3A_440, %add3A_230 : i32
            %mul3A_442 = arith.constant 128 : i32
            %mul3A_443 = arith.muli %mul3A_442, %add3A_441 : i32
            %dma_start3A_444 = arith.constant 0 : i32
            %dma_start3A_445 = arith.constant 0 : i32
            %dma_start3A_446 = tpu.memref_slice %run_scoped3A_20[%rem3A_438, %dma_start3A_444, %dma_start3A_445] : memref<2x128x128xi32, #tpu.memory_space<vmem>> -> memref<1x128x128xi32, #tpu.memory_space<vmem>>
            %dma_start3A_447 = tpu.memref_squeeze %dma_start3A_446 : memref<1x128x128xi32, #tpu.memory_space<vmem>> -> memref<128x128xi32, #tpu.memory_space<vmem>>
            %dma_start3A_448 = arith.constant 0 : i32
            %dma_start3A_449 = tpu.memref_slice %arg4[%mul3A_443, %dma_start3A_448] : memref<32768x128xi32, #tpu.memory_space<hbm>> -> memref<128x128xi32, #tpu.memory_space<hbm>>
            %dma_start3A_450 = tpu.memref_slice %run_scoped3A_21[%rem3A_438] : memref<2x!tpu.dma_semaphore, #tpu.memory_space<semaphore_mem>> -> memref<1x!tpu.dma_semaphore, #tpu.memory_space<semaphore_mem>>
            %dma_start3A_451 = tpu.memref_squeeze %dma_start3A_450 : memref<1x!tpu.dma_semaphore, #tpu.memory_space<semaphore_mem>> -> memref<!tpu.dma_semaphore, #tpu.memory_space<semaphore_mem>>
            %dma_start3A_452 = arith.constant 0 : i32
            %dma_start3A_453 = tpu.memref_slice %arg4[%mul3A_443, %dma_start3A_452] : memref<32768x128xi32, #tpu.memory_space<hbm>> -> memref<128x128xi32, #tpu.memory_space<hbm>>
            %dma_start3A_454 = arith.constant 0 : i32
            %dma_start3A_455 = arith.constant 0 : i32
            %dma_start3A_456 = tpu.memref_slice %run_scoped3A_20[%rem3A_438, %dma_start3A_454, %dma_start3A_455] : memref<2x128x128xi32, #tpu.memory_space<vmem>> -> memref<1x128x128xi32, #tpu.memory_space<vmem>>
            %dma_start3A_457 = tpu.memref_squeeze %dma_start3A_456 : memref<1x128x128xi32, #tpu.memory_space<vmem>> -> memref<128x128xi32, #tpu.memory_space<vmem>>
            tpu.enqueue_dma source(%dma_start3A_457 : memref<128x128xi32, #tpu.memory_space<vmem>>) target(%dma_start3A_453 : memref<128x128xi32, #tpu.memory_space<hbm>>) target_semaphore(%dma_start3A_451 : memref<!tpu.dma_semaphore, #tpu.memory_space<semaphore_mem>>)
            "tpu.trace_stop"() : () -> ()
          } else {
          }
          %and3A_374 = arith.constant true
          %and3A_375 = arith.andi %or3A_370, %and3A_374 : i1
          %add3A_376 = arith.constant 1 : i32
          %add3A_377 = arith.addi %while3A_215, %add3A_376 : i32
          %select_n3A_378 = arith.select %and3A_375, %add3A_377, %while3A_215 : i32
          %ne3A_379 = arith.cmpi ne, %add3A_228, %add3A_247 : i32
          %ne3A_380 = arith.cmpi ne, %add3A_230, %add3A_249 : i32
          %or3A_381 = arith.constant false
          %or3A_382 = arith.ori %or3A_381, %ne3A_379 : i1
          %or3A_383 = arith.ori %or3A_382, %ne3A_380 : i1
          %not3A_384 = arith.constant true
          %not3A_385 = arith.xori %eq3A_224, %not3A_384 : i1
          %and3A_386 = arith.andi %or3A_383, %not3A_385 : i1
          %convert_element_type3A_387 = arith.extui %and3A_386 : i1 to i32
          %cond3A_388 = arith.constant 0 : i32
          %cond3A_389 = arith.cmpi ne, %convert_element_type3A_387, %cond3A_388 : i32
          scf.if %cond3A_389 {
          } else {
          }
          %and3A_390 = arith.constant false
          %and3A_391 = arith.andi %and3A_386, %and3A_390 : i1
          %mul3A_392 = arith.constant 16 : i32
          %mul3A_393 = arith.muli %add3A_228, %mul3A_392 : i32
          %add3A_394 = arith.addi %mul3A_393, %add3A_230 : i32
          %mul3A_395 = arith.constant 16 : i32
          %mul3A_396 = arith.muli %add3A_247, %mul3A_395 : i32
          %add3A_397 = arith.addi %mul3A_396, %add3A_249 : i32
          %ne3A_398 = arith.cmpi ne, %add3A_394, %add3A_397 : i32
          %or3A_399 = arith.constant false
          %or3A_400 = arith.ori %or3A_399, %ne3A_398 : i1
          %or3A_401 = arith.constant false
          %or3A_402 = arith.ori %or3A_400, %or3A_401 : i1
          %not3A_403 = arith.constant true
          %not3A_404 = arith.xori %eq3A_224, %not3A_403 : i1
          %and3A_405 = arith.andi %or3A_402, %not3A_404 : i1
          %convert_element_type3A_406 = arith.extui %and3A_405 : i1 to i32
          %cond3A_407 = arith.constant 0 : i32
          %cond3A_408 = arith.cmpi ne, %convert_element_type3A_406, %cond3A_407 : i32
          scf.if %cond3A_408 {
            "tpu.trace_start"() <{level = 10 : i32, message = "ep_wait_out"}> : () -> ()
            %rem3A_437 = arith.constant 2 : i32
            %rem3A_438 = arith.remui %while3A_216, %rem3A_437 : i32
            %mul3A_439 = arith.constant 16 : i32
            %mul3A_440 = arith.muli %add3A_247, %mul3A_439 : i32
            %add3A_441 = arith.addi %mul3A_440, %add3A_249 : i32
            %mul3A_442 = arith.constant 128 : i32
            %mul3A_443 = arith.muli %mul3A_442, %add3A_441 : i32
            %dma_wait3A = arith.constant 0 : i32
            %dma_wait3A_444 = arith.constant 0 : i32
            %dma_wait3A_445 = tpu.memref_slice %run_scoped3A_20[%rem3A_438, %dma_wait3A, %dma_wait3A_444] : memref<2x128x128xi32, #tpu.memory_space<vmem>> -> memref<1x128x128xi32, #tpu.memory_space<vmem>>
            %dma_wait3A_446 = tpu.memref_squeeze %dma_wait3A_445 : memref<1x128x128xi32, #tpu.memory_space<vmem>> -> memref<128x128xi32, #tpu.memory_space<vmem>>
            %dma_wait3A_447 = arith.constant 0 : i32
            %dma_wait3A_448 = tpu.memref_slice %arg4[%mul3A_443, %dma_wait3A_447] : memref<32768x128xi32, #tpu.memory_space<hbm>> -> memref<128x128xi32, #tpu.memory_space<hbm>>
            %dma_wait3A_449 = tpu.memref_slice %run_scoped3A_21[%rem3A_438] : memref<2x!tpu.dma_semaphore, #tpu.memory_space<semaphore_mem>> -> memref<1x!tpu.dma_semaphore, #tpu.memory_space<semaphore_mem>>
            %dma_wait3A_450 = tpu.memref_squeeze %dma_wait3A_449 : memref<1x!tpu.dma_semaphore, #tpu.memory_space<semaphore_mem>> -> memref<!tpu.dma_semaphore, #tpu.memory_space<semaphore_mem>>
            %dma_wait3A_451 = arith.constant 0 : i32
            %dma_wait3A_452 = tpu.memref_slice %arg4[%mul3A_443, %dma_wait3A_451] : memref<32768x128xi32, #tpu.memory_space<hbm>> -> memref<128x128xi32, #tpu.memory_space<hbm>>
            %dma_wait3A_453 = arith.constant 0 : i32
            %dma_wait3A_454 = arith.constant 0 : i32
            %dma_wait3A_455 = tpu.memref_slice %run_scoped3A_20[%rem3A_438, %dma_wait3A_453, %dma_wait3A_454] : memref<2x128x128xi32, #tpu.memory_space<vmem>> -> memref<1x128x128xi32, #tpu.memory_space<vmem>>
            %dma_wait3A_456 = tpu.memref_squeeze %dma_wait3A_455 : memref<1x128x128xi32, #tpu.memory_space<vmem>> -> memref<128x128xi32, #tpu.memory_space<vmem>>
            tpu.wait_dma2 semaphore(%dma_wait3A_450 : memref<!tpu.dma_semaphore, #tpu.memory_space<semaphore_mem>>) src(%dma_wait3A_456 : memref<128x128xi32, #tpu.memory_space<vmem>>) dst(%dma_wait3A_452 : memref<128x128xi32, #tpu.memory_space<hbm>>)
            "tpu.trace_stop"() : () -> ()
          } else {
          }
          %and3A_409 = arith.constant true
          %and3A_410 = arith.andi %and3A_405, %and3A_409 : i1
          %add3A_411 = arith.constant 1 : i32
          %add3A_412 = arith.addi %while3A_216, %add3A_411 : i32
          %select_n3A_413 = arith.select %and3A_410, %add3A_412, %while3A_216 : i32
          %ne3A_414 = arith.cmpi ne, %add3A_228, %add3A_264 : i32
          %ne3A_415 = arith.cmpi ne, %add3A_230, %add3A_266 : i32
          %or3A_416 = arith.constant false
          %or3A_417 = arith.ori %or3A_416, %ne3A_414 : i1
          %or3A_418 = arith.ori %or3A_417, %ne3A_415 : i1
          %or3A_419 = arith.ori %or3A_418, %eq3A_227 : i1
          %add3A_420 = arith.constant 1 : i32
          %add3A_421 = arith.addi %while3A_214, %add3A_420 : i32
          %select_n3A_422 = arith.select %or3A_419, %add3A_421, %while3A_214 : i32
          %add3A_423 = arith.constant 1 : i32
          %add3A_424 = arith.addi %while3A_218, %add3A_423 : i32
          %select_n3A_425 = arith.constant true
          %select_n3A_426 = arith.select %select_n3A_425, %add3A_424, %while3A_218 : i32
          %eq3A_427 = arith.constant 16 : i32
          %eq3A_428 = arith.cmpi eq, %select_n3A_426, %eq3A_427 : i32
          %select_n3A_429 = arith.constant 0 : i32
          %select_n3A_430 = arith.select %eq3A_428, %select_n3A_429, %select_n3A_426 : i32
          %add3A_431 = arith.constant 1 : i32
          %add3A_432 = arith.addi %while3A_217, %add3A_431 : i32
          %select_n3A_433 = arith.select %eq3A_428, %add3A_432, %while3A_217 : i32
          %eq3A_434 = arith.cmpi eq, %select_n3A_433, %select_n3A : i32
          %select_n3A_435 = arith.constant 0 : i32
          %select_n3A_436 = arith.select %eq3A_434, %select_n3A_435, %select_n3A_433 : i32
          scf.yield %select_n3A_299, %select_n3A_422, %select_n3A_378, %select_n3A_413, %select_n3A_436, %select_n3A_430 : i32, i32, i32, i32, i32, i32
        }
        %sub3A_123 = arith.constant 1 : i32
        %sub3A_124 = arith.subi %while3A_122#5, %sub3A_123 : i32
        %select_n3A_125 = arith.constant true
        %select_n3A_126 = arith.select %select_n3A_125, %sub3A_124, %while3A_122#5 : i32
        %eq3A_127 = arith.constant -1 : i32
        %eq3A_128 = arith.cmpi eq, %select_n3A_126, %eq3A_127 : i32
        %select_n3A_129 = arith.constant 15 : i32
        %select_n3A_130 = arith.select %eq3A_128, %select_n3A_129, %select_n3A_126 : i32
        %sub3A_131 = arith.constant 1 : i32
        %sub3A_132 = arith.subi %while3A_122#4, %sub3A_131 : i32
        %select_n3A_133 = arith.select %eq3A_128, %sub3A_132, %while3A_122#4 : i32
        %eq3A_134 = arith.constant -1 : i32
        %eq3A_135 = arith.cmpi eq, %select_n3A_133, %eq3A_134 : i32
        %sub3A_136 = arith.constant 1 : i32
        %sub3A_137 = arith.subi %select_n3A, %sub3A_136 : i32
        %select_n3A_138 = arith.select %eq3A_135, %sub3A_137, %select_n3A_133 : i32
        %sub3A_139 = arith.constant 1 : i32
        %sub3A_140 = arith.subi %mul3A_18, %sub3A_139 : i32
        %mul3A_141 = arith.constant 1 : i32
        %mul3A_142 = arith.muli %mul3A_141, %select_n3A : i32
        %mul3A_143 = arith.constant 16 : i32
        %mul3A_144 = arith.muli %mul3A_142, %mul3A_143 : i32
        %eq3A_145 = arith.constant 0 : i32
        %eq3A_146 = arith.cmpi eq, %sub3A_140, %eq3A_145 : i32
        %sub3A_147 = arith.constant 1 : i32
        %sub3A_148 = arith.subi %mul3A_144, %sub3A_147 : i32
        %eq3A_149 = arith.cmpi eq, %sub3A_140, %sub3A_148 : i32
        %add3A_150 = arith.addi %select_n3A_138, %select_n3A_14 : i32
        %add3A_151 = arith.constant 0 : i32
        %add3A_152 = arith.addi %select_n3A_130, %add3A_151 : i32
        %sub3A_153 = arith.constant 1 : i32
        %sub3A_154 = arith.subi %select_n3A_130, %sub3A_153 : i32
        %select_n3A_155 = arith.constant true
        %select_n3A_156 = arith.select %select_n3A_155, %sub3A_154, %select_n3A_130 : i32
        %eq3A_157 = arith.constant -1 : i32
        %eq3A_158 = arith.cmpi eq, %select_n3A_156, %eq3A_157 : i32
        %select_n3A_159 = arith.constant 15 : i32
        %select_n3A_160 = arith.select %eq3A_158, %select_n3A_159, %select_n3A_156 : i32
        %sub3A_161 = arith.constant 1 : i32
        %sub3A_162 = arith.subi %select_n3A_138, %sub3A_161 : i32
        %select_n3A_163 = arith.select %eq3A_158, %sub3A_162, %select_n3A_138 : i32
        %eq3A_164 = arith.constant -1 : i32
        %eq3A_165 = arith.cmpi eq, %select_n3A_163, %eq3A_164 : i32
        %sub3A_166 = arith.constant 1 : i32
        %sub3A_167 = arith.subi %select_n3A, %sub3A_166 : i32
        %select_n3A_168 = arith.select %eq3A_165, %sub3A_167, %select_n3A_163 : i32
        %add3A_169 = arith.addi %select_n3A_168, %select_n3A_14 : i32
        %add3A_170 = arith.constant 0 : i32
        %add3A_171 = arith.addi %select_n3A_160, %add3A_170 : i32
        %add3A_172 = arith.constant 1 : i32
        %add3A_173 = arith.addi %select_n3A_130, %add3A_172 : i32
        %select_n3A_174 = arith.constant true
        %select_n3A_175 = arith.select %select_n3A_174, %add3A_173, %select_n3A_130 : i32
        %eq3A_176 = arith.constant 16 : i32
        %eq3A_177 = arith.cmpi eq, %select_n3A_175, %eq3A_176 : i32
        %select_n3A_178 = arith.constant 0 : i32
        %select_n3A_179 = arith.select %eq3A_177, %select_n3A_178, %select_n3A_175 : i32
        %add3A_180 = arith.constant 1 : i32
        %add3A_181 = arith.addi %select_n3A_138, %add3A_180 : i32
        %select_n3A_182 = arith.select %eq3A_177, %add3A_181, %select_n3A_138 : i32
        %eq3A_183 = arith.cmpi eq, %select_n3A_182, %select_n3A : i32
        %select_n3A_184 = arith.constant 0 : i32
        %select_n3A_185 = arith.select %eq3A_183, %select_n3A_184, %select_n3A_182 : i32
        %add3A_186 = arith.addi %select_n3A_185, %select_n3A_14 : i32
        %add3A_187 = arith.constant 0 : i32
        %add3A_188 = arith.addi %select_n3A_179, %add3A_187 : i32
        %add3A_189 = arith.constant 1 : i32
        %add3A_190 = arith.addi %select_n3A_179, %add3A_189 : i32
        %select_n3A_191 = arith.constant true
        %select_n3A_192 = arith.select %select_n3A_191, %add3A_190, %select_n3A_179 : i32
        %eq3A_193 = arith.constant 16 : i32
        %eq3A_194 = arith.cmpi eq, %select_n3A_192, %eq3A_193 : i32
        %select_n3A_195 = arith.constant 0 : i32
        %select_n3A_196 = arith.select %eq3A_194, %select_n3A_195, %select_n3A_192 : i32
        %add3A_197 = arith.constant 1 : i32
        %add3A_198 = arith.addi %select_n3A_185, %add3A_197 : i32
        %select_n3A_199 = arith.select %eq3A_194, %add3A_198, %select_n3A_185 : i32
        %eq3A_200 = arith.cmpi eq, %select_n3A_199, %select_n3A : i32
        %select_n3A_201 = arith.constant 0 : i32
        %select_n3A_202 = arith.select %eq3A_200, %select_n3A_201, %select_n3A_199 : i32
        %add3A_203 = arith.addi %select_n3A_202, %select_n3A_14 : i32
        %add3A_204 = arith.constant 0 : i32
        %add3A_205 = arith.addi %select_n3A_196, %add3A_204 : i32
        %convert_element_type3A_206 = arith.extui %eq3A_149 : i1 to i32
        %cond3A_207 = arith.constant 0 : i32
        %cond3A_208 = arith.cmpi ne, %convert_element_type3A_206, %cond3A_207 : i32
        scf.if %cond3A_208 {
        } else {
        }
        %convert_element_type3A_209 = arith.extui %eq3A_149 : i1 to i32
        %cond3A_210 = arith.constant 0 : i32
        %cond3A_211 = arith.cmpi ne, %convert_element_type3A_209, %cond3A_210 : i32
        scf.if %cond3A_211 {
          "tpu.trace_start"() <{level = 10 : i32, message = "ep_finalize"}> : () -> ()
          %rem3A_212 = arith.constant 2 : i32
          %rem3A_213 = arith.remui %while3A_122#3, %rem3A_212 : i32
          %mul3A_214 = arith.constant 16 : i32
          %mul3A_215 = arith.muli %add3A_150, %mul3A_214 : i32
          %add3A_216 = arith.addi %mul3A_215, %add3A_152 : i32
          %mul3A_217 = arith.constant 128 : i32
          %mul3A_218 = arith.muli %mul3A_217, %add3A_216 : i32
          %dma_wait3A = arith.constant 0 : i32
          %dma_wait3A_219 = arith.constant 0 : i32
          %dma_wait3A_220 = tpu.memref_slice %run_scoped3A_20[%rem3A_213, %dma_wait3A, %dma_wait3A_219] : memref<2x128x128xi32, #tpu.memory_space<vmem>> -> memref<1x128x128xi32, #tpu.memory_space<vmem>>
          %dma_wait3A_221 = tpu.memref_squeeze %dma_wait3A_220 : memref<1x128x128xi32, #tpu.memory_space<vmem>> -> memref<128x128xi32, #tpu.memory_space<vmem>>
          %dma_wait3A_222 = arith.constant 0 : i32
          %dma_wait3A_223 = tpu.memref_slice %arg4[%mul3A_218, %dma_wait3A_222] : memref<32768x128xi32, #tpu.memory_space<hbm>> -> memref<128x128xi32, #tpu.memory_space<hbm>>
          %dma_wait3A_224 = tpu.memref_slice %run_scoped3A_21[%rem3A_213] : memref<2x!tpu.dma_semaphore, #tpu.memory_space<semaphore_mem>> -> memref<1x!tpu.dma_semaphore, #tpu.memory_space<semaphore_mem>>
          %dma_wait3A_225 = tpu.memref_squeeze %dma_wait3A_224 : memref<1x!tpu.dma_semaphore, #tpu.memory_space<semaphore_mem>> -> memref<!tpu.dma_semaphore, #tpu.memory_space<semaphore_mem>>
          %dma_wait3A_226 = arith.constant 0 : i32
          %dma_wait3A_227 = tpu.memref_slice %arg4[%mul3A_218, %dma_wait3A_226] : memref<32768x128xi32, #tpu.memory_space<hbm>> -> memref<128x128xi32, #tpu.memory_space<hbm>>
          %dma_wait3A_228 = arith.constant 0 : i32
          %dma_wait3A_229 = arith.constant 0 : i32
          %dma_wait3A_230 = tpu.memref_slice %run_scoped3A_20[%rem3A_213, %dma_wait3A_228, %dma_wait3A_229] : memref<2x128x128xi32, #tpu.memory_space<vmem>> -> memref<1x128x128xi32, #tpu.memory_space<vmem>>
          %dma_wait3A_231 = tpu.memref_squeeze %dma_wait3A_230 : memref<1x128x128xi32, #tpu.memory_space<vmem>> -> memref<128x128xi32, #tpu.memory_space<vmem>>
          tpu.wait_dma2 semaphore(%dma_wait3A_225 : memref<!tpu.dma_semaphore, #tpu.memory_space<semaphore_mem>>) src(%dma_wait3A_231 : memref<128x128xi32, #tpu.memory_space<vmem>>) dst(%dma_wait3A_227 : memref<128x128xi32, #tpu.memory_space<hbm>>)
          "tpu.trace_stop"() : () -> ()
        } else {
        }
      } else {
      }
      tpu.yield
    }) : () -> ()
    return
  }
}

#map = affine_map<(d0, d1) -> (0, 0)>
module attributes {stable_mosaic.version = 14 : i64} {
  func.func @gather_kernel(%arg0: i32, %arg1: i32, %arg2: memref<2048x128xi32, #tpu.memory_space<hbm>>, %arg3: memref<16x2048xi32, #tpu.memory_space<hbm>>, %arg4: memref<32768x128xi32, #tpu.memory_space<hbm>>) attributes {dimension_semantics = [#tpu.dimension_semantics<core_parallel>, #tpu.dimension_semantics<subcore_parallel>], iteration_bounds = array<i64: 2, 16>, scalar_prefetch = 0 : i64, scratch_operands = 0 : i64, tpu.core_type = #tpu.core_type<sc_vector_subcore>, window_params = [{transform_indices = #map}, {transform_indices = #map}, {transform_indices = #map}]} {
    %mul3A = arith.constant 1 : i32
    %mul3A_0 = arith.muli %arg1, %mul3A : i32
    %add3A = arith.constant 0 : i32
    %add3A_1 = arith.addi %add3A, %mul3A_0 : i32
    %mul3A_2 = arith.constant 16 : i32
    %mul3A_3 = arith.muli %arg0, %mul3A_2 : i32
    %add3A_4 = arith.addi %add3A_1, %mul3A_3 : i32
    %lt3A = arith.constant 16 : i32
    %lt3A_5 = arith.cmpi slt, %add3A_4, %lt3A : i32
    %jit3A = arith.constant 1 : i32
    %jit3A_6 = arith.constant 0 : i32
    %select_n3A = arith.select %lt3A_5, %jit3A, %jit3A_6 : i32
    %lt3A_7 = arith.constant 16 : i32
    %lt3A_8 = arith.cmpi slt, %add3A_4, %lt3A_7 : i32
    %mul3A_9 = arith.muli %add3A_4, %select_n3A : i32
    %mul3A_10 = arith.constant 0 : i32
    %mul3A_11 = arith.muli %add3A_4, %mul3A_10 : i32
    %add3A_12 = arith.constant 16 : i32
    %add3A_13 = arith.addi %mul3A_11, %add3A_12 : i32
    %select_n3A_14 = arith.select %lt3A_8, %mul3A_9, %add3A_13 : i32
    %mul3A_15 = arith.constant 1 : i32
    %mul3A_16 = arith.muli %mul3A_15, %select_n3A : i32
    %mul3A_17 = arith.constant 16 : i32
    %mul3A_18 = arith.muli %mul3A_16, %mul3A_17 : i32
    "tpu.region"() ({
      %run_scoped3A = memref.alloca() : memref<2x1x128xi32, #tpu.memory_space<vmem>>
      %run_scoped3A_19 = tpu.sem_alloc : memref<2x!tpu.dma_semaphore, #tpu.memory_space<semaphore_mem>>
      %run_scoped3A_20 = memref.alloca() : memref<2x128x128xi32, #tpu.memory_space<vmem>>
      %run_scoped3A_21 = tpu.sem_alloc : memref<2x!tpu.dma_semaphore, #tpu.memory_space<semaphore_mem>>
      %gt3A = arith.constant 0 : i32
      %gt3A_22 = arith.cmpi sgt, %mul3A_18, %gt3A : i32
      %convert_element_type3A = arith.extui %gt3A_22 : i1 to i32
      %cond3A = arith.constant 0 : i32
      %cond3A_23 = arith.cmpi ne, %convert_element_type3A, %cond3A : i32
      scf.if %cond3A_23 {
        %mul3A_24 = arith.constant 1 : i32
        %mul3A_25 = arith.muli %mul3A_24, %select_n3A : i32
        %mul3A_26 = arith.constant 16 : i32
        %mul3A_27 = arith.muli %mul3A_25, %mul3A_26 : i32
        %sub3A = arith.constant 1 : i32
        %sub3A_28 = arith.subi %mul3A_27, %sub3A : i32
        %eq3A = arith.constant 0 : i32
        %eq3A_29 = arith.cmpi eq, %sub3A_28, %eq3A : i32
        %add3A_30 = arith.constant 0 : i32
        %add3A_31 = arith.addi %add3A_30, %select_n3A_14 : i32
        %select_n3A_32 = arith.constant true
        %select_n3A_33 = arith.constant 0 : i32
        %select_n3A_34 = arith.constant -1 : i32
        %select_n3A_35 = arith.select %select_n3A_32, %select_n3A_34, %select_n3A_33 : i32
        %eq3A_36 = arith.constant -1 : i32
        %eq3A_37 = arith.cmpi eq, %select_n3A_35, %eq3A_36 : i32
        %select_n3A_38 = arith.constant 15 : i32
        %select_n3A_39 = arith.select %eq3A_37, %select_n3A_38, %select_n3A_35 : i32
        %select_n3A_40 = arith.constant 0 : i32
        %select_n3A_41 = arith.constant -1 : i32
        %select_n3A_42 = arith.select %eq3A_37, %select_n3A_41, %select_n3A_40 : i32
        %eq3A_43 = arith.constant -1 : i32
        %eq3A_44 = arith.cmpi eq, %select_n3A_42, %eq3A_43 : i32
        %sub3A_45 = arith.constant 1 : i32
        %sub3A_46 = arith.subi %select_n3A, %sub3A_45 : i32
        %select_n3A_47 = arith.select %eq3A_44, %sub3A_46, %select_n3A_42 : i32
        %add3A_48 = arith.addi %select_n3A_47, %select_n3A_14 : i32
        %add3A_49 = arith.constant 0 : i32
        %add3A_50 = arith.addi %select_n3A_39, %add3A_49 : i32
        %select_n3A_51 = arith.constant true
        %select_n3A_52 = arith.constant 0 : i32
        %select_n3A_53 = arith.constant 1 : i32
        %select_n3A_54 = arith.select %select_n3A_51, %select_n3A_53, %select_n3A_52 : i32
        %eq3A_55 = arith.constant 16 : i32
        %eq3A_56 = arith.cmpi eq, %select_n3A_54, %eq3A_55 : i32
        %select_n3A_57 = arith.constant 0 : i32
        %select_n3A_58 = arith.select %eq3A_56, %select_n3A_57, %select_n3A_54 : i32
        %select_n3A_59 = arith.constant 0 : i32
        %select_n3A_60 = arith.constant 1 : i32
        %select_n3A_61 = arith.select %eq3A_56, %select_n3A_60, %select_n3A_59 : i32
        %eq3A_62 = arith.cmpi eq, %select_n3A_61, %select_n3A : i32
        %select_n3A_63 = arith.constant 0 : i32
        %select_n3A_64 = arith.select %eq3A_62, %select_n3A_63, %select_n3A_61 : i32
        %add3A_65 = arith.addi %select_n3A_64, %select_n3A_14 : i32
        %add3A_66 = arith.constant 0 : i32
        %add3A_67 = arith.addi %select_n3A_58, %add3A_66 : i32
        %add3A_68 = arith.constant 1 : i32
        %add3A_69 = arith.addi %select_n3A_58, %add3A_68 : i32
        %select_n3A_70 = arith.constant true
        %select_n3A_71 = arith.select %select_n3A_70, %add3A_69, %select_n3A_58 : i32
        %eq3A_72 = arith.constant 16 : i32
        %eq3A_73 = arith.cmpi eq, %select_n3A_71, %eq3A_72 : i32
        %select_n3A_74 = arith.constant 0 : i32
        %select_n3A_75 = arith.select %eq3A_73, %select_n3A_74, %select_n3A_71 : i32
        %add3A_76 = arith.constant 1 : i32
        %add3A_77 = arith.addi %select_n3A_64, %add3A_76 : i32
        %select_n3A_78 = arith.select %eq3A_73, %add3A_77, %select_n3A_64 : i32
        %eq3A_79 = arith.cmpi eq, %select_n3A_78, %select_n3A : i32
        %select_n3A_80 = arith.constant 0 : i32
        %select_n3A_81 = arith.select %eq3A_79, %select_n3A_80, %select_n3A_78 : i32
        %add3A_82 = arith.addi %select_n3A_81, %select_n3A_14 : i32
        %add3A_83 = arith.constant 0 : i32
        %add3A_84 = arith.addi %select_n3A_75, %add3A_83 : i32
        "tpu.trace_start"() <{level = 10 : i32, message = "ep_initialize_0"}> : () -> ()
        %rem3A = arith.constant 0 : i32
        %rem3A_85 = arith.constant 2 : i32
        %rem3A_86 = arith.remui %rem3A, %rem3A_85 : i32
        %mul3A_87 = arith.constant 1 : i32
        %mul3A_88 = arith.muli %mul3A_87, %add3A_31 : i32
        %dma_start3A = arith.constant 0 : i32
        %dma_start3A_89 = arith.constant 0 : i32
        %dma_start3A_90 = tpu.memref_slice %run_scoped3A[%rem3A_86, %dma_start3A, %dma_start3A_89] : memref<2x1x128xi32, #tpu.memory_space<vmem>> -> memref<1x1x128xi32, #tpu.memory_space<vmem>>
        %dma_start3A_91 = tpu.memref_squeeze %dma_start3A_90 : memref<1x1x128xi32, #tpu.memory_space<vmem>> -> memref<1x128xi32, #tpu.memory_space<vmem>>
        %dma_start3A_92 = arith.constant 0 : i32
        %dma_start3A_93 = tpu.memref_slice %arg3[%mul3A_88, %dma_start3A_92] : memref<16x2048xi32, #tpu.memory_space<hbm>> -> memref<1x128xi32, #tpu.memory_space<hbm>>
        %dma_start3A_94 = tpu.memref_slice %run_scoped3A_19[%rem3A_86] : memref<2x!tpu.dma_semaphore, #tpu.memory_space<semaphore_mem>> -> memref<1x!tpu.dma_semaphore, #tpu.memory_space<semaphore_mem>>
        %dma_start3A_95 = tpu.memref_squeeze %dma_start3A_94 : memref<1x!tpu.dma_semaphore, #tpu.memory_space<semaphore_mem>> -> memref<!tpu.dma_semaphore, #tpu.memory_space<semaphore_mem>>
        %dma_start3A_96 = arith.constant 0 : i32
        %dma_start3A_97 = arith.constant 0 : i32
        %dma_start3A_98 = tpu.memref_slice %run_scoped3A[%rem3A_86, %dma_start3A_96, %dma_start3A_97] : memref<2x1x128xi32, #tpu.memory_space<vmem>> -> memref<1x1x128xi32, #tpu.memory_space<vmem>>
        %dma_start3A_99 = tpu.memref_squeeze %dma_start3A_98 : memref<1x1x128xi32, #tpu.memory_space<vmem>> -> memref<1x128xi32, #tpu.memory_space<vmem>>
        %dma_start3A_100 = arith.constant 0 : i32
        %dma_start3A_101 = tpu.memref_slice %arg3[%mul3A_88, %dma_start3A_100] : memref<16x2048xi32, #tpu.memory_space<hbm>> -> memref<1x128xi32, #tpu.memory_space<hbm>>
        tpu.enqueue_dma source(%dma_start3A_101 : memref<1x128xi32, #tpu.memory_space<hbm>>) target(%dma_start3A_99 : memref<1x128xi32, #tpu.memory_space<vmem>>) target_semaphore(%dma_start3A_95 : memref<!tpu.dma_semaphore, #tpu.memory_space<semaphore_mem>>)
        %add3A_102 = arith.constant 0 : i32
        %add3A_103 = arith.constant 1 : i32
        %add3A_104 = arith.addi %add3A_102, %add3A_103 : i32
        %select_n3A_105 = arith.constant true
        %select_n3A_106 = arith.constant 0 : i32
        %select_n3A_107 = arith.select %select_n3A_105, %add3A_104, %select_n3A_106 : i32
        %while3A = arith.constant 0 : i32
        %while3A_108 = arith.constant 0 : i32
        %while3A_109 = arith.constant 0 : i32
        %while3A_110 = arith.constant 0 : i32
        %while3A_111 = arith.constant 0 : i32
        %while3A_112 = arith.constant 0 : i32
        "tpu.trace_stop"() : () -> ()
        %while3A_113 = arith.subi %mul3A_18, %while3A : i32
        %while3A_114 = arith.addi %while3A, %while3A_113 : i32
        %while3A_115 = arith.constant 1 : i32
        %while3A_116 = arith.divsi %while3A_113, %while3A_115 : i32
        %while3A_117 = arith.muli %while3A_116, %while3A_115 : i32
        %while3A_118 = arith.addi %while3A, %while3A_117 : i32
        %while3A_119 = arith.constant 1 : i32
        %while3A_120:6 = scf.for %while3A_212 = %while3A to %while3A_118 step %while3A_119 iter_args(%while3A_213 = %select_n3A_107, %while3A_214 = %while3A_108, %while3A_215 = %while3A_109, %while3A_216 = %while3A_110, %while3A_217 = %while3A_111, %while3A_218 = %while3A_112) -> (i32, i32, i32, i32, i32, i32)  : i32 {
          %mul3A_219 = arith.constant 1 : i32
          %mul3A_220 = arith.muli %mul3A_219, %select_n3A : i32
          %mul3A_221 = arith.constant 16 : i32
          %mul3A_222 = arith.muli %mul3A_220, %mul3A_221 : i32
          %eq3A_223 = arith.constant 0 : i32
          %eq3A_224 = arith.cmpi eq, %while3A_212, %eq3A_223 : i32
          %sub3A_225 = arith.constant 1 : i32
          %sub3A_226 = arith.subi %mul3A_222, %sub3A_225 : i32
          %eq3A_227 = arith.cmpi eq, %while3A_212, %sub3A_226 : i32
          %add3A_228 = arith.addi %while3A_217, %select_n3A_14 : i32
          %add3A_229 = arith.constant 0 : i32
          %add3A_230 = arith.addi %while3A_218, %add3A_229 : i32
          %sub3A_231 = arith.constant 1 : i32
          %sub3A_232 = arith.subi %while3A_218, %sub3A_231 : i32
          %select_n3A_233 = arith.constant true
          %select_n3A_234 = arith.select %select_n3A_233, %sub3A_232, %while3A_218 : i32
          %eq3A_235 = arith.constant -1 : i32
          %eq3A_236 = arith.cmpi eq, %select_n3A_234, %eq3A_235 : i32
          %select_n3A_237 = arith.constant 15 : i32
          %select_n3A_238 = arith.select %eq3A_236, %select_n3A_237, %select_n3A_234 : i32
          %sub3A_239 = arith.constant 1 : i32
          %sub3A_240 = arith.subi %while3A_217, %sub3A_239 : i32
          %select_n3A_241 = arith.select %eq3A_236, %sub3A_240, %while3A_217 : i32
          %eq3A_242 = arith.constant -1 : i32
          %eq3A_243 = arith.cmpi eq, %select_n3A_241, %eq3A_242 : i32
          %sub3A_244 = arith.constant 1 : i32
          %sub3A_245 = arith.subi %select_n3A, %sub3A_244 : i32
          %select_n3A_246 = arith.select %eq3A_243, %sub3A_245, %select_n3A_241 : i32
          %add3A_247 = arith.addi %select_n3A_246, %select_n3A_14 : i32
          %add3A_248 = arith.constant 0 : i32
          %add3A_249 = arith.addi %select_n3A_238, %add3A_248 : i32
          %add3A_250 = arith.constant 1 : i32
          %add3A_251 = arith.addi %while3A_218, %add3A_250 : i32
          %select_n3A_252 = arith.constant true
          %select_n3A_253 = arith.select %select_n3A_252, %add3A_251, %while3A_218 : i32
          %eq3A_254 = arith.constant 16 : i32
          %eq3A_255 = arith.cmpi eq, %select_n3A_253, %eq3A_254 : i32
          %select_n3A_256 = arith.constant 0 : i32
          %select_n3A_257 = arith.select %eq3A_255, %select_n3A_256, %select_n3A_253 : i32
          %add3A_258 = arith.constant 1 : i32
          %add3A_259 = arith.addi %while3A_217, %add3A_258 : i32
          %select_n3A_260 = arith.select %eq3A_255, %add3A_259, %while3A_217 : i32
          %eq3A_261 = arith.cmpi eq, %select_n3A_260, %select_n3A : i32
          %select_n3A_262 = arith.constant 0 : i32
          %select_n3A_263 = arith.select %eq3A_261, %select_n3A_262, %select_n3A_260 : i32
          %add3A_264 = arith.addi %select_n3A_263, %select_n3A_14 : i32
          %add3A_265 = arith.constant 0 : i32
          %add3A_266 = arith.addi %select_n3A_257, %add3A_265 : i32
          %add3A_267 = arith.constant 1 : i32
          %add3A_268 = arith.addi %select_n3A_257, %add3A_267 : i32
          %select_n3A_269 = arith.constant true
          %select_n3A_270 = arith.select %select_n3A_269, %add3A_268, %select_n3A_257 : i32
          %eq3A_271 = arith.constant 16 : i32
          %eq3A_272 = arith.cmpi eq, %select_n3A_270, %eq3A_271 : i32
          %select_n3A_273 = arith.constant 0 : i32
          %select_n3A_274 = arith.select %eq3A_272, %select_n3A_273, %select_n3A_270 : i32
          %add3A_275 = arith.constant 1 : i32
          %add3A_276 = arith.addi %select_n3A_263, %add3A_275 : i32
          %select_n3A_277 = arith.select %eq3A_272, %add3A_276, %select_n3A_263 : i32
          %eq3A_278 = arith.cmpi eq, %select_n3A_277, %select_n3A : i32
          %select_n3A_279 = arith.constant 0 : i32
          %select_n3A_280 = arith.select %eq3A_278, %select_n3A_279, %select_n3A_277 : i32
          %add3A_281 = arith.addi %select_n3A_280, %select_n3A_14 : i32
          %add3A_282 = arith.constant 0 : i32
          %add3A_283 = arith.addi %select_n3A_274, %add3A_282 : i32
          %ne3A = arith.cmpi ne, %add3A_228, %add3A_264 : i32
          %ne3A_284 = arith.cmpi ne, %add3A_230, %add3A_266 : i32
          %or3A = arith.constant false
          %or3A_285 = arith.ori %or3A, %ne3A : i1
          %or3A_286 = arith.ori %or3A_285, %ne3A_284 : i1
          %sub3A_287 = arith.constant 2 : i32
          %sub3A_288 = arith.subi %mul3A_222, %sub3A_287 : i32
          %add3A_289 = arith.constant 1 : i32
          %add3A_290 = arith.addi %sub3A_288, %add3A_289 : i32
          %ge3A = arith.cmpi sge, %while3A_212, %add3A_290 : i32
          %not3A = arith.constant true
          %not3A_291 = arith.xori %ge3A, %not3A : i1
          %and3A = arith.andi %or3A_286, %not3A_291 : i1
          %convert_element_type3A_292 = arith.extui %and3A : i1 to i32
          %cond3A_293 = arith.constant 0 : i32
          %cond3A_294 = arith.cmpi ne, %convert_element_type3A_292, %cond3A_293 : i32
          scf.if %cond3A_294 {
            "tpu.trace_start"() <{level = 10 : i32, message = "ep_copy_in"}> : () -> ()
            %rem3A_437 = arith.constant 2 : i32
            %rem3A_438 = arith.remui %while3A_213, %rem3A_437 : i32
            %mul3A_439 = arith.constant 1 : i32
            %mul3A_440 = arith.muli %mul3A_439, %add3A_264 : i32
            %mul3A_441 = arith.constant 128 : i32
            %mul3A_442 = arith.muli %mul3A_441, %add3A_266 : i32
            %dma_start3A_443 = arith.constant 0 : i32
            %dma_start3A_444 = arith.constant 0 : i32
            %dma_start3A_445 = tpu.memref_slice %run_scoped3A[%rem3A_438, %dma_start3A_443, %dma_start3A_444] : memref<2x1x128xi32, #tpu.memory_space<vmem>> -> memref<1x1x128xi32, #tpu.memory_space<vmem>>
            %dma_start3A_446 = tpu.memref_squeeze %dma_start3A_445 : memref<1x1x128xi32, #tpu.memory_space<vmem>> -> memref<1x128xi32, #tpu.memory_space<vmem>>
            %dma_start3A_447 = tpu.memref_slice %arg3[%mul3A_440, %mul3A_442] : memref<16x2048xi32, #tpu.memory_space<hbm>> -> memref<1x128xi32, #tpu.memory_space<hbm>>
            %dma_start3A_448 = tpu.memref_slice %run_scoped3A_19[%rem3A_438] : memref<2x!tpu.dma_semaphore, #tpu.memory_space<semaphore_mem>> -> memref<1x!tpu.dma_semaphore, #tpu.memory_space<semaphore_mem>>
            %dma_start3A_449 = tpu.memref_squeeze %dma_start3A_448 : memref<1x!tpu.dma_semaphore, #tpu.memory_space<semaphore_mem>> -> memref<!tpu.dma_semaphore, #tpu.memory_space<semaphore_mem>>
            %dma_start3A_450 = arith.constant 0 : i32
            %dma_start3A_451 = arith.constant 0 : i32
            %dma_start3A_452 = tpu.memref_slice %run_scoped3A[%rem3A_438, %dma_start3A_450, %dma_start3A_451] : memref<2x1x128xi32, #tpu.memory_space<vmem>> -> memref<1x1x128xi32, #tpu.memory_space<vmem>>
            %dma_start3A_453 = tpu.memref_squeeze %dma_start3A_452 : memref<1x1x128xi32, #tpu.memory_space<vmem>> -> memref<1x128xi32, #tpu.memory_space<vmem>>
            %dma_start3A_454 = tpu.memref_slice %arg3[%mul3A_440, %mul3A_442] : memref<16x2048xi32, #tpu.memory_space<hbm>> -> memref<1x128xi32, #tpu.memory_space<hbm>>
            tpu.enqueue_dma source(%dma_start3A_454 : memref<1x128xi32, #tpu.memory_space<hbm>>) target(%dma_start3A_453 : memref<1x128xi32, #tpu.memory_space<vmem>>) target_semaphore(%dma_start3A_449 : memref<!tpu.dma_semaphore, #tpu.memory_space<semaphore_mem>>)
            "tpu.trace_stop"() : () -> ()
          } else {
          }
          %and3A_295 = arith.constant true
          %and3A_296 = arith.andi %and3A, %and3A_295 : i1
          %add3A_297 = arith.constant 1 : i32
          %add3A_298 = arith.addi %while3A_213, %add3A_297 : i32
          %select_n3A_299 = arith.select %and3A_296, %add3A_298, %while3A_213 : i32
          %mul3A_300 = arith.constant 16 : i32
          %mul3A_301 = arith.muli %add3A_228, %mul3A_300 : i32
          %add3A_302 = arith.addi %mul3A_301, %add3A_230 : i32
          %mul3A_303 = arith.constant 16 : i32
          %mul3A_304 = arith.muli %add3A_264, %mul3A_303 : i32
          %add3A_305 = arith.addi %mul3A_304, %add3A_266 : i32
          %ne3A_306 = arith.cmpi ne, %add3A_302, %add3A_305 : i32
          %or3A_307 = arith.constant false
          %or3A_308 = arith.ori %or3A_307, %ne3A_306 : i1
          %or3A_309 = arith.constant false
          %or3A_310 = arith.ori %or3A_308, %or3A_309 : i1
          %sub3A_311 = arith.constant 2 : i32
          %sub3A_312 = arith.subi %mul3A_222, %sub3A_311 : i32
          %add3A_313 = arith.constant 1 : i32
          %add3A_314 = arith.addi %sub3A_312, %add3A_313 : i32
          %ge3A_315 = arith.cmpi sge, %while3A_212, %add3A_314 : i32
          %not3A_316 = arith.constant true
          %not3A_317 = arith.xori %ge3A_315, %not3A_316 : i1
          %and3A_318 = arith.andi %or3A_310, %not3A_317 : i1
          %ne3A_319 = arith.cmpi ne, %add3A_228, %add3A_247 : i32
          %ne3A_320 = arith.cmpi ne, %add3A_230, %add3A_249 : i32
          %or3A_321 = arith.constant false
          %or3A_322 = arith.ori %or3A_321, %ne3A_319 : i1
          %or3A_323 = arith.ori %or3A_322, %ne3A_320 : i1
          %or3A_324 = arith.ori %or3A_323, %eq3A_224 : i1
          %convert_element_type3A_325 = arith.extui %or3A_324 : i1 to i32
          %cond3A_326 = arith.constant 0 : i32
          %cond3A_327 = arith.cmpi ne, %convert_element_type3A_325, %cond3A_326 : i32
          scf.if %cond3A_327 {
            "tpu.trace_start"() <{level = 10 : i32, message = "ep_wait_in"}> : () -> ()
            %mul3A_437 = arith.constant 1 : i32
            %mul3A_438 = arith.muli %mul3A_437, %add3A_228 : i32
            %mul3A_439 = arith.constant 128 : i32
            %mul3A_440 = arith.muli %mul3A_439, %add3A_230 : i32
            %rem3A_441 = arith.constant 2 : i32
            %rem3A_442 = arith.remui %while3A_214, %rem3A_441 : i32
            %dma_wait3A = arith.constant 0 : i32
            %dma_wait3A_443 = arith.constant 0 : i32
            %dma_wait3A_444 = tpu.memref_slice %run_scoped3A[%rem3A_442, %dma_wait3A, %dma_wait3A_443] : memref<2x1x128xi32, #tpu.memory_space<vmem>> -> memref<1x1x128xi32, #tpu.memory_space<vmem>>
            %dma_wait3A_445 = tpu.memref_squeeze %dma_wait3A_444 : memref<1x1x128xi32, #tpu.memory_space<vmem>> -> memref<1x128xi32, #tpu.memory_space<vmem>>
            %dma_wait3A_446 = tpu.memref_slice %arg3[%mul3A_438, %mul3A_440] : memref<16x2048xi32, #tpu.memory_space<hbm>> -> memref<1x128xi32, #tpu.memory_space<hbm>>
            %dma_wait3A_447 = tpu.memref_slice %run_scoped3A_19[%rem3A_442] : memref<2x!tpu.dma_semaphore, #tpu.memory_space<semaphore_mem>> -> memref<1x!tpu.dma_semaphore, #tpu.memory_space<semaphore_mem>>
            %dma_wait3A_448 = tpu.memref_squeeze %dma_wait3A_447 : memref<1x!tpu.dma_semaphore, #tpu.memory_space<semaphore_mem>> -> memref<!tpu.dma_semaphore, #tpu.memory_space<semaphore_mem>>
            %dma_wait3A_449 = arith.constant 0 : i32
            %dma_wait3A_450 = arith.constant 0 : i32
            %dma_wait3A_451 = tpu.memref_slice %run_scoped3A[%rem3A_442, %dma_wait3A_449, %dma_wait3A_450] : memref<2x1x128xi32, #tpu.memory_space<vmem>> -> memref<1x1x128xi32, #tpu.memory_space<vmem>>
            %dma_wait3A_452 = tpu.memref_squeeze %dma_wait3A_451 : memref<1x1x128xi32, #tpu.memory_space<vmem>> -> memref<1x128xi32, #tpu.memory_space<vmem>>
            %dma_wait3A_453 = tpu.memref_slice %arg3[%mul3A_438, %mul3A_440] : memref<16x2048xi32, #tpu.memory_space<hbm>> -> memref<1x128xi32, #tpu.memory_space<hbm>>
            tpu.wait_dma2 semaphore(%dma_wait3A_448 : memref<!tpu.dma_semaphore, #tpu.memory_space<semaphore_mem>>) src(%dma_wait3A_453 : memref<1x128xi32, #tpu.memory_space<hbm>>) dst(%dma_wait3A_452 : memref<1x128xi32, #tpu.memory_space<vmem>>)
            "tpu.trace_stop"() : () -> ()
          } else {
          }
          %mul3A_328 = arith.constant 16 : i32
          %mul3A_329 = arith.muli %add3A_228, %mul3A_328 : i32
          %add3A_330 = arith.addi %mul3A_329, %add3A_230 : i32
          %mul3A_331 = arith.constant 16 : i32
          %mul3A_332 = arith.muli %add3A_247, %mul3A_331 : i32
          %add3A_333 = arith.addi %mul3A_332, %add3A_249 : i32
          %ne3A_334 = arith.cmpi ne, %add3A_330, %add3A_333 : i32
          %or3A_335 = arith.constant false
          %or3A_336 = arith.ori %or3A_335, %ne3A_334 : i1
          %or3A_337 = arith.constant false
          %or3A_338 = arith.ori %or3A_336, %or3A_337 : i1
          %or3A_339 = arith.ori %or3A_338, %eq3A_224 : i1
          %convert_element_type3A_340 = arith.extui %or3A_339 : i1 to i32
          %cond3A_341 = arith.constant 0 : i32
          %cond3A_342 = arith.cmpi ne, %convert_element_type3A_340, %cond3A_341 : i32
          scf.if %cond3A_342 {
          } else {
          }
          %rem3A_343 = arith.constant 2 : i32
          %rem3A_344 = arith.remui %while3A_214, %rem3A_343 : i32
          %rem3A_345 = arith.constant 2 : i32
          %rem3A_346 = arith.remui %while3A_215, %rem3A_345 : i32
          %run_scoped3A_347 = arith.constant 0 : i32
          "tpu.trace_start"() <{level = 10 : i32, message = "ep_run_kernel"}> : () -> ()
          "tpu.region"() ({
            %run_scoped3A_437 = tpu.sem_alloc : memref<!tpu.dma_semaphore, #tpu.memory_space<semaphore_mem>>
            %dma_start3A_438 = arith.constant 0 : i32
            %dma_start3A_439 = arith.constant 0 : i32
            %dma_start3A_440 = tpu.memref_slice %run_scoped3A_20[%rem3A_346, %dma_start3A_438, %dma_start3A_439] : memref<2x128x128xi32, #tpu.memory_space<vmem>> -> memref<1x128x128xi32, #tpu.memory_space<vmem>>
            %dma_start3A_441 = tpu.memref_squeeze %dma_start3A_440 : memref<1x128x128xi32, #tpu.memory_space<vmem>> -> memref<128x128xi32, #tpu.memory_space<vmem>>
            %dma_start3A_442 = arith.constant 0 : i32
            %dma_start3A_443 = arith.constant 0 : i32
            %dma_start3A_444 = tpu.memref_slice %run_scoped3A[%rem3A_344, %dma_start3A_442, %dma_start3A_443] : memref<2x1x128xi32, #tpu.memory_space<vmem>> -> memref<1x1x128xi32, #tpu.memory_space<vmem>>
            %dma_start3A_445 = tpu.memref_squeeze %dma_start3A_444 : memref<1x1x128xi32, #tpu.memory_space<vmem>> -> memref<1x128xi32, #tpu.memory_space<vmem>>
            %dma_start3A_446 = arith.constant 0 : i32
            %dma_start3A_447 = tpu.memref_slice %dma_start3A_445[%run_scoped3A_347, %dma_start3A_446] : memref<1x128xi32, #tpu.memory_space<vmem>> -> memref<1x128xi32, #tpu.memory_space<vmem>>
            %dma_start3A_448 = tpu.memref_squeeze %dma_start3A_447 : memref<1x128xi32, #tpu.memory_space<vmem>> -> memref<128xi32, #tpu.memory_space<vmem>>
            %dma_start3A_449 = arith.constant 0 : i32
            %dma_start3A_450 = arith.constant 0 : i32
            %dma_start3A_451 = tpu.memref_slice %arg2[%dma_start3A_449, %dma_start3A_450] : memref<2048x128xi32, #tpu.memory_space<hbm>> -> memref<2048x128xi32, #tpu.memory_space<hbm>>
            tpu.enqueue_indirect_dma source(%dma_start3A_451 : memref<2048x128xi32, #tpu.memory_space<hbm>>) target(%dma_start3A_441 : memref<128x128xi32, #tpu.memory_space<vmem>>) offsets(%dma_start3A_448 : memref<128xi32, #tpu.memory_space<vmem>>) semaphore(%run_scoped3A_437 : memref<!tpu.dma_semaphore, #tpu.memory_space<semaphore_mem>>)
            %dma_wait3A = arith.constant 0 : i32
            %dma_wait3A_452 = arith.constant 0 : i32
            %dma_wait3A_453 = tpu.memref_slice %run_scoped3A_20[%rem3A_346, %dma_wait3A, %dma_wait3A_452] : memref<2x128x128xi32, #tpu.memory_space<vmem>> -> memref<1x128x128xi32, #tpu.memory_space<vmem>>
            %dma_wait3A_454 = tpu.memref_squeeze %dma_wait3A_453 : memref<1x128x128xi32, #tpu.memory_space<vmem>> -> memref<128x128xi32, #tpu.memory_space<vmem>>
            %dma_wait3A_455 = arith.constant 0 : i32
            %dma_wait3A_456 = arith.constant 0 : i32
            %dma_wait3A_457 = tpu.memref_slice %run_scoped3A[%rem3A_344, %dma_wait3A_455, %dma_wait3A_456] : memref<2x1x128xi32, #tpu.memory_space<vmem>> -> memref<1x1x128xi32, #tpu.memory_space<vmem>>
            %dma_wait3A_458 = tpu.memref_squeeze %dma_wait3A_457 : memref<1x1x128xi32, #tpu.memory_space<vmem>> -> memref<1x128xi32, #tpu.memory_space<vmem>>
            %dma_wait3A_459 = arith.constant 0 : i32
            %dma_wait3A_460 = tpu.memref_slice %dma_wait3A_458[%run_scoped3A_347, %dma_wait3A_459] : memref<1x128xi32, #tpu.memory_space<vmem>> -> memref<1x128xi32, #tpu.memory_space<vmem>>
            %dma_wait3A_461 = tpu.memref_squeeze %dma_wait3A_460 : memref<1x128xi32, #tpu.memory_space<vmem>> -> memref<128xi32, #tpu.memory_space<vmem>>
            %dma_wait3A_462 = arith.constant 0 : i32
            %dma_wait3A_463 = arith.constant 0 : i32
            %dma_wait3A_464 = tpu.memref_slice %arg2[%dma_wait3A_462, %dma_wait3A_463] : memref<2048x128xi32, #tpu.memory_space<hbm>> -> memref<2048x128xi32, #tpu.memory_space<hbm>>
            tpu.wait_indirect_dma semaphore(%run_scoped3A_437 : memref<!tpu.dma_semaphore, #tpu.memory_space<semaphore_mem>>) src(%dma_wait3A_464 : memref<2048x128xi32, #tpu.memory_space<hbm>>) dst(%dma_wait3A_454 : memref<128x128xi32, #tpu.memory_space<vmem>>)
            tpu.yield
          }) : () -> ()
          "tpu.trace_stop"() : () -> ()
          %ne3A_348 = arith.cmpi ne, %add3A_228, %add3A_264 : i32
          %ne3A_349 = arith.cmpi ne, %add3A_230, %add3A_266 : i32
          %or3A_350 = arith.constant false
          %or3A_351 = arith.ori %or3A_350, %ne3A_348 : i1
          %or3A_352 = arith.ori %or3A_351, %ne3A_349 : i1
          %or3A_353 = arith.ori %or3A_352, %eq3A_227 : i1
          %convert_element_type3A_354 = arith.extui %or3A_353 : i1 to i32
          %cond3A_355 = arith.constant 0 : i32
          %cond3A_356 = arith.cmpi ne, %convert_element_type3A_354, %cond3A_355 : i32
          scf.if %cond3A_356 {
          } else {
          }
          %and3A_357 = arith.constant false
          %and3A_358 = arith.andi %or3A_353, %and3A_357 : i1
          %mul3A_359 = arith.constant 16 : i32
          %mul3A_360 = arith.muli %add3A_228, %mul3A_359 : i32
          %add3A_361 = arith.addi %mul3A_360, %add3A_230 : i32
          %mul3A_362 = arith.constant 16 : i32
          %mul3A_363 = arith.muli %add3A_264, %mul3A_362 : i32
          %add3A_364 = arith.addi %mul3A_363, %add3A_266 : i32
          %ne3A_365 = arith.cmpi ne, %add3A_361, %add3A_364 : i32
          %or3A_366 = arith.constant false
          %or3A_367 = arith.ori %or3A_366, %ne3A_365 : i1
          %or3A_368 = arith.constant false
          %or3A_369 = arith.ori %or3A_367, %or3A_368 : i1
          %or3A_370 = arith.ori %or3A_369, %eq3A_227 : i1
          %convert_element_type3A_371 = arith.extui %or3A_370 : i1 to i32
          %cond3A_372 = arith.constant 0 : i32
          %cond3A_373 = arith.cmpi ne, %convert_element_type3A_371, %cond3A_372 : i32
          scf.if %cond3A_373 {
            "tpu.trace_start"() <{level = 10 : i32, message = "ep_copy_out"}> : () -> ()
            %rem3A_437 = arith.constant 2 : i32
            %rem3A_438 = arith.remui %while3A_215, %rem3A_437 : i32
            %mul3A_439 = arith.constant 16 : i32
            %mul3A_440 = arith.muli %add3A_228, %mul3A_439 : i32
            %add3A_441 = arith.addi %mul3A_440, %add3A_230 : i32
            %mul3A_442 = arith.constant 128 : i32
            %mul3A_443 = arith.muli %mul3A_442, %add3A_441 : i32
            %dma_start3A_444 = arith.constant 0 : i32
            %dma_start3A_445 = arith.constant 0 : i32
            %dma_start3A_446 = tpu.memref_slice %run_scoped3A_20[%rem3A_438, %dma_start3A_444, %dma_start3A_445] : memref<2x128x128xi32, #tpu.memory_space<vmem>> -> memref<1x128x128xi32, #tpu.memory_space<vmem>>
            %dma_start3A_447 = tpu.memref_squeeze %dma_start3A_446 : memref<1x128x128xi32, #tpu.memory_space<vmem>> -> memref<128x128xi32, #tpu.memory_space<vmem>>
            %dma_start3A_448 = arith.constant 0 : i32
            %dma_start3A_449 = tpu.memref_slice %arg4[%mul3A_443, %dma_start3A_448] : memref<32768x128xi32, #tpu.memory_space<hbm>> -> memref<128x128xi32, #tpu.memory_space<hbm>>
            %dma_start3A_450 = tpu.memref_slice %run_scoped3A_21[%rem3A_438] : memref<2x!tpu.dma_semaphore, #tpu.memory_space<semaphore_mem>> -> memref<1x!tpu.dma_semaphore, #tpu.memory_space<semaphore_mem>>
            %dma_start3A_451 = tpu.memref_squeeze %dma_start3A_450 : memref<1x!tpu.dma_semaphore, #tpu.memory_space<semaphore_mem>> -> memref<!tpu.dma_semaphore, #tpu.memory_space<semaphore_mem>>
            %dma_start3A_452 = arith.constant 0 : i32
            %dma_start3A_453 = tpu.memref_slice %arg4[%mul3A_443, %dma_start3A_452] : memref<32768x128xi32, #tpu.memory_space<hbm>> -> memref<128x128xi32, #tpu.memory_space<hbm>>
            %dma_start3A_454 = arith.constant 0 : i32
            %dma_start3A_455 = arith.constant 0 : i32
            %dma_start3A_456 = tpu.memref_slice %run_scoped3A_20[%rem3A_438, %dma_start3A_454, %dma_start3A_455] : memref<2x128x128xi32, #tpu.memory_space<vmem>> -> memref<1x128x128xi32, #tpu.memory_space<vmem>>
            %dma_start3A_457 = tpu.memref_squeeze %dma_start3A_456 : memref<1x128x128xi32, #tpu.memory_space<vmem>> -> memref<128x128xi32, #tpu.memory_space<vmem>>
            tpu.enqueue_dma source(%dma_start3A_457 : memref<128x128xi32, #tpu.memory_space<vmem>>) target(%dma_start3A_453 : memref<128x128xi32, #tpu.memory_space<hbm>>) target_semaphore(%dma_start3A_451 : memref<!tpu.dma_semaphore, #tpu.memory_space<semaphore_mem>>)
            "tpu.trace_stop"() : () -> ()
          } else {
          }
          %and3A_374 = arith.constant true
          %and3A_375 = arith.andi %or3A_370, %and3A_374 : i1
          %add3A_376 = arith.constant 1 : i32
          %add3A_377 = arith.addi %while3A_215, %add3A_376 : i32
          %select_n3A_378 = arith.select %and3A_375, %add3A_377, %while3A_215 : i32
          %ne3A_379 = arith.cmpi ne, %add3A_228, %add3A_247 : i32
          %ne3A_380 = arith.cmpi ne, %add3A_230, %add3A_249 : i32
          %or3A_381 = arith.constant false
          %or3A_382 = arith.ori %or3A_381, %ne3A_379 : i1
          %or3A_383 = arith.ori %or3A_382, %ne3A_380 : i1
          %not3A_384 = arith.constant true
          %not3A_385 = arith.xori %eq3A_224, %not3A_384 : i1
          %and3A_386 = arith.andi %or3A_383, %not3A_385 : i1
          %convert_element_type3A_387 = arith.extui %and3A_386 : i1 to i32
          %cond3A_388 = arith.constant 0 : i32
          %cond3A_389 = arith.cmpi ne, %convert_element_type3A_387, %cond3A_388 : i32
          scf.if %cond3A_389 {
          } else {
          }
          %and3A_390 = arith.constant false
          %and3A_391 = arith.andi %and3A_386, %and3A_390 : i1
          %mul3A_392 = arith.constant 16 : i32
          %mul3A_393 = arith.muli %add3A_228, %mul3A_392 : i32
          %add3A_394 = arith.addi %mul3A_393, %add3A_230 : i32
          %mul3A_395 = arith.constant 16 : i32
          %mul3A_396 = arith.muli %add3A_247, %mul3A_395 : i32
          %add3A_397 = arith.addi %mul3A_396, %add3A_249 : i32
          %ne3A_398 = arith.cmpi ne, %add3A_394, %add3A_397 : i32
          %or3A_399 = arith.constant false
          %or3A_400 = arith.ori %or3A_399, %ne3A_398 : i1
          %or3A_401 = arith.constant false
          %or3A_402 = arith.ori %or3A_400, %or3A_401 : i1
          %not3A_403 = arith.constant true
          %not3A_404 = arith.xori %eq3A_224, %not3A_403 : i1
          %and3A_405 = arith.andi %or3A_402, %not3A_404 : i1
          %convert_element_type3A_406 = arith.extui %and3A_405 : i1 to i32
          %cond3A_407 = arith.constant 0 : i32
          %cond3A_408 = arith.cmpi ne, %convert_element_type3A_406, %cond3A_407 : i32
          scf.if %cond3A_408 {
            "tpu.trace_start"() <{level = 10 : i32, message = "ep_wait_out"}> : () -> ()
            %rem3A_437 = arith.constant 2 : i32
            %rem3A_438 = arith.remui %while3A_216, %rem3A_437 : i32
            %mul3A_439 = arith.constant 16 : i32
            %mul3A_440 = arith.muli %add3A_247, %mul3A_439 : i32
            %add3A_441 = arith.addi %mul3A_440, %add3A_249 : i32
            %mul3A_442 = arith.constant 128 : i32
            %mul3A_443 = arith.muli %mul3A_442, %add3A_441 : i32
            %dma_wait3A = arith.constant 0 : i32
            %dma_wait3A_444 = arith.constant 0 : i32
            %dma_wait3A_445 = tpu.memref_slice %run_scoped3A_20[%rem3A_438, %dma_wait3A, %dma_wait3A_444] : memref<2x128x128xi32, #tpu.memory_space<vmem>> -> memref<1x128x128xi32, #tpu.memory_space<vmem>>
            %dma_wait3A_446 = tpu.memref_squeeze %dma_wait3A_445 : memref<1x128x128xi32, #tpu.memory_space<vmem>> -> memref<128x128xi32, #tpu.memory_space<vmem>>
            %dma_wait3A_447 = arith.constant 0 : i32
            %dma_wait3A_448 = tpu.memref_slice %arg4[%mul3A_443, %dma_wait3A_447] : memref<32768x128xi32, #tpu.memory_space<hbm>> -> memref<128x128xi32, #tpu.memory_space<hbm>>
            %dma_wait3A_449 = tpu.memref_slice %run_scoped3A_21[%rem3A_438] : memref<2x!tpu.dma_semaphore, #tpu.memory_space<semaphore_mem>> -> memref<1x!tpu.dma_semaphore, #tpu.memory_space<semaphore_mem>>
            %dma_wait3A_450 = tpu.memref_squeeze %dma_wait3A_449 : memref<1x!tpu.dma_semaphore, #tpu.memory_space<semaphore_mem>> -> memref<!tpu.dma_semaphore, #tpu.memory_space<semaphore_mem>>
            %dma_wait3A_451 = arith.constant 0 : i32
            %dma_wait3A_452 = tpu.memref_slice %arg4[%mul3A_443, %dma_wait3A_451] : memref<32768x128xi32, #tpu.memory_space<hbm>> -> memref<128x128xi32, #tpu.memory_space<hbm>>
            %dma_wait3A_453 = arith.constant 0 : i32
            %dma_wait3A_454 = arith.constant 0 : i32
            %dma_wait3A_455 = tpu.memref_slice %run_scoped3A_20[%rem3A_438, %dma_wait3A_453, %dma_wait3A_454] : memref<2x128x128xi32, #tpu.memory_space<vmem>> -> memref<1x128x128xi32, #tpu.memory_space<vmem>>
            %dma_wait3A_456 = tpu.memref_squeeze %dma_wait3A_455 : memref<1x128x128xi32, #tpu.memory_space<vmem>> -> memref<128x128xi32, #tpu.memory_space<vmem>>
            tpu.wait_dma2 semaphore(%dma_wait3A_450 : memref<!tpu.dma_semaphore, #tpu.memory_space<semaphore_mem>>) src(%dma_wait3A_456 : memref<128x128xi32, #tpu.memory_space<vmem>>) dst(%dma_wait3A_452 : memref<128x128xi32, #tpu.memory_space<hbm>>)
            "tpu.trace_stop"() : () -> ()
          } else {
          }
          %and3A_409 = arith.constant true
          %and3A_410 = arith.andi %and3A_405, %and3A_409 : i1
          %add3A_411 = arith.constant 1 : i32
          %add3A_412 = arith.addi %while3A_216, %add3A_411 : i32
          %select_n3A_413 = arith.select %and3A_410, %add3A_412, %while3A_216 : i32
          %ne3A_414 = arith.cmpi ne, %add3A_228, %add3A_264 : i32
          %ne3A_415 = arith.cmpi ne, %add3A_230, %add3A_266 : i32
          %or3A_416 = arith.constant false
          %or3A_417 = arith.ori %or3A_416, %ne3A_414 : i1
          %or3A_418 = arith.ori %or3A_417, %ne3A_415 : i1
          %or3A_419 = arith.ori %or3A_418, %eq3A_227 : i1
          %add3A_420 = arith.constant 1 : i32
          %add3A_421 = arith.addi %while3A_214, %add3A_420 : i32
          %select_n3A_422 = arith.select %or3A_419, %add3A_421, %while3A_214 : i32
          %add3A_423 = arith.constant 1 : i32
          %add3A_424 = arith.addi %while3A_218, %add3A_423 : i32
          %select_n3A_425 = arith.constant true
          %select_n3A_426 = arith.select %select_n3A_425, %add3A_424, %while3A_218 : i32
          %eq3A_427 = arith.constant 16 : i32
          %eq3A_428 = arith.cmpi eq, %select_n3A_426, %eq3A_427 : i32
          %select_n3A_429 = arith.constant 0 : i32
          %select_n3A_430 = arith.select %eq3A_428, %select_n3A_429, %select_n3A_426 : i32
          %add3A_431 = arith.constant 1 : i32
          %add3A_432 = arith.addi %while3A_217, %add3A_431 : i32
          %select_n3A_433 = arith.select %eq3A_428, %add3A_432, %while3A_217 : i32
          %eq3A_434 = arith.cmpi eq, %select_n3A_433, %select_n3A : i32
          %select_n3A_435 = arith.constant 0 : i32
          %select_n3A_436 = arith.select %eq3A_434, %select_n3A_435, %select_n3A_433 : i32
          scf.yield %select_n3A_299, %select_n3A_422, %select_n3A_378, %select_n3A_413, %select_n3A_436, %select_n3A_430 : i32, i32, i32, i32, i32, i32
        }
        %while3A_121 = arith.constant 1 : i32
        %while3A_122:6 = scf.for %while3A_212 = %while3A_118 to %while3A_114 step %while3A_121 iter_args(%while3A_213 = %while3A_120#0, %while3A_214 = %while3A_120#1, %while3A_215 = %while3A_120#2, %while3A_216 = %while3A_120#3, %while3A_217 = %while3A_120#4, %while3A_218 = %while3A_120#5) -> (i32, i32, i32, i32, i32, i32)  : i32 {
          %mul3A_219 = arith.constant 1 : i32
          %mul3A_220 = arith.muli %mul3A_219, %select_n3A : i32
          %mul3A_221 = arith.constant 16 : i32
          %mul3A_222 = arith.muli %mul3A_220, %mul3A_221 : i32
          %eq3A_223 = arith.constant 0 : i32
          %eq3A_224 = arith.cmpi eq, %while3A_212, %eq3A_223 : i32
          %sub3A_225 = arith.constant 1 : i32
          %sub3A_226 = arith.subi %mul3A_222, %sub3A_225 : i32
          %eq3A_227 = arith.cmpi eq, %while3A_212, %sub3A_226 : i32
          %add3A_228 = arith.addi %while3A_217, %select_n3A_14 : i32
          %add3A_229 = arith.constant 0 : i32
          %add3A_230 = arith.addi %while3A_218, %add3A_229 : i32
          %sub3A_231 = arith.constant 1 : i32
          %sub3A_232 = arith.subi %while3A_218, %sub3A_231 : i32
          %select_n3A_233 = arith.constant true
          %select_n3A_234 = arith.select %select_n3A_233, %sub3A_232, %while3A_218 : i32
          %eq3A_235 = arith.constant -1 : i32
          %eq3A_236 = arith.cmpi eq, %select_n3A_234, %eq3A_235 : i32
          %select_n3A_237 = arith.constant 15 : i32
          %select_n3A_238 = arith.select %eq3A_236, %select_n3A_237, %select_n3A_234 : i32
          %sub3A_239 = arith.constant 1 : i32
          %sub3A_240 = arith.subi %while3A_217, %sub3A_239 : i32
          %select_n3A_241 = arith.select %eq3A_236, %sub3A_240, %while3A_217 : i32
          %eq3A_242 = arith.constant -1 : i32
          %eq3A_243 = arith.cmpi eq, %select_n3A_241, %eq3A_242 : i32
          %sub3A_244 = arith.constant 1 : i32
          %sub3A_245 = arith.subi %select_n3A, %sub3A_244 : i32
          %select_n3A_246 = arith.select %eq3A_243, %sub3A_245, %select_n3A_241 : i32
          %add3A_247 = arith.addi %select_n3A_246, %select_n3A_14 : i32
          %add3A_248 = arith.constant 0 : i32
          %add3A_249 = arith.addi %select_n3A_238, %add3A_248 : i32
          %add3A_250 = arith.constant 1 : i32
          %add3A_251 = arith.addi %while3A_218, %add3A_250 : i32
          %select_n3A_252 = arith.constant true
          %select_n3A_253 = arith.select %select_n3A_252, %add3A_251, %while3A_218 : i32
          %eq3A_254 = arith.constant 16 : i32
          %eq3A_255 = arith.cmpi eq, %select_n3A_253, %eq3A_254 : i32
          %select_n3A_256 = arith.constant 0 : i32
          %select_n3A_257 = arith.select %eq3A_255, %select_n3A_256, %select_n3A_253 : i32
          %add3A_258 = arith.constant 1 : i32
          %add3A_259 = arith.addi %while3A_217, %add3A_258 : i32
          %select_n3A_260 = arith.select %eq3A_255, %add3A_259, %while3A_217 : i32
          %eq3A_261 = arith.cmpi eq, %select_n3A_260, %select_n3A : i32
          %select_n3A_262 = arith.constant 0 : i32
          %select_n3A_263 = arith.select %eq3A_261, %select_n3A_262, %select_n3A_260 : i32
          %add3A_264 = arith.addi %select_n3A_263, %select_n3A_14 : i32
          %add3A_265 = arith.constant 0 : i32
          %add3A_266 = arith.addi %select_n3A_257, %add3A_265 : i32
          %add3A_267 = arith.constant 1 : i32
          %add3A_268 = arith.addi %select_n3A_257, %add3A_267 : i32
          %select_n3A_269 = arith.constant true
          %select_n3A_270 = arith.select %select_n3A_269, %add3A_268, %select_n3A_257 : i32
          %eq3A_271 = arith.constant 16 : i32
          %eq3A_272 = arith.cmpi eq, %select_n3A_270, %eq3A_271 : i32
          %select_n3A_273 = arith.constant 0 : i32
          %select_n3A_274 = arith.select %eq3A_272, %select_n3A_273, %select_n3A_270 : i32
          %add3A_275 = arith.constant 1 : i32
          %add3A_276 = arith.addi %select_n3A_263, %add3A_275 : i32
          %select_n3A_277 = arith.select %eq3A_272, %add3A_276, %select_n3A_263 : i32
          %eq3A_278 = arith.cmpi eq, %select_n3A_277, %select_n3A : i32
          %select_n3A_279 = arith.constant 0 : i32
          %select_n3A_280 = arith.select %eq3A_278, %select_n3A_279, %select_n3A_277 : i32
          %add3A_281 = arith.addi %select_n3A_280, %select_n3A_14 : i32
          %add3A_282 = arith.constant 0 : i32
          %add3A_283 = arith.addi %select_n3A_274, %add3A_282 : i32
          %ne3A = arith.cmpi ne, %add3A_228, %add3A_264 : i32
          %ne3A_284 = arith.cmpi ne, %add3A_230, %add3A_266 : i32
          %or3A = arith.constant false
          %or3A_285 = arith.ori %or3A, %ne3A : i1
          %or3A_286 = arith.ori %or3A_285, %ne3A_284 : i1
          %sub3A_287 = arith.constant 2 : i32
          %sub3A_288 = arith.subi %mul3A_222, %sub3A_287 : i32
          %add3A_289 = arith.constant 1 : i32
          %add3A_290 = arith.addi %sub3A_288, %add3A_289 : i32
          %ge3A = arith.cmpi sge, %while3A_212, %add3A_290 : i32
          %not3A = arith.constant true
          %not3A_291 = arith.xori %ge3A, %not3A : i1
          %and3A = arith.andi %or3A_286, %not3A_291 : i1
          %convert_element_type3A_292 = arith.extui %and3A : i1 to i32
          %cond3A_293 = arith.constant 0 : i32
          %cond3A_294 = arith.cmpi ne, %convert_element_type3A_292, %cond3A_293 : i32
          scf.if %cond3A_294 {
            "tpu.trace_start"() <{level = 10 : i32, message = "ep_copy_in"}> : () -> ()
            %rem3A_437 = arith.constant 2 : i32
            %rem3A_438 = arith.remui %while3A_213, %rem3A_437 : i32
            %mul3A_439 = arith.constant 1 : i32
            %mul3A_440 = arith.muli %mul3A_439, %add3A_264 : i32
            %mul3A_441 = arith.constant 128 : i32
            %mul3A_442 = arith.muli %mul3A_441, %add3A_266 : i32
            %dma_start3A_443 = arith.constant 0 : i32
            %dma_start3A_444 = arith.constant 0 : i32
            %dma_start3A_445 = tpu.memref_slice %run_scoped3A[%rem3A_438, %dma_start3A_443, %dma_start3A_444] : memref<2x1x128xi32, #tpu.memory_space<vmem>> -> memref<1x1x128xi32, #tpu.memory_space<vmem>>
            %dma_start3A_446 = tpu.memref_squeeze %dma_start3A_445 : memref<1x1x128xi32, #tpu.memory_space<vmem>> -> memref<1x128xi32, #tpu.memory_space<vmem>>
            %dma_start3A_447 = tpu.memref_slice %arg3[%mul3A_440, %mul3A_442] : memref<16x2048xi32, #tpu.memory_space<hbm>> -> memref<1x128xi32, #tpu.memory_space<hbm>>
            %dma_start3A_448 = tpu.memref_slice %run_scoped3A_19[%rem3A_438] : memref<2x!tpu.dma_semaphore, #tpu.memory_space<semaphore_mem>> -> memref<1x!tpu.dma_semaphore, #tpu.memory_space<semaphore_mem>>
            %dma_start3A_449 = tpu.memref_squeeze %dma_start3A_448 : memref<1x!tpu.dma_semaphore, #tpu.memory_space<semaphore_mem>> -> memref<!tpu.dma_semaphore, #tpu.memory_space<semaphore_mem>>
            %dma_start3A_450 = arith.constant 0 : i32
            %dma_start3A_451 = arith.constant 0 : i32
            %dma_start3A_452 = tpu.memref_slice %run_scoped3A[%rem3A_438, %dma_start3A_450, %dma_start3A_451] : memref<2x1x128xi32, #tpu.memory_space<vmem>> -> memref<1x1x128xi32, #tpu.memory_space<vmem>>
            %dma_start3A_453 = tpu.memref_squeeze %dma_start3A_452 : memref<1x1x128xi32, #tpu.memory_space<vmem>> -> memref<1x128xi32, #tpu.memory_space<vmem>>
            %dma_start3A_454 = tpu.memref_slice %arg3[%mul3A_440, %mul3A_442] : memref<16x2048xi32, #tpu.memory_space<hbm>> -> memref<1x128xi32, #tpu.memory_space<hbm>>
            tpu.enqueue_dma source(%dma_start3A_454 : memref<1x128xi32, #tpu.memory_space<hbm>>) target(%dma_start3A_453 : memref<1x128xi32, #tpu.memory_space<vmem>>) target_semaphore(%dma_start3A_449 : memref<!tpu.dma_semaphore, #tpu.memory_space<semaphore_mem>>)
            "tpu.trace_stop"() : () -> ()
          } else {
          }
          %and3A_295 = arith.constant true
          %and3A_296 = arith.andi %and3A, %and3A_295 : i1
          %add3A_297 = arith.constant 1 : i32
          %add3A_298 = arith.addi %while3A_213, %add3A_297 : i32
          %select_n3A_299 = arith.select %and3A_296, %add3A_298, %while3A_213 : i32
          %mul3A_300 = arith.constant 16 : i32
          %mul3A_301 = arith.muli %add3A_228, %mul3A_300 : i32
          %add3A_302 = arith.addi %mul3A_301, %add3A_230 : i32
          %mul3A_303 = arith.constant 16 : i32
          %mul3A_304 = arith.muli %add3A_264, %mul3A_303 : i32
          %add3A_305 = arith.addi %mul3A_304, %add3A_266 : i32
          %ne3A_306 = arith.cmpi ne, %add3A_302, %add3A_305 : i32
          %or3A_307 = arith.constant false
          %or3A_308 = arith.ori %or3A_307, %ne3A_306 : i1
          %or3A_309 = arith.constant false
          %or3A_310 = arith.ori %or3A_308, %or3A_309 : i1
          %sub3A_311 = arith.constant 2 : i32
          %sub3A_312 = arith.subi %mul3A_222, %sub3A_311 : i32
          %add3A_313 = arith.constant 1 : i32
          %add3A_314 = arith.addi %sub3A_312, %add3A_313 : i32
          %ge3A_315 = arith.cmpi sge, %while3A_212, %add3A_314 : i32
          %not3A_316 = arith.constant true
          %not3A_317 = arith.xori %ge3A_315, %not3A_316 : i1
          %and3A_318 = arith.andi %or3A_310, %not3A_317 : i1
          %ne3A_319 = arith.cmpi ne, %add3A_228, %add3A_247 : i32
          %ne3A_320 = arith.cmpi ne, %add3A_230, %add3A_249 : i32
          %or3A_321 = arith.constant false
          %or3A_322 = arith.ori %or3A_321, %ne3A_319 : i1
          %or3A_323 = arith.ori %or3A_322, %ne3A_320 : i1
          %or3A_324 = arith.ori %or3A_323, %eq3A_224 : i1
          %convert_element_type3A_325 = arith.extui %or3A_324 : i1 to i32
          %cond3A_326 = arith.constant 0 : i32
          %cond3A_327 = arith.cmpi ne, %convert_element_type3A_325, %cond3A_326 : i32
          scf.if %cond3A_327 {
            "tpu.trace_start"() <{level = 10 : i32, message = "ep_wait_in"}> : () -> ()
            %mul3A_437 = arith.constant 1 : i32
            %mul3A_438 = arith.muli %mul3A_437, %add3A_228 : i32
            %mul3A_439 = arith.constant 128 : i32
            %mul3A_440 = arith.muli %mul3A_439, %add3A_230 : i32
            %rem3A_441 = arith.constant 2 : i32
            %rem3A_442 = arith.remui %while3A_214, %rem3A_441 : i32
            %dma_wait3A = arith.constant 0 : i32
            %dma_wait3A_443 = arith.constant 0 : i32
            %dma_wait3A_444 = tpu.memref_slice %run_scoped3A[%rem3A_442, %dma_wait3A, %dma_wait3A_443] : memref<2x1x128xi32, #tpu.memory_space<vmem>> -> memref<1x1x128xi32, #tpu.memory_space<vmem>>
            %dma_wait3A_445 = tpu.memref_squeeze %dma_wait3A_444 : memref<1x1x128xi32, #tpu.memory_space<vmem>> -> memref<1x128xi32, #tpu.memory_space<vmem>>
            %dma_wait3A_446 = tpu.memref_slice %arg3[%mul3A_438, %mul3A_440] : memref<16x2048xi32, #tpu.memory_space<hbm>> -> memref<1x128xi32, #tpu.memory_space<hbm>>
            %dma_wait3A_447 = tpu.memref_slice %run_scoped3A_19[%rem3A_442] : memref<2x!tpu.dma_semaphore, #tpu.memory_space<semaphore_mem>> -> memref<1x!tpu.dma_semaphore, #tpu.memory_space<semaphore_mem>>
            %dma_wait3A_448 = tpu.memref_squeeze %dma_wait3A_447 : memref<1x!tpu.dma_semaphore, #tpu.memory_space<semaphore_mem>> -> memref<!tpu.dma_semaphore, #tpu.memory_space<semaphore_mem>>
            %dma_wait3A_449 = arith.constant 0 : i32
            %dma_wait3A_450 = arith.constant 0 : i32
            %dma_wait3A_451 = tpu.memref_slice %run_scoped3A[%rem3A_442, %dma_wait3A_449, %dma_wait3A_450] : memref<2x1x128xi32, #tpu.memory_space<vmem>> -> memref<1x1x128xi32, #tpu.memory_space<vmem>>
            %dma_wait3A_452 = tpu.memref_squeeze %dma_wait3A_451 : memref<1x1x128xi32, #tpu.memory_space<vmem>> -> memref<1x128xi32, #tpu.memory_space<vmem>>
            %dma_wait3A_453 = tpu.memref_slice %arg3[%mul3A_438, %mul3A_440] : memref<16x2048xi32, #tpu.memory_space<hbm>> -> memref<1x128xi32, #tpu.memory_space<hbm>>
            tpu.wait_dma2 semaphore(%dma_wait3A_448 : memref<!tpu.dma_semaphore, #tpu.memory_space<semaphore_mem>>) src(%dma_wait3A_453 : memref<1x128xi32, #tpu.memory_space<hbm>>) dst(%dma_wait3A_452 : memref<1x128xi32, #tpu.memory_space<vmem>>)
            "tpu.trace_stop"() : () -> ()
          } else {
          }
          %mul3A_328 = arith.constant 16 : i32
          %mul3A_329 = arith.muli %add3A_228, %mul3A_328 : i32
          %add3A_330 = arith.addi %mul3A_329, %add3A_230 : i32
          %mul3A_331 = arith.constant 16 : i32
          %mul3A_332 = arith.muli %add3A_247, %mul3A_331 : i32
          %add3A_333 = arith.addi %mul3A_332, %add3A_249 : i32
          %ne3A_334 = arith.cmpi ne, %add3A_330, %add3A_333 : i32
          %or3A_335 = arith.constant false
          %or3A_336 = arith.ori %or3A_335, %ne3A_334 : i1
          %or3A_337 = arith.constant false
          %or3A_338 = arith.ori %or3A_336, %or3A_337 : i1
          %or3A_339 = arith.ori %or3A_338, %eq3A_224 : i1
          %convert_element_type3A_340 = arith.extui %or3A_339 : i1 to i32
          %cond3A_341 = arith.constant 0 : i32
          %cond3A_342 = arith.cmpi ne, %convert_element_type3A_340, %cond3A_341 : i32
          scf.if %cond3A_342 {
          } else {
          }
          %rem3A_343 = arith.constant 2 : i32
          %rem3A_344 = arith.remui %while3A_214, %rem3A_343 : i32
          %rem3A_345 = arith.constant 2 : i32
          %rem3A_346 = arith.remui %while3A_215, %rem3A_345 : i32
          %run_scoped3A_347 = arith.constant 0 : i32
          "tpu.trace_start"() <{level = 10 : i32, message = "ep_run_kernel"}> : () -> ()
          "tpu.region"() ({
            %run_scoped3A_437 = tpu.sem_alloc : memref<!tpu.dma_semaphore, #tpu.memory_space<semaphore_mem>>
            %dma_start3A_438 = arith.constant 0 : i32
            %dma_start3A_439 = arith.constant 0 : i32
            %dma_start3A_440 = tpu.memref_slice %run_scoped3A_20[%rem3A_346, %dma_start3A_438, %dma_start3A_439] : memref<2x128x128xi32, #tpu.memory_space<vmem>> -> memref<1x128x128xi32, #tpu.memory_space<vmem>>
            %dma_start3A_441 = tpu.memref_squeeze %dma_start3A_440 : memref<1x128x128xi32, #tpu.memory_space<vmem>> -> memref<128x128xi32, #tpu.memory_space<vmem>>
            %dma_start3A_442 = arith.constant 0 : i32
            %dma_start3A_443 = arith.constant 0 : i32
            %dma_start3A_444 = tpu.memref_slice %run_scoped3A[%rem3A_344, %dma_start3A_442, %dma_start3A_443] : memref<2x1x128xi32, #tpu.memory_space<vmem>> -> memref<1x1x128xi32, #tpu.memory_space<vmem>>
            %dma_start3A_445 = tpu.memref_squeeze %dma_start3A_444 : memref<1x1x128xi32, #tpu.memory_space<vmem>> -> memref<1x128xi32, #tpu.memory_space<vmem>>
            %dma_start3A_446 = arith.constant 0 : i32
            %dma_start3A_447 = tpu.memref_slice %dma_start3A_445[%run_scoped3A_347, %dma_start3A_446] : memref<1x128xi32, #tpu.memory_space<vmem>> -> memref<1x128xi32, #tpu.memory_space<vmem>>
            %dma_start3A_448 = tpu.memref_squeeze %dma_start3A_447 : memref<1x128xi32, #tpu.memory_space<vmem>> -> memref<128xi32, #tpu.memory_space<vmem>>
            %dma_start3A_449 = arith.constant 0 : i32
            %dma_start3A_450 = arith.constant 0 : i32
            %dma_start3A_451 = tpu.memref_slice %arg2[%dma_start3A_449, %dma_start3A_450] : memref<2048x128xi32, #tpu.memory_space<hbm>> -> memref<2048x128xi32, #tpu.memory_space<hbm>>
            tpu.enqueue_indirect_dma source(%dma_start3A_451 : memref<2048x128xi32, #tpu.memory_space<hbm>>) target(%dma_start3A_441 : memref<128x128xi32, #tpu.memory_space<vmem>>) offsets(%dma_start3A_448 : memref<128xi32, #tpu.memory_space<vmem>>) semaphore(%run_scoped3A_437 : memref<!tpu.dma_semaphore, #tpu.memory_space<semaphore_mem>>)
            %dma_wait3A = arith.constant 0 : i32
            %dma_wait3A_452 = arith.constant 0 : i32
            %dma_wait3A_453 = tpu.memref_slice %run_scoped3A_20[%rem3A_346, %dma_wait3A, %dma_wait3A_452] : memref<2x128x128xi32, #tpu.memory_space<vmem>> -> memref<1x128x128xi32, #tpu.memory_space<vmem>>
            %dma_wait3A_454 = tpu.memref_squeeze %dma_wait3A_453 : memref<1x128x128xi32, #tpu.memory_space<vmem>> -> memref<128x128xi32, #tpu.memory_space<vmem>>
            %dma_wait3A_455 = arith.constant 0 : i32
            %dma_wait3A_456 = arith.constant 0 : i32
            %dma_wait3A_457 = tpu.memref_slice %run_scoped3A[%rem3A_344, %dma_wait3A_455, %dma_wait3A_456] : memref<2x1x128xi32, #tpu.memory_space<vmem>> -> memref<1x1x128xi32, #tpu.memory_space<vmem>>
            %dma_wait3A_458 = tpu.memref_squeeze %dma_wait3A_457 : memref<1x1x128xi32, #tpu.memory_space<vmem>> -> memref<1x128xi32, #tpu.memory_space<vmem>>
            %dma_wait3A_459 = arith.constant 0 : i32
            %dma_wait3A_460 = tpu.memref_slice %dma_wait3A_458[%run_scoped3A_347, %dma_wait3A_459] : memref<1x128xi32, #tpu.memory_space<vmem>> -> memref<1x128xi32, #tpu.memory_space<vmem>>
            %dma_wait3A_461 = tpu.memref_squeeze %dma_wait3A_460 : memref<1x128xi32, #tpu.memory_space<vmem>> -> memref<128xi32, #tpu.memory_space<vmem>>
            %dma_wait3A_462 = arith.constant 0 : i32
            %dma_wait3A_463 = arith.constant 0 : i32
            %dma_wait3A_464 = tpu.memref_slice %arg2[%dma_wait3A_462, %dma_wait3A_463] : memref<2048x128xi32, #tpu.memory_space<hbm>> -> memref<2048x128xi32, #tpu.memory_space<hbm>>
            tpu.wait_indirect_dma semaphore(%run_scoped3A_437 : memref<!tpu.dma_semaphore, #tpu.memory_space<semaphore_mem>>) src(%dma_wait3A_464 : memref<2048x128xi32, #tpu.memory_space<hbm>>) dst(%dma_wait3A_454 : memref<128x128xi32, #tpu.memory_space<vmem>>)
            tpu.yield
          }) : () -> ()
          "tpu.trace_stop"() : () -> ()
          %ne3A_348 = arith.cmpi ne, %add3A_228, %add3A_264 : i32
          %ne3A_349 = arith.cmpi ne, %add3A_230, %add3A_266 : i32
          %or3A_350 = arith.constant false
          %or3A_351 = arith.ori %or3A_350, %ne3A_348 : i1
          %or3A_352 = arith.ori %or3A_351, %ne3A_349 : i1
          %or3A_353 = arith.ori %or3A_352, %eq3A_227 : i1
          %convert_element_type3A_354 = arith.extui %or3A_353 : i1 to i32
          %cond3A_355 = arith.constant 0 : i32
          %cond3A_356 = arith.cmpi ne, %convert_element_type3A_354, %cond3A_355 : i32
          scf.if %cond3A_356 {
          } else {
          }
          %and3A_357 = arith.constant false
          %and3A_358 = arith.andi %or3A_353, %and3A_357 : i1
          %mul3A_359 = arith.constant 16 : i32
          %mul3A_360 = arith.muli %add3A_228, %mul3A_359 : i32
          %add3A_361 = arith.addi %mul3A_360, %add3A_230 : i32
          %mul3A_362 = arith.constant 16 : i32
          %mul3A_363 = arith.muli %add3A_264, %mul3A_362 : i32
          %add3A_364 = arith.addi %mul3A_363, %add3A_266 : i32
          %ne3A_365 = arith.cmpi ne, %add3A_361, %add3A_364 : i32
          %or3A_366 = arith.constant false
          %or3A_367 = arith.ori %or3A_366, %ne3A_365 : i1
          %or3A_368 = arith.constant false
          %or3A_369 = arith.ori %or3A_367, %or3A_368 : i1
          %or3A_370 = arith.ori %or3A_369, %eq3A_227 : i1
          %convert_element_type3A_371 = arith.extui %or3A_370 : i1 to i32
          %cond3A_372 = arith.constant 0 : i32
          %cond3A_373 = arith.cmpi ne, %convert_element_type3A_371, %cond3A_372 : i32
          scf.if %cond3A_373 {
            "tpu.trace_start"() <{level = 10 : i32, message = "ep_copy_out"}> : () -> ()
            %rem3A_437 = arith.constant 2 : i32
            %rem3A_438 = arith.remui %while3A_215, %rem3A_437 : i32
            %mul3A_439 = arith.constant 16 : i32
            %mul3A_440 = arith.muli %add3A_228, %mul3A_439 : i32
            %add3A_441 = arith.addi %mul3A_440, %add3A_230 : i32
            %mul3A_442 = arith.constant 128 : i32
            %mul3A_443 = arith.muli %mul3A_442, %add3A_441 : i32
            %dma_start3A_444 = arith.constant 0 : i32
            %dma_start3A_445 = arith.constant 0 : i32
            %dma_start3A_446 = tpu.memref_slice %run_scoped3A_20[%rem3A_438, %dma_start3A_444, %dma_start3A_445] : memref<2x128x128xi32, #tpu.memory_space<vmem>> -> memref<1x128x128xi32, #tpu.memory_space<vmem>>
            %dma_start3A_447 = tpu.memref_squeeze %dma_start3A_446 : memref<1x128x128xi32, #tpu.memory_space<vmem>> -> memref<128x128xi32, #tpu.memory_space<vmem>>
            %dma_start3A_448 = arith.constant 0 : i32
            %dma_start3A_449 = tpu.memref_slice %arg4[%mul3A_443, %dma_start3A_448] : memref<32768x128xi32, #tpu.memory_space<hbm>> -> memref<128x128xi32, #tpu.memory_space<hbm>>
            %dma_start3A_450 = tpu.memref_slice %run_scoped3A_21[%rem3A_438] : memref<2x!tpu.dma_semaphore, #tpu.memory_space<semaphore_mem>> -> memref<1x!tpu.dma_semaphore, #tpu.memory_space<semaphore_mem>>
            %dma_start3A_451 = tpu.memref_squeeze %dma_start3A_450 : memref<1x!tpu.dma_semaphore, #tpu.memory_space<semaphore_mem>> -> memref<!tpu.dma_semaphore, #tpu.memory_space<semaphore_mem>>
            %dma_start3A_452 = arith.constant 0 : i32
            %dma_start3A_453 = tpu.memref_slice %arg4[%mul3A_443, %dma_start3A_452] : memref<32768x128xi32, #tpu.memory_space<hbm>> -> memref<128x128xi32, #tpu.memory_space<hbm>>
            %dma_start3A_454 = arith.constant 0 : i32
            %dma_start3A_455 = arith.constant 0 : i32
            %dma_start3A_456 = tpu.memref_slice %run_scoped3A_20[%rem3A_438, %dma_start3A_454, %dma_start3A_455] : memref<2x128x128xi32, #tpu.memory_space<vmem>> -> memref<1x128x128xi32, #tpu.memory_space<vmem>>
            %dma_start3A_457 = tpu.memref_squeeze %dma_start3A_456 : memref<1x128x128xi32, #tpu.memory_space<vmem>> -> memref<128x128xi32, #tpu.memory_space<vmem>>
            tpu.enqueue_dma source(%dma_start3A_457 : memref<128x128xi32, #tpu.memory_space<vmem>>) target(%dma_start3A_453 : memref<128x128xi32, #tpu.memory_space<hbm>>) target_semaphore(%dma_start3A_451 : memref<!tpu.dma_semaphore, #tpu.memory_space<semaphore_mem>>)
            "tpu.trace_stop"() : () -> ()
          } else {
          }
          %and3A_374 = arith.constant true
          %and3A_375 = arith.andi %or3A_370, %and3A_374 : i1
          %add3A_376 = arith.constant 1 : i32
          %add3A_377 = arith.addi %while3A_215, %add3A_376 : i32
          %select_n3A_378 = arith.select %and3A_375, %add3A_377, %while3A_215 : i32
          %ne3A_379 = arith.cmpi ne, %add3A_228, %add3A_247 : i32
          %ne3A_380 = arith.cmpi ne, %add3A_230, %add3A_249 : i32
          %or3A_381 = arith.constant false
          %or3A_382 = arith.ori %or3A_381, %ne3A_379 : i1
          %or3A_383 = arith.ori %or3A_382, %ne3A_380 : i1
          %not3A_384 = arith.constant true
          %not3A_385 = arith.xori %eq3A_224, %not3A_384 : i1
          %and3A_386 = arith.andi %or3A_383, %not3A_385 : i1
          %convert_element_type3A_387 = arith.extui %and3A_386 : i1 to i32
          %cond3A_388 = arith.constant 0 : i32
          %cond3A_389 = arith.cmpi ne, %convert_element_type3A_387, %cond3A_388 : i32
          scf.if %cond3A_389 {
          } else {
          }
          %and3A_390 = arith.constant false
          %and3A_391 = arith.andi %and3A_386, %and3A_390 : i1
          %mul3A_392 = arith.constant 16 : i32
          %mul3A_393 = arith.muli %add3A_228, %mul3A_392 : i32
          %add3A_394 = arith.addi %mul3A_393, %add3A_230 : i32
          %mul3A_395 = arith.constant 16 : i32
          %mul3A_396 = arith.muli %add3A_247, %mul3A_395 : i32
          %add3A_397 = arith.addi %mul3A_396, %add3A_249 : i32
          %ne3A_398 = arith.cmpi ne, %add3A_394, %add3A_397 : i32
          %or3A_399 = arith.constant false
          %or3A_400 = arith.ori %or3A_399, %ne3A_398 : i1
          %or3A_401 = arith.constant false
          %or3A_402 = arith.ori %or3A_400, %or3A_401 : i1
          %not3A_403 = arith.constant true
          %not3A_404 = arith.xori %eq3A_224, %not3A_403 : i1
          %and3A_405 = arith.andi %or3A_402, %not3A_404 : i1
          %convert_element_type3A_406 = arith.extui %and3A_405 : i1 to i32
          %cond3A_407 = arith.constant 0 : i32
          %cond3A_408 = arith.cmpi ne, %convert_element_type3A_406, %cond3A_407 : i32
          scf.if %cond3A_408 {
            "tpu.trace_start"() <{level = 10 : i32, message = "ep_wait_out"}> : () -> ()
            %rem3A_437 = arith.constant 2 : i32
            %rem3A_438 = arith.remui %while3A_216, %rem3A_437 : i32
            %mul3A_439 = arith.constant 16 : i32
            %mul3A_440 = arith.muli %add3A_247, %mul3A_439 : i32
            %add3A_441 = arith.addi %mul3A_440, %add3A_249 : i32
            %mul3A_442 = arith.constant 128 : i32
            %mul3A_443 = arith.muli %mul3A_442, %add3A_441 : i32
            %dma_wait3A = arith.constant 0 : i32
            %dma_wait3A_444 = arith.constant 0 : i32
            %dma_wait3A_445 = tpu.memref_slice %run_scoped3A_20[%rem3A_438, %dma_wait3A, %dma_wait3A_444] : memref<2x128x128xi32, #tpu.memory_space<vmem>> -> memref<1x128x128xi32, #tpu.memory_space<vmem>>
            %dma_wait3A_446 = tpu.memref_squeeze %dma_wait3A_445 : memref<1x128x128xi32, #tpu.memory_space<vmem>> -> memref<128x128xi32, #tpu.memory_space<vmem>>
            %dma_wait3A_447 = arith.constant 0 : i32
            %dma_wait3A_448 = tpu.memref_slice %arg4[%mul3A_443, %dma_wait3A_447] : memref<32768x128xi32, #tpu.memory_space<hbm>> -> memref<128x128xi32, #tpu.memory_space<hbm>>
            %dma_wait3A_449 = tpu.memref_slice %run_scoped3A_21[%rem3A_438] : memref<2x!tpu.dma_semaphore, #tpu.memory_space<semaphore_mem>> -> memref<1x!tpu.dma_semaphore, #tpu.memory_space<semaphore_mem>>
            %dma_wait3A_450 = tpu.memref_squeeze %dma_wait3A_449 : memref<1x!tpu.dma_semaphore, #tpu.memory_space<semaphore_mem>> -> memref<!tpu.dma_semaphore, #tpu.memory_space<semaphore_mem>>
            %dma_wait3A_451 = arith.constant 0 : i32
            %dma_wait3A_452 = tpu.memref_slice %arg4[%mul3A_443, %dma_wait3A_451] : memref<32768x128xi32, #tpu.memory_space<hbm>> -> memref<128x128xi32, #tpu.memory_space<hbm>>
            %dma_wait3A_453 = arith.constant 0 : i32
            %dma_wait3A_454 = arith.constant 0 : i32
            %dma_wait3A_455 = tpu.memref_slice %run_scoped3A_20[%rem3A_438, %dma_wait3A_453, %dma_wait3A_454] : memref<2x128x128xi32, #tpu.memory_space<vmem>> -> memref<1x128x128xi32, #tpu.memory_space<vmem>>
            %dma_wait3A_456 = tpu.memref_squeeze %dma_wait3A_455 : memref<1x128x128xi32, #tpu.memory_space<vmem>> -> memref<128x128xi32, #tpu.memory_space<vmem>>
            tpu.wait_dma2 semaphore(%dma_wait3A_450 : memref<!tpu.dma_semaphore, #tpu.memory_space<semaphore_mem>>) src(%dma_wait3A_456 : memref<128x128xi32, #tpu.memory_space<vmem>>) dst(%dma_wait3A_452 : memref<128x128xi32, #tpu.memory_space<hbm>>)
            "tpu.trace_stop"() : () -> ()
          } else {
          }
          %and3A_409 = arith.constant true
          %and3A_410 = arith.andi %and3A_405, %and3A_409 : i1
          %add3A_411 = arith.constant 1 : i32
          %add3A_412 = arith.addi %while3A_216, %add3A_411 : i32
          %select_n3A_413 = arith.select %and3A_410, %add3A_412, %while3A_216 : i32
          %ne3A_414 = arith.cmpi ne, %add3A_228, %add3A_264 : i32
          %ne3A_415 = arith.cmpi ne, %add3A_230, %add3A_266 : i32
          %or3A_416 = arith.constant false
          %or3A_417 = arith.ori %or3A_416, %ne3A_414 : i1
          %or3A_418 = arith.ori %or3A_417, %ne3A_415 : i1
          %or3A_419 = arith.ori %or3A_418, %eq3A_227 : i1
          %add3A_420 = arith.constant 1 : i32
          %add3A_421 = arith.addi %while3A_214, %add3A_420 : i32
          %select_n3A_422 = arith.select %or3A_419, %add3A_421, %while3A_214 : i32
          %add3A_423 = arith.constant 1 : i32
          %add3A_424 = arith.addi %while3A_218, %add3A_423 : i32
          %select_n3A_425 = arith.constant true
          %select_n3A_426 = arith.select %select_n3A_425, %add3A_424, %while3A_218 : i32
          %eq3A_427 = arith.constant 16 : i32
          %eq3A_428 = arith.cmpi eq, %select_n3A_426, %eq3A_427 : i32
          %select_n3A_429 = arith.constant 0 : i32
          %select_n3A_430 = arith.select %eq3A_428, %select_n3A_429, %select_n3A_426 : i32
          %add3A_431 = arith.constant 1 : i32
          %add3A_432 = arith.addi %while3A_217, %add3A_431 : i32
          %select_n3A_433 = arith.select %eq3A_428, %add3A_432, %while3A_217 : i32
          %eq3A_434 = arith.cmpi eq, %select_n3A_433, %select_n3A : i32
          %select_n3A_435 = arith.constant 0 : i32
          %select_n3A_436 = arith.select %eq3A_434, %select_n3A_435, %select_n3A_433 : i32
          scf.yield %select_n3A_299, %select_n3A_422, %select_n3A_378, %select_n3A_413, %select_n3A_436, %select_n3A_430 : i32, i32, i32, i32, i32, i32
        }
        %sub3A_123 = arith.constant 1 : i32
        %sub3A_124 = arith.subi %while3A_122#5, %sub3A_123 : i32
        %select_n3A_125 = arith.constant true
        %select_n3A_126 = arith.select %select_n3A_125, %sub3A_124, %while3A_122#5 : i32
        %eq3A_127 = arith.constant -1 : i32
        %eq3A_128 = arith.cmpi eq, %select_n3A_126, %eq3A_127 : i32
        %select_n3A_129 = arith.constant 15 : i32
        %select_n3A_130 = arith.select %eq3A_128, %select_n3A_129, %select_n3A_126 : i32
        %sub3A_131 = arith.constant 1 : i32
        %sub3A_132 = arith.subi %while3A_122#4, %sub3A_131 : i32
        %select_n3A_133 = arith.select %eq3A_128, %sub3A_132, %while3A_122#4 : i32
        %eq3A_134 = arith.constant -1 : i32
        %eq3A_135 = arith.cmpi eq, %select_n3A_133, %eq3A_134 : i32
        %sub3A_136 = arith.constant 1 : i32
        %sub3A_137 = arith.subi %select_n3A, %sub3A_136 : i32
        %select_n3A_138 = arith.select %eq3A_135, %sub3A_137, %select_n3A_133 : i32
        %sub3A_139 = arith.constant 1 : i32
        %sub3A_140 = arith.subi %mul3A_18, %sub3A_139 : i32
        %mul3A_141 = arith.constant 1 : i32
        %mul3A_142 = arith.muli %mul3A_141, %select_n3A : i32
        %mul3A_143 = arith.constant 16 : i32
        %mul3A_144 = arith.muli %mul3A_142, %mul3A_143 : i32
        %eq3A_145 = arith.constant 0 : i32
        %eq3A_146 = arith.cmpi eq, %sub3A_140, %eq3A_145 : i32
        %sub3A_147 = arith.constant 1 : i32
        %sub3A_148 = arith.subi %mul3A_144, %sub3A_147 : i32
        %eq3A_149 = arith.cmpi eq, %sub3A_140, %sub3A_148 : i32
        %add3A_150 = arith.addi %select_n3A_138, %select_n3A_14 : i32
        %add3A_151 = arith.constant 0 : i32
        %add3A_152 = arith.addi %select_n3A_130, %add3A_151 : i32
        %sub3A_153 = arith.constant 1 : i32
        %sub3A_154 = arith.subi %select_n3A_130, %sub3A_153 : i32
        %select_n3A_155 = arith.constant true
        %select_n3A_156 = arith.select %select_n3A_155, %sub3A_154, %select_n3A_130 : i32
        %eq3A_157 = arith.constant -1 : i32
        %eq3A_158 = arith.cmpi eq, %select_n3A_156, %eq3A_157 : i32
        %select_n3A_159 = arith.constant 15 : i32
        %select_n3A_160 = arith.select %eq3A_158, %select_n3A_159, %select_n3A_156 : i32
        %sub3A_161 = arith.constant 1 : i32
        %sub3A_162 = arith.subi %select_n3A_138, %sub3A_161 : i32
        %select_n3A_163 = arith.select %eq3A_158, %sub3A_162, %select_n3A_138 : i32
        %eq3A_164 = arith.constant -1 : i32
        %eq3A_165 = arith.cmpi eq, %select_n3A_163, %eq3A_164 : i32
        %sub3A_166 = arith.constant 1 : i32
        %sub3A_167 = arith.subi %select_n3A, %sub3A_166 : i32
        %select_n3A_168 = arith.select %eq3A_165, %sub3A_167, %select_n3A_163 : i32
        %add3A_169 = arith.addi %select_n3A_168, %select_n3A_14 : i32
        %add3A_170 = arith.constant 0 : i32
        %add3A_171 = arith.addi %select_n3A_160, %add3A_170 : i32
        %add3A_172 = arith.constant 1 : i32
        %add3A_173 = arith.addi %select_n3A_130, %add3A_172 : i32
        %select_n3A_174 = arith.constant true
        %select_n3A_175 = arith.select %select_n3A_174, %add3A_173, %select_n3A_130 : i32
        %eq3A_176 = arith.constant 16 : i32
        %eq3A_177 = arith.cmpi eq, %select_n3A_175, %eq3A_176 : i32
        %select_n3A_178 = arith.constant 0 : i32
        %select_n3A_179 = arith.select %eq3A_177, %select_n3A_178, %select_n3A_175 : i32
        %add3A_180 = arith.constant 1 : i32
        %add3A_181 = arith.addi %select_n3A_138, %add3A_180 : i32
        %select_n3A_182 = arith.select %eq3A_177, %add3A_181, %select_n3A_138 : i32
        %eq3A_183 = arith.cmpi eq, %select_n3A_182, %select_n3A : i32
        %select_n3A_184 = arith.constant 0 : i32
        %select_n3A_185 = arith.select %eq3A_183, %select_n3A_184, %select_n3A_182 : i32
        %add3A_186 = arith.addi %select_n3A_185, %select_n3A_14 : i32
        %add3A_187 = arith.constant 0 : i32
        %add3A_188 = arith.addi %select_n3A_179, %add3A_187 : i32
        %add3A_189 = arith.constant 1 : i32
        %add3A_190 = arith.addi %select_n3A_179, %add3A_189 : i32
        %select_n3A_191 = arith.constant true
        %select_n3A_192 = arith.select %select_n3A_191, %add3A_190, %select_n3A_179 : i32
        %eq3A_193 = arith.constant 16 : i32
        %eq3A_194 = arith.cmpi eq, %select_n3A_192, %eq3A_193 : i32
        %select_n3A_195 = arith.constant 0 : i32
        %select_n3A_196 = arith.select %eq3A_194, %select_n3A_195, %select_n3A_192 : i32
        %add3A_197 = arith.constant 1 : i32
        %add3A_198 = arith.addi %select_n3A_185, %add3A_197 : i32
        %select_n3A_199 = arith.select %eq3A_194, %add3A_198, %select_n3A_185 : i32
        %eq3A_200 = arith.cmpi eq, %select_n3A_199, %select_n3A : i32
        %select_n3A_201 = arith.constant 0 : i32
        %select_n3A_202 = arith.select %eq3A_200, %select_n3A_201, %select_n3A_199 : i32
        %add3A_203 = arith.addi %select_n3A_202, %select_n3A_14 : i32
        %add3A_204 = arith.constant 0 : i32
        %add3A_205 = arith.addi %select_n3A_196, %add3A_204 : i32
        %convert_element_type3A_206 = arith.extui %eq3A_149 : i1 to i32
        %cond3A_207 = arith.constant 0 : i32
        %cond3A_208 = arith.cmpi ne, %convert_element_type3A_206, %cond3A_207 : i32
        scf.if %cond3A_208 {
        } else {
        }
        %convert_element_type3A_209 = arith.extui %eq3A_149 : i1 to i32
        %cond3A_210 = arith.constant 0 : i32
        %cond3A_211 = arith.cmpi ne, %convert_element_type3A_209, %cond3A_210 : i32
        scf.if %cond3A_211 {
          "tpu.trace_start"() <{level = 10 : i32, message = "ep_finalize"}> : () -> ()
          %rem3A_212 = arith.constant 2 : i32
          %rem3A_213 = arith.remui %while3A_122#3, %rem3A_212 : i32
          %mul3A_214 = arith.constant 16 : i32
          %mul3A_215 = arith.muli %add3A_150, %mul3A_214 : i32
          %add3A_216 = arith.addi %mul3A_215, %add3A_152 : i32
          %mul3A_217 = arith.constant 128 : i32
          %mul3A_218 = arith.muli %mul3A_217, %add3A_216 : i32
          %dma_wait3A = arith.constant 0 : i32
          %dma_wait3A_219 = arith.constant 0 : i32
          %dma_wait3A_220 = tpu.memref_slice %run_scoped3A_20[%rem3A_213, %dma_wait3A, %dma_wait3A_219] : memref<2x128x128xi32, #tpu.memory_space<vmem>> -> memref<1x128x128xi32, #tpu.memory_space<vmem>>
          %dma_wait3A_221 = tpu.memref_squeeze %dma_wait3A_220 : memref<1x128x128xi32, #tpu.memory_space<vmem>> -> memref<128x128xi32, #tpu.memory_space<vmem>>
          %dma_wait3A_222 = arith.constant 0 : i32
          %dma_wait3A_223 = tpu.memref_slice %arg4[%mul3A_218, %dma_wait3A_222] : memref<32768x128xi32, #tpu.memory_space<hbm>> -> memref<128x128xi32, #tpu.memory_space<hbm>>
          %dma_wait3A_224 = tpu.memref_slice %run_scoped3A_21[%rem3A_213] : memref<2x!tpu.dma_semaphore, #tpu.memory_space<semaphore_mem>> -> memref<1x!tpu.dma_semaphore, #tpu.memory_space<semaphore_mem>>
          %dma_wait3A_225 = tpu.memref_squeeze %dma_wait3A_224 : memref<1x!tpu.dma_semaphore, #tpu.memory_space<semaphore_mem>> -> memref<!tpu.dma_semaphore, #tpu.memory_space<semaphore_mem>>
          %dma_wait3A_226 = arith.constant 0 : i32
          %dma_wait3A_227 = tpu.memref_slice %arg4[%mul3A_218, %dma_wait3A_226] : memref<32768x128xi32, #tpu.memory_space<hbm>> -> memref<128x128xi32, #tpu.memory_space<hbm>>
          %dma_wait3A_228 = arith.constant 0 : i32
          %dma_wait3A_229 = arith.constant 0 : i32
          %dma_wait3A_230 = tpu.memref_slice %run_scoped3A_20[%rem3A_213, %dma_wait3A_228, %dma_wait3A_229] : memref<2x128x128xi32, #tpu.memory_space<vmem>> -> memref<1x128x128xi32, #tpu.memory_space<vmem>>
          %dma_wait3A_231 = tpu.memref_squeeze %dma_wait3A_230 : memref<1x128x128xi32, #tpu.memory_space<vmem>> -> memref<128x128xi32, #tpu.memory_space<vmem>>
          tpu.wait_dma2 semaphore(%dma_wait3A_225 : memref<!tpu.dma_semaphore, #tpu.memory_space<semaphore_mem>>) src(%dma_wait3A_231 : memref<128x128xi32, #tpu.memory_space<vmem>>) dst(%dma_wait3A_227 : memref<128x128xi32, #tpu.memory_space<hbm>>)
          "tpu.trace_stop"() : () -> ()
        } else {
        }
      } else {
      }
      tpu.yield
    }) : () -> ()
    return
  }
}

#map = affine_map<(d0, d1) -> (0, 0)>
module attributes {stable_mosaic.version = 14 : i64} {
  func.func @gather_kernel(%arg0: i32, %arg1: i32, %arg2: memref<2048x128xi32, #tpu.memory_space<hbm>>, %arg3: memref<16x2048xi32, #tpu.memory_space<hbm>>, %arg4: memref<32768x128xi32, #tpu.memory_space<hbm>>) attributes {dimension_semantics = [#tpu.dimension_semantics<core_parallel>, #tpu.dimension_semantics<subcore_parallel>], iteration_bounds = array<i64: 2, 16>, scalar_prefetch = 0 : i64, scratch_operands = 0 : i64, tpu.core_type = #tpu.core_type<sc_vector_subcore>, window_params = [{transform_indices = #map}, {transform_indices = #map}, {transform_indices = #map}]} {
    %mul3A = arith.constant 1 : i32
    %mul3A_0 = arith.muli %arg1, %mul3A : i32
    %add3A = arith.constant 0 : i32
    %add3A_1 = arith.addi %add3A, %mul3A_0 : i32
    %mul3A_2 = arith.constant 16 : i32
    %mul3A_3 = arith.muli %arg0, %mul3A_2 : i32
    %add3A_4 = arith.addi %add3A_1, %mul3A_3 : i32
    %lt3A = arith.constant 16 : i32
    %lt3A_5 = arith.cmpi slt, %add3A_4, %lt3A : i32
    %jit3A = arith.constant 1 : i32
    %jit3A_6 = arith.constant 0 : i32
    %select_n3A = arith.select %lt3A_5, %jit3A, %jit3A_6 : i32
    %lt3A_7 = arith.constant 16 : i32
    %lt3A_8 = arith.cmpi slt, %add3A_4, %lt3A_7 : i32
    %mul3A_9 = arith.muli %add3A_4, %select_n3A : i32
    %mul3A_10 = arith.constant 0 : i32
    %mul3A_11 = arith.muli %add3A_4, %mul3A_10 : i32
    %add3A_12 = arith.constant 16 : i32
    %add3A_13 = arith.addi %mul3A_11, %add3A_12 : i32
    %select_n3A_14 = arith.select %lt3A_8, %mul3A_9, %add3A_13 : i32
    %mul3A_15 = arith.constant 1 : i32
    %mul3A_16 = arith.muli %mul3A_15, %select_n3A : i32
    %mul3A_17 = arith.constant 16 : i32
    %mul3A_18 = arith.muli %mul3A_16, %mul3A_17 : i32
    "tpu.region"() ({
      %run_scoped3A = memref.alloca() : memref<2x1x128xi32, #tpu.memory_space<vmem>>
      %run_scoped3A_19 = tpu.sem_alloc : memref<2x!tpu.dma_semaphore, #tpu.memory_space<semaphore_mem>>
      %run_scoped3A_20 = memref.alloca() : memref<2x128x128xi32, #tpu.memory_space<vmem>>
      %run_scoped3A_21 = tpu.sem_alloc : memref<2x!tpu.dma_semaphore, #tpu.memory_space<semaphore_mem>>
      %gt3A = arith.constant 0 : i32
      %gt3A_22 = arith.cmpi sgt, %mul3A_18, %gt3A : i32
      %convert_element_type3A = arith.extui %gt3A_22 : i1 to i32
      %cond3A = arith.constant 0 : i32
      %cond3A_23 = arith.cmpi ne, %convert_element_type3A, %cond3A : i32
      scf.if %cond3A_23 {
        %mul3A_24 = arith.constant 1 : i32
        %mul3A_25 = arith.muli %mul3A_24, %select_n3A : i32
        %mul3A_26 = arith.constant 16 : i32
        %mul3A_27 = arith.muli %mul3A_25, %mul3A_26 : i32
        %sub3A = arith.constant 1 : i32
        %sub3A_28 = arith.subi %mul3A_27, %sub3A : i32
        %eq3A = arith.constant 0 : i32
        %eq3A_29 = arith.cmpi eq, %sub3A_28, %eq3A : i32
        %add3A_30 = arith.constant 0 : i32
        %add3A_31 = arith.addi %add3A_30, %select_n3A_14 : i32
        %select_n3A_32 = arith.constant true
        %select_n3A_33 = arith.constant 0 : i32
        %select_n3A_34 = arith.constant -1 : i32
        %select_n3A_35 = arith.select %select_n3A_32, %select_n3A_34, %select_n3A_33 : i32
        %eq3A_36 = arith.constant -1 : i32
        %eq3A_37 = arith.cmpi eq, %select_n3A_35, %eq3A_36 : i32
        %select_n3A_38 = arith.constant 15 : i32
        %select_n3A_39 = arith.select %eq3A_37, %select_n3A_38, %select_n3A_35 : i32
        %select_n3A_40 = arith.constant 0 : i32
        %select_n3A_41 = arith.constant -1 : i32
        %select_n3A_42 = arith.select %eq3A_37, %select_n3A_41, %select_n3A_40 : i32
        %eq3A_43 = arith.constant -1 : i32
        %eq3A_44 = arith.cmpi eq, %select_n3A_42, %eq3A_43 : i32
        %sub3A_45 = arith.constant 1 : i32
        %sub3A_46 = arith.subi %select_n3A, %sub3A_45 : i32
        %select_n3A_47 = arith.select %eq3A_44, %sub3A_46, %select_n3A_42 : i32
        %add3A_48 = arith.addi %select_n3A_47, %select_n3A_14 : i32
        %add3A_49 = arith.constant 0 : i32
        %add3A_50 = arith.addi %select_n3A_39, %add3A_49 : i32
        %select_n3A_51 = arith.constant true
        %select_n3A_52 = arith.constant 0 : i32
        %select_n3A_53 = arith.constant 1 : i32
        %select_n3A_54 = arith.select %select_n3A_51, %select_n3A_53, %select_n3A_52 : i32
        %eq3A_55 = arith.constant 16 : i32
        %eq3A_56 = arith.cmpi eq, %select_n3A_54, %eq3A_55 : i32
        %select_n3A_57 = arith.constant 0 : i32
        %select_n3A_58 = arith.select %eq3A_56, %select_n3A_57, %select_n3A_54 : i32
        %select_n3A_59 = arith.constant 0 : i32
        %select_n3A_60 = arith.constant 1 : i32
        %select_n3A_61 = arith.select %eq3A_56, %select_n3A_60, %select_n3A_59 : i32
        %eq3A_62 = arith.cmpi eq, %select_n3A_61, %select_n3A : i32
        %select_n3A_63 = arith.constant 0 : i32
        %select_n3A_64 = arith.select %eq3A_62, %select_n3A_63, %select_n3A_61 : i32
        %add3A_65 = arith.addi %select_n3A_64, %select_n3A_14 : i32
        %add3A_66 = arith.constant 0 : i32
        %add3A_67 = arith.addi %select_n3A_58, %add3A_66 : i32
        %add3A_68 = arith.constant 1 : i32
        %add3A_69 = arith.addi %select_n3A_58, %add3A_68 : i32
        %select_n3A_70 = arith.constant true
        %select_n3A_71 = arith.select %select_n3A_70, %add3A_69, %select_n3A_58 : i32
        %eq3A_72 = arith.constant 16 : i32
        %eq3A_73 = arith.cmpi eq, %select_n3A_71, %eq3A_72 : i32
        %select_n3A_74 = arith.constant 0 : i32
        %select_n3A_75 = arith.select %eq3A_73, %select_n3A_74, %select_n3A_71 : i32
        %add3A_76 = arith.constant 1 : i32
        %add3A_77 = arith.addi %select_n3A_64, %add3A_76 : i32
        %select_n3A_78 = arith.select %eq3A_73, %add3A_77, %select_n3A_64 : i32
        %eq3A_79 = arith.cmpi eq, %select_n3A_78, %select_n3A : i32
        %select_n3A_80 = arith.constant 0 : i32
        %select_n3A_81 = arith.select %eq3A_79, %select_n3A_80, %select_n3A_78 : i32
        %add3A_82 = arith.addi %select_n3A_81, %select_n3A_14 : i32
        %add3A_83 = arith.constant 0 : i32
        %add3A_84 = arith.addi %select_n3A_75, %add3A_83 : i32
        "tpu.trace_start"() <{level = 10 : i32, message = "ep_initialize_0"}> : () -> ()
        %rem3A = arith.constant 0 : i32
        %rem3A_85 = arith.constant 2 : i32
        %rem3A_86 = arith.remui %rem3A, %rem3A_85 : i32
        %mul3A_87 = arith.constant 1 : i32
        %mul3A_88 = arith.muli %mul3A_87, %add3A_31 : i32
        %dma_start3A = arith.constant 0 : i32
        %dma_start3A_89 = arith.constant 0 : i32
        %dma_start3A_90 = tpu.memref_slice %run_scoped3A[%rem3A_86, %dma_start3A, %dma_start3A_89] : memref<2x1x128xi32, #tpu.memory_space<vmem>> -> memref<1x1x128xi32, #tpu.memory_space<vmem>>
        %dma_start3A_91 = tpu.memref_squeeze %dma_start3A_90 : memref<1x1x128xi32, #tpu.memory_space<vmem>> -> memref<1x128xi32, #tpu.memory_space<vmem>>
        %dma_start3A_92 = arith.constant 0 : i32
        %dma_start3A_93 = tpu.memref_slice %arg3[%mul3A_88, %dma_start3A_92] : memref<16x2048xi32, #tpu.memory_space<hbm>> -> memref<1x128xi32, #tpu.memory_space<hbm>>
        %dma_start3A_94 = tpu.memref_slice %run_scoped3A_19[%rem3A_86] : memref<2x!tpu.dma_semaphore, #tpu.memory_space<semaphore_mem>> -> memref<1x!tpu.dma_semaphore, #tpu.memory_space<semaphore_mem>>
        %dma_start3A_95 = tpu.memref_squeeze %dma_start3A_94 : memref<1x!tpu.dma_semaphore, #tpu.memory_space<semaphore_mem>> -> memref<!tpu.dma_semaphore, #tpu.memory_space<semaphore_mem>>
        %dma_start3A_96 = arith.constant 0 : i32
        %dma_start3A_97 = arith.constant 0 : i32
        %dma_start3A_98 = tpu.memref_slice %run_scoped3A[%rem3A_86, %dma_start3A_96, %dma_start3A_97] : memref<2x1x128xi32, #tpu.memory_space<vmem>> -> memref<1x1x128xi32, #tpu.memory_space<vmem>>
        %dma_start3A_99 = tpu.memref_squeeze %dma_start3A_98 : memref<1x1x128xi32, #tpu.memory_space<vmem>> -> memref<1x128xi32, #tpu.memory_space<vmem>>
        %dma_start3A_100 = arith.constant 0 : i32
        %dma_start3A_101 = tpu.memref_slice %arg3[%mul3A_88, %dma_start3A_100] : memref<16x2048xi32, #tpu.memory_space<hbm>> -> memref<1x128xi32, #tpu.memory_space<hbm>>
        tpu.enqueue_dma source(%dma_start3A_101 : memref<1x128xi32, #tpu.memory_space<hbm>>) target(%dma_start3A_99 : memref<1x128xi32, #tpu.memory_space<vmem>>) target_semaphore(%dma_start3A_95 : memref<!tpu.dma_semaphore, #tpu.memory_space<semaphore_mem>>)
        %add3A_102 = arith.constant 0 : i32
        %add3A_103 = arith.constant 1 : i32
        %add3A_104 = arith.addi %add3A_102, %add3A_103 : i32
        %select_n3A_105 = arith.constant true
        %select_n3A_106 = arith.constant 0 : i32
        %select_n3A_107 = arith.select %select_n3A_105, %add3A_104, %select_n3A_106 : i32
        %while3A = arith.constant 0 : i32
        %while3A_108 = arith.constant 0 : i32
        %while3A_109 = arith.constant 0 : i32
        %while3A_110 = arith.constant 0 : i32
        %while3A_111 = arith.constant 0 : i32
        %while3A_112 = arith.constant 0 : i32
        "tpu.trace_stop"() : () -> ()
        %while3A_113 = arith.subi %mul3A_18, %while3A : i32
        %while3A_114 = arith.addi %while3A, %while3A_113 : i32
        %while3A_115 = arith.constant 1 : i32
        %while3A_116 = arith.divsi %while3A_113, %while3A_115 : i32
        %while3A_117 = arith.muli %while3A_116, %while3A_115 : i32
        %while3A_118 = arith.addi %while3A, %while3A_117 : i32
        %while3A_119 = arith.constant 1 : i32
        %while3A_120:6 = scf.for %while3A_212 = %while3A to %while3A_118 step %while3A_119 iter_args(%while3A_213 = %select_n3A_107, %while3A_214 = %while3A_108, %while3A_215 = %while3A_109, %while3A_216 = %while3A_110, %while3A_217 = %while3A_111, %while3A_218 = %while3A_112) -> (i32, i32, i32, i32, i32, i32)  : i32 {
          %mul3A_219 = arith.constant 1 : i32
          %mul3A_220 = arith.muli %mul3A_219, %select_n3A : i32
          %mul3A_221 = arith.constant 16 : i32
          %mul3A_222 = arith.muli %mul3A_220, %mul3A_221 : i32
          %eq3A_223 = arith.constant 0 : i32
          %eq3A_224 = arith.cmpi eq, %while3A_212, %eq3A_223 : i32
          %sub3A_225 = arith.constant 1 : i32
          %sub3A_226 = arith.subi %mul3A_222, %sub3A_225 : i32
          %eq3A_227 = arith.cmpi eq, %while3A_212, %sub3A_226 : i32
          %add3A_228 = arith.addi %while3A_217, %select_n3A_14 : i32
          %add3A_229 = arith.constant 0 : i32
          %add3A_230 = arith.addi %while3A_218, %add3A_229 : i32
          %sub3A_231 = arith.constant 1 : i32
          %sub3A_232 = arith.subi %while3A_218, %sub3A_231 : i32
          %select_n3A_233 = arith.constant true
          %select_n3A_234 = arith.select %select_n3A_233, %sub3A_232, %while3A_218 : i32
          %eq3A_235 = arith.constant -1 : i32
          %eq3A_236 = arith.cmpi eq, %select_n3A_234, %eq3A_235 : i32
          %select_n3A_237 = arith.constant 15 : i32
          %select_n3A_238 = arith.select %eq3A_236, %select_n3A_237, %select_n3A_234 : i32
          %sub3A_239 = arith.constant 1 : i32
          %sub3A_240 = arith.subi %while3A_217, %sub3A_239 : i32
          %select_n3A_241 = arith.select %eq3A_236, %sub3A_240, %while3A_217 : i32
          %eq3A_242 = arith.constant -1 : i32
          %eq3A_243 = arith.cmpi eq, %select_n3A_241, %eq3A_242 : i32
          %sub3A_244 = arith.constant 1 : i32
          %sub3A_245 = arith.subi %select_n3A, %sub3A_244 : i32
          %select_n3A_246 = arith.select %eq3A_243, %sub3A_245, %select_n3A_241 : i32
          %add3A_247 = arith.addi %select_n3A_246, %select_n3A_14 : i32
          %add3A_248 = arith.constant 0 : i32
          %add3A_249 = arith.addi %select_n3A_238, %add3A_248 : i32
          %add3A_250 = arith.constant 1 : i32
          %add3A_251 = arith.addi %while3A_218, %add3A_250 : i32
          %select_n3A_252 = arith.constant true
          %select_n3A_253 = arith.select %select_n3A_252, %add3A_251, %while3A_218 : i32
          %eq3A_254 = arith.constant 16 : i32
          %eq3A_255 = arith.cmpi eq, %select_n3A_253, %eq3A_254 : i32
          %select_n3A_256 = arith.constant 0 : i32
          %select_n3A_257 = arith.select %eq3A_255, %select_n3A_256, %select_n3A_253 : i32
          %add3A_258 = arith.constant 1 : i32
          %add3A_259 = arith.addi %while3A_217, %add3A_258 : i32
          %select_n3A_260 = arith.select %eq3A_255, %add3A_259, %while3A_217 : i32
          %eq3A_261 = arith.cmpi eq, %select_n3A_260, %select_n3A : i32
          %select_n3A_262 = arith.constant 0 : i32
          %select_n3A_263 = arith.select %eq3A_261, %select_n3A_262, %select_n3A_260 : i32
          %add3A_264 = arith.addi %select_n3A_263, %select_n3A_14 : i32
          %add3A_265 = arith.constant 0 : i32
          %add3A_266 = arith.addi %select_n3A_257, %add3A_265 : i32
          %add3A_267 = arith.constant 1 : i32
          %add3A_268 = arith.addi %select_n3A_257, %add3A_267 : i32
          %select_n3A_269 = arith.constant true
          %select_n3A_270 = arith.select %select_n3A_269, %add3A_268, %select_n3A_257 : i32
          %eq3A_271 = arith.constant 16 : i32
          %eq3A_272 = arith.cmpi eq, %select_n3A_270, %eq3A_271 : i32
          %select_n3A_273 = arith.constant 0 : i32
          %select_n3A_274 = arith.select %eq3A_272, %select_n3A_273, %select_n3A_270 : i32
          %add3A_275 = arith.constant 1 : i32
          %add3A_276 = arith.addi %select_n3A_263, %add3A_275 : i32
          %select_n3A_277 = arith.select %eq3A_272, %add3A_276, %select_n3A_263 : i32
          %eq3A_278 = arith.cmpi eq, %select_n3A_277, %select_n3A : i32
          %select_n3A_279 = arith.constant 0 : i32
          %select_n3A_280 = arith.select %eq3A_278, %select_n3A_279, %select_n3A_277 : i32
          %add3A_281 = arith.addi %select_n3A_280, %select_n3A_14 : i32
          %add3A_282 = arith.constant 0 : i32
          %add3A_283 = arith.addi %select_n3A_274, %add3A_282 : i32
          %ne3A = arith.cmpi ne, %add3A_228, %add3A_264 : i32
          %ne3A_284 = arith.cmpi ne, %add3A_230, %add3A_266 : i32
          %or3A = arith.constant false
          %or3A_285 = arith.ori %or3A, %ne3A : i1
          %or3A_286 = arith.ori %or3A_285, %ne3A_284 : i1
          %sub3A_287 = arith.constant 2 : i32
          %sub3A_288 = arith.subi %mul3A_222, %sub3A_287 : i32
          %add3A_289 = arith.constant 1 : i32
          %add3A_290 = arith.addi %sub3A_288, %add3A_289 : i32
          %ge3A = arith.cmpi sge, %while3A_212, %add3A_290 : i32
          %not3A = arith.constant true
          %not3A_291 = arith.xori %ge3A, %not3A : i1
          %and3A = arith.andi %or3A_286, %not3A_291 : i1
          %convert_element_type3A_292 = arith.extui %and3A : i1 to i32
          %cond3A_293 = arith.constant 0 : i32
          %cond3A_294 = arith.cmpi ne, %convert_element_type3A_292, %cond3A_293 : i32
          scf.if %cond3A_294 {
            "tpu.trace_start"() <{level = 10 : i32, message = "ep_copy_in"}> : () -> ()
            %rem3A_437 = arith.constant 2 : i32
            %rem3A_438 = arith.remui %while3A_213, %rem3A_437 : i32
            %mul3A_439 = arith.constant 1 : i32
            %mul3A_440 = arith.muli %mul3A_439, %add3A_264 : i32
            %mul3A_441 = arith.constant 128 : i32
            %mul3A_442 = arith.muli %mul3A_441, %add3A_266 : i32
            %dma_start3A_443 = arith.constant 0 : i32
            %dma_start3A_444 = arith.constant 0 : i32
            %dma_start3A_445 = tpu.memref_slice %run_scoped3A[%rem3A_438, %dma_start3A_443, %dma_start3A_444] : memref<2x1x128xi32, #tpu.memory_space<vmem>> -> memref<1x1x128xi32, #tpu.memory_space<vmem>>
            %dma_start3A_446 = tpu.memref_squeeze %dma_start3A_445 : memref<1x1x128xi32, #tpu.memory_space<vmem>> -> memref<1x128xi32, #tpu.memory_space<vmem>>
            %dma_start3A_447 = tpu.memref_slice %arg3[%mul3A_440, %mul3A_442] : memref<16x2048xi32, #tpu.memory_space<hbm>> -> memref<1x128xi32, #tpu.memory_space<hbm>>
            %dma_start3A_448 = tpu.memref_slice %run_scoped3A_19[%rem3A_438] : memref<2x!tpu.dma_semaphore, #tpu.memory_space<semaphore_mem>> -> memref<1x!tpu.dma_semaphore, #tpu.memory_space<semaphore_mem>>
            %dma_start3A_449 = tpu.memref_squeeze %dma_start3A_448 : memref<1x!tpu.dma_semaphore, #tpu.memory_space<semaphore_mem>> -> memref<!tpu.dma_semaphore, #tpu.memory_space<semaphore_mem>>
            %dma_start3A_450 = arith.constant 0 : i32
            %dma_start3A_451 = arith.constant 0 : i32
            %dma_start3A_452 = tpu.memref_slice %run_scoped3A[%rem3A_438, %dma_start3A_450, %dma_start3A_451] : memref<2x1x128xi32, #tpu.memory_space<vmem>> -> memref<1x1x128xi32, #tpu.memory_space<vmem>>
            %dma_start3A_453 = tpu.memref_squeeze %dma_start3A_452 : memref<1x1x128xi32, #tpu.memory_space<vmem>> -> memref<1x128xi32, #tpu.memory_space<vmem>>
            %dma_start3A_454 = tpu.memref_slice %arg3[%mul3A_440, %mul3A_442] : memref<16x2048xi32, #tpu.memory_space<hbm>> -> memref<1x128xi32, #tpu.memory_space<hbm>>
            tpu.enqueue_dma source(%dma_start3A_454 : memref<1x128xi32, #tpu.memory_space<hbm>>) target(%dma_start3A_453 : memref<1x128xi32, #tpu.memory_space<vmem>>) target_semaphore(%dma_start3A_449 : memref<!tpu.dma_semaphore, #tpu.memory_space<semaphore_mem>>)
            "tpu.trace_stop"() : () -> ()
          } else {
          }
          %and3A_295 = arith.constant true
          %and3A_296 = arith.andi %and3A, %and3A_295 : i1
          %add3A_297 = arith.constant 1 : i32
          %add3A_298 = arith.addi %while3A_213, %add3A_297 : i32
          %select_n3A_299 = arith.select %and3A_296, %add3A_298, %while3A_213 : i32
          %mul3A_300 = arith.constant 16 : i32
          %mul3A_301 = arith.muli %add3A_228, %mul3A_300 : i32
          %add3A_302 = arith.addi %mul3A_301, %add3A_230 : i32
          %mul3A_303 = arith.constant 16 : i32
          %mul3A_304 = arith.muli %add3A_264, %mul3A_303 : i32
          %add3A_305 = arith.addi %mul3A_304, %add3A_266 : i32
          %ne3A_306 = arith.cmpi ne, %add3A_302, %add3A_305 : i32
          %or3A_307 = arith.constant false
          %or3A_308 = arith.ori %or3A_307, %ne3A_306 : i1
          %or3A_309 = arith.constant false
          %or3A_310 = arith.ori %or3A_308, %or3A_309 : i1
          %sub3A_311 = arith.constant 2 : i32
          %sub3A_312 = arith.subi %mul3A_222, %sub3A_311 : i32
          %add3A_313 = arith.constant 1 : i32
          %add3A_314 = arith.addi %sub3A_312, %add3A_313 : i32
          %ge3A_315 = arith.cmpi sge, %while3A_212, %add3A_314 : i32
          %not3A_316 = arith.constant true
          %not3A_317 = arith.xori %ge3A_315, %not3A_316 : i1
          %and3A_318 = arith.andi %or3A_310, %not3A_317 : i1
          %ne3A_319 = arith.cmpi ne, %add3A_228, %add3A_247 : i32
          %ne3A_320 = arith.cmpi ne, %add3A_230, %add3A_249 : i32
          %or3A_321 = arith.constant false
          %or3A_322 = arith.ori %or3A_321, %ne3A_319 : i1
          %or3A_323 = arith.ori %or3A_322, %ne3A_320 : i1
          %or3A_324 = arith.ori %or3A_323, %eq3A_224 : i1
          %convert_element_type3A_325 = arith.extui %or3A_324 : i1 to i32
          %cond3A_326 = arith.constant 0 : i32
          %cond3A_327 = arith.cmpi ne, %convert_element_type3A_325, %cond3A_326 : i32
          scf.if %cond3A_327 {
            "tpu.trace_start"() <{level = 10 : i32, message = "ep_wait_in"}> : () -> ()
            %mul3A_437 = arith.constant 1 : i32
            %mul3A_438 = arith.muli %mul3A_437, %add3A_228 : i32
            %mul3A_439 = arith.constant 128 : i32
            %mul3A_440 = arith.muli %mul3A_439, %add3A_230 : i32
            %rem3A_441 = arith.constant 2 : i32
            %rem3A_442 = arith.remui %while3A_214, %rem3A_441 : i32
            %dma_wait3A = arith.constant 0 : i32
            %dma_wait3A_443 = arith.constant 0 : i32
            %dma_wait3A_444 = tpu.memref_slice %run_scoped3A[%rem3A_442, %dma_wait3A, %dma_wait3A_443] : memref<2x1x128xi32, #tpu.memory_space<vmem>> -> memref<1x1x128xi32, #tpu.memory_space<vmem>>
            %dma_wait3A_445 = tpu.memref_squeeze %dma_wait3A_444 : memref<1x1x128xi32, #tpu.memory_space<vmem>> -> memref<1x128xi32, #tpu.memory_space<vmem>>
            %dma_wait3A_446 = tpu.memref_slice %arg3[%mul3A_438, %mul3A_440] : memref<16x2048xi32, #tpu.memory_space<hbm>> -> memref<1x128xi32, #tpu.memory_space<hbm>>
            %dma_wait3A_447 = tpu.memref_slice %run_scoped3A_19[%rem3A_442] : memref<2x!tpu.dma_semaphore, #tpu.memory_space<semaphore_mem>> -> memref<1x!tpu.dma_semaphore, #tpu.memory_space<semaphore_mem>>
            %dma_wait3A_448 = tpu.memref_squeeze %dma_wait3A_447 : memref<1x!tpu.dma_semaphore, #tpu.memory_space<semaphore_mem>> -> memref<!tpu.dma_semaphore, #tpu.memory_space<semaphore_mem>>
            %dma_wait3A_449 = arith.constant 0 : i32
            %dma_wait3A_450 = arith.constant 0 : i32
            %dma_wait3A_451 = tpu.memref_slice %run_scoped3A[%rem3A_442, %dma_wait3A_449, %dma_wait3A_450] : memref<2x1x128xi32, #tpu.memory_space<vmem>> -> memref<1x1x128xi32, #tpu.memory_space<vmem>>
            %dma_wait3A_452 = tpu.memref_squeeze %dma_wait3A_451 : memref<1x1x128xi32, #tpu.memory_space<vmem>> -> memref<1x128xi32, #tpu.memory_space<vmem>>
            %dma_wait3A_453 = tpu.memref_slice %arg3[%mul3A_438, %mul3A_440] : memref<16x2048xi32, #tpu.memory_space<hbm>> -> memref<1x128xi32, #tpu.memory_space<hbm>>
            tpu.wait_dma2 semaphore(%dma_wait3A_448 : memref<!tpu.dma_semaphore, #tpu.memory_space<semaphore_mem>>) src(%dma_wait3A_453 : memref<1x128xi32, #tpu.memory_space<hbm>>) dst(%dma_wait3A_452 : memref<1x128xi32, #tpu.memory_space<vmem>>)
            "tpu.trace_stop"() : () -> ()
          } else {
          }
          %mul3A_328 = arith.constant 16 : i32
          %mul3A_329 = arith.muli %add3A_228, %mul3A_328 : i32
          %add3A_330 = arith.addi %mul3A_329, %add3A_230 : i32
          %mul3A_331 = arith.constant 16 : i32
          %mul3A_332 = arith.muli %add3A_247, %mul3A_331 : i32
          %add3A_333 = arith.addi %mul3A_332, %add3A_249 : i32
          %ne3A_334 = arith.cmpi ne, %add3A_330, %add3A_333 : i32
          %or3A_335 = arith.constant false
          %or3A_336 = arith.ori %or3A_335, %ne3A_334 : i1
          %or3A_337 = arith.constant false
          %or3A_338 = arith.ori %or3A_336, %or3A_337 : i1
          %or3A_339 = arith.ori %or3A_338, %eq3A_224 : i1
          %convert_element_type3A_340 = arith.extui %or3A_339 : i1 to i32
          %cond3A_341 = arith.constant 0 : i32
          %cond3A_342 = arith.cmpi ne, %convert_element_type3A_340, %cond3A_341 : i32
          scf.if %cond3A_342 {
          } else {
          }
          %rem3A_343 = arith.constant 2 : i32
          %rem3A_344 = arith.remui %while3A_214, %rem3A_343 : i32
          %rem3A_345 = arith.constant 2 : i32
          %rem3A_346 = arith.remui %while3A_215, %rem3A_345 : i32
          %run_scoped3A_347 = arith.constant 0 : i32
          "tpu.trace_start"() <{level = 10 : i32, message = "ep_run_kernel"}> : () -> ()
          "tpu.region"() ({
            %run_scoped3A_437 = tpu.sem_alloc : memref<!tpu.dma_semaphore, #tpu.memory_space<semaphore_mem>>
            %dma_start3A_438 = arith.constant 0 : i32
            %dma_start3A_439 = arith.constant 0 : i32
            %dma_start3A_440 = tpu.memref_slice %run_scoped3A_20[%rem3A_346, %dma_start3A_438, %dma_start3A_439] : memref<2x128x128xi32, #tpu.memory_space<vmem>> -> memref<1x128x128xi32, #tpu.memory_space<vmem>>
            %dma_start3A_441 = tpu.memref_squeeze %dma_start3A_440 : memref<1x128x128xi32, #tpu.memory_space<vmem>> -> memref<128x128xi32, #tpu.memory_space<vmem>>
            %dma_start3A_442 = arith.constant 0 : i32
            %dma_start3A_443 = arith.constant 0 : i32
            %dma_start3A_444 = tpu.memref_slice %run_scoped3A[%rem3A_344, %dma_start3A_442, %dma_start3A_443] : memref<2x1x128xi32, #tpu.memory_space<vmem>> -> memref<1x1x128xi32, #tpu.memory_space<vmem>>
            %dma_start3A_445 = tpu.memref_squeeze %dma_start3A_444 : memref<1x1x128xi32, #tpu.memory_space<vmem>> -> memref<1x128xi32, #tpu.memory_space<vmem>>
            %dma_start3A_446 = arith.constant 0 : i32
            %dma_start3A_447 = tpu.memref_slice %dma_start3A_445[%run_scoped3A_347, %dma_start3A_446] : memref<1x128xi32, #tpu.memory_space<vmem>> -> memref<1x128xi32, #tpu.memory_space<vmem>>
            %dma_start3A_448 = tpu.memref_squeeze %dma_start3A_447 : memref<1x128xi32, #tpu.memory_space<vmem>> -> memref<128xi32, #tpu.memory_space<vmem>>
            %dma_start3A_449 = arith.constant 0 : i32
            %dma_start3A_450 = arith.constant 0 : i32
            %dma_start3A_451 = tpu.memref_slice %arg2[%dma_start3A_449, %dma_start3A_450] : memref<2048x128xi32, #tpu.memory_space<hbm>> -> memref<2048x128xi32, #tpu.memory_space<hbm>>
            tpu.enqueue_indirect_dma source(%dma_start3A_451 : memref<2048x128xi32, #tpu.memory_space<hbm>>) target(%dma_start3A_441 : memref<128x128xi32, #tpu.memory_space<vmem>>) offsets(%dma_start3A_448 : memref<128xi32, #tpu.memory_space<vmem>>) semaphore(%run_scoped3A_437 : memref<!tpu.dma_semaphore, #tpu.memory_space<semaphore_mem>>)
            %dma_wait3A = arith.constant 0 : i32
            %dma_wait3A_452 = arith.constant 0 : i32
            %dma_wait3A_453 = tpu.memref_slice %run_scoped3A_20[%rem3A_346, %dma_wait3A, %dma_wait3A_452] : memref<2x128x128xi32, #tpu.memory_space<vmem>> -> memref<1x128x128xi32, #tpu.memory_space<vmem>>
            %dma_wait3A_454 = tpu.memref_squeeze %dma_wait3A_453 : memref<1x128x128xi32, #tpu.memory_space<vmem>> -> memref<128x128xi32, #tpu.memory_space<vmem>>
            %dma_wait3A_455 = arith.constant 0 : i32
            %dma_wait3A_456 = arith.constant 0 : i32
            %dma_wait3A_457 = tpu.memref_slice %run_scoped3A[%rem3A_344, %dma_wait3A_455, %dma_wait3A_456] : memref<2x1x128xi32, #tpu.memory_space<vmem>> -> memref<1x1x128xi32, #tpu.memory_space<vmem>>
            %dma_wait3A_458 = tpu.memref_squeeze %dma_wait3A_457 : memref<1x1x128xi32, #tpu.memory_space<vmem>> -> memref<1x128xi32, #tpu.memory_space<vmem>>
            %dma_wait3A_459 = arith.constant 0 : i32
            %dma_wait3A_460 = tpu.memref_slice %dma_wait3A_458[%run_scoped3A_347, %dma_wait3A_459] : memref<1x128xi32, #tpu.memory_space<vmem>> -> memref<1x128xi32, #tpu.memory_space<vmem>>
            %dma_wait3A_461 = tpu.memref_squeeze %dma_wait3A_460 : memref<1x128xi32, #tpu.memory_space<vmem>> -> memref<128xi32, #tpu.memory_space<vmem>>
            %dma_wait3A_462 = arith.constant 0 : i32
            %dma_wait3A_463 = arith.constant 0 : i32
            %dma_wait3A_464 = tpu.memref_slice %arg2[%dma_wait3A_462, %dma_wait3A_463] : memref<2048x128xi32, #tpu.memory_space<hbm>> -> memref<2048x128xi32, #tpu.memory_space<hbm>>
            tpu.wait_indirect_dma semaphore(%run_scoped3A_437 : memref<!tpu.dma_semaphore, #tpu.memory_space<semaphore_mem>>) src(%dma_wait3A_464 : memref<2048x128xi32, #tpu.memory_space<hbm>>) dst(%dma_wait3A_454 : memref<128x128xi32, #tpu.memory_space<vmem>>)
            tpu.yield
          }) : () -> ()
          "tpu.trace_stop"() : () -> ()
          %ne3A_348 = arith.cmpi ne, %add3A_228, %add3A_264 : i32
          %ne3A_349 = arith.cmpi ne, %add3A_230, %add3A_266 : i32
          %or3A_350 = arith.constant false
          %or3A_351 = arith.ori %or3A_350, %ne3A_348 : i1
          %or3A_352 = arith.ori %or3A_351, %ne3A_349 : i1
          %or3A_353 = arith.ori %or3A_352, %eq3A_227 : i1
          %convert_element_type3A_354 = arith.extui %or3A_353 : i1 to i32
          %cond3A_355 = arith.constant 0 : i32
          %cond3A_356 = arith.cmpi ne, %convert_element_type3A_354, %cond3A_355 : i32
          scf.if %cond3A_356 {
          } else {
          }
          %and3A_357 = arith.constant false
          %and3A_358 = arith.andi %or3A_353, %and3A_357 : i1
          %mul3A_359 = arith.constant 16 : i32
          %mul3A_360 = arith.muli %add3A_228, %mul3A_359 : i32
          %add3A_361 = arith.addi %mul3A_360, %add3A_230 : i32
          %mul3A_362 = arith.constant 16 : i32
          %mul3A_363 = arith.muli %add3A_264, %mul3A_362 : i32
          %add3A_364 = arith.addi %mul3A_363, %add3A_266 : i32
          %ne3A_365 = arith.cmpi ne, %add3A_361, %add3A_364 : i32
          %or3A_366 = arith.constant false
          %or3A_367 = arith.ori %or3A_366, %ne3A_365 : i1
          %or3A_368 = arith.constant false
          %or3A_369 = arith.ori %or3A_367, %or3A_368 : i1
          %or3A_370 = arith.ori %or3A_369, %eq3A_227 : i1
          %convert_element_type3A_371 = arith.extui %or3A_370 : i1 to i32
          %cond3A_372 = arith.constant 0 : i32
          %cond3A_373 = arith.cmpi ne, %convert_element_type3A_371, %cond3A_372 : i32
          scf.if %cond3A_373 {
            "tpu.trace_start"() <{level = 10 : i32, message = "ep_copy_out"}> : () -> ()
            %rem3A_437 = arith.constant 2 : i32
            %rem3A_438 = arith.remui %while3A_215, %rem3A_437 : i32
            %mul3A_439 = arith.constant 16 : i32
            %mul3A_440 = arith.muli %add3A_228, %mul3A_439 : i32
            %add3A_441 = arith.addi %mul3A_440, %add3A_230 : i32
            %mul3A_442 = arith.constant 128 : i32
            %mul3A_443 = arith.muli %mul3A_442, %add3A_441 : i32
            %dma_start3A_444 = arith.constant 0 : i32
            %dma_start3A_445 = arith.constant 0 : i32
            %dma_start3A_446 = tpu.memref_slice %run_scoped3A_20[%rem3A_438, %dma_start3A_444, %dma_start3A_445] : memref<2x128x128xi32, #tpu.memory_space<vmem>> -> memref<1x128x128xi32, #tpu.memory_space<vmem>>
            %dma_start3A_447 = tpu.memref_squeeze %dma_start3A_446 : memref<1x128x128xi32, #tpu.memory_space<vmem>> -> memref<128x128xi32, #tpu.memory_space<vmem>>
            %dma_start3A_448 = arith.constant 0 : i32
            %dma_start3A_449 = tpu.memref_slice %arg4[%mul3A_443, %dma_start3A_448] : memref<32768x128xi32, #tpu.memory_space<hbm>> -> memref<128x128xi32, #tpu.memory_space<hbm>>
            %dma_start3A_450 = tpu.memref_slice %run_scoped3A_21[%rem3A_438] : memref<2x!tpu.dma_semaphore, #tpu.memory_space<semaphore_mem>> -> memref<1x!tpu.dma_semaphore, #tpu.memory_space<semaphore_mem>>
            %dma_start3A_451 = tpu.memref_squeeze %dma_start3A_450 : memref<1x!tpu.dma_semaphore, #tpu.memory_space<semaphore_mem>> -> memref<!tpu.dma_semaphore, #tpu.memory_space<semaphore_mem>>
            %dma_start3A_452 = arith.constant 0 : i32
            %dma_start3A_453 = tpu.memref_slice %arg4[%mul3A_443, %dma_start3A_452] : memref<32768x128xi32, #tpu.memory_space<hbm>> -> memref<128x128xi32, #tpu.memory_space<hbm>>
            %dma_start3A_454 = arith.constant 0 : i32
            %dma_start3A_455 = arith.constant 0 : i32
            %dma_start3A_456 = tpu.memref_slice %run_scoped3A_20[%rem3A_438, %dma_start3A_454, %dma_start3A_455] : memref<2x128x128xi32, #tpu.memory_space<vmem>> -> memref<1x128x128xi32, #tpu.memory_space<vmem>>
            %dma_start3A_457 = tpu.memref_squeeze %dma_start3A_456 : memref<1x128x128xi32, #tpu.memory_space<vmem>> -> memref<128x128xi32, #tpu.memory_space<vmem>>
            tpu.enqueue_dma source(%dma_start3A_457 : memref<128x128xi32, #tpu.memory_space<vmem>>) target(%dma_start3A_453 : memref<128x128xi32, #tpu.memory_space<hbm>>) target_semaphore(%dma_start3A_451 : memref<!tpu.dma_semaphore, #tpu.memory_space<semaphore_mem>>)
            "tpu.trace_stop"() : () -> ()
          } else {
          }
          %and3A_374 = arith.constant true
          %and3A_375 = arith.andi %or3A_370, %and3A_374 : i1
          %add3A_376 = arith.constant 1 : i32
          %add3A_377 = arith.addi %while3A_215, %add3A_376 : i32
          %select_n3A_378 = arith.select %and3A_375, %add3A_377, %while3A_215 : i32
          %ne3A_379 = arith.cmpi ne, %add3A_228, %add3A_247 : i32
          %ne3A_380 = arith.cmpi ne, %add3A_230, %add3A_249 : i32
          %or3A_381 = arith.constant false
          %or3A_382 = arith.ori %or3A_381, %ne3A_379 : i1
          %or3A_383 = arith.ori %or3A_382, %ne3A_380 : i1
          %not3A_384 = arith.constant true
          %not3A_385 = arith.xori %eq3A_224, %not3A_384 : i1
          %and3A_386 = arith.andi %or3A_383, %not3A_385 : i1
          %convert_element_type3A_387 = arith.extui %and3A_386 : i1 to i32
          %cond3A_388 = arith.constant 0 : i32
          %cond3A_389 = arith.cmpi ne, %convert_element_type3A_387, %cond3A_388 : i32
          scf.if %cond3A_389 {
          } else {
          }
          %and3A_390 = arith.constant false
          %and3A_391 = arith.andi %and3A_386, %and3A_390 : i1
          %mul3A_392 = arith.constant 16 : i32
          %mul3A_393 = arith.muli %add3A_228, %mul3A_392 : i32
          %add3A_394 = arith.addi %mul3A_393, %add3A_230 : i32
          %mul3A_395 = arith.constant 16 : i32
          %mul3A_396 = arith.muli %add3A_247, %mul3A_395 : i32
          %add3A_397 = arith.addi %mul3A_396, %add3A_249 : i32
          %ne3A_398 = arith.cmpi ne, %add3A_394, %add3A_397 : i32
          %or3A_399 = arith.constant false
          %or3A_400 = arith.ori %or3A_399, %ne3A_398 : i1
          %or3A_401 = arith.constant false
          %or3A_402 = arith.ori %or3A_400, %or3A_401 : i1
          %not3A_403 = arith.constant true
          %not3A_404 = arith.xori %eq3A_224, %not3A_403 : i1
          %and3A_405 = arith.andi %or3A_402, %not3A_404 : i1
          %convert_element_type3A_406 = arith.extui %and3A_405 : i1 to i32
          %cond3A_407 = arith.constant 0 : i32
          %cond3A_408 = arith.cmpi ne, %convert_element_type3A_406, %cond3A_407 : i32
          scf.if %cond3A_408 {
            "tpu.trace_start"() <{level = 10 : i32, message = "ep_wait_out"}> : () -> ()
            %rem3A_437 = arith.constant 2 : i32
            %rem3A_438 = arith.remui %while3A_216, %rem3A_437 : i32
            %mul3A_439 = arith.constant 16 : i32
            %mul3A_440 = arith.muli %add3A_247, %mul3A_439 : i32
            %add3A_441 = arith.addi %mul3A_440, %add3A_249 : i32
            %mul3A_442 = arith.constant 128 : i32
            %mul3A_443 = arith.muli %mul3A_442, %add3A_441 : i32
            %dma_wait3A = arith.constant 0 : i32
            %dma_wait3A_444 = arith.constant 0 : i32
            %dma_wait3A_445 = tpu.memref_slice %run_scoped3A_20[%rem3A_438, %dma_wait3A, %dma_wait3A_444] : memref<2x128x128xi32, #tpu.memory_space<vmem>> -> memref<1x128x128xi32, #tpu.memory_space<vmem>>
            %dma_wait3A_446 = tpu.memref_squeeze %dma_wait3A_445 : memref<1x128x128xi32, #tpu.memory_space<vmem>> -> memref<128x128xi32, #tpu.memory_space<vmem>>
            %dma_wait3A_447 = arith.constant 0 : i32
            %dma_wait3A_448 = tpu.memref_slice %arg4[%mul3A_443, %dma_wait3A_447] : memref<32768x128xi32, #tpu.memory_space<hbm>> -> memref<128x128xi32, #tpu.memory_space<hbm>>
            %dma_wait3A_449 = tpu.memref_slice %run_scoped3A_21[%rem3A_438] : memref<2x!tpu.dma_semaphore, #tpu.memory_space<semaphore_mem>> -> memref<1x!tpu.dma_semaphore, #tpu.memory_space<semaphore_mem>>
            %dma_wait3A_450 = tpu.memref_squeeze %dma_wait3A_449 : memref<1x!tpu.dma_semaphore, #tpu.memory_space<semaphore_mem>> -> memref<!tpu.dma_semaphore, #tpu.memory_space<semaphore_mem>>
            %dma_wait3A_451 = arith.constant 0 : i32
            %dma_wait3A_452 = tpu.memref_slice %arg4[%mul3A_443, %dma_wait3A_451] : memref<32768x128xi32, #tpu.memory_space<hbm>> -> memref<128x128xi32, #tpu.memory_space<hbm>>
            %dma_wait3A_453 = arith.constant 0 : i32
            %dma_wait3A_454 = arith.constant 0 : i32
            %dma_wait3A_455 = tpu.memref_slice %run_scoped3A_20[%rem3A_438, %dma_wait3A_453, %dma_wait3A_454] : memref<2x128x128xi32, #tpu.memory_space<vmem>> -> memref<1x128x128xi32, #tpu.memory_space<vmem>>
            %dma_wait3A_456 = tpu.memref_squeeze %dma_wait3A_455 : memref<1x128x128xi32, #tpu.memory_space<vmem>> -> memref<128x128xi32, #tpu.memory_space<vmem>>
            tpu.wait_dma2 semaphore(%dma_wait3A_450 : memref<!tpu.dma_semaphore, #tpu.memory_space<semaphore_mem>>) src(%dma_wait3A_456 : memref<128x128xi32, #tpu.memory_space<vmem>>) dst(%dma_wait3A_452 : memref<128x128xi32, #tpu.memory_space<hbm>>)
            "tpu.trace_stop"() : () -> ()
          } else {
          }
          %and3A_409 = arith.constant true
          %and3A_410 = arith.andi %and3A_405, %and3A_409 : i1
          %add3A_411 = arith.constant 1 : i32
          %add3A_412 = arith.addi %while3A_216, %add3A_411 : i32
          %select_n3A_413 = arith.select %and3A_410, %add3A_412, %while3A_216 : i32
          %ne3A_414 = arith.cmpi ne, %add3A_228, %add3A_264 : i32
          %ne3A_415 = arith.cmpi ne, %add3A_230, %add3A_266 : i32
          %or3A_416 = arith.constant false
          %or3A_417 = arith.ori %or3A_416, %ne3A_414 : i1
          %or3A_418 = arith.ori %or3A_417, %ne3A_415 : i1
          %or3A_419 = arith.ori %or3A_418, %eq3A_227 : i1
          %add3A_420 = arith.constant 1 : i32
          %add3A_421 = arith.addi %while3A_214, %add3A_420 : i32
          %select_n3A_422 = arith.select %or3A_419, %add3A_421, %while3A_214 : i32
          %add3A_423 = arith.constant 1 : i32
          %add3A_424 = arith.addi %while3A_218, %add3A_423 : i32
          %select_n3A_425 = arith.constant true
          %select_n3A_426 = arith.select %select_n3A_425, %add3A_424, %while3A_218 : i32
          %eq3A_427 = arith.constant 16 : i32
          %eq3A_428 = arith.cmpi eq, %select_n3A_426, %eq3A_427 : i32
          %select_n3A_429 = arith.constant 0 : i32
          %select_n3A_430 = arith.select %eq3A_428, %select_n3A_429, %select_n3A_426 : i32
          %add3A_431 = arith.constant 1 : i32
          %add3A_432 = arith.addi %while3A_217, %add3A_431 : i32
          %select_n3A_433 = arith.select %eq3A_428, %add3A_432, %while3A_217 : i32
          %eq3A_434 = arith.cmpi eq, %select_n3A_433, %select_n3A : i32
          %select_n3A_435 = arith.constant 0 : i32
          %select_n3A_436 = arith.select %eq3A_434, %select_n3A_435, %select_n3A_433 : i32
          scf.yield %select_n3A_299, %select_n3A_422, %select_n3A_378, %select_n3A_413, %select_n3A_436, %select_n3A_430 : i32, i32, i32, i32, i32, i32
        }
        %while3A_121 = arith.constant 1 : i32
        %while3A_122:6 = scf.for %while3A_212 = %while3A_118 to %while3A_114 step %while3A_121 iter_args(%while3A_213 = %while3A_120#0, %while3A_214 = %while3A_120#1, %while3A_215 = %while3A_120#2, %while3A_216 = %while3A_120#3, %while3A_217 = %while3A_120#4, %while3A_218 = %while3A_120#5) -> (i32, i32, i32, i32, i32, i32)  : i32 {
          %mul3A_219 = arith.constant 1 : i32
          %mul3A_220 = arith.muli %mul3A_219, %select_n3A : i32
          %mul3A_221 = arith.constant 16 : i32
          %mul3A_222 = arith.muli %mul3A_220, %mul3A_221 : i32
          %eq3A_223 = arith.constant 0 : i32
          %eq3A_224 = arith.cmpi eq, %while3A_212, %eq3A_223 : i32
          %sub3A_225 = arith.constant 1 : i32
          %sub3A_226 = arith.subi %mul3A_222, %sub3A_225 : i32
          %eq3A_227 = arith.cmpi eq, %while3A_212, %sub3A_226 : i32
          %add3A_228 = arith.addi %while3A_217, %select_n3A_14 : i32
          %add3A_229 = arith.constant 0 : i32
          %add3A_230 = arith.addi %while3A_218, %add3A_229 : i32
          %sub3A_231 = arith.constant 1 : i32
          %sub3A_232 = arith.subi %while3A_218, %sub3A_231 : i32
          %select_n3A_233 = arith.constant true
          %select_n3A_234 = arith.select %select_n3A_233, %sub3A_232, %while3A_218 : i32
          %eq3A_235 = arith.constant -1 : i32
          %eq3A_236 = arith.cmpi eq, %select_n3A_234, %eq3A_235 : i32
          %select_n3A_237 = arith.constant 15 : i32
          %select_n3A_238 = arith.select %eq3A_236, %select_n3A_237, %select_n3A_234 : i32
          %sub3A_239 = arith.constant 1 : i32
          %sub3A_240 = arith.subi %while3A_217, %sub3A_239 : i32
          %select_n3A_241 = arith.select %eq3A_236, %sub3A_240, %while3A_217 : i32
          %eq3A_242 = arith.constant -1 : i32
          %eq3A_243 = arith.cmpi eq, %select_n3A_241, %eq3A_242 : i32
          %sub3A_244 = arith.constant 1 : i32
          %sub3A_245 = arith.subi %select_n3A, %sub3A_244 : i32
          %select_n3A_246 = arith.select %eq3A_243, %sub3A_245, %select_n3A_241 : i32
          %add3A_247 = arith.addi %select_n3A_246, %select_n3A_14 : i32
          %add3A_248 = arith.constant 0 : i32
          %add3A_249 = arith.addi %select_n3A_238, %add3A_248 : i32
          %add3A_250 = arith.constant 1 : i32
          %add3A_251 = arith.addi %while3A_218, %add3A_250 : i32
          %select_n3A_252 = arith.constant true
          %select_n3A_253 = arith.select %select_n3A_252, %add3A_251, %while3A_218 : i32
          %eq3A_254 = arith.constant 16 : i32
          %eq3A_255 = arith.cmpi eq, %select_n3A_253, %eq3A_254 : i32
          %select_n3A_256 = arith.constant 0 : i32
          %select_n3A_257 = arith.select %eq3A_255, %select_n3A_256, %select_n3A_253 : i32
          %add3A_258 = arith.constant 1 : i32
          %add3A_259 = arith.addi %while3A_217, %add3A_258 : i32
          %select_n3A_260 = arith.select %eq3A_255, %add3A_259, %while3A_217 : i32
          %eq3A_261 = arith.cmpi eq, %select_n3A_260, %select_n3A : i32
          %select_n3A_262 = arith.constant 0 : i32
          %select_n3A_263 = arith.select %eq3A_261, %select_n3A_262, %select_n3A_260 : i32
          %add3A_264 = arith.addi %select_n3A_263, %select_n3A_14 : i32
          %add3A_265 = arith.constant 0 : i32
          %add3A_266 = arith.addi %select_n3A_257, %add3A_265 : i32
          %add3A_267 = arith.constant 1 : i32
          %add3A_268 = arith.addi %select_n3A_257, %add3A_267 : i32
          %select_n3A_269 = arith.constant true
          %select_n3A_270 = arith.select %select_n3A_269, %add3A_268, %select_n3A_257 : i32
          %eq3A_271 = arith.constant 16 : i32
          %eq3A_272 = arith.cmpi eq, %select_n3A_270, %eq3A_271 : i32
          %select_n3A_273 = arith.constant 0 : i32
          %select_n3A_274 = arith.select %eq3A_272, %select_n3A_273, %select_n3A_270 : i32
          %add3A_275 = arith.constant 1 : i32
          %add3A_276 = arith.addi %select_n3A_263, %add3A_275 : i32
          %select_n3A_277 = arith.select %eq3A_272, %add3A_276, %select_n3A_263 : i32
          %eq3A_278 = arith.cmpi eq, %select_n3A_277, %select_n3A : i32
          %select_n3A_279 = arith.constant 0 : i32
          %select_n3A_280 = arith.select %eq3A_278, %select_n3A_279, %select_n3A_277 : i32
          %add3A_281 = arith.addi %select_n3A_280, %select_n3A_14 : i32
          %add3A_282 = arith.constant 0 : i32
          %add3A_283 = arith.addi %select_n3A_274, %add3A_282 : i32
          %ne3A = arith.cmpi ne, %add3A_228, %add3A_264 : i32
          %ne3A_284 = arith.cmpi ne, %add3A_230, %add3A_266 : i32
          %or3A = arith.constant false
          %or3A_285 = arith.ori %or3A, %ne3A : i1
          %or3A_286 = arith.ori %or3A_285, %ne3A_284 : i1
          %sub3A_287 = arith.constant 2 : i32
          %sub3A_288 = arith.subi %mul3A_222, %sub3A_287 : i32
          %add3A_289 = arith.constant 1 : i32
          %add3A_290 = arith.addi %sub3A_288, %add3A_289 : i32
          %ge3A = arith.cmpi sge, %while3A_212, %add3A_290 : i32
          %not3A = arith.constant true
          %not3A_291 = arith.xori %ge3A, %not3A : i1
          %and3A = arith.andi %or3A_286, %not3A_291 : i1
          %convert_element_type3A_292 = arith.extui %and3A : i1 to i32
          %cond3A_293 = arith.constant 0 : i32
          %cond3A_294 = arith.cmpi ne, %convert_element_type3A_292, %cond3A_293 : i32
          scf.if %cond3A_294 {
            "tpu.trace_start"() <{level = 10 : i32, message = "ep_copy_in"}> : () -> ()
            %rem3A_437 = arith.constant 2 : i32
            %rem3A_438 = arith.remui %while3A_213, %rem3A_437 : i32
            %mul3A_439 = arith.constant 1 : i32
            %mul3A_440 = arith.muli %mul3A_439, %add3A_264 : i32
            %mul3A_441 = arith.constant 128 : i32
            %mul3A_442 = arith.muli %mul3A_441, %add3A_266 : i32
            %dma_start3A_443 = arith.constant 0 : i32
            %dma_start3A_444 = arith.constant 0 : i32
            %dma_start3A_445 = tpu.memref_slice %run_scoped3A[%rem3A_438, %dma_start3A_443, %dma_start3A_444] : memref<2x1x128xi32, #tpu.memory_space<vmem>> -> memref<1x1x128xi32, #tpu.memory_space<vmem>>
            %dma_start3A_446 = tpu.memref_squeeze %dma_start3A_445 : memref<1x1x128xi32, #tpu.memory_space<vmem>> -> memref<1x128xi32, #tpu.memory_space<vmem>>
            %dma_start3A_447 = tpu.memref_slice %arg3[%mul3A_440, %mul3A_442] : memref<16x2048xi32, #tpu.memory_space<hbm>> -> memref<1x128xi32, #tpu.memory_space<hbm>>
            %dma_start3A_448 = tpu.memref_slice %run_scoped3A_19[%rem3A_438] : memref<2x!tpu.dma_semaphore, #tpu.memory_space<semaphore_mem>> -> memref<1x!tpu.dma_semaphore, #tpu.memory_space<semaphore_mem>>
            %dma_start3A_449 = tpu.memref_squeeze %dma_start3A_448 : memref<1x!tpu.dma_semaphore, #tpu.memory_space<semaphore_mem>> -> memref<!tpu.dma_semaphore, #tpu.memory_space<semaphore_mem>>
            %dma_start3A_450 = arith.constant 0 : i32
            %dma_start3A_451 = arith.constant 0 : i32
            %dma_start3A_452 = tpu.memref_slice %run_scoped3A[%rem3A_438, %dma_start3A_450, %dma_start3A_451] : memref<2x1x128xi32, #tpu.memory_space<vmem>> -> memref<1x1x128xi32, #tpu.memory_space<vmem>>
            %dma_start3A_453 = tpu.memref_squeeze %dma_start3A_452 : memref<1x1x128xi32, #tpu.memory_space<vmem>> -> memref<1x128xi32, #tpu.memory_space<vmem>>
            %dma_start3A_454 = tpu.memref_slice %arg3[%mul3A_440, %mul3A_442] : memref<16x2048xi32, #tpu.memory_space<hbm>> -> memref<1x128xi32, #tpu.memory_space<hbm>>
            tpu.enqueue_dma source(%dma_start3A_454 : memref<1x128xi32, #tpu.memory_space<hbm>>) target(%dma_start3A_453 : memref<1x128xi32, #tpu.memory_space<vmem>>) target_semaphore(%dma_start3A_449 : memref<!tpu.dma_semaphore, #tpu.memory_space<semaphore_mem>>)
            "tpu.trace_stop"() : () -> ()
          } else {
          }
          %and3A_295 = arith.constant true
          %and3A_296 = arith.andi %and3A, %and3A_295 : i1
          %add3A_297 = arith.constant 1 : i32
          %add3A_298 = arith.addi %while3A_213, %add3A_297 : i32
          %select_n3A_299 = arith.select %and3A_296, %add3A_298, %while3A_213 : i32
          %mul3A_300 = arith.constant 16 : i32
          %mul3A_301 = arith.muli %add3A_228, %mul3A_300 : i32
          %add3A_302 = arith.addi %mul3A_301, %add3A_230 : i32
          %mul3A_303 = arith.constant 16 : i32
          %mul3A_304 = arith.muli %add3A_264, %mul3A_303 : i32
          %add3A_305 = arith.addi %mul3A_304, %add3A_266 : i32
          %ne3A_306 = arith.cmpi ne, %add3A_302, %add3A_305 : i32
          %or3A_307 = arith.constant false
          %or3A_308 = arith.ori %or3A_307, %ne3A_306 : i1
          %or3A_309 = arith.constant false
          %or3A_310 = arith.ori %or3A_308, %or3A_309 : i1
          %sub3A_311 = arith.constant 2 : i32
          %sub3A_312 = arith.subi %mul3A_222, %sub3A_311 : i32
          %add3A_313 = arith.constant 1 : i32
          %add3A_314 = arith.addi %sub3A_312, %add3A_313 : i32
          %ge3A_315 = arith.cmpi sge, %while3A_212, %add3A_314 : i32
          %not3A_316 = arith.constant true
          %not3A_317 = arith.xori %ge3A_315, %not3A_316 : i1
          %and3A_318 = arith.andi %or3A_310, %not3A_317 : i1
          %ne3A_319 = arith.cmpi ne, %add3A_228, %add3A_247 : i32
          %ne3A_320 = arith.cmpi ne, %add3A_230, %add3A_249 : i32
          %or3A_321 = arith.constant false
          %or3A_322 = arith.ori %or3A_321, %ne3A_319 : i1
          %or3A_323 = arith.ori %or3A_322, %ne3A_320 : i1
          %or3A_324 = arith.ori %or3A_323, %eq3A_224 : i1
          %convert_element_type3A_325 = arith.extui %or3A_324 : i1 to i32
          %cond3A_326 = arith.constant 0 : i32
          %cond3A_327 = arith.cmpi ne, %convert_element_type3A_325, %cond3A_326 : i32
          scf.if %cond3A_327 {
            "tpu.trace_start"() <{level = 10 : i32, message = "ep_wait_in"}> : () -> ()
            %mul3A_437 = arith.constant 1 : i32
            %mul3A_438 = arith.muli %mul3A_437, %add3A_228 : i32
            %mul3A_439 = arith.constant 128 : i32
            %mul3A_440 = arith.muli %mul3A_439, %add3A_230 : i32
            %rem3A_441 = arith.constant 2 : i32
            %rem3A_442 = arith.remui %while3A_214, %rem3A_441 : i32
            %dma_wait3A = arith.constant 0 : i32
            %dma_wait3A_443 = arith.constant 0 : i32
            %dma_wait3A_444 = tpu.memref_slice %run_scoped3A[%rem3A_442, %dma_wait3A, %dma_wait3A_443] : memref<2x1x128xi32, #tpu.memory_space<vmem>> -> memref<1x1x128xi32, #tpu.memory_space<vmem>>
            %dma_wait3A_445 = tpu.memref_squeeze %dma_wait3A_444 : memref<1x1x128xi32, #tpu.memory_space<vmem>> -> memref<1x128xi32, #tpu.memory_space<vmem>>
            %dma_wait3A_446 = tpu.memref_slice %arg3[%mul3A_438, %mul3A_440] : memref<16x2048xi32, #tpu.memory_space<hbm>> -> memref<1x128xi32, #tpu.memory_space<hbm>>
            %dma_wait3A_447 = tpu.memref_slice %run_scoped3A_19[%rem3A_442] : memref<2x!tpu.dma_semaphore, #tpu.memory_space<semaphore_mem>> -> memref<1x!tpu.dma_semaphore, #tpu.memory_space<semaphore_mem>>
            %dma_wait3A_448 = tpu.memref_squeeze %dma_wait3A_447 : memref<1x!tpu.dma_semaphore, #tpu.memory_space<semaphore_mem>> -> memref<!tpu.dma_semaphore, #tpu.memory_space<semaphore_mem>>
            %dma_wait3A_449 = arith.constant 0 : i32
            %dma_wait3A_450 = arith.constant 0 : i32
            %dma_wait3A_451 = tpu.memref_slice %run_scoped3A[%rem3A_442, %dma_wait3A_449, %dma_wait3A_450] : memref<2x1x128xi32, #tpu.memory_space<vmem>> -> memref<1x1x128xi32, #tpu.memory_space<vmem>>
            %dma_wait3A_452 = tpu.memref_squeeze %dma_wait3A_451 : memref<1x1x128xi32, #tpu.memory_space<vmem>> -> memref<1x128xi32, #tpu.memory_space<vmem>>
            %dma_wait3A_453 = tpu.memref_slice %arg3[%mul3A_438, %mul3A_440] : memref<16x2048xi32, #tpu.memory_space<hbm>> -> memref<1x128xi32, #tpu.memory_space<hbm>>
            tpu.wait_dma2 semaphore(%dma_wait3A_448 : memref<!tpu.dma_semaphore, #tpu.memory_space<semaphore_mem>>) src(%dma_wait3A_453 : memref<1x128xi32, #tpu.memory_space<hbm>>) dst(%dma_wait3A_452 : memref<1x128xi32, #tpu.memory_space<vmem>>)
            "tpu.trace_stop"() : () -> ()
          } else {
          }
          %mul3A_328 = arith.constant 16 : i32
          %mul3A_329 = arith.muli %add3A_228, %mul3A_328 : i32
          %add3A_330 = arith.addi %mul3A_329, %add3A_230 : i32
          %mul3A_331 = arith.constant 16 : i32
          %mul3A_332 = arith.muli %add3A_247, %mul3A_331 : i32
          %add3A_333 = arith.addi %mul3A_332, %add3A_249 : i32
          %ne3A_334 = arith.cmpi ne, %add3A_330, %add3A_333 : i32
          %or3A_335 = arith.constant false
          %or3A_336 = arith.ori %or3A_335, %ne3A_334 : i1
          %or3A_337 = arith.constant false
          %or3A_338 = arith.ori %or3A_336, %or3A_337 : i1
          %or3A_339 = arith.ori %or3A_338, %eq3A_224 : i1
          %convert_element_type3A_340 = arith.extui %or3A_339 : i1 to i32
          %cond3A_341 = arith.constant 0 : i32
          %cond3A_342 = arith.cmpi ne, %convert_element_type3A_340, %cond3A_341 : i32
          scf.if %cond3A_342 {
          } else {
          }
          %rem3A_343 = arith.constant 2 : i32
          %rem3A_344 = arith.remui %while3A_214, %rem3A_343 : i32
          %rem3A_345 = arith.constant 2 : i32
          %rem3A_346 = arith.remui %while3A_215, %rem3A_345 : i32
          %run_scoped3A_347 = arith.constant 0 : i32
          "tpu.trace_start"() <{level = 10 : i32, message = "ep_run_kernel"}> : () -> ()
          "tpu.region"() ({
            %run_scoped3A_437 = tpu.sem_alloc : memref<!tpu.dma_semaphore, #tpu.memory_space<semaphore_mem>>
            %dma_start3A_438 = arith.constant 0 : i32
            %dma_start3A_439 = arith.constant 0 : i32
            %dma_start3A_440 = tpu.memref_slice %run_scoped3A_20[%rem3A_346, %dma_start3A_438, %dma_start3A_439] : memref<2x128x128xi32, #tpu.memory_space<vmem>> -> memref<1x128x128xi32, #tpu.memory_space<vmem>>
            %dma_start3A_441 = tpu.memref_squeeze %dma_start3A_440 : memref<1x128x128xi32, #tpu.memory_space<vmem>> -> memref<128x128xi32, #tpu.memory_space<vmem>>
            %dma_start3A_442 = arith.constant 0 : i32
            %dma_start3A_443 = arith.constant 0 : i32
            %dma_start3A_444 = tpu.memref_slice %run_scoped3A[%rem3A_344, %dma_start3A_442, %dma_start3A_443] : memref<2x1x128xi32, #tpu.memory_space<vmem>> -> memref<1x1x128xi32, #tpu.memory_space<vmem>>
            %dma_start3A_445 = tpu.memref_squeeze %dma_start3A_444 : memref<1x1x128xi32, #tpu.memory_space<vmem>> -> memref<1x128xi32, #tpu.memory_space<vmem>>
            %dma_start3A_446 = arith.constant 0 : i32
            %dma_start3A_447 = tpu.memref_slice %dma_start3A_445[%run_scoped3A_347, %dma_start3A_446] : memref<1x128xi32, #tpu.memory_space<vmem>> -> memref<1x128xi32, #tpu.memory_space<vmem>>
            %dma_start3A_448 = tpu.memref_squeeze %dma_start3A_447 : memref<1x128xi32, #tpu.memory_space<vmem>> -> memref<128xi32, #tpu.memory_space<vmem>>
            %dma_start3A_449 = arith.constant 0 : i32
            %dma_start3A_450 = arith.constant 0 : i32
            %dma_start3A_451 = tpu.memref_slice %arg2[%dma_start3A_449, %dma_start3A_450] : memref<2048x128xi32, #tpu.memory_space<hbm>> -> memref<2048x128xi32, #tpu.memory_space<hbm>>
            tpu.enqueue_indirect_dma source(%dma_start3A_451 : memref<2048x128xi32, #tpu.memory_space<hbm>>) target(%dma_start3A_441 : memref<128x128xi32, #tpu.memory_space<vmem>>) offsets(%dma_start3A_448 : memref<128xi32, #tpu.memory_space<vmem>>) semaphore(%run_scoped3A_437 : memref<!tpu.dma_semaphore, #tpu.memory_space<semaphore_mem>>)
            %dma_wait3A = arith.constant 0 : i32
            %dma_wait3A_452 = arith.constant 0 : i32
            %dma_wait3A_453 = tpu.memref_slice %run_scoped3A_20[%rem3A_346, %dma_wait3A, %dma_wait3A_452] : memref<2x128x128xi32, #tpu.memory_space<vmem>> -> memref<1x128x128xi32, #tpu.memory_space<vmem>>
            %dma_wait3A_454 = tpu.memref_squeeze %dma_wait3A_453 : memref<1x128x128xi32, #tpu.memory_space<vmem>> -> memref<128x128xi32, #tpu.memory_space<vmem>>
            %dma_wait3A_455 = arith.constant 0 : i32
            %dma_wait3A_456 = arith.constant 0 : i32
            %dma_wait3A_457 = tpu.memref_slice %run_scoped3A[%rem3A_344, %dma_wait3A_455, %dma_wait3A_456] : memref<2x1x128xi32, #tpu.memory_space<vmem>> -> memref<1x1x128xi32, #tpu.memory_space<vmem>>
            %dma_wait3A_458 = tpu.memref_squeeze %dma_wait3A_457 : memref<1x1x128xi32, #tpu.memory_space<vmem>> -> memref<1x128xi32, #tpu.memory_space<vmem>>
            %dma_wait3A_459 = arith.constant 0 : i32
            %dma_wait3A_460 = tpu.memref_slice %dma_wait3A_458[%run_scoped3A_347, %dma_wait3A_459] : memref<1x128xi32, #tpu.memory_space<vmem>> -> memref<1x128xi32, #tpu.memory_space<vmem>>
            %dma_wait3A_461 = tpu.memref_squeeze %dma_wait3A_460 : memref<1x128xi32, #tpu.memory_space<vmem>> -> memref<128xi32, #tpu.memory_space<vmem>>
            %dma_wait3A_462 = arith.constant 0 : i32
            %dma_wait3A_463 = arith.constant 0 : i32
            %dma_wait3A_464 = tpu.memref_slice %arg2[%dma_wait3A_462, %dma_wait3A_463] : memref<2048x128xi32, #tpu.memory_space<hbm>> -> memref<2048x128xi32, #tpu.memory_space<hbm>>
            tpu.wait_indirect_dma semaphore(%run_scoped3A_437 : memref<!tpu.dma_semaphore, #tpu.memory_space<semaphore_mem>>) src(%dma_wait3A_464 : memref<2048x128xi32, #tpu.memory_space<hbm>>) dst(%dma_wait3A_454 : memref<128x128xi32, #tpu.memory_space<vmem>>)
            tpu.yield
          }) : () -> ()
          "tpu.trace_stop"() : () -> ()
          %ne3A_348 = arith.cmpi ne, %add3A_228, %add3A_264 : i32
          %ne3A_349 = arith.cmpi ne, %add3A_230, %add3A_266 : i32
          %or3A_350 = arith.constant false
          %or3A_351 = arith.ori %or3A_350, %ne3A_348 : i1
          %or3A_352 = arith.ori %or3A_351, %ne3A_349 : i1
          %or3A_353 = arith.ori %or3A_352, %eq3A_227 : i1
          %convert_element_type3A_354 = arith.extui %or3A_353 : i1 to i32
          %cond3A_355 = arith.constant 0 : i32
          %cond3A_356 = arith.cmpi ne, %convert_element_type3A_354, %cond3A_355 : i32
          scf.if %cond3A_356 {
          } else {
          }
          %and3A_357 = arith.constant false
          %and3A_358 = arith.andi %or3A_353, %and3A_357 : i1
          %mul3A_359 = arith.constant 16 : i32
          %mul3A_360 = arith.muli %add3A_228, %mul3A_359 : i32
          %add3A_361 = arith.addi %mul3A_360, %add3A_230 : i32
          %mul3A_362 = arith.constant 16 : i32
          %mul3A_363 = arith.muli %add3A_264, %mul3A_362 : i32
          %add3A_364 = arith.addi %mul3A_363, %add3A_266 : i32
          %ne3A_365 = arith.cmpi ne, %add3A_361, %add3A_364 : i32
          %or3A_366 = arith.constant false
          %or3A_367 = arith.ori %or3A_366, %ne3A_365 : i1
          %or3A_368 = arith.constant false
          %or3A_369 = arith.ori %or3A_367, %or3A_368 : i1
          %or3A_370 = arith.ori %or3A_369, %eq3A_227 : i1
          %convert_element_type3A_371 = arith.extui %or3A_370 : i1 to i32
          %cond3A_372 = arith.constant 0 : i32
          %cond3A_373 = arith.cmpi ne, %convert_element_type3A_371, %cond3A_372 : i32
          scf.if %cond3A_373 {
            "tpu.trace_start"() <{level = 10 : i32, message = "ep_copy_out"}> : () -> ()
            %rem3A_437 = arith.constant 2 : i32
            %rem3A_438 = arith.remui %while3A_215, %rem3A_437 : i32
            %mul3A_439 = arith.constant 16 : i32
            %mul3A_440 = arith.muli %add3A_228, %mul3A_439 : i32
            %add3A_441 = arith.addi %mul3A_440, %add3A_230 : i32
            %mul3A_442 = arith.constant 128 : i32
            %mul3A_443 = arith.muli %mul3A_442, %add3A_441 : i32
            %dma_start3A_444 = arith.constant 0 : i32
            %dma_start3A_445 = arith.constant 0 : i32
            %dma_start3A_446 = tpu.memref_slice %run_scoped3A_20[%rem3A_438, %dma_start3A_444, %dma_start3A_445] : memref<2x128x128xi32, #tpu.memory_space<vmem>> -> memref<1x128x128xi32, #tpu.memory_space<vmem>>
            %dma_start3A_447 = tpu.memref_squeeze %dma_start3A_446 : memref<1x128x128xi32, #tpu.memory_space<vmem>> -> memref<128x128xi32, #tpu.memory_space<vmem>>
            %dma_start3A_448 = arith.constant 0 : i32
            %dma_start3A_449 = tpu.memref_slice %arg4[%mul3A_443, %dma_start3A_448] : memref<32768x128xi32, #tpu.memory_space<hbm>> -> memref<128x128xi32, #tpu.memory_space<hbm>>
            %dma_start3A_450 = tpu.memref_slice %run_scoped3A_21[%rem3A_438] : memref<2x!tpu.dma_semaphore, #tpu.memory_space<semaphore_mem>> -> memref<1x!tpu.dma_semaphore, #tpu.memory_space<semaphore_mem>>
            %dma_start3A_451 = tpu.memref_squeeze %dma_start3A_450 : memref<1x!tpu.dma_semaphore, #tpu.memory_space<semaphore_mem>> -> memref<!tpu.dma_semaphore, #tpu.memory_space<semaphore_mem>>
            %dma_start3A_452 = arith.constant 0 : i32
            %dma_start3A_453 = tpu.memref_slice %arg4[%mul3A_443, %dma_start3A_452] : memref<32768x128xi32, #tpu.memory_space<hbm>> -> memref<128x128xi32, #tpu.memory_space<hbm>>
            %dma_start3A_454 = arith.constant 0 : i32
            %dma_start3A_455 = arith.constant 0 : i32
            %dma_start3A_456 = tpu.memref_slice %run_scoped3A_20[%rem3A_438, %dma_start3A_454, %dma_start3A_455] : memref<2x128x128xi32, #tpu.memory_space<vmem>> -> memref<1x128x128xi32, #tpu.memory_space<vmem>>
            %dma_start3A_457 = tpu.memref_squeeze %dma_start3A_456 : memref<1x128x128xi32, #tpu.memory_space<vmem>> -> memref<128x128xi32, #tpu.memory_space<vmem>>
            tpu.enqueue_dma source(%dma_start3A_457 : memref<128x128xi32, #tpu.memory_space<vmem>>) target(%dma_start3A_453 : memref<128x128xi32, #tpu.memory_space<hbm>>) target_semaphore(%dma_start3A_451 : memref<!tpu.dma_semaphore, #tpu.memory_space<semaphore_mem>>)
            "tpu.trace_stop"() : () -> ()
          } else {
          }
          %and3A_374 = arith.constant true
          %and3A_375 = arith.andi %or3A_370, %and3A_374 : i1
          %add3A_376 = arith.constant 1 : i32
          %add3A_377 = arith.addi %while3A_215, %add3A_376 : i32
          %select_n3A_378 = arith.select %and3A_375, %add3A_377, %while3A_215 : i32
          %ne3A_379 = arith.cmpi ne, %add3A_228, %add3A_247 : i32
          %ne3A_380 = arith.cmpi ne, %add3A_230, %add3A_249 : i32
          %or3A_381 = arith.constant false
          %or3A_382 = arith.ori %or3A_381, %ne3A_379 : i1
          %or3A_383 = arith.ori %or3A_382, %ne3A_380 : i1
          %not3A_384 = arith.constant true
          %not3A_385 = arith.xori %eq3A_224, %not3A_384 : i1
          %and3A_386 = arith.andi %or3A_383, %not3A_385 : i1
          %convert_element_type3A_387 = arith.extui %and3A_386 : i1 to i32
          %cond3A_388 = arith.constant 0 : i32
          %cond3A_389 = arith.cmpi ne, %convert_element_type3A_387, %cond3A_388 : i32
          scf.if %cond3A_389 {
          } else {
          }
          %and3A_390 = arith.constant false
          %and3A_391 = arith.andi %and3A_386, %and3A_390 : i1
          %mul3A_392 = arith.constant 16 : i32
          %mul3A_393 = arith.muli %add3A_228, %mul3A_392 : i32
          %add3A_394 = arith.addi %mul3A_393, %add3A_230 : i32
          %mul3A_395 = arith.constant 16 : i32
          %mul3A_396 = arith.muli %add3A_247, %mul3A_395 : i32
          %add3A_397 = arith.addi %mul3A_396, %add3A_249 : i32
          %ne3A_398 = arith.cmpi ne, %add3A_394, %add3A_397 : i32
          %or3A_399 = arith.constant false
          %or3A_400 = arith.ori %or3A_399, %ne3A_398 : i1
          %or3A_401 = arith.constant false
          %or3A_402 = arith.ori %or3A_400, %or3A_401 : i1
          %not3A_403 = arith.constant true
          %not3A_404 = arith.xori %eq3A_224, %not3A_403 : i1
          %and3A_405 = arith.andi %or3A_402, %not3A_404 : i1
          %convert_element_type3A_406 = arith.extui %and3A_405 : i1 to i32
          %cond3A_407 = arith.constant 0 : i32
          %cond3A_408 = arith.cmpi ne, %convert_element_type3A_406, %cond3A_407 : i32
          scf.if %cond3A_408 {
            "tpu.trace_start"() <{level = 10 : i32, message = "ep_wait_out"}> : () -> ()
            %rem3A_437 = arith.constant 2 : i32
            %rem3A_438 = arith.remui %while3A_216, %rem3A_437 : i32
            %mul3A_439 = arith.constant 16 : i32
            %mul3A_440 = arith.muli %add3A_247, %mul3A_439 : i32
            %add3A_441 = arith.addi %mul3A_440, %add3A_249 : i32
            %mul3A_442 = arith.constant 128 : i32
            %mul3A_443 = arith.muli %mul3A_442, %add3A_441 : i32
            %dma_wait3A = arith.constant 0 : i32
            %dma_wait3A_444 = arith.constant 0 : i32
            %dma_wait3A_445 = tpu.memref_slice %run_scoped3A_20[%rem3A_438, %dma_wait3A, %dma_wait3A_444] : memref<2x128x128xi32, #tpu.memory_space<vmem>> -> memref<1x128x128xi32, #tpu.memory_space<vmem>>
            %dma_wait3A_446 = tpu.memref_squeeze %dma_wait3A_445 : memref<1x128x128xi32, #tpu.memory_space<vmem>> -> memref<128x128xi32, #tpu.memory_space<vmem>>
            %dma_wait3A_447 = arith.constant 0 : i32
            %dma_wait3A_448 = tpu.memref_slice %arg4[%mul3A_443, %dma_wait3A_447] : memref<32768x128xi32, #tpu.memory_space<hbm>> -> memref<128x128xi32, #tpu.memory_space<hbm>>
            %dma_wait3A_449 = tpu.memref_slice %run_scoped3A_21[%rem3A_438] : memref<2x!tpu.dma_semaphore, #tpu.memory_space<semaphore_mem>> -> memref<1x!tpu.dma_semaphore, #tpu.memory_space<semaphore_mem>>
            %dma_wait3A_450 = tpu.memref_squeeze %dma_wait3A_449 : memref<1x!tpu.dma_semaphore, #tpu.memory_space<semaphore_mem>> -> memref<!tpu.dma_semaphore, #tpu.memory_space<semaphore_mem>>
            %dma_wait3A_451 = arith.constant 0 : i32
            %dma_wait3A_452 = tpu.memref_slice %arg4[%mul3A_443, %dma_wait3A_451] : memref<32768x128xi32, #tpu.memory_space<hbm>> -> memref<128x128xi32, #tpu.memory_space<hbm>>
            %dma_wait3A_453 = arith.constant 0 : i32
            %dma_wait3A_454 = arith.constant 0 : i32
            %dma_wait3A_455 = tpu.memref_slice %run_scoped3A_20[%rem3A_438, %dma_wait3A_453, %dma_wait3A_454] : memref<2x128x128xi32, #tpu.memory_space<vmem>> -> memref<1x128x128xi32, #tpu.memory_space<vmem>>
            %dma_wait3A_456 = tpu.memref_squeeze %dma_wait3A_455 : memref<1x128x128xi32, #tpu.memory_space<vmem>> -> memref<128x128xi32, #tpu.memory_space<vmem>>
            tpu.wait_dma2 semaphore(%dma_wait3A_450 : memref<!tpu.dma_semaphore, #tpu.memory_space<semaphore_mem>>) src(%dma_wait3A_456 : memref<128x128xi32, #tpu.memory_space<vmem>>) dst(%dma_wait3A_452 : memref<128x128xi32, #tpu.memory_space<hbm>>)
            "tpu.trace_stop"() : () -> ()
          } else {
          }
          %and3A_409 = arith.constant true
          %and3A_410 = arith.andi %and3A_405, %and3A_409 : i1
          %add3A_411 = arith.constant 1 : i32
          %add3A_412 = arith.addi %while3A_216, %add3A_411 : i32
          %select_n3A_413 = arith.select %and3A_410, %add3A_412, %while3A_216 : i32
          %ne3A_414 = arith.cmpi ne, %add3A_228, %add3A_264 : i32
          %ne3A_415 = arith.cmpi ne, %add3A_230, %add3A_266 : i32
          %or3A_416 = arith.constant false
          %or3A_417 = arith.ori %or3A_416, %ne3A_414 : i1
          %or3A_418 = arith.ori %or3A_417, %ne3A_415 : i1
          %or3A_419 = arith.ori %or3A_418, %eq3A_227 : i1
          %add3A_420 = arith.constant 1 : i32
          %add3A_421 = arith.addi %while3A_214, %add3A_420 : i32
          %select_n3A_422 = arith.select %or3A_419, %add3A_421, %while3A_214 : i32
          %add3A_423 = arith.constant 1 : i32
          %add3A_424 = arith.addi %while3A_218, %add3A_423 : i32
          %select_n3A_425 = arith.constant true
          %select_n3A_426 = arith.select %select_n3A_425, %add3A_424, %while3A_218 : i32
          %eq3A_427 = arith.constant 16 : i32
          %eq3A_428 = arith.cmpi eq, %select_n3A_426, %eq3A_427 : i32
          %select_n3A_429 = arith.constant 0 : i32
          %select_n3A_430 = arith.select %eq3A_428, %select_n3A_429, %select_n3A_426 : i32
          %add3A_431 = arith.constant 1 : i32
          %add3A_432 = arith.addi %while3A_217, %add3A_431 : i32
          %select_n3A_433 = arith.select %eq3A_428, %add3A_432, %while3A_217 : i32
          %eq3A_434 = arith.cmpi eq, %select_n3A_433, %select_n3A : i32
          %select_n3A_435 = arith.constant 0 : i32
          %select_n3A_436 = arith.select %eq3A_434, %select_n3A_435, %select_n3A_433 : i32
          scf.yield %select_n3A_299, %select_n3A_422, %select_n3A_378, %select_n3A_413, %select_n3A_436, %select_n3A_430 : i32, i32, i32, i32, i32, i32
        }
        %sub3A_123 = arith.constant 1 : i32
        %sub3A_124 = arith.subi %while3A_122#5, %sub3A_123 : i32
        %select_n3A_125 = arith.constant true
        %select_n3A_126 = arith.select %select_n3A_125, %sub3A_124, %while3A_122#5 : i32
        %eq3A_127 = arith.constant -1 : i32
        %eq3A_128 = arith.cmpi eq, %select_n3A_126, %eq3A_127 : i32
        %select_n3A_129 = arith.constant 15 : i32
        %select_n3A_130 = arith.select %eq3A_128, %select_n3A_129, %select_n3A_126 : i32
        %sub3A_131 = arith.constant 1 : i32
        %sub3A_132 = arith.subi %while3A_122#4, %sub3A_131 : i32
        %select_n3A_133 = arith.select %eq3A_128, %sub3A_132, %while3A_122#4 : i32
        %eq3A_134 = arith.constant -1 : i32
        %eq3A_135 = arith.cmpi eq, %select_n3A_133, %eq3A_134 : i32
        %sub3A_136 = arith.constant 1 : i32
        %sub3A_137 = arith.subi %select_n3A, %sub3A_136 : i32
        %select_n3A_138 = arith.select %eq3A_135, %sub3A_137, %select_n3A_133 : i32
        %sub3A_139 = arith.constant 1 : i32
        %sub3A_140 = arith.subi %mul3A_18, %sub3A_139 : i32
        %mul3A_141 = arith.constant 1 : i32
        %mul3A_142 = arith.muli %mul3A_141, %select_n3A : i32
        %mul3A_143 = arith.constant 16 : i32
        %mul3A_144 = arith.muli %mul3A_142, %mul3A_143 : i32
        %eq3A_145 = arith.constant 0 : i32
        %eq3A_146 = arith.cmpi eq, %sub3A_140, %eq3A_145 : i32
        %sub3A_147 = arith.constant 1 : i32
        %sub3A_148 = arith.subi %mul3A_144, %sub3A_147 : i32
        %eq3A_149 = arith.cmpi eq, %sub3A_140, %sub3A_148 : i32
        %add3A_150 = arith.addi %select_n3A_138, %select_n3A_14 : i32
        %add3A_151 = arith.constant 0 : i32
        %add3A_152 = arith.addi %select_n3A_130, %add3A_151 : i32
        %sub3A_153 = arith.constant 1 : i32
        %sub3A_154 = arith.subi %select_n3A_130, %sub3A_153 : i32
        %select_n3A_155 = arith.constant true
        %select_n3A_156 = arith.select %select_n3A_155, %sub3A_154, %select_n3A_130 : i32
        %eq3A_157 = arith.constant -1 : i32
        %eq3A_158 = arith.cmpi eq, %select_n3A_156, %eq3A_157 : i32
        %select_n3A_159 = arith.constant 15 : i32
        %select_n3A_160 = arith.select %eq3A_158, %select_n3A_159, %select_n3A_156 : i32
        %sub3A_161 = arith.constant 1 : i32
        %sub3A_162 = arith.subi %select_n3A_138, %sub3A_161 : i32
        %select_n3A_163 = arith.select %eq3A_158, %sub3A_162, %select_n3A_138 : i32
        %eq3A_164 = arith.constant -1 : i32
        %eq3A_165 = arith.cmpi eq, %select_n3A_163, %eq3A_164 : i32
        %sub3A_166 = arith.constant 1 : i32
        %sub3A_167 = arith.subi %select_n3A, %sub3A_166 : i32
        %select_n3A_168 = arith.select %eq3A_165, %sub3A_167, %select_n3A_163 : i32
        %add3A_169 = arith.addi %select_n3A_168, %select_n3A_14 : i32
        %add3A_170 = arith.constant 0 : i32
        %add3A_171 = arith.addi %select_n3A_160, %add3A_170 : i32
        %add3A_172 = arith.constant 1 : i32
        %add3A_173 = arith.addi %select_n3A_130, %add3A_172 : i32
        %select_n3A_174 = arith.constant true
        %select_n3A_175 = arith.select %select_n3A_174, %add3A_173, %select_n3A_130 : i32
        %eq3A_176 = arith.constant 16 : i32
        %eq3A_177 = arith.cmpi eq, %select_n3A_175, %eq3A_176 : i32
        %select_n3A_178 = arith.constant 0 : i32
        %select_n3A_179 = arith.select %eq3A_177, %select_n3A_178, %select_n3A_175 : i32
        %add3A_180 = arith.constant 1 : i32
        %add3A_181 = arith.addi %select_n3A_138, %add3A_180 : i32
        %select_n3A_182 = arith.select %eq3A_177, %add3A_181, %select_n3A_138 : i32
        %eq3A_183 = arith.cmpi eq, %select_n3A_182, %select_n3A : i32
        %select_n3A_184 = arith.constant 0 : i32
        %select_n3A_185 = arith.select %eq3A_183, %select_n3A_184, %select_n3A_182 : i32
        %add3A_186 = arith.addi %select_n3A_185, %select_n3A_14 : i32
        %add3A_187 = arith.constant 0 : i32
        %add3A_188 = arith.addi %select_n3A_179, %add3A_187 : i32
        %add3A_189 = arith.constant 1 : i32
        %add3A_190 = arith.addi %select_n3A_179, %add3A_189 : i32
        %select_n3A_191 = arith.constant true
        %select_n3A_192 = arith.select %select_n3A_191, %add3A_190, %select_n3A_179 : i32
        %eq3A_193 = arith.constant 16 : i32
        %eq3A_194 = arith.cmpi eq, %select_n3A_192, %eq3A_193 : i32
        %select_n3A_195 = arith.constant 0 : i32
        %select_n3A_196 = arith.select %eq3A_194, %select_n3A_195, %select_n3A_192 : i32
        %add3A_197 = arith.constant 1 : i32
        %add3A_198 = arith.addi %select_n3A_185, %add3A_197 : i32
        %select_n3A_199 = arith.select %eq3A_194, %add3A_198, %select_n3A_185 : i32
        %eq3A_200 = arith.cmpi eq, %select_n3A_199, %select_n3A : i32
        %select_n3A_201 = arith.constant 0 : i32
        %select_n3A_202 = arith.select %eq3A_200, %select_n3A_201, %select_n3A_199 : i32
        %add3A_203 = arith.addi %select_n3A_202, %select_n3A_14 : i32
        %add3A_204 = arith.constant 0 : i32
        %add3A_205 = arith.addi %select_n3A_196, %add3A_204 : i32
        %convert_element_type3A_206 = arith.extui %eq3A_149 : i1 to i32
        %cond3A_207 = arith.constant 0 : i32
        %cond3A_208 = arith.cmpi ne, %convert_element_type3A_206, %cond3A_207 : i32
        scf.if %cond3A_208 {
        } else {
        }
        %convert_element_type3A_209 = arith.extui %eq3A_149 : i1 to i32
        %cond3A_210 = arith.constant 0 : i32
        %cond3A_211 = arith.cmpi ne, %convert_element_type3A_209, %cond3A_210 : i32
        scf.if %cond3A_211 {
          "tpu.trace_start"() <{level = 10 : i32, message = "ep_finalize"}> : () -> ()
          %rem3A_212 = arith.constant 2 : i32
          %rem3A_213 = arith.remui %while3A_122#3, %rem3A_212 : i32
          %mul3A_214 = arith.constant 16 : i32
          %mul3A_215 = arith.muli %add3A_150, %mul3A_214 : i32
          %add3A_216 = arith.addi %mul3A_215, %add3A_152 : i32
          %mul3A_217 = arith.constant 128 : i32
          %mul3A_218 = arith.muli %mul3A_217, %add3A_216 : i32
          %dma_wait3A = arith.constant 0 : i32
          %dma_wait3A_219 = arith.constant 0 : i32
          %dma_wait3A_220 = tpu.memref_slice %run_scoped3A_20[%rem3A_213, %dma_wait3A, %dma_wait3A_219] : memref<2x128x128xi32, #tpu.memory_space<vmem>> -> memref<1x128x128xi32, #tpu.memory_space<vmem>>
          %dma_wait3A_221 = tpu.memref_squeeze %dma_wait3A_220 : memref<1x128x128xi32, #tpu.memory_space<vmem>> -> memref<128x128xi32, #tpu.memory_space<vmem>>
          %dma_wait3A_222 = arith.constant 0 : i32
          %dma_wait3A_223 = tpu.memref_slice %arg4[%mul3A_218, %dma_wait3A_222] : memref<32768x128xi32, #tpu.memory_space<hbm>> -> memref<128x128xi32, #tpu.memory_space<hbm>>
          %dma_wait3A_224 = tpu.memref_slice %run_scoped3A_21[%rem3A_213] : memref<2x!tpu.dma_semaphore, #tpu.memory_space<semaphore_mem>> -> memref<1x!tpu.dma_semaphore, #tpu.memory_space<semaphore_mem>>
          %dma_wait3A_225 = tpu.memref_squeeze %dma_wait3A_224 : memref<1x!tpu.dma_semaphore, #tpu.memory_space<semaphore_mem>> -> memref<!tpu.dma_semaphore, #tpu.memory_space<semaphore_mem>>
          %dma_wait3A_226 = arith.constant 0 : i32
          %dma_wait3A_227 = tpu.memref_slice %arg4[%mul3A_218, %dma_wait3A_226] : memref<32768x128xi32, #tpu.memory_space<hbm>> -> memref<128x128xi32, #tpu.memory_space<hbm>>
          %dma_wait3A_228 = arith.constant 0 : i32
          %dma_wait3A_229 = arith.constant 0 : i32
          %dma_wait3A_230 = tpu.memref_slice %run_scoped3A_20[%rem3A_213, %dma_wait3A_228, %dma_wait3A_229] : memref<2x128x128xi32, #tpu.memory_space<vmem>> -> memref<1x128x128xi32, #tpu.memory_space<vmem>>
          %dma_wait3A_231 = tpu.memref_squeeze %dma_wait3A_230 : memref<1x128x128xi32, #tpu.memory_space<vmem>> -> memref<128x128xi32, #tpu.memory_space<vmem>>
          tpu.wait_dma2 semaphore(%dma_wait3A_225 : memref<!tpu.dma_semaphore, #tpu.memory_space<semaphore_mem>>) src(%dma_wait3A_231 : memref<128x128xi32, #tpu.memory_space<vmem>>) dst(%dma_wait3A_227 : memref<128x128xi32, #tpu.memory_space<hbm>>)
          "tpu.trace_stop"() : () -> ()
        } else {
        }
      } else {
      }
      tpu.yield
    }) : () -> ()
    return
  }
}

#map = affine_map<(d0, d1) -> (0, 0)>
module attributes {stable_mosaic.version = 14 : i64} {
  func.func @gather_kernel(%arg0: i32, %arg1: i32, %arg2: memref<2048x128xi32, #tpu.memory_space<hbm>>, %arg3: memref<16x2048xi32, #tpu.memory_space<hbm>>, %arg4: memref<32768x128xi32, #tpu.memory_space<hbm>>) attributes {dimension_semantics = [#tpu.dimension_semantics<core_parallel>, #tpu.dimension_semantics<subcore_parallel>], iteration_bounds = array<i64: 2, 16>, scalar_prefetch = 0 : i64, scratch_operands = 0 : i64, tpu.core_type = #tpu.core_type<sc_vector_subcore>, window_params = [{transform_indices = #map}, {transform_indices = #map}, {transform_indices = #map}]} {
    %mul3A = arith.constant 1 : i32
    %mul3A_0 = arith.muli %arg1, %mul3A : i32
    %add3A = arith.constant 0 : i32
    %add3A_1 = arith.addi %add3A, %mul3A_0 : i32
    %mul3A_2 = arith.constant 16 : i32
    %mul3A_3 = arith.muli %arg0, %mul3A_2 : i32
    %add3A_4 = arith.addi %add3A_1, %mul3A_3 : i32
    %lt3A = arith.constant 16 : i32
    %lt3A_5 = arith.cmpi slt, %add3A_4, %lt3A : i32
    %jit3A = arith.constant 1 : i32
    %jit3A_6 = arith.constant 0 : i32
    %select_n3A = arith.select %lt3A_5, %jit3A, %jit3A_6 : i32
    %lt3A_7 = arith.constant 16 : i32
    %lt3A_8 = arith.cmpi slt, %add3A_4, %lt3A_7 : i32
    %mul3A_9 = arith.muli %add3A_4, %select_n3A : i32
    %mul3A_10 = arith.constant 0 : i32
    %mul3A_11 = arith.muli %add3A_4, %mul3A_10 : i32
    %add3A_12 = arith.constant 16 : i32
    %add3A_13 = arith.addi %mul3A_11, %add3A_12 : i32
    %select_n3A_14 = arith.select %lt3A_8, %mul3A_9, %add3A_13 : i32
    %mul3A_15 = arith.constant 1 : i32
    %mul3A_16 = arith.muli %mul3A_15, %select_n3A : i32
    %mul3A_17 = arith.constant 16 : i32
    %mul3A_18 = arith.muli %mul3A_16, %mul3A_17 : i32
    "tpu.region"() ({
      %run_scoped3A = memref.alloca() : memref<2x1x128xi32, #tpu.memory_space<vmem>>
      %run_scoped3A_19 = tpu.sem_alloc : memref<2x!tpu.dma_semaphore, #tpu.memory_space<semaphore_mem>>
      %run_scoped3A_20 = memref.alloca() : memref<2x128x128xi32, #tpu.memory_space<vmem>>
      %run_scoped3A_21 = tpu.sem_alloc : memref<2x!tpu.dma_semaphore, #tpu.memory_space<semaphore_mem>>
      %gt3A = arith.constant 0 : i32
      %gt3A_22 = arith.cmpi sgt, %mul3A_18, %gt3A : i32
      %convert_element_type3A = arith.extui %gt3A_22 : i1 to i32
      %cond3A = arith.constant 0 : i32
      %cond3A_23 = arith.cmpi ne, %convert_element_type3A, %cond3A : i32
      scf.if %cond3A_23 {
        %mul3A_24 = arith.constant 1 : i32
        %mul3A_25 = arith.muli %mul3A_24, %select_n3A : i32
        %mul3A_26 = arith.constant 16 : i32
        %mul3A_27 = arith.muli %mul3A_25, %mul3A_26 : i32
        %sub3A = arith.constant 1 : i32
        %sub3A_28 = arith.subi %mul3A_27, %sub3A : i32
        %eq3A = arith.constant 0 : i32
        %eq3A_29 = arith.cmpi eq, %sub3A_28, %eq3A : i32
        %add3A_30 = arith.constant 0 : i32
        %add3A_31 = arith.addi %add3A_30, %select_n3A_14 : i32
        %select_n3A_32 = arith.constant true
        %select_n3A_33 = arith.constant 0 : i32
        %select_n3A_34 = arith.constant -1 : i32
        %select_n3A_35 = arith.select %select_n3A_32, %select_n3A_34, %select_n3A_33 : i32
        %eq3A_36 = arith.constant -1 : i32
        %eq3A_37 = arith.cmpi eq, %select_n3A_35, %eq3A_36 : i32
        %select_n3A_38 = arith.constant 15 : i32
        %select_n3A_39 = arith.select %eq3A_37, %select_n3A_38, %select_n3A_35 : i32
        %select_n3A_40 = arith.constant 0 : i32
        %select_n3A_41 = arith.constant -1 : i32
        %select_n3A_42 = arith.select %eq3A_37, %select_n3A_41, %select_n3A_40 : i32
        %eq3A_43 = arith.constant -1 : i32
        %eq3A_44 = arith.cmpi eq, %select_n3A_42, %eq3A_43 : i32
        %sub3A_45 = arith.constant 1 : i32
        %sub3A_46 = arith.subi %select_n3A, %sub3A_45 : i32
        %select_n3A_47 = arith.select %eq3A_44, %sub3A_46, %select_n3A_42 : i32
        %add3A_48 = arith.addi %select_n3A_47, %select_n3A_14 : i32
        %add3A_49 = arith.constant 0 : i32
        %add3A_50 = arith.addi %select_n3A_39, %add3A_49 : i32
        %select_n3A_51 = arith.constant true
        %select_n3A_52 = arith.constant 0 : i32
        %select_n3A_53 = arith.constant 1 : i32
        %select_n3A_54 = arith.select %select_n3A_51, %select_n3A_53, %select_n3A_52 : i32
        %eq3A_55 = arith.constant 16 : i32
        %eq3A_56 = arith.cmpi eq, %select_n3A_54, %eq3A_55 : i32
        %select_n3A_57 = arith.constant 0 : i32
        %select_n3A_58 = arith.select %eq3A_56, %select_n3A_57, %select_n3A_54 : i32
        %select_n3A_59 = arith.constant 0 : i32
        %select_n3A_60 = arith.constant 1 : i32
        %select_n3A_61 = arith.select %eq3A_56, %select_n3A_60, %select_n3A_59 : i32
        %eq3A_62 = arith.cmpi eq, %select_n3A_61, %select_n3A : i32
        %select_n3A_63 = arith.constant 0 : i32
        %select_n3A_64 = arith.select %eq3A_62, %select_n3A_63, %select_n3A_61 : i32
        %add3A_65 = arith.addi %select_n3A_64, %select_n3A_14 : i32
        %add3A_66 = arith.constant 0 : i32
        %add3A_67 = arith.addi %select_n3A_58, %add3A_66 : i32
        %add3A_68 = arith.constant 1 : i32
        %add3A_69 = arith.addi %select_n3A_58, %add3A_68 : i32
        %select_n3A_70 = arith.constant true
        %select_n3A_71 = arith.select %select_n3A_70, %add3A_69, %select_n3A_58 : i32
        %eq3A_72 = arith.constant 16 : i32
        %eq3A_73 = arith.cmpi eq, %select_n3A_71, %eq3A_72 : i32
        %select_n3A_74 = arith.constant 0 : i32
        %select_n3A_75 = arith.select %eq3A_73, %select_n3A_74, %select_n3A_71 : i32
        %add3A_76 = arith.constant 1 : i32
        %add3A_77 = arith.addi %select_n3A_64, %add3A_76 : i32
        %select_n3A_78 = arith.select %eq3A_73, %add3A_77, %select_n3A_64 : i32
        %eq3A_79 = arith.cmpi eq, %select_n3A_78, %select_n3A : i32
        %select_n3A_80 = arith.constant 0 : i32
        %select_n3A_81 = arith.select %eq3A_79, %select_n3A_80, %select_n3A_78 : i32
        %add3A_82 = arith.addi %select_n3A_81, %select_n3A_14 : i32
        %add3A_83 = arith.constant 0 : i32
        %add3A_84 = arith.addi %select_n3A_75, %add3A_83 : i32
        "tpu.trace_start"() <{level = 10 : i32, message = "ep_initialize_0"}> : () -> ()
        %rem3A = arith.constant 0 : i32
        %rem3A_85 = arith.constant 2 : i32
        %rem3A_86 = arith.remui %rem3A, %rem3A_85 : i32
        %mul3A_87 = arith.constant 1 : i32
        %mul3A_88 = arith.muli %mul3A_87, %add3A_31 : i32
        %dma_start3A = arith.constant 0 : i32
        %dma_start3A_89 = arith.constant 0 : i32
        %dma_start3A_90 = tpu.memref_slice %run_scoped3A[%rem3A_86, %dma_start3A, %dma_start3A_89] : memref<2x1x128xi32, #tpu.memory_space<vmem>> -> memref<1x1x128xi32, #tpu.memory_space<vmem>>
        %dma_start3A_91 = tpu.memref_squeeze %dma_start3A_90 : memref<1x1x128xi32, #tpu.memory_space<vmem>> -> memref<1x128xi32, #tpu.memory_space<vmem>>
        %dma_start3A_92 = arith.constant 0 : i32
        %dma_start3A_93 = tpu.memref_slice %arg3[%mul3A_88, %dma_start3A_92] : memref<16x2048xi32, #tpu.memory_space<hbm>> -> memref<1x128xi32, #tpu.memory_space<hbm>>
        %dma_start3A_94 = tpu.memref_slice %run_scoped3A_19[%rem3A_86] : memref<2x!tpu.dma_semaphore, #tpu.memory_space<semaphore_mem>> -> memref<1x!tpu.dma_semaphore, #tpu.memory_space<semaphore_mem>>
        %dma_start3A_95 = tpu.memref_squeeze %dma_start3A_94 : memref<1x!tpu.dma_semaphore, #tpu.memory_space<semaphore_mem>> -> memref<!tpu.dma_semaphore, #tpu.memory_space<semaphore_mem>>
        %dma_start3A_96 = arith.constant 0 : i32
        %dma_start3A_97 = arith.constant 0 : i32
        %dma_start3A_98 = tpu.memref_slice %run_scoped3A[%rem3A_86, %dma_start3A_96, %dma_start3A_97] : memref<2x1x128xi32, #tpu.memory_space<vmem>> -> memref<1x1x128xi32, #tpu.memory_space<vmem>>
        %dma_start3A_99 = tpu.memref_squeeze %dma_start3A_98 : memref<1x1x128xi32, #tpu.memory_space<vmem>> -> memref<1x128xi32, #tpu.memory_space<vmem>>
        %dma_start3A_100 = arith.constant 0 : i32
        %dma_start3A_101 = tpu.memref_slice %arg3[%mul3A_88, %dma_start3A_100] : memref<16x2048xi32, #tpu.memory_space<hbm>> -> memref<1x128xi32, #tpu.memory_space<hbm>>
        tpu.enqueue_dma source(%dma_start3A_101 : memref<1x128xi32, #tpu.memory_space<hbm>>) target(%dma_start3A_99 : memref<1x128xi32, #tpu.memory_space<vmem>>) target_semaphore(%dma_start3A_95 : memref<!tpu.dma_semaphore, #tpu.memory_space<semaphore_mem>>)
        %add3A_102 = arith.constant 0 : i32
        %add3A_103 = arith.constant 1 : i32
        %add3A_104 = arith.addi %add3A_102, %add3A_103 : i32
        %select_n3A_105 = arith.constant true
        %select_n3A_106 = arith.constant 0 : i32
        %select_n3A_107 = arith.select %select_n3A_105, %add3A_104, %select_n3A_106 : i32
        %while3A = arith.constant 0 : i32
        %while3A_108 = arith.constant 0 : i32
        %while3A_109 = arith.constant 0 : i32
        %while3A_110 = arith.constant 0 : i32
        %while3A_111 = arith.constant 0 : i32
        %while3A_112 = arith.constant 0 : i32
        "tpu.trace_stop"() : () -> ()
        %while3A_113 = arith.subi %mul3A_18, %while3A : i32
        %while3A_114 = arith.addi %while3A, %while3A_113 : i32
        %while3A_115 = arith.constant 1 : i32
        %while3A_116 = arith.divsi %while3A_113, %while3A_115 : i32
        %while3A_117 = arith.muli %while3A_116, %while3A_115 : i32
        %while3A_118 = arith.addi %while3A, %while3A_117 : i32
        %while3A_119 = arith.constant 1 : i32
        %while3A_120:6 = scf.for %while3A_212 = %while3A to %while3A_118 step %while3A_119 iter_args(%while3A_213 = %select_n3A_107, %while3A_214 = %while3A_108, %while3A_215 = %while3A_109, %while3A_216 = %while3A_110, %while3A_217 = %while3A_111, %while3A_218 = %while3A_112) -> (i32, i32, i32, i32, i32, i32)  : i32 {
          %mul3A_219 = arith.constant 1 : i32
          %mul3A_220 = arith.muli %mul3A_219, %select_n3A : i32
          %mul3A_221 = arith.constant 16 : i32
          %mul3A_222 = arith.muli %mul3A_220, %mul3A_221 : i32
          %eq3A_223 = arith.constant 0 : i32
          %eq3A_224 = arith.cmpi eq, %while3A_212, %eq3A_223 : i32
          %sub3A_225 = arith.constant 1 : i32
          %sub3A_226 = arith.subi %mul3A_222, %sub3A_225 : i32
          %eq3A_227 = arith.cmpi eq, %while3A_212, %sub3A_226 : i32
          %add3A_228 = arith.addi %while3A_217, %select_n3A_14 : i32
          %add3A_229 = arith.constant 0 : i32
          %add3A_230 = arith.addi %while3A_218, %add3A_229 : i32
          %sub3A_231 = arith.constant 1 : i32
          %sub3A_232 = arith.subi %while3A_218, %sub3A_231 : i32
          %select_n3A_233 = arith.constant true
          %select_n3A_234 = arith.select %select_n3A_233, %sub3A_232, %while3A_218 : i32
          %eq3A_235 = arith.constant -1 : i32
          %eq3A_236 = arith.cmpi eq, %select_n3A_234, %eq3A_235 : i32
          %select_n3A_237 = arith.constant 15 : i32
          %select_n3A_238 = arith.select %eq3A_236, %select_n3A_237, %select_n3A_234 : i32
          %sub3A_239 = arith.constant 1 : i32
          %sub3A_240 = arith.subi %while3A_217, %sub3A_239 : i32
          %select_n3A_241 = arith.select %eq3A_236, %sub3A_240, %while3A_217 : i32
          %eq3A_242 = arith.constant -1 : i32
          %eq3A_243 = arith.cmpi eq, %select_n3A_241, %eq3A_242 : i32
          %sub3A_244 = arith.constant 1 : i32
          %sub3A_245 = arith.subi %select_n3A, %sub3A_244 : i32
          %select_n3A_246 = arith.select %eq3A_243, %sub3A_245, %select_n3A_241 : i32
          %add3A_247 = arith.addi %select_n3A_246, %select_n3A_14 : i32
          %add3A_248 = arith.constant 0 : i32
          %add3A_249 = arith.addi %select_n3A_238, %add3A_248 : i32
          %add3A_250 = arith.constant 1 : i32
          %add3A_251 = arith.addi %while3A_218, %add3A_250 : i32
          %select_n3A_252 = arith.constant true
          %select_n3A_253 = arith.select %select_n3A_252, %add3A_251, %while3A_218 : i32
          %eq3A_254 = arith.constant 16 : i32
          %eq3A_255 = arith.cmpi eq, %select_n3A_253, %eq3A_254 : i32
          %select_n3A_256 = arith.constant 0 : i32
          %select_n3A_257 = arith.select %eq3A_255, %select_n3A_256, %select_n3A_253 : i32
          %add3A_258 = arith.constant 1 : i32
          %add3A_259 = arith.addi %while3A_217, %add3A_258 : i32
          %select_n3A_260 = arith.select %eq3A_255, %add3A_259, %while3A_217 : i32
          %eq3A_261 = arith.cmpi eq, %select_n3A_260, %select_n3A : i32
          %select_n3A_262 = arith.constant 0 : i32
          %select_n3A_263 = arith.select %eq3A_261, %select_n3A_262, %select_n3A_260 : i32
          %add3A_264 = arith.addi %select_n3A_263, %select_n3A_14 : i32
          %add3A_265 = arith.constant 0 : i32
          %add3A_266 = arith.addi %select_n3A_257, %add3A_265 : i32
          %add3A_267 = arith.constant 1 : i32
          %add3A_268 = arith.addi %select_n3A_257, %add3A_267 : i32
          %select_n3A_269 = arith.constant true
          %select_n3A_270 = arith.select %select_n3A_269, %add3A_268, %select_n3A_257 : i32
          %eq3A_271 = arith.constant 16 : i32
          %eq3A_272 = arith.cmpi eq, %select_n3A_270, %eq3A_271 : i32
          %select_n3A_273 = arith.constant 0 : i32
          %select_n3A_274 = arith.select %eq3A_272, %select_n3A_273, %select_n3A_270 : i32
          %add3A_275 = arith.constant 1 : i32
          %add3A_276 = arith.addi %select_n3A_263, %add3A_275 : i32
          %select_n3A_277 = arith.select %eq3A_272, %add3A_276, %select_n3A_263 : i32
          %eq3A_278 = arith.cmpi eq, %select_n3A_277, %select_n3A : i32
          %select_n3A_279 = arith.constant 0 : i32
          %select_n3A_280 = arith.select %eq3A_278, %select_n3A_279, %select_n3A_277 : i32
          %add3A_281 = arith.addi %select_n3A_280, %select_n3A_14 : i32
          %add3A_282 = arith.constant 0 : i32
          %add3A_283 = arith.addi %select_n3A_274, %add3A_282 : i32
          %ne3A = arith.cmpi ne, %add3A_228, %add3A_264 : i32
          %ne3A_284 = arith.cmpi ne, %add3A_230, %add3A_266 : i32
          %or3A = arith.constant false
          %or3A_285 = arith.ori %or3A, %ne3A : i1
          %or3A_286 = arith.ori %or3A_285, %ne3A_284 : i1
          %sub3A_287 = arith.constant 2 : i32
          %sub3A_288 = arith.subi %mul3A_222, %sub3A_287 : i32
          %add3A_289 = arith.constant 1 : i32
          %add3A_290 = arith.addi %sub3A_288, %add3A_289 : i32
          %ge3A = arith.cmpi sge, %while3A_212, %add3A_290 : i32
          %not3A = arith.constant true
          %not3A_291 = arith.xori %ge3A, %not3A : i1
          %and3A = arith.andi %or3A_286, %not3A_291 : i1
          %convert_element_type3A_292 = arith.extui %and3A : i1 to i32
          %cond3A_293 = arith.constant 0 : i32
          %cond3A_294 = arith.cmpi ne, %convert_element_type3A_292, %cond3A_293 : i32
          scf.if %cond3A_294 {
            "tpu.trace_start"() <{level = 10 : i32, message = "ep_copy_in"}> : () -> ()
            %rem3A_437 = arith.constant 2 : i32
            %rem3A_438 = arith.remui %while3A_213, %rem3A_437 : i32
            %mul3A_439 = arith.constant 1 : i32
            %mul3A_440 = arith.muli %mul3A_439, %add3A_264 : i32
            %mul3A_441 = arith.constant 128 : i32
            %mul3A_442 = arith.muli %mul3A_441, %add3A_266 : i32
            %dma_start3A_443 = arith.constant 0 : i32
            %dma_start3A_444 = arith.constant 0 : i32
            %dma_start3A_445 = tpu.memref_slice %run_scoped3A[%rem3A_438, %dma_start3A_443, %dma_start3A_444] : memref<2x1x128xi32, #tpu.memory_space<vmem>> -> memref<1x1x128xi32, #tpu.memory_space<vmem>>
            %dma_start3A_446 = tpu.memref_squeeze %dma_start3A_445 : memref<1x1x128xi32, #tpu.memory_space<vmem>> -> memref<1x128xi32, #tpu.memory_space<vmem>>
            %dma_start3A_447 = tpu.memref_slice %arg3[%mul3A_440, %mul3A_442] : memref<16x2048xi32, #tpu.memory_space<hbm>> -> memref<1x128xi32, #tpu.memory_space<hbm>>
            %dma_start3A_448 = tpu.memref_slice %run_scoped3A_19[%rem3A_438] : memref<2x!tpu.dma_semaphore, #tpu.memory_space<semaphore_mem>> -> memref<1x!tpu.dma_semaphore, #tpu.memory_space<semaphore_mem>>
            %dma_start3A_449 = tpu.memref_squeeze %dma_start3A_448 : memref<1x!tpu.dma_semaphore, #tpu.memory_space<semaphore_mem>> -> memref<!tpu.dma_semaphore, #tpu.memory_space<semaphore_mem>>
            %dma_start3A_450 = arith.constant 0 : i32
            %dma_start3A_451 = arith.constant 0 : i32
            %dma_start3A_452 = tpu.memref_slice %run_scoped3A[%rem3A_438, %dma_start3A_450, %dma_start3A_451] : memref<2x1x128xi32, #tpu.memory_space<vmem>> -> memref<1x1x128xi32, #tpu.memory_space<vmem>>
            %dma_start3A_453 = tpu.memref_squeeze %dma_start3A_452 : memref<1x1x128xi32, #tpu.memory_space<vmem>> -> memref<1x128xi32, #tpu.memory_space<vmem>>
            %dma_start3A_454 = tpu.memref_slice %arg3[%mul3A_440, %mul3A_442] : memref<16x2048xi32, #tpu.memory_space<hbm>> -> memref<1x128xi32, #tpu.memory_space<hbm>>
            tpu.enqueue_dma source(%dma_start3A_454 : memref<1x128xi32, #tpu.memory_space<hbm>>) target(%dma_start3A_453 : memref<1x128xi32, #tpu.memory_space<vmem>>) target_semaphore(%dma_start3A_449 : memref<!tpu.dma_semaphore, #tpu.memory_space<semaphore_mem>>)
            "tpu.trace_stop"() : () -> ()
          } else {
          }
          %and3A_295 = arith.constant true
          %and3A_296 = arith.andi %and3A, %and3A_295 : i1
          %add3A_297 = arith.constant 1 : i32
          %add3A_298 = arith.addi %while3A_213, %add3A_297 : i32
          %select_n3A_299 = arith.select %and3A_296, %add3A_298, %while3A_213 : i32
          %mul3A_300 = arith.constant 16 : i32
          %mul3A_301 = arith.muli %add3A_228, %mul3A_300 : i32
          %add3A_302 = arith.addi %mul3A_301, %add3A_230 : i32
          %mul3A_303 = arith.constant 16 : i32
          %mul3A_304 = arith.muli %add3A_264, %mul3A_303 : i32
          %add3A_305 = arith.addi %mul3A_304, %add3A_266 : i32
          %ne3A_306 = arith.cmpi ne, %add3A_302, %add3A_305 : i32
          %or3A_307 = arith.constant false
          %or3A_308 = arith.ori %or3A_307, %ne3A_306 : i1
          %or3A_309 = arith.constant false
          %or3A_310 = arith.ori %or3A_308, %or3A_309 : i1
          %sub3A_311 = arith.constant 2 : i32
          %sub3A_312 = arith.subi %mul3A_222, %sub3A_311 : i32
          %add3A_313 = arith.constant 1 : i32
          %add3A_314 = arith.addi %sub3A_312, %add3A_313 : i32
          %ge3A_315 = arith.cmpi sge, %while3A_212, %add3A_314 : i32
          %not3A_316 = arith.constant true
          %not3A_317 = arith.xori %ge3A_315, %not3A_316 : i1
          %and3A_318 = arith.andi %or3A_310, %not3A_317 : i1
          %ne3A_319 = arith.cmpi ne, %add3A_228, %add3A_247 : i32
          %ne3A_320 = arith.cmpi ne, %add3A_230, %add3A_249 : i32
          %or3A_321 = arith.constant false
          %or3A_322 = arith.ori %or3A_321, %ne3A_319 : i1
          %or3A_323 = arith.ori %or3A_322, %ne3A_320 : i1
          %or3A_324 = arith.ori %or3A_323, %eq3A_224 : i1
          %convert_element_type3A_325 = arith.extui %or3A_324 : i1 to i32
          %cond3A_326 = arith.constant 0 : i32
          %cond3A_327 = arith.cmpi ne, %convert_element_type3A_325, %cond3A_326 : i32
          scf.if %cond3A_327 {
            "tpu.trace_start"() <{level = 10 : i32, message = "ep_wait_in"}> : () -> ()
            %mul3A_437 = arith.constant 1 : i32
            %mul3A_438 = arith.muli %mul3A_437, %add3A_228 : i32
            %mul3A_439 = arith.constant 128 : i32
            %mul3A_440 = arith.muli %mul3A_439, %add3A_230 : i32
            %rem3A_441 = arith.constant 2 : i32
            %rem3A_442 = arith.remui %while3A_214, %rem3A_441 : i32
            %dma_wait3A = arith.constant 0 : i32
            %dma_wait3A_443 = arith.constant 0 : i32
            %dma_wait3A_444 = tpu.memref_slice %run_scoped3A[%rem3A_442, %dma_wait3A, %dma_wait3A_443] : memref<2x1x128xi32, #tpu.memory_space<vmem>> -> memref<1x1x128xi32, #tpu.memory_space<vmem>>
            %dma_wait3A_445 = tpu.memref_squeeze %dma_wait3A_444 : memref<1x1x128xi32, #tpu.memory_space<vmem>> -> memref<1x128xi32, #tpu.memory_space<vmem>>
            %dma_wait3A_446 = tpu.memref_slice %arg3[%mul3A_438, %mul3A_440] : memref<16x2048xi32, #tpu.memory_space<hbm>> -> memref<1x128xi32, #tpu.memory_space<hbm>>
            %dma_wait3A_447 = tpu.memref_slice %run_scoped3A_19[%rem3A_442] : memref<2x!tpu.dma_semaphore, #tpu.memory_space<semaphore_mem>> -> memref<1x!tpu.dma_semaphore, #tpu.memory_space<semaphore_mem>>
            %dma_wait3A_448 = tpu.memref_squeeze %dma_wait3A_447 : memref<1x!tpu.dma_semaphore, #tpu.memory_space<semaphore_mem>> -> memref<!tpu.dma_semaphore, #tpu.memory_space<semaphore_mem>>
            %dma_wait3A_449 = arith.constant 0 : i32
            %dma_wait3A_450 = arith.constant 0 : i32
            %dma_wait3A_451 = tpu.memref_slice %run_scoped3A[%rem3A_442, %dma_wait3A_449, %dma_wait3A_450] : memref<2x1x128xi32, #tpu.memory_space<vmem>> -> memref<1x1x128xi32, #tpu.memory_space<vmem>>
            %dma_wait3A_452 = tpu.memref_squeeze %dma_wait3A_451 : memref<1x1x128xi32, #tpu.memory_space<vmem>> -> memref<1x128xi32, #tpu.memory_space<vmem>>
            %dma_wait3A_453 = tpu.memref_slice %arg3[%mul3A_438, %mul3A_440] : memref<16x2048xi32, #tpu.memory_space<hbm>> -> memref<1x128xi32, #tpu.memory_space<hbm>>
            tpu.wait_dma2 semaphore(%dma_wait3A_448 : memref<!tpu.dma_semaphore, #tpu.memory_space<semaphore_mem>>) src(%dma_wait3A_453 : memref<1x128xi32, #tpu.memory_space<hbm>>) dst(%dma_wait3A_452 : memref<1x128xi32, #tpu.memory_space<vmem>>)
            "tpu.trace_stop"() : () -> ()
          } else {
          }
          %mul3A_328 = arith.constant 16 : i32
          %mul3A_329 = arith.muli %add3A_228, %mul3A_328 : i32
          %add3A_330 = arith.addi %mul3A_329, %add3A_230 : i32
          %mul3A_331 = arith.constant 16 : i32
          %mul3A_332 = arith.muli %add3A_247, %mul3A_331 : i32
          %add3A_333 = arith.addi %mul3A_332, %add3A_249 : i32
          %ne3A_334 = arith.cmpi ne, %add3A_330, %add3A_333 : i32
          %or3A_335 = arith.constant false
          %or3A_336 = arith.ori %or3A_335, %ne3A_334 : i1
          %or3A_337 = arith.constant false
          %or3A_338 = arith.ori %or3A_336, %or3A_337 : i1
          %or3A_339 = arith.ori %or3A_338, %eq3A_224 : i1
          %convert_element_type3A_340 = arith.extui %or3A_339 : i1 to i32
          %cond3A_341 = arith.constant 0 : i32
          %cond3A_342 = arith.cmpi ne, %convert_element_type3A_340, %cond3A_341 : i32
          scf.if %cond3A_342 {
          } else {
          }
          %rem3A_343 = arith.constant 2 : i32
          %rem3A_344 = arith.remui %while3A_214, %rem3A_343 : i32
          %rem3A_345 = arith.constant 2 : i32
          %rem3A_346 = arith.remui %while3A_215, %rem3A_345 : i32
          %run_scoped3A_347 = arith.constant 0 : i32
          "tpu.trace_start"() <{level = 10 : i32, message = "ep_run_kernel"}> : () -> ()
          "tpu.region"() ({
            %run_scoped3A_437 = tpu.sem_alloc : memref<!tpu.dma_semaphore, #tpu.memory_space<semaphore_mem>>
            %dma_start3A_438 = arith.constant 0 : i32
            %dma_start3A_439 = arith.constant 0 : i32
            %dma_start3A_440 = tpu.memref_slice %run_scoped3A_20[%rem3A_346, %dma_start3A_438, %dma_start3A_439] : memref<2x128x128xi32, #tpu.memory_space<vmem>> -> memref<1x128x128xi32, #tpu.memory_space<vmem>>
            %dma_start3A_441 = tpu.memref_squeeze %dma_start3A_440 : memref<1x128x128xi32, #tpu.memory_space<vmem>> -> memref<128x128xi32, #tpu.memory_space<vmem>>
            %dma_start3A_442 = arith.constant 0 : i32
            %dma_start3A_443 = arith.constant 0 : i32
            %dma_start3A_444 = tpu.memref_slice %run_scoped3A[%rem3A_344, %dma_start3A_442, %dma_start3A_443] : memref<2x1x128xi32, #tpu.memory_space<vmem>> -> memref<1x1x128xi32, #tpu.memory_space<vmem>>
            %dma_start3A_445 = tpu.memref_squeeze %dma_start3A_444 : memref<1x1x128xi32, #tpu.memory_space<vmem>> -> memref<1x128xi32, #tpu.memory_space<vmem>>
            %dma_start3A_446 = arith.constant 0 : i32
            %dma_start3A_447 = tpu.memref_slice %dma_start3A_445[%run_scoped3A_347, %dma_start3A_446] : memref<1x128xi32, #tpu.memory_space<vmem>> -> memref<1x128xi32, #tpu.memory_space<vmem>>
            %dma_start3A_448 = tpu.memref_squeeze %dma_start3A_447 : memref<1x128xi32, #tpu.memory_space<vmem>> -> memref<128xi32, #tpu.memory_space<vmem>>
            %dma_start3A_449 = arith.constant 0 : i32
            %dma_start3A_450 = arith.constant 0 : i32
            %dma_start3A_451 = tpu.memref_slice %arg2[%dma_start3A_449, %dma_start3A_450] : memref<2048x128xi32, #tpu.memory_space<hbm>> -> memref<2048x128xi32, #tpu.memory_space<hbm>>
            tpu.enqueue_indirect_dma source(%dma_start3A_451 : memref<2048x128xi32, #tpu.memory_space<hbm>>) target(%dma_start3A_441 : memref<128x128xi32, #tpu.memory_space<vmem>>) offsets(%dma_start3A_448 : memref<128xi32, #tpu.memory_space<vmem>>) semaphore(%run_scoped3A_437 : memref<!tpu.dma_semaphore, #tpu.memory_space<semaphore_mem>>)
            %dma_wait3A = arith.constant 0 : i32
            %dma_wait3A_452 = arith.constant 0 : i32
            %dma_wait3A_453 = tpu.memref_slice %run_scoped3A_20[%rem3A_346, %dma_wait3A, %dma_wait3A_452] : memref<2x128x128xi32, #tpu.memory_space<vmem>> -> memref<1x128x128xi32, #tpu.memory_space<vmem>>
            %dma_wait3A_454 = tpu.memref_squeeze %dma_wait3A_453 : memref<1x128x128xi32, #tpu.memory_space<vmem>> -> memref<128x128xi32, #tpu.memory_space<vmem>>
            %dma_wait3A_455 = arith.constant 0 : i32
            %dma_wait3A_456 = arith.constant 0 : i32
            %dma_wait3A_457 = tpu.memref_slice %run_scoped3A[%rem3A_344, %dma_wait3A_455, %dma_wait3A_456] : memref<2x1x128xi32, #tpu.memory_space<vmem>> -> memref<1x1x128xi32, #tpu.memory_space<vmem>>
            %dma_wait3A_458 = tpu.memref_squeeze %dma_wait3A_457 : memref<1x1x128xi32, #tpu.memory_space<vmem>> -> memref<1x128xi32, #tpu.memory_space<vmem>>
            %dma_wait3A_459 = arith.constant 0 : i32
            %dma_wait3A_460 = tpu.memref_slice %dma_wait3A_458[%run_scoped3A_347, %dma_wait3A_459] : memref<1x128xi32, #tpu.memory_space<vmem>> -> memref<1x128xi32, #tpu.memory_space<vmem>>
            %dma_wait3A_461 = tpu.memref_squeeze %dma_wait3A_460 : memref<1x128xi32, #tpu.memory_space<vmem>> -> memref<128xi32, #tpu.memory_space<vmem>>
            %dma_wait3A_462 = arith.constant 0 : i32
            %dma_wait3A_463 = arith.constant 0 : i32
            %dma_wait3A_464 = tpu.memref_slice %arg2[%dma_wait3A_462, %dma_wait3A_463] : memref<2048x128xi32, #tpu.memory_space<hbm>> -> memref<2048x128xi32, #tpu.memory_space<hbm>>
            tpu.wait_indirect_dma semaphore(%run_scoped3A_437 : memref<!tpu.dma_semaphore, #tpu.memory_space<semaphore_mem>>) src(%dma_wait3A_464 : memref<2048x128xi32, #tpu.memory_space<hbm>>) dst(%dma_wait3A_454 : memref<128x128xi32, #tpu.memory_space<vmem>>)
            tpu.yield
          }) : () -> ()
          "tpu.trace_stop"() : () -> ()
          %ne3A_348 = arith.cmpi ne, %add3A_228, %add3A_264 : i32
          %ne3A_349 = arith.cmpi ne, %add3A_230, %add3A_266 : i32
          %or3A_350 = arith.constant false
          %or3A_351 = arith.ori %or3A_350, %ne3A_348 : i1
          %or3A_352 = arith.ori %or3A_351, %ne3A_349 : i1
          %or3A_353 = arith.ori %or3A_352, %eq3A_227 : i1
          %convert_element_type3A_354 = arith.extui %or3A_353 : i1 to i32
          %cond3A_355 = arith.constant 0 : i32
          %cond3A_356 = arith.cmpi ne, %convert_element_type3A_354, %cond3A_355 : i32
          scf.if %cond3A_356 {
          } else {
          }
          %and3A_357 = arith.constant false
          %and3A_358 = arith.andi %or3A_353, %and3A_357 : i1
          %mul3A_359 = arith.constant 16 : i32
          %mul3A_360 = arith.muli %add3A_228, %mul3A_359 : i32
          %add3A_361 = arith.addi %mul3A_360, %add3A_230 : i32
          %mul3A_362 = arith.constant 16 : i32
          %mul3A_363 = arith.muli %add3A_264, %mul3A_362 : i32
          %add3A_364 = arith.addi %mul3A_363, %add3A_266 : i32
          %ne3A_365 = arith.cmpi ne, %add3A_361, %add3A_364 : i32
          %or3A_366 = arith.constant false
          %or3A_367 = arith.ori %or3A_366, %ne3A_365 : i1
          %or3A_368 = arith.constant false
          %or3A_369 = arith.ori %or3A_367, %or3A_368 : i1
          %or3A_370 = arith.ori %or3A_369, %eq3A_227 : i1
          %convert_element_type3A_371 = arith.extui %or3A_370 : i1 to i32
          %cond3A_372 = arith.constant 0 : i32
          %cond3A_373 = arith.cmpi ne, %convert_element_type3A_371, %cond3A_372 : i32
          scf.if %cond3A_373 {
            "tpu.trace_start"() <{level = 10 : i32, message = "ep_copy_out"}> : () -> ()
            %rem3A_437 = arith.constant 2 : i32
            %rem3A_438 = arith.remui %while3A_215, %rem3A_437 : i32
            %mul3A_439 = arith.constant 16 : i32
            %mul3A_440 = arith.muli %add3A_228, %mul3A_439 : i32
            %add3A_441 = arith.addi %mul3A_440, %add3A_230 : i32
            %mul3A_442 = arith.constant 128 : i32
            %mul3A_443 = arith.muli %mul3A_442, %add3A_441 : i32
            %dma_start3A_444 = arith.constant 0 : i32
            %dma_start3A_445 = arith.constant 0 : i32
            %dma_start3A_446 = tpu.memref_slice %run_scoped3A_20[%rem3A_438, %dma_start3A_444, %dma_start3A_445] : memref<2x128x128xi32, #tpu.memory_space<vmem>> -> memref<1x128x128xi32, #tpu.memory_space<vmem>>
            %dma_start3A_447 = tpu.memref_squeeze %dma_start3A_446 : memref<1x128x128xi32, #tpu.memory_space<vmem>> -> memref<128x128xi32, #tpu.memory_space<vmem>>
            %dma_start3A_448 = arith.constant 0 : i32
            %dma_start3A_449 = tpu.memref_slice %arg4[%mul3A_443, %dma_start3A_448] : memref<32768x128xi32, #tpu.memory_space<hbm>> -> memref<128x128xi32, #tpu.memory_space<hbm>>
            %dma_start3A_450 = tpu.memref_slice %run_scoped3A_21[%rem3A_438] : memref<2x!tpu.dma_semaphore, #tpu.memory_space<semaphore_mem>> -> memref<1x!tpu.dma_semaphore, #tpu.memory_space<semaphore_mem>>
            %dma_start3A_451 = tpu.memref_squeeze %dma_start3A_450 : memref<1x!tpu.dma_semaphore, #tpu.memory_space<semaphore_mem>> -> memref<!tpu.dma_semaphore, #tpu.memory_space<semaphore_mem>>
            %dma_start3A_452 = arith.constant 0 : i32
            %dma_start3A_453 = tpu.memref_slice %arg4[%mul3A_443, %dma_start3A_452] : memref<32768x128xi32, #tpu.memory_space<hbm>> -> memref<128x128xi32, #tpu.memory_space<hbm>>
            %dma_start3A_454 = arith.constant 0 : i32
            %dma_start3A_455 = arith.constant 0 : i32
            %dma_start3A_456 = tpu.memref_slice %run_scoped3A_20[%rem3A_438, %dma_start3A_454, %dma_start3A_455] : memref<2x128x128xi32, #tpu.memory_space<vmem>> -> memref<1x128x128xi32, #tpu.memory_space<vmem>>
            %dma_start3A_457 = tpu.memref_squeeze %dma_start3A_456 : memref<1x128x128xi32, #tpu.memory_space<vmem>> -> memref<128x128xi32, #tpu.memory_space<vmem>>
            tpu.enqueue_dma source(%dma_start3A_457 : memref<128x128xi32, #tpu.memory_space<vmem>>) target(%dma_start3A_453 : memref<128x128xi32, #tpu.memory_space<hbm>>) target_semaphore(%dma_start3A_451 : memref<!tpu.dma_semaphore, #tpu.memory_space<semaphore_mem>>)
            "tpu.trace_stop"() : () -> ()
          } else {
          }
          %and3A_374 = arith.constant true
          %and3A_375 = arith.andi %or3A_370, %and3A_374 : i1
          %add3A_376 = arith.constant 1 : i32
          %add3A_377 = arith.addi %while3A_215, %add3A_376 : i32
          %select_n3A_378 = arith.select %and3A_375, %add3A_377, %while3A_215 : i32
          %ne3A_379 = arith.cmpi ne, %add3A_228, %add3A_247 : i32
          %ne3A_380 = arith.cmpi ne, %add3A_230, %add3A_249 : i32
          %or3A_381 = arith.constant false
          %or3A_382 = arith.ori %or3A_381, %ne3A_379 : i1
          %or3A_383 = arith.ori %or3A_382, %ne3A_380 : i1
          %not3A_384 = arith.constant true
          %not3A_385 = arith.xori %eq3A_224, %not3A_384 : i1
          %and3A_386 = arith.andi %or3A_383, %not3A_385 : i1
          %convert_element_type3A_387 = arith.extui %and3A_386 : i1 to i32
          %cond3A_388 = arith.constant 0 : i32
          %cond3A_389 = arith.cmpi ne, %convert_element_type3A_387, %cond3A_388 : i32
          scf.if %cond3A_389 {
          } else {
          }
          %and3A_390 = arith.constant false
          %and3A_391 = arith.andi %and3A_386, %and3A_390 : i1
          %mul3A_392 = arith.constant 16 : i32
          %mul3A_393 = arith.muli %add3A_228, %mul3A_392 : i32
          %add3A_394 = arith.addi %mul3A_393, %add3A_230 : i32
          %mul3A_395 = arith.constant 16 : i32
          %mul3A_396 = arith.muli %add3A_247, %mul3A_395 : i32
          %add3A_397 = arith.addi %mul3A_396, %add3A_249 : i32
          %ne3A_398 = arith.cmpi ne, %add3A_394, %add3A_397 : i32
          %or3A_399 = arith.constant false
          %or3A_400 = arith.ori %or3A_399, %ne3A_398 : i1
          %or3A_401 = arith.constant false
          %or3A_402 = arith.ori %or3A_400, %or3A_401 : i1
          %not3A_403 = arith.constant true
          %not3A_404 = arith.xori %eq3A_224, %not3A_403 : i1
          %and3A_405 = arith.andi %or3A_402, %not3A_404 : i1
          %convert_element_type3A_406 = arith.extui %and3A_405 : i1 to i32
          %cond3A_407 = arith.constant 0 : i32
          %cond3A_408 = arith.cmpi ne, %convert_element_type3A_406, %cond3A_407 : i32
          scf.if %cond3A_408 {
            "tpu.trace_start"() <{level = 10 : i32, message = "ep_wait_out"}> : () -> ()
            %rem3A_437 = arith.constant 2 : i32
            %rem3A_438 = arith.remui %while3A_216, %rem3A_437 : i32
            %mul3A_439 = arith.constant 16 : i32
            %mul3A_440 = arith.muli %add3A_247, %mul3A_439 : i32
            %add3A_441 = arith.addi %mul3A_440, %add3A_249 : i32
            %mul3A_442 = arith.constant 128 : i32
            %mul3A_443 = arith.muli %mul3A_442, %add3A_441 : i32
            %dma_wait3A = arith.constant 0 : i32
            %dma_wait3A_444 = arith.constant 0 : i32
            %dma_wait3A_445 = tpu.memref_slice %run_scoped3A_20[%rem3A_438, %dma_wait3A, %dma_wait3A_444] : memref<2x128x128xi32, #tpu.memory_space<vmem>> -> memref<1x128x128xi32, #tpu.memory_space<vmem>>
            %dma_wait3A_446 = tpu.memref_squeeze %dma_wait3A_445 : memref<1x128x128xi32, #tpu.memory_space<vmem>> -> memref<128x128xi32, #tpu.memory_space<vmem>>
            %dma_wait3A_447 = arith.constant 0 : i32
            %dma_wait3A_448 = tpu.memref_slice %arg4[%mul3A_443, %dma_wait3A_447] : memref<32768x128xi32, #tpu.memory_space<hbm>> -> memref<128x128xi32, #tpu.memory_space<hbm>>
            %dma_wait3A_449 = tpu.memref_slice %run_scoped3A_21[%rem3A_438] : memref<2x!tpu.dma_semaphore, #tpu.memory_space<semaphore_mem>> -> memref<1x!tpu.dma_semaphore, #tpu.memory_space<semaphore_mem>>
            %dma_wait3A_450 = tpu.memref_squeeze %dma_wait3A_449 : memref<1x!tpu.dma_semaphore, #tpu.memory_space<semaphore_mem>> -> memref<!tpu.dma_semaphore, #tpu.memory_space<semaphore_mem>>
            %dma_wait3A_451 = arith.constant 0 : i32
            %dma_wait3A_452 = tpu.memref_slice %arg4[%mul3A_443, %dma_wait3A_451] : memref<32768x128xi32, #tpu.memory_space<hbm>> -> memref<128x128xi32, #tpu.memory_space<hbm>>
            %dma_wait3A_453 = arith.constant 0 : i32
            %dma_wait3A_454 = arith.constant 0 : i32
            %dma_wait3A_455 = tpu.memref_slice %run_scoped3A_20[%rem3A_438, %dma_wait3A_453, %dma_wait3A_454] : memref<2x128x128xi32, #tpu.memory_space<vmem>> -> memref<1x128x128xi32, #tpu.memory_space<vmem>>
            %dma_wait3A_456 = tpu.memref_squeeze %dma_wait3A_455 : memref<1x128x128xi32, #tpu.memory_space<vmem>> -> memref<128x128xi32, #tpu.memory_space<vmem>>
            tpu.wait_dma2 semaphore(%dma_wait3A_450 : memref<!tpu.dma_semaphore, #tpu.memory_space<semaphore_mem>>) src(%dma_wait3A_456 : memref<128x128xi32, #tpu.memory_space<vmem>>) dst(%dma_wait3A_452 : memref<128x128xi32, #tpu.memory_space<hbm>>)
            "tpu.trace_stop"() : () -> ()
          } else {
          }
          %and3A_409 = arith.constant true
          %and3A_410 = arith.andi %and3A_405, %and3A_409 : i1
          %add3A_411 = arith.constant 1 : i32
          %add3A_412 = arith.addi %while3A_216, %add3A_411 : i32
          %select_n3A_413 = arith.select %and3A_410, %add3A_412, %while3A_216 : i32
          %ne3A_414 = arith.cmpi ne, %add3A_228, %add3A_264 : i32
          %ne3A_415 = arith.cmpi ne, %add3A_230, %add3A_266 : i32
          %or3A_416 = arith.constant false
          %or3A_417 = arith.ori %or3A_416, %ne3A_414 : i1
          %or3A_418 = arith.ori %or3A_417, %ne3A_415 : i1
          %or3A_419 = arith.ori %or3A_418, %eq3A_227 : i1
          %add3A_420 = arith.constant 1 : i32
          %add3A_421 = arith.addi %while3A_214, %add3A_420 : i32
          %select_n3A_422 = arith.select %or3A_419, %add3A_421, %while3A_214 : i32
          %add3A_423 = arith.constant 1 : i32
          %add3A_424 = arith.addi %while3A_218, %add3A_423 : i32
          %select_n3A_425 = arith.constant true
          %select_n3A_426 = arith.select %select_n3A_425, %add3A_424, %while3A_218 : i32
          %eq3A_427 = arith.constant 16 : i32
          %eq3A_428 = arith.cmpi eq, %select_n3A_426, %eq3A_427 : i32
          %select_n3A_429 = arith.constant 0 : i32
          %select_n3A_430 = arith.select %eq3A_428, %select_n3A_429, %select_n3A_426 : i32
          %add3A_431 = arith.constant 1 : i32
          %add3A_432 = arith.addi %while3A_217, %add3A_431 : i32
          %select_n3A_433 = arith.select %eq3A_428, %add3A_432, %while3A_217 : i32
          %eq3A_434 = arith.cmpi eq, %select_n3A_433, %select_n3A : i32
          %select_n3A_435 = arith.constant 0 : i32
          %select_n3A_436 = arith.select %eq3A_434, %select_n3A_435, %select_n3A_433 : i32
          scf.yield %select_n3A_299, %select_n3A_422, %select_n3A_378, %select_n3A_413, %select_n3A_436, %select_n3A_430 : i32, i32, i32, i32, i32, i32
        }
        %while3A_121 = arith.constant 1 : i32
        %while3A_122:6 = scf.for %while3A_212 = %while3A_118 to %while3A_114 step %while3A_121 iter_args(%while3A_213 = %while3A_120#0, %while3A_214 = %while3A_120#1, %while3A_215 = %while3A_120#2, %while3A_216 = %while3A_120#3, %while3A_217 = %while3A_120#4, %while3A_218 = %while3A_120#5) -> (i32, i32, i32, i32, i32, i32)  : i32 {
          %mul3A_219 = arith.constant 1 : i32
          %mul3A_220 = arith.muli %mul3A_219, %select_n3A : i32
          %mul3A_221 = arith.constant 16 : i32
          %mul3A_222 = arith.muli %mul3A_220, %mul3A_221 : i32
          %eq3A_223 = arith.constant 0 : i32
          %eq3A_224 = arith.cmpi eq, %while3A_212, %eq3A_223 : i32
          %sub3A_225 = arith.constant 1 : i32
          %sub3A_226 = arith.subi %mul3A_222, %sub3A_225 : i32
          %eq3A_227 = arith.cmpi eq, %while3A_212, %sub3A_226 : i32
          %add3A_228 = arith.addi %while3A_217, %select_n3A_14 : i32
          %add3A_229 = arith.constant 0 : i32
          %add3A_230 = arith.addi %while3A_218, %add3A_229 : i32
          %sub3A_231 = arith.constant 1 : i32
          %sub3A_232 = arith.subi %while3A_218, %sub3A_231 : i32
          %select_n3A_233 = arith.constant true
          %select_n3A_234 = arith.select %select_n3A_233, %sub3A_232, %while3A_218 : i32
          %eq3A_235 = arith.constant -1 : i32
          %eq3A_236 = arith.cmpi eq, %select_n3A_234, %eq3A_235 : i32
          %select_n3A_237 = arith.constant 15 : i32
          %select_n3A_238 = arith.select %eq3A_236, %select_n3A_237, %select_n3A_234 : i32
          %sub3A_239 = arith.constant 1 : i32
          %sub3A_240 = arith.subi %while3A_217, %sub3A_239 : i32
          %select_n3A_241 = arith.select %eq3A_236, %sub3A_240, %while3A_217 : i32
          %eq3A_242 = arith.constant -1 : i32
          %eq3A_243 = arith.cmpi eq, %select_n3A_241, %eq3A_242 : i32
          %sub3A_244 = arith.constant 1 : i32
          %sub3A_245 = arith.subi %select_n3A, %sub3A_244 : i32
          %select_n3A_246 = arith.select %eq3A_243, %sub3A_245, %select_n3A_241 : i32
          %add3A_247 = arith.addi %select_n3A_246, %select_n3A_14 : i32
          %add3A_248 = arith.constant 0 : i32
          %add3A_249 = arith.addi %select_n3A_238, %add3A_248 : i32
          %add3A_250 = arith.constant 1 : i32
          %add3A_251 = arith.addi %while3A_218, %add3A_250 : i32
          %select_n3A_252 = arith.constant true
          %select_n3A_253 = arith.select %select_n3A_252, %add3A_251, %while3A_218 : i32
          %eq3A_254 = arith.constant 16 : i32
          %eq3A_255 = arith.cmpi eq, %select_n3A_253, %eq3A_254 : i32
          %select_n3A_256 = arith.constant 0 : i32
          %select_n3A_257 = arith.select %eq3A_255, %select_n3A_256, %select_n3A_253 : i32
          %add3A_258 = arith.constant 1 : i32
          %add3A_259 = arith.addi %while3A_217, %add3A_258 : i32
          %select_n3A_260 = arith.select %eq3A_255, %add3A_259, %while3A_217 : i32
          %eq3A_261 = arith.cmpi eq, %select_n3A_260, %select_n3A : i32
          %select_n3A_262 = arith.constant 0 : i32
          %select_n3A_263 = arith.select %eq3A_261, %select_n3A_262, %select_n3A_260 : i32
          %add3A_264 = arith.addi %select_n3A_263, %select_n3A_14 : i32
          %add3A_265 = arith.constant 0 : i32
          %add3A_266 = arith.addi %select_n3A_257, %add3A_265 : i32
          %add3A_267 = arith.constant 1 : i32
          %add3A_268 = arith.addi %select_n3A_257, %add3A_267 : i32
          %select_n3A_269 = arith.constant true
          %select_n3A_270 = arith.select %select_n3A_269, %add3A_268, %select_n3A_257 : i32
          %eq3A_271 = arith.constant 16 : i32
          %eq3A_272 = arith.cmpi eq, %select_n3A_270, %eq3A_271 : i32
          %select_n3A_273 = arith.constant 0 : i32
          %select_n3A_274 = arith.select %eq3A_272, %select_n3A_273, %select_n3A_270 : i32
          %add3A_275 = arith.constant 1 : i32
          %add3A_276 = arith.addi %select_n3A_263, %add3A_275 : i32
          %select_n3A_277 = arith.select %eq3A_272, %add3A_276, %select_n3A_263 : i32
          %eq3A_278 = arith.cmpi eq, %select_n3A_277, %select_n3A : i32
          %select_n3A_279 = arith.constant 0 : i32
          %select_n3A_280 = arith.select %eq3A_278, %select_n3A_279, %select_n3A_277 : i32
          %add3A_281 = arith.addi %select_n3A_280, %select_n3A_14 : i32
          %add3A_282 = arith.constant 0 : i32
          %add3A_283 = arith.addi %select_n3A_274, %add3A_282 : i32
          %ne3A = arith.cmpi ne, %add3A_228, %add3A_264 : i32
          %ne3A_284 = arith.cmpi ne, %add3A_230, %add3A_266 : i32
          %or3A = arith.constant false
          %or3A_285 = arith.ori %or3A, %ne3A : i1
          %or3A_286 = arith.ori %or3A_285, %ne3A_284 : i1
          %sub3A_287 = arith.constant 2 : i32
          %sub3A_288 = arith.subi %mul3A_222, %sub3A_287 : i32
          %add3A_289 = arith.constant 1 : i32
          %add3A_290 = arith.addi %sub3A_288, %add3A_289 : i32
          %ge3A = arith.cmpi sge, %while3A_212, %add3A_290 : i32
          %not3A = arith.constant true
          %not3A_291 = arith.xori %ge3A, %not3A : i1
          %and3A = arith.andi %or3A_286, %not3A_291 : i1
          %convert_element_type3A_292 = arith.extui %and3A : i1 to i32
          %cond3A_293 = arith.constant 0 : i32
          %cond3A_294 = arith.cmpi ne, %convert_element_type3A_292, %cond3A_293 : i32
          scf.if %cond3A_294 {
            "tpu.trace_start"() <{level = 10 : i32, message = "ep_copy_in"}> : () -> ()
            %rem3A_437 = arith.constant 2 : i32
            %rem3A_438 = arith.remui %while3A_213, %rem3A_437 : i32
            %mul3A_439 = arith.constant 1 : i32
            %mul3A_440 = arith.muli %mul3A_439, %add3A_264 : i32
            %mul3A_441 = arith.constant 128 : i32
            %mul3A_442 = arith.muli %mul3A_441, %add3A_266 : i32
            %dma_start3A_443 = arith.constant 0 : i32
            %dma_start3A_444 = arith.constant 0 : i32
            %dma_start3A_445 = tpu.memref_slice %run_scoped3A[%rem3A_438, %dma_start3A_443, %dma_start3A_444] : memref<2x1x128xi32, #tpu.memory_space<vmem>> -> memref<1x1x128xi32, #tpu.memory_space<vmem>>
            %dma_start3A_446 = tpu.memref_squeeze %dma_start3A_445 : memref<1x1x128xi32, #tpu.memory_space<vmem>> -> memref<1x128xi32, #tpu.memory_space<vmem>>
            %dma_start3A_447 = tpu.memref_slice %arg3[%mul3A_440, %mul3A_442] : memref<16x2048xi32, #tpu.memory_space<hbm>> -> memref<1x128xi32, #tpu.memory_space<hbm>>
            %dma_start3A_448 = tpu.memref_slice %run_scoped3A_19[%rem3A_438] : memref<2x!tpu.dma_semaphore, #tpu.memory_space<semaphore_mem>> -> memref<1x!tpu.dma_semaphore, #tpu.memory_space<semaphore_mem>>
            %dma_start3A_449 = tpu.memref_squeeze %dma_start3A_448 : memref<1x!tpu.dma_semaphore, #tpu.memory_space<semaphore_mem>> -> memref<!tpu.dma_semaphore, #tpu.memory_space<semaphore_mem>>
            %dma_start3A_450 = arith.constant 0 : i32
            %dma_start3A_451 = arith.constant 0 : i32
            %dma_start3A_452 = tpu.memref_slice %run_scoped3A[%rem3A_438, %dma_start3A_450, %dma_start3A_451] : memref<2x1x128xi32, #tpu.memory_space<vmem>> -> memref<1x1x128xi32, #tpu.memory_space<vmem>>
            %dma_start3A_453 = tpu.memref_squeeze %dma_start3A_452 : memref<1x1x128xi32, #tpu.memory_space<vmem>> -> memref<1x128xi32, #tpu.memory_space<vmem>>
            %dma_start3A_454 = tpu.memref_slice %arg3[%mul3A_440, %mul3A_442] : memref<16x2048xi32, #tpu.memory_space<hbm>> -> memref<1x128xi32, #tpu.memory_space<hbm>>
            tpu.enqueue_dma source(%dma_start3A_454 : memref<1x128xi32, #tpu.memory_space<hbm>>) target(%dma_start3A_453 : memref<1x128xi32, #tpu.memory_space<vmem>>) target_semaphore(%dma_start3A_449 : memref<!tpu.dma_semaphore, #tpu.memory_space<semaphore_mem>>)
            "tpu.trace_stop"() : () -> ()
          } else {
          }
          %and3A_295 = arith.constant true
          %and3A_296 = arith.andi %and3A, %and3A_295 : i1
          %add3A_297 = arith.constant 1 : i32
          %add3A_298 = arith.addi %while3A_213, %add3A_297 : i32
          %select_n3A_299 = arith.select %and3A_296, %add3A_298, %while3A_213 : i32
          %mul3A_300 = arith.constant 16 : i32
          %mul3A_301 = arith.muli %add3A_228, %mul3A_300 : i32
          %add3A_302 = arith.addi %mul3A_301, %add3A_230 : i32
          %mul3A_303 = arith.constant 16 : i32
          %mul3A_304 = arith.muli %add3A_264, %mul3A_303 : i32
          %add3A_305 = arith.addi %mul3A_304, %add3A_266 : i32
          %ne3A_306 = arith.cmpi ne, %add3A_302, %add3A_305 : i32
          %or3A_307 = arith.constant false
          %or3A_308 = arith.ori %or3A_307, %ne3A_306 : i1
          %or3A_309 = arith.constant false
          %or3A_310 = arith.ori %or3A_308, %or3A_309 : i1
          %sub3A_311 = arith.constant 2 : i32
          %sub3A_312 = arith.subi %mul3A_222, %sub3A_311 : i32
          %add3A_313 = arith.constant 1 : i32
          %add3A_314 = arith.addi %sub3A_312, %add3A_313 : i32
          %ge3A_315 = arith.cmpi sge, %while3A_212, %add3A_314 : i32
          %not3A_316 = arith.constant true
          %not3A_317 = arith.xori %ge3A_315, %not3A_316 : i1
          %and3A_318 = arith.andi %or3A_310, %not3A_317 : i1
          %ne3A_319 = arith.cmpi ne, %add3A_228, %add3A_247 : i32
          %ne3A_320 = arith.cmpi ne, %add3A_230, %add3A_249 : i32
          %or3A_321 = arith.constant false
          %or3A_322 = arith.ori %or3A_321, %ne3A_319 : i1
          %or3A_323 = arith.ori %or3A_322, %ne3A_320 : i1
          %or3A_324 = arith.ori %or3A_323, %eq3A_224 : i1
          %convert_element_type3A_325 = arith.extui %or3A_324 : i1 to i32
          %cond3A_326 = arith.constant 0 : i32
          %cond3A_327 = arith.cmpi ne, %convert_element_type3A_325, %cond3A_326 : i32
          scf.if %cond3A_327 {
            "tpu.trace_start"() <{level = 10 : i32, message = "ep_wait_in"}> : () -> ()
            %mul3A_437 = arith.constant 1 : i32
            %mul3A_438 = arith.muli %mul3A_437, %add3A_228 : i32
            %mul3A_439 = arith.constant 128 : i32
            %mul3A_440 = arith.muli %mul3A_439, %add3A_230 : i32
            %rem3A_441 = arith.constant 2 : i32
            %rem3A_442 = arith.remui %while3A_214, %rem3A_441 : i32
            %dma_wait3A = arith.constant 0 : i32
            %dma_wait3A_443 = arith.constant 0 : i32
            %dma_wait3A_444 = tpu.memref_slice %run_scoped3A[%rem3A_442, %dma_wait3A, %dma_wait3A_443] : memref<2x1x128xi32, #tpu.memory_space<vmem>> -> memref<1x1x128xi32, #tpu.memory_space<vmem>>
            %dma_wait3A_445 = tpu.memref_squeeze %dma_wait3A_444 : memref<1x1x128xi32, #tpu.memory_space<vmem>> -> memref<1x128xi32, #tpu.memory_space<vmem>>
            %dma_wait3A_446 = tpu.memref_slice %arg3[%mul3A_438, %mul3A_440] : memref<16x2048xi32, #tpu.memory_space<hbm>> -> memref<1x128xi32, #tpu.memory_space<hbm>>
            %dma_wait3A_447 = tpu.memref_slice %run_scoped3A_19[%rem3A_442] : memref<2x!tpu.dma_semaphore, #tpu.memory_space<semaphore_mem>> -> memref<1x!tpu.dma_semaphore, #tpu.memory_space<semaphore_mem>>
            %dma_wait3A_448 = tpu.memref_squeeze %dma_wait3A_447 : memref<1x!tpu.dma_semaphore, #tpu.memory_space<semaphore_mem>> -> memref<!tpu.dma_semaphore, #tpu.memory_space<semaphore_mem>>
            %dma_wait3A_449 = arith.constant 0 : i32
            %dma_wait3A_450 = arith.constant 0 : i32
            %dma_wait3A_451 = tpu.memref_slice %run_scoped3A[%rem3A_442, %dma_wait3A_449, %dma_wait3A_450] : memref<2x1x128xi32, #tpu.memory_space<vmem>> -> memref<1x1x128xi32, #tpu.memory_space<vmem>>
            %dma_wait3A_452 = tpu.memref_squeeze %dma_wait3A_451 : memref<1x1x128xi32, #tpu.memory_space<vmem>> -> memref<1x128xi32, #tpu.memory_space<vmem>>
            %dma_wait3A_453 = tpu.memref_slice %arg3[%mul3A_438, %mul3A_440] : memref<16x2048xi32, #tpu.memory_space<hbm>> -> memref<1x128xi32, #tpu.memory_space<hbm>>
            tpu.wait_dma2 semaphore(%dma_wait3A_448 : memref<!tpu.dma_semaphore, #tpu.memory_space<semaphore_mem>>) src(%dma_wait3A_453 : memref<1x128xi32, #tpu.memory_space<hbm>>) dst(%dma_wait3A_452 : memref<1x128xi32, #tpu.memory_space<vmem>>)
            "tpu.trace_stop"() : () -> ()
          } else {
          }
          %mul3A_328 = arith.constant 16 : i32
          %mul3A_329 = arith.muli %add3A_228, %mul3A_328 : i32
          %add3A_330 = arith.addi %mul3A_329, %add3A_230 : i32
          %mul3A_331 = arith.constant 16 : i32
          %mul3A_332 = arith.muli %add3A_247, %mul3A_331 : i32
          %add3A_333 = arith.addi %mul3A_332, %add3A_249 : i32
          %ne3A_334 = arith.cmpi ne, %add3A_330, %add3A_333 : i32
          %or3A_335 = arith.constant false
          %or3A_336 = arith.ori %or3A_335, %ne3A_334 : i1
          %or3A_337 = arith.constant false
          %or3A_338 = arith.ori %or3A_336, %or3A_337 : i1
          %or3A_339 = arith.ori %or3A_338, %eq3A_224 : i1
          %convert_element_type3A_340 = arith.extui %or3A_339 : i1 to i32
          %cond3A_341 = arith.constant 0 : i32
          %cond3A_342 = arith.cmpi ne, %convert_element_type3A_340, %cond3A_341 : i32
          scf.if %cond3A_342 {
          } else {
          }
          %rem3A_343 = arith.constant 2 : i32
          %rem3A_344 = arith.remui %while3A_214, %rem3A_343 : i32
          %rem3A_345 = arith.constant 2 : i32
          %rem3A_346 = arith.remui %while3A_215, %rem3A_345 : i32
          %run_scoped3A_347 = arith.constant 0 : i32
          "tpu.trace_start"() <{level = 10 : i32, message = "ep_run_kernel"}> : () -> ()
          "tpu.region"() ({
            %run_scoped3A_437 = tpu.sem_alloc : memref<!tpu.dma_semaphore, #tpu.memory_space<semaphore_mem>>
            %dma_start3A_438 = arith.constant 0 : i32
            %dma_start3A_439 = arith.constant 0 : i32
            %dma_start3A_440 = tpu.memref_slice %run_scoped3A_20[%rem3A_346, %dma_start3A_438, %dma_start3A_439] : memref<2x128x128xi32, #tpu.memory_space<vmem>> -> memref<1x128x128xi32, #tpu.memory_space<vmem>>
            %dma_start3A_441 = tpu.memref_squeeze %dma_start3A_440 : memref<1x128x128xi32, #tpu.memory_space<vmem>> -> memref<128x128xi32, #tpu.memory_space<vmem>>
            %dma_start3A_442 = arith.constant 0 : i32
            %dma_start3A_443 = arith.constant 0 : i32
            %dma_start3A_444 = tpu.memref_slice %run_scoped3A[%rem3A_344, %dma_start3A_442, %dma_start3A_443] : memref<2x1x128xi32, #tpu.memory_space<vmem>> -> memref<1x1x128xi32, #tpu.memory_space<vmem>>
            %dma_start3A_445 = tpu.memref_squeeze %dma_start3A_444 : memref<1x1x128xi32, #tpu.memory_space<vmem>> -> memref<1x128xi32, #tpu.memory_space<vmem>>
            %dma_start3A_446 = arith.constant 0 : i32
            %dma_start3A_447 = tpu.memref_slice %dma_start3A_445[%run_scoped3A_347, %dma_start3A_446] : memref<1x128xi32, #tpu.memory_space<vmem>> -> memref<1x128xi32, #tpu.memory_space<vmem>>
            %dma_start3A_448 = tpu.memref_squeeze %dma_start3A_447 : memref<1x128xi32, #tpu.memory_space<vmem>> -> memref<128xi32, #tpu.memory_space<vmem>>
            %dma_start3A_449 = arith.constant 0 : i32
            %dma_start3A_450 = arith.constant 0 : i32
            %dma_start3A_451 = tpu.memref_slice %arg2[%dma_start3A_449, %dma_start3A_450] : memref<2048x128xi32, #tpu.memory_space<hbm>> -> memref<2048x128xi32, #tpu.memory_space<hbm>>
            tpu.enqueue_indirect_dma source(%dma_start3A_451 : memref<2048x128xi32, #tpu.memory_space<hbm>>) target(%dma_start3A_441 : memref<128x128xi32, #tpu.memory_space<vmem>>) offsets(%dma_start3A_448 : memref<128xi32, #tpu.memory_space<vmem>>) semaphore(%run_scoped3A_437 : memref<!tpu.dma_semaphore, #tpu.memory_space<semaphore_mem>>)
            %dma_wait3A = arith.constant 0 : i32
            %dma_wait3A_452 = arith.constant 0 : i32
            %dma_wait3A_453 = tpu.memref_slice %run_scoped3A_20[%rem3A_346, %dma_wait3A, %dma_wait3A_452] : memref<2x128x128xi32, #tpu.memory_space<vmem>> -> memref<1x128x128xi32, #tpu.memory_space<vmem>>
            %dma_wait3A_454 = tpu.memref_squeeze %dma_wait3A_453 : memref<1x128x128xi32, #tpu.memory_space<vmem>> -> memref<128x128xi32, #tpu.memory_space<vmem>>
            %dma_wait3A_455 = arith.constant 0 : i32
            %dma_wait3A_456 = arith.constant 0 : i32
            %dma_wait3A_457 = tpu.memref_slice %run_scoped3A[%rem3A_344, %dma_wait3A_455, %dma_wait3A_456] : memref<2x1x128xi32, #tpu.memory_space<vmem>> -> memref<1x1x128xi32, #tpu.memory_space<vmem>>
            %dma_wait3A_458 = tpu.memref_squeeze %dma_wait3A_457 : memref<1x1x128xi32, #tpu.memory_space<vmem>> -> memref<1x128xi32, #tpu.memory_space<vmem>>
            %dma_wait3A_459 = arith.constant 0 : i32
            %dma_wait3A_460 = tpu.memref_slice %dma_wait3A_458[%run_scoped3A_347, %dma_wait3A_459] : memref<1x128xi32, #tpu.memory_space<vmem>> -> memref<1x128xi32, #tpu.memory_space<vmem>>
            %dma_wait3A_461 = tpu.memref_squeeze %dma_wait3A_460 : memref<1x128xi32, #tpu.memory_space<vmem>> -> memref<128xi32, #tpu.memory_space<vmem>>
            %dma_wait3A_462 = arith.constant 0 : i32
            %dma_wait3A_463 = arith.constant 0 : i32
            %dma_wait3A_464 = tpu.memref_slice %arg2[%dma_wait3A_462, %dma_wait3A_463] : memref<2048x128xi32, #tpu.memory_space<hbm>> -> memref<2048x128xi32, #tpu.memory_space<hbm>>
            tpu.wait_indirect_dma semaphore(%run_scoped3A_437 : memref<!tpu.dma_semaphore, #tpu.memory_space<semaphore_mem>>) src(%dma_wait3A_464 : memref<2048x128xi32, #tpu.memory_space<hbm>>) dst(%dma_wait3A_454 : memref<128x128xi32, #tpu.memory_space<vmem>>)
            tpu.yield
          }) : () -> ()
          "tpu.trace_stop"() : () -> ()
          %ne3A_348 = arith.cmpi ne, %add3A_228, %add3A_264 : i32
          %ne3A_349 = arith.cmpi ne, %add3A_230, %add3A_266 : i32
          %or3A_350 = arith.constant false
          %or3A_351 = arith.ori %or3A_350, %ne3A_348 : i1
          %or3A_352 = arith.ori %or3A_351, %ne3A_349 : i1
          %or3A_353 = arith.ori %or3A_352, %eq3A_227 : i1
          %convert_element_type3A_354 = arith.extui %or3A_353 : i1 to i32
          %cond3A_355 = arith.constant 0 : i32
          %cond3A_356 = arith.cmpi ne, %convert_element_type3A_354, %cond3A_355 : i32
          scf.if %cond3A_356 {
          } else {
          }
          %and3A_357 = arith.constant false
          %and3A_358 = arith.andi %or3A_353, %and3A_357 : i1
          %mul3A_359 = arith.constant 16 : i32
          %mul3A_360 = arith.muli %add3A_228, %mul3A_359 : i32
          %add3A_361 = arith.addi %mul3A_360, %add3A_230 : i32
          %mul3A_362 = arith.constant 16 : i32
          %mul3A_363 = arith.muli %add3A_264, %mul3A_362 : i32
          %add3A_364 = arith.addi %mul3A_363, %add3A_266 : i32
          %ne3A_365 = arith.cmpi ne, %add3A_361, %add3A_364 : i32
          %or3A_366 = arith.constant false
          %or3A_367 = arith.ori %or3A_366, %ne3A_365 : i1
          %or3A_368 = arith.constant false
          %or3A_369 = arith.ori %or3A_367, %or3A_368 : i1
          %or3A_370 = arith.ori %or3A_369, %eq3A_227 : i1
          %convert_element_type3A_371 = arith.extui %or3A_370 : i1 to i32
          %cond3A_372 = arith.constant 0 : i32
          %cond3A_373 = arith.cmpi ne, %convert_element_type3A_371, %cond3A_372 : i32
          scf.if %cond3A_373 {
            "tpu.trace_start"() <{level = 10 : i32, message = "ep_copy_out"}> : () -> ()
            %rem3A_437 = arith.constant 2 : i32
            %rem3A_438 = arith.remui %while3A_215, %rem3A_437 : i32
            %mul3A_439 = arith.constant 16 : i32
            %mul3A_440 = arith.muli %add3A_228, %mul3A_439 : i32
            %add3A_441 = arith.addi %mul3A_440, %add3A_230 : i32
            %mul3A_442 = arith.constant 128 : i32
            %mul3A_443 = arith.muli %mul3A_442, %add3A_441 : i32
            %dma_start3A_444 = arith.constant 0 : i32
            %dma_start3A_445 = arith.constant 0 : i32
            %dma_start3A_446 = tpu.memref_slice %run_scoped3A_20[%rem3A_438, %dma_start3A_444, %dma_start3A_445] : memref<2x128x128xi32, #tpu.memory_space<vmem>> -> memref<1x128x128xi32, #tpu.memory_space<vmem>>
            %dma_start3A_447 = tpu.memref_squeeze %dma_start3A_446 : memref<1x128x128xi32, #tpu.memory_space<vmem>> -> memref<128x128xi32, #tpu.memory_space<vmem>>
            %dma_start3A_448 = arith.constant 0 : i32
            %dma_start3A_449 = tpu.memref_slice %arg4[%mul3A_443, %dma_start3A_448] : memref<32768x128xi32, #tpu.memory_space<hbm>> -> memref<128x128xi32, #tpu.memory_space<hbm>>
            %dma_start3A_450 = tpu.memref_slice %run_scoped3A_21[%rem3A_438] : memref<2x!tpu.dma_semaphore, #tpu.memory_space<semaphore_mem>> -> memref<1x!tpu.dma_semaphore, #tpu.memory_space<semaphore_mem>>
            %dma_start3A_451 = tpu.memref_squeeze %dma_start3A_450 : memref<1x!tpu.dma_semaphore, #tpu.memory_space<semaphore_mem>> -> memref<!tpu.dma_semaphore, #tpu.memory_space<semaphore_mem>>
            %dma_start3A_452 = arith.constant 0 : i32
            %dma_start3A_453 = tpu.memref_slice %arg4[%mul3A_443, %dma_start3A_452] : memref<32768x128xi32, #tpu.memory_space<hbm>> -> memref<128x128xi32, #tpu.memory_space<hbm>>
            %dma_start3A_454 = arith.constant 0 : i32
            %dma_start3A_455 = arith.constant 0 : i32
            %dma_start3A_456 = tpu.memref_slice %run_scoped3A_20[%rem3A_438, %dma_start3A_454, %dma_start3A_455] : memref<2x128x128xi32, #tpu.memory_space<vmem>> -> memref<1x128x128xi32, #tpu.memory_space<vmem>>
            %dma_start3A_457 = tpu.memref_squeeze %dma_start3A_456 : memref<1x128x128xi32, #tpu.memory_space<vmem>> -> memref<128x128xi32, #tpu.memory_space<vmem>>
            tpu.enqueue_dma source(%dma_start3A_457 : memref<128x128xi32, #tpu.memory_space<vmem>>) target(%dma_start3A_453 : memref<128x128xi32, #tpu.memory_space<hbm>>) target_semaphore(%dma_start3A_451 : memref<!tpu.dma_semaphore, #tpu.memory_space<semaphore_mem>>)
            "tpu.trace_stop"() : () -> ()
          } else {
          }
          %and3A_374 = arith.constant true
          %and3A_375 = arith.andi %or3A_370, %and3A_374 : i1
          %add3A_376 = arith.constant 1 : i32
          %add3A_377 = arith.addi %while3A_215, %add3A_376 : i32
          %select_n3A_378 = arith.select %and3A_375, %add3A_377, %while3A_215 : i32
          %ne3A_379 = arith.cmpi ne, %add3A_228, %add3A_247 : i32
          %ne3A_380 = arith.cmpi ne, %add3A_230, %add3A_249 : i32
          %or3A_381 = arith.constant false
          %or3A_382 = arith.ori %or3A_381, %ne3A_379 : i1
          %or3A_383 = arith.ori %or3A_382, %ne3A_380 : i1
          %not3A_384 = arith.constant true
          %not3A_385 = arith.xori %eq3A_224, %not3A_384 : i1
          %and3A_386 = arith.andi %or3A_383, %not3A_385 : i1
          %convert_element_type3A_387 = arith.extui %and3A_386 : i1 to i32
          %cond3A_388 = arith.constant 0 : i32
          %cond3A_389 = arith.cmpi ne, %convert_element_type3A_387, %cond3A_388 : i32
          scf.if %cond3A_389 {
          } else {
          }
          %and3A_390 = arith.constant false
          %and3A_391 = arith.andi %and3A_386, %and3A_390 : i1
          %mul3A_392 = arith.constant 16 : i32
          %mul3A_393 = arith.muli %add3A_228, %mul3A_392 : i32
          %add3A_394 = arith.addi %mul3A_393, %add3A_230 : i32
          %mul3A_395 = arith.constant 16 : i32
          %mul3A_396 = arith.muli %add3A_247, %mul3A_395 : i32
          %add3A_397 = arith.addi %mul3A_396, %add3A_249 : i32
          %ne3A_398 = arith.cmpi ne, %add3A_394, %add3A_397 : i32
          %or3A_399 = arith.constant false
          %or3A_400 = arith.ori %or3A_399, %ne3A_398 : i1
          %or3A_401 = arith.constant false
          %or3A_402 = arith.ori %or3A_400, %or3A_401 : i1
          %not3A_403 = arith.constant true
          %not3A_404 = arith.xori %eq3A_224, %not3A_403 : i1
          %and3A_405 = arith.andi %or3A_402, %not3A_404 : i1
          %convert_element_type3A_406 = arith.extui %and3A_405 : i1 to i32
          %cond3A_407 = arith.constant 0 : i32
          %cond3A_408 = arith.cmpi ne, %convert_element_type3A_406, %cond3A_407 : i32
          scf.if %cond3A_408 {
            "tpu.trace_start"() <{level = 10 : i32, message = "ep_wait_out"}> : () -> ()
            %rem3A_437 = arith.constant 2 : i32
            %rem3A_438 = arith.remui %while3A_216, %rem3A_437 : i32
            %mul3A_439 = arith.constant 16 : i32
            %mul3A_440 = arith.muli %add3A_247, %mul3A_439 : i32
            %add3A_441 = arith.addi %mul3A_440, %add3A_249 : i32
            %mul3A_442 = arith.constant 128 : i32
            %mul3A_443 = arith.muli %mul3A_442, %add3A_441 : i32
            %dma_wait3A = arith.constant 0 : i32
            %dma_wait3A_444 = arith.constant 0 : i32
            %dma_wait3A_445 = tpu.memref_slice %run_scoped3A_20[%rem3A_438, %dma_wait3A, %dma_wait3A_444] : memref<2x128x128xi32, #tpu.memory_space<vmem>> -> memref<1x128x128xi32, #tpu.memory_space<vmem>>
            %dma_wait3A_446 = tpu.memref_squeeze %dma_wait3A_445 : memref<1x128x128xi32, #tpu.memory_space<vmem>> -> memref<128x128xi32, #tpu.memory_space<vmem>>
            %dma_wait3A_447 = arith.constant 0 : i32
            %dma_wait3A_448 = tpu.memref_slice %arg4[%mul3A_443, %dma_wait3A_447] : memref<32768x128xi32, #tpu.memory_space<hbm>> -> memref<128x128xi32, #tpu.memory_space<hbm>>
            %dma_wait3A_449 = tpu.memref_slice %run_scoped3A_21[%rem3A_438] : memref<2x!tpu.dma_semaphore, #tpu.memory_space<semaphore_mem>> -> memref<1x!tpu.dma_semaphore, #tpu.memory_space<semaphore_mem>>
            %dma_wait3A_450 = tpu.memref_squeeze %dma_wait3A_449 : memref<1x!tpu.dma_semaphore, #tpu.memory_space<semaphore_mem>> -> memref<!tpu.dma_semaphore, #tpu.memory_space<semaphore_mem>>
            %dma_wait3A_451 = arith.constant 0 : i32
            %dma_wait3A_452 = tpu.memref_slice %arg4[%mul3A_443, %dma_wait3A_451] : memref<32768x128xi32, #tpu.memory_space<hbm>> -> memref<128x128xi32, #tpu.memory_space<hbm>>
            %dma_wait3A_453 = arith.constant 0 : i32
            %dma_wait3A_454 = arith.constant 0 : i32
            %dma_wait3A_455 = tpu.memref_slice %run_scoped3A_20[%rem3A_438, %dma_wait3A_453, %dma_wait3A_454] : memref<2x128x128xi32, #tpu.memory_space<vmem>> -> memref<1x128x128xi32, #tpu.memory_space<vmem>>
            %dma_wait3A_456 = tpu.memref_squeeze %dma_wait3A_455 : memref<1x128x128xi32, #tpu.memory_space<vmem>> -> memref<128x128xi32, #tpu.memory_space<vmem>>
            tpu.wait_dma2 semaphore(%dma_wait3A_450 : memref<!tpu.dma_semaphore, #tpu.memory_space<semaphore_mem>>) src(%dma_wait3A_456 : memref<128x128xi32, #tpu.memory_space<vmem>>) dst(%dma_wait3A_452 : memref<128x128xi32, #tpu.memory_space<hbm>>)
            "tpu.trace_stop"() : () -> ()
          } else {
          }
          %and3A_409 = arith.constant true
          %and3A_410 = arith.andi %and3A_405, %and3A_409 : i1
          %add3A_411 = arith.constant 1 : i32
          %add3A_412 = arith.addi %while3A_216, %add3A_411 : i32
          %select_n3A_413 = arith.select %and3A_410, %add3A_412, %while3A_216 : i32
          %ne3A_414 = arith.cmpi ne, %add3A_228, %add3A_264 : i32
          %ne3A_415 = arith.cmpi ne, %add3A_230, %add3A_266 : i32
          %or3A_416 = arith.constant false
          %or3A_417 = arith.ori %or3A_416, %ne3A_414 : i1
          %or3A_418 = arith.ori %or3A_417, %ne3A_415 : i1
          %or3A_419 = arith.ori %or3A_418, %eq3A_227 : i1
          %add3A_420 = arith.constant 1 : i32
          %add3A_421 = arith.addi %while3A_214, %add3A_420 : i32
          %select_n3A_422 = arith.select %or3A_419, %add3A_421, %while3A_214 : i32
          %add3A_423 = arith.constant 1 : i32
          %add3A_424 = arith.addi %while3A_218, %add3A_423 : i32
          %select_n3A_425 = arith.constant true
          %select_n3A_426 = arith.select %select_n3A_425, %add3A_424, %while3A_218 : i32
          %eq3A_427 = arith.constant 16 : i32
          %eq3A_428 = arith.cmpi eq, %select_n3A_426, %eq3A_427 : i32
          %select_n3A_429 = arith.constant 0 : i32
          %select_n3A_430 = arith.select %eq3A_428, %select_n3A_429, %select_n3A_426 : i32
          %add3A_431 = arith.constant 1 : i32
          %add3A_432 = arith.addi %while3A_217, %add3A_431 : i32
          %select_n3A_433 = arith.select %eq3A_428, %add3A_432, %while3A_217 : i32
          %eq3A_434 = arith.cmpi eq, %select_n3A_433, %select_n3A : i32
          %select_n3A_435 = arith.constant 0 : i32
          %select_n3A_436 = arith.select %eq3A_434, %select_n3A_435, %select_n3A_433 : i32
          scf.yield %select_n3A_299, %select_n3A_422, %select_n3A_378, %select_n3A_413, %select_n3A_436, %select_n3A_430 : i32, i32, i32, i32, i32, i32
        }
        %sub3A_123 = arith.constant 1 : i32
        %sub3A_124 = arith.subi %while3A_122#5, %sub3A_123 : i32
        %select_n3A_125 = arith.constant true
        %select_n3A_126 = arith.select %select_n3A_125, %sub3A_124, %while3A_122#5 : i32
        %eq3A_127 = arith.constant -1 : i32
        %eq3A_128 = arith.cmpi eq, %select_n3A_126, %eq3A_127 : i32
        %select_n3A_129 = arith.constant 15 : i32
        %select_n3A_130 = arith.select %eq3A_128, %select_n3A_129, %select_n3A_126 : i32
        %sub3A_131 = arith.constant 1 : i32
        %sub3A_132 = arith.subi %while3A_122#4, %sub3A_131 : i32
        %select_n3A_133 = arith.select %eq3A_128, %sub3A_132, %while3A_122#4 : i32
        %eq3A_134 = arith.constant -1 : i32
        %eq3A_135 = arith.cmpi eq, %select_n3A_133, %eq3A_134 : i32
        %sub3A_136 = arith.constant 1 : i32
        %sub3A_137 = arith.subi %select_n3A, %sub3A_136 : i32
        %select_n3A_138 = arith.select %eq3A_135, %sub3A_137, %select_n3A_133 : i32
        %sub3A_139 = arith.constant 1 : i32
        %sub3A_140 = arith.subi %mul3A_18, %sub3A_139 : i32
        %mul3A_141 = arith.constant 1 : i32
        %mul3A_142 = arith.muli %mul3A_141, %select_n3A : i32
        %mul3A_143 = arith.constant 16 : i32
        %mul3A_144 = arith.muli %mul3A_142, %mul3A_143 : i32
        %eq3A_145 = arith.constant 0 : i32
        %eq3A_146 = arith.cmpi eq, %sub3A_140, %eq3A_145 : i32
        %sub3A_147 = arith.constant 1 : i32
        %sub3A_148 = arith.subi %mul3A_144, %sub3A_147 : i32
        %eq3A_149 = arith.cmpi eq, %sub3A_140, %sub3A_148 : i32
        %add3A_150 = arith.addi %select_n3A_138, %select_n3A_14 : i32
        %add3A_151 = arith.constant 0 : i32
        %add3A_152 = arith.addi %select_n3A_130, %add3A_151 : i32
        %sub3A_153 = arith.constant 1 : i32
        %sub3A_154 = arith.subi %select_n3A_130, %sub3A_153 : i32
        %select_n3A_155 = arith.constant true
        %select_n3A_156 = arith.select %select_n3A_155, %sub3A_154, %select_n3A_130 : i32
        %eq3A_157 = arith.constant -1 : i32
        %eq3A_158 = arith.cmpi eq, %select_n3A_156, %eq3A_157 : i32
        %select_n3A_159 = arith.constant 15 : i32
        %select_n3A_160 = arith.select %eq3A_158, %select_n3A_159, %select_n3A_156 : i32
        %sub3A_161 = arith.constant 1 : i32
        %sub3A_162 = arith.subi %select_n3A_138, %sub3A_161 : i32
        %select_n3A_163 = arith.select %eq3A_158, %sub3A_162, %select_n3A_138 : i32
        %eq3A_164 = arith.constant -1 : i32
        %eq3A_165 = arith.cmpi eq, %select_n3A_163, %eq3A_164 : i32
        %sub3A_166 = arith.constant 1 : i32
        %sub3A_167 = arith.subi %select_n3A, %sub3A_166 : i32
        %select_n3A_168 = arith.select %eq3A_165, %sub3A_167, %select_n3A_163 : i32
        %add3A_169 = arith.addi %select_n3A_168, %select_n3A_14 : i32
        %add3A_170 = arith.constant 0 : i32
        %add3A_171 = arith.addi %select_n3A_160, %add3A_170 : i32
        %add3A_172 = arith.constant 1 : i32
        %add3A_173 = arith.addi %select_n3A_130, %add3A_172 : i32
        %select_n3A_174 = arith.constant true
        %select_n3A_175 = arith.select %select_n3A_174, %add3A_173, %select_n3A_130 : i32
        %eq3A_176 = arith.constant 16 : i32
        %eq3A_177 = arith.cmpi eq, %select_n3A_175, %eq3A_176 : i32
        %select_n3A_178 = arith.constant 0 : i32
        %select_n3A_179 = arith.select %eq3A_177, %select_n3A_178, %select_n3A_175 : i32
        %add3A_180 = arith.constant 1 : i32
        %add3A_181 = arith.addi %select_n3A_138, %add3A_180 : i32
        %select_n3A_182 = arith.select %eq3A_177, %add3A_181, %select_n3A_138 : i32
        %eq3A_183 = arith.cmpi eq, %select_n3A_182, %select_n3A : i32
        %select_n3A_184 = arith.constant 0 : i32
        %select_n3A_185 = arith.select %eq3A_183, %select_n3A_184, %select_n3A_182 : i32
        %add3A_186 = arith.addi %select_n3A_185, %select_n3A_14 : i32
        %add3A_187 = arith.constant 0 : i32
        %add3A_188 = arith.addi %select_n3A_179, %add3A_187 : i32
        %add3A_189 = arith.constant 1 : i32
        %add3A_190 = arith.addi %select_n3A_179, %add3A_189 : i32
        %select_n3A_191 = arith.constant true
        %select_n3A_192 = arith.select %select_n3A_191, %add3A_190, %select_n3A_179 : i32
        %eq3A_193 = arith.constant 16 : i32
        %eq3A_194 = arith.cmpi eq, %select_n3A_192, %eq3A_193 : i32
        %select_n3A_195 = arith.constant 0 : i32
        %select_n3A_196 = arith.select %eq3A_194, %select_n3A_195, %select_n3A_192 : i32
        %add3A_197 = arith.constant 1 : i32
        %add3A_198 = arith.addi %select_n3A_185, %add3A_197 : i32
        %select_n3A_199 = arith.select %eq3A_194, %add3A_198, %select_n3A_185 : i32
        %eq3A_200 = arith.cmpi eq, %select_n3A_199, %select_n3A : i32
        %select_n3A_201 = arith.constant 0 : i32
        %select_n3A_202 = arith.select %eq3A_200, %select_n3A_201, %select_n3A_199 : i32
        %add3A_203 = arith.addi %select_n3A_202, %select_n3A_14 : i32
        %add3A_204 = arith.constant 0 : i32
        %add3A_205 = arith.addi %select_n3A_196, %add3A_204 : i32
        %convert_element_type3A_206 = arith.extui %eq3A_149 : i1 to i32
        %cond3A_207 = arith.constant 0 : i32
        %cond3A_208 = arith.cmpi ne, %convert_element_type3A_206, %cond3A_207 : i32
        scf.if %cond3A_208 {
        } else {
        }
        %convert_element_type3A_209 = arith.extui %eq3A_149 : i1 to i32
        %cond3A_210 = arith.constant 0 : i32
        %cond3A_211 = arith.cmpi ne, %convert_element_type3A_209, %cond3A_210 : i32
        scf.if %cond3A_211 {
          "tpu.trace_start"() <{level = 10 : i32, message = "ep_finalize"}> : () -> ()
          %rem3A_212 = arith.constant 2 : i32
          %rem3A_213 = arith.remui %while3A_122#3, %rem3A_212 : i32
          %mul3A_214 = arith.constant 16 : i32
          %mul3A_215 = arith.muli %add3A_150, %mul3A_214 : i32
          %add3A_216 = arith.addi %mul3A_215, %add3A_152 : i32
          %mul3A_217 = arith.constant 128 : i32
          %mul3A_218 = arith.muli %mul3A_217, %add3A_216 : i32
          %dma_wait3A = arith.constant 0 : i32
          %dma_wait3A_219 = arith.constant 0 : i32
          %dma_wait3A_220 = tpu.memref_slice %run_scoped3A_20[%rem3A_213, %dma_wait3A, %dma_wait3A_219] : memref<2x128x128xi32, #tpu.memory_space<vmem>> -> memref<1x128x128xi32, #tpu.memory_space<vmem>>
          %dma_wait3A_221 = tpu.memref_squeeze %dma_wait3A_220 : memref<1x128x128xi32, #tpu.memory_space<vmem>> -> memref<128x128xi32, #tpu.memory_space<vmem>>
          %dma_wait3A_222 = arith.constant 0 : i32
          %dma_wait3A_223 = tpu.memref_slice %arg4[%mul3A_218, %dma_wait3A_222] : memref<32768x128xi32, #tpu.memory_space<hbm>> -> memref<128x128xi32, #tpu.memory_space<hbm>>
          %dma_wait3A_224 = tpu.memref_slice %run_scoped3A_21[%rem3A_213] : memref<2x!tpu.dma_semaphore, #tpu.memory_space<semaphore_mem>> -> memref<1x!tpu.dma_semaphore, #tpu.memory_space<semaphore_mem>>
          %dma_wait3A_225 = tpu.memref_squeeze %dma_wait3A_224 : memref<1x!tpu.dma_semaphore, #tpu.memory_space<semaphore_mem>> -> memref<!tpu.dma_semaphore, #tpu.memory_space<semaphore_mem>>
          %dma_wait3A_226 = arith.constant 0 : i32
          %dma_wait3A_227 = tpu.memref_slice %arg4[%mul3A_218, %dma_wait3A_226] : memref<32768x128xi32, #tpu.memory_space<hbm>> -> memref<128x128xi32, #tpu.memory_space<hbm>>
          %dma_wait3A_228 = arith.constant 0 : i32
          %dma_wait3A_229 = arith.constant 0 : i32
          %dma_wait3A_230 = tpu.memref_slice %run_scoped3A_20[%rem3A_213, %dma_wait3A_228, %dma_wait3A_229] : memref<2x128x128xi32, #tpu.memory_space<vmem>> -> memref<1x128x128xi32, #tpu.memory_space<vmem>>
          %dma_wait3A_231 = tpu.memref_squeeze %dma_wait3A_230 : memref<1x128x128xi32, #tpu.memory_space<vmem>> -> memref<128x128xi32, #tpu.memory_space<vmem>>
          tpu.wait_dma2 semaphore(%dma_wait3A_225 : memref<!tpu.dma_semaphore, #tpu.memory_space<semaphore_mem>>) src(%dma_wait3A_231 : memref<128x128xi32, #tpu.memory_space<vmem>>) dst(%dma_wait3A_227 : memref<128x128xi32, #tpu.memory_space<hbm>>)
          "tpu.trace_stop"() : () -> ()
        } else {
        }
      } else {
      }
      tpu.yield
    }) : () -> ()
    return
  }
}

module attributes {stable_mosaic.version = 14 : i64} {
  func.func @_pack_body(%arg0: i32, %arg1: memref<1x128x2048xf32, #tpu.memory_space<vmem>>, %arg2: memref<1x8x2048xf32, #tpu.memory_space<vmem>>, %arg3: memref<1x2048x128xi32, #tpu.memory_space<vmem>>) attributes {dimension_semantics = [#tpu.dimension_semantics<arbitrary>], iteration_bounds = array<i64: 4>, scalar_prefetch = 0 : i64, scratch_operands = 0 : i64, tpu.core_type = #tpu.core_type<tc>, window_params = [{transform_indices = @transform_0, window_bounds = array<i64: 1, 128, 2048>}, {transform_indices = @transform_1, window_bounds = array<i64: 1, 8, 2048>}, {transform_indices = @transform_2, window_bounds = array<i64: 1, 2048, 128>}]} {
    %get3A = arith.constant 0 : index
    %get3A_0 = arith.constant 0 : index
    %get3A_1 = arith.constant 0 : index
    %get3A_2 = vector.load %arg1[%get3A, %get3A_0, %get3A_1] : memref<1x128x2048xf32, #tpu.memory_space<vmem>>, vector<1x128x2048xf32>
    %get3A_3 = vector.shape_cast %get3A_2 : vector<1x128x2048xf32> to vector<128x2048xf32>
    %transpose3A = tpu.transpose %get3A_3, [1, 0] : vector<128x2048xf32> -> vector<2048x128xf32>
    %get3A_4 = arith.constant 0 : index
    %get3A_5 = arith.constant 0 : index
    %get3A_6 = arith.constant 0 : index
    %get3A_7 = vector.load %arg2[%get3A_4, %get3A_5, %get3A_6] : memref<1x8x2048xf32, #tpu.memory_space<vmem>>, vector<1x8x2048xf32>
    %get3A_8 = vector.shape_cast %get3A_7 : vector<1x8x2048xf32> to vector<8x2048xf32>
    %transpose3A_9 = tpu.transpose %get3A_8, [1, 0] : vector<8x2048xf32> -> vector<2048x8xf32>
    %bitcast_convert_type3A = tpu.bitcast %transpose3A : vector<2048x128xf32> -> vector<2048x128xi32>
    %add3A = arith.constant 32767 : i32
    %add3A_10 = vector.broadcast %add3A : i32 to vector<2048x128xi32>
    %add3A_11 = arith.addi %bitcast_convert_type3A, %add3A_10 : vector<2048x128xi32>
    %shift_right_arithmetic3A = arith.constant 16 : i32
    %shift_right_arithmetic3A_12 = vector.broadcast %shift_right_arithmetic3A : i32 to vector<2048x128xi32>
    %shift_right_arithmetic3A_13 = arith.shrsi %bitcast_convert_type3A, %shift_right_arithmetic3A_12 : vector<2048x128xi32>
    %and3A = arith.constant 1 : i32
    %and3A_14 = vector.broadcast %and3A : i32 to vector<2048x128xi32>
    %and3A_15 = arith.andi %shift_right_arithmetic3A_13, %and3A_14 : vector<2048x128xi32>
    %add3A_16 = arith.addi %add3A_11, %and3A_15 : vector<2048x128xi32>
    %shift_right_arithmetic3A_17 = arith.constant 16 : i32
    %shift_right_arithmetic3A_18 = vector.broadcast %shift_right_arithmetic3A_17 : i32 to vector<2048x128xi32>
    %shift_right_arithmetic3A_19 = arith.shrsi %add3A_16, %shift_right_arithmetic3A_18 : vector<2048x128xi32>
    %and3A_20 = arith.constant 65535 : i32
    %and3A_21 = vector.broadcast %and3A_20 : i32 to vector<2048x128xi32>
    %and3A_22 = arith.andi %shift_right_arithmetic3A_19, %and3A_21 : vector<2048x128xi32>
    %bitcast_convert_type3A_23 = tpu.bitcast %transpose3A_9 : vector<2048x8xf32> -> vector<2048x8xi32>
    %add3A_24 = arith.constant 32767 : i32
    %add3A_25 = vector.broadcast %add3A_24 : i32 to vector<2048x8xi32>
    %add3A_26 = arith.addi %bitcast_convert_type3A_23, %add3A_25 : vector<2048x8xi32>
    %shift_right_arithmetic3A_27 = arith.constant 16 : i32
    %shift_right_arithmetic3A_28 = vector.broadcast %shift_right_arithmetic3A_27 : i32 to vector<2048x8xi32>
    %shift_right_arithmetic3A_29 = arith.shrsi %bitcast_convert_type3A_23, %shift_right_arithmetic3A_28 : vector<2048x8xi32>
    %and3A_30 = arith.constant 1 : i32
    %and3A_31 = vector.broadcast %and3A_30 : i32 to vector<2048x8xi32>
    %and3A_32 = arith.andi %shift_right_arithmetic3A_29, %and3A_31 : vector<2048x8xi32>
    %add3A_33 = arith.addi %add3A_26, %and3A_32 : vector<2048x8xi32>
    %shift_right_arithmetic3A_34 = arith.constant 16 : i32
    %shift_right_arithmetic3A_35 = vector.broadcast %shift_right_arithmetic3A_34 : i32 to vector<2048x8xi32>
    %shift_right_arithmetic3A_36 = arith.shrsi %add3A_33, %shift_right_arithmetic3A_35 : vector<2048x8xi32>
    %shift_left3A = arith.constant 16 : i32
    %shift_left3A_37 = vector.broadcast %shift_left3A : i32 to vector<2048x8xi32>
    %shift_left3A_38 = arith.shli %shift_right_arithmetic3A_36, %shift_left3A_37 : vector<2048x8xi32>
    %jit3A = arith.constant 0 : i32
    %pad3A = vector.broadcast %jit3A : i32 to vector<2048x120xi32>
    %pad3A_39 = tpu.concatenate %shift_left3A_38, %pad3A in 1 : vector<2048x8xi32>, vector<2048x120xi32> -> vector<2048x128xi32>
    %or3A = arith.ori %and3A_22, %pad3A_39 : vector<2048x128xi32>
    %swap3A = arith.constant 0 : index
    %swap3A_40 = arith.constant 0 : index
    %swap3A_41 = arith.constant 0 : index
    %swap3A_42 = vector.load %arg3[%swap3A, %swap3A_40, %swap3A_41] : memref<1x2048x128xi32, #tpu.memory_space<vmem>>, vector<1x2048x128xi32>
    %swap3A_43 = vector.shape_cast %swap3A_42 : vector<1x2048x128xi32> to vector<2048x128xi32>
    %swap3A_44 = vector.shape_cast %or3A : vector<2048x128xi32> to vector<1x2048x128xi32>
    tpu.vector_store %arg3[%swap3A, %swap3A_40, %swap3A_41], %swap3A_44 {strides = array<i32>} : memref<1x2048x128xi32, #tpu.memory_space<vmem>>, vector<1x2048x128xi32>,
    return
  }
  func.func @transform_0(%arg0: i32) -> (i32, i32, i32) {
    %c0_i32 = arith.constant 0 : i32
    %c0_i32_0 = arith.constant 0 : i32
    %c0_i32_1 = arith.constant 0 : i32
    return %arg0, %c0_i32, %c0_i32_0 : i32, i32, i32
  }
  func.func @transform_1(%arg0: i32) -> (i32, i32, i32) {
    %c0_i32 = arith.constant 0 : i32
    %c0_i32_0 = arith.constant 0 : i32
    %c0_i32_1 = arith.constant 0 : i32
    return %arg0, %c0_i32, %c0_i32_0 : i32, i32, i32
  }
  func.func @transform_2(%arg0: i32) -> (i32, i32, i32) {
    %c0_i32 = arith.constant 0 : i32
    %c0_i32_0 = arith.constant 0 : i32
    %c0_i32_1 = arith.constant 0 : i32
    return %arg0, %c0_i32, %c0_i32_0 : i32, i32, i32
  }
}

module attributes {stable_mosaic.version = 14 : i64} {
  func.func @_knn_body(%arg0: i32, %arg1: i32, %arg2: memref<1x8x512xf32, #tpu.memory_space<vmem>>, %arg3: memref<1x8x2048xf32, #tpu.memory_space<vmem>>, %arg4: memref<1x16x512xi32, #tpu.memory_space<vmem>>) attributes {dimension_semantics = [#tpu.dimension_semantics<arbitrary>, #tpu.dimension_semantics<arbitrary>], iteration_bounds = array<i64: 1, 4>, scalar_prefetch = 0 : i64, scratch_operands = 0 : i64, tpu.core_type = #tpu.core_type<tc>, window_params = [{transform_indices = @transform_0, window_bounds = array<i64: 1, 8, 512>}, {transform_indices = @transform_1, window_bounds = array<i64: 1, 8, 2048>}, {transform_indices = @transform_2, window_bounds = array<i64: 1, 16, 512>}]} {
    %get3A = arith.constant 0 : index
    %get3A_0 = arith.constant 0 : index
    %get3A_1 = arith.constant 0 : index
    %get3A_2 = vector.load %arg2[%get3A, %get3A_0, %get3A_1] : memref<1x8x512xf32, #tpu.memory_space<vmem>>, vector<1x8x512xf32>
    %get3A_3 = vector.shape_cast %get3A_2 : vector<1x8x512xf32> to vector<8x512xf32>
    %transpose3A = tpu.transpose %get3A_3, [1, 0] : vector<8x512xf32> -> vector<512x8xf32>
    %get3A_4 = arith.constant 0 : index
    %get3A_5 = arith.constant 0 : index
    %get3A_6 = arith.constant 0 : index
    %get3A_7 = vector.load %arg3[%get3A_4, %get3A_5, %get3A_6] : memref<1x8x2048xf32, #tpu.memory_space<vmem>>, vector<1x8x2048xf32>
    %get3A_8 = vector.shape_cast %get3A_7 : vector<1x8x2048xf32> to vector<8x2048xf32>
    %mul3A = arith.mulf %transpose3A, %transpose3A : vector<512x8xf32>
    %reduce_sum3A = arith.constant dense<0.000000e+00> : vector<512xf32>
    %reduce_sum3A_9 = vector.multi_reduction <add>, %mul3A, %reduce_sum3A [1] : vector<512x8xf32> to vector<512xf32>
    %broadcast_in_dim3A = vector.shape_cast %reduce_sum3A_9 : vector<512xf32> to vector<512x1xf32>
    %mul3A_10 = arith.mulf %get3A_8, %get3A_8 : vector<8x2048xf32>
    %reduce_sum3A_11 = arith.constant dense<0.000000e+00> : vector<2048xf32>
    %reduce_sum3A_12 = vector.multi_reduction <add>, %mul3A_10, %reduce_sum3A_11 [0] : vector<8x2048xf32> to vector<2048xf32>
    %broadcast_in_dim3A_13 = vector.shape_cast %reduce_sum3A_12 : vector<2048xf32> to vector<1x2048xf32>
    %dot_general3A = arith.constant dense<0.000000e+00> : vector<512x2048xf32>
    %dot_general3A_14 = tpu.matmul %transpose3A, %get3A_8, %dot_general3A {dimension_numbers = #tpu.dot_dimension_numbers<[1], [0], [0], [1], [0, 0, 1, 1], [], []>, transpose_lhs_hint = false} : vector<512x8xf32>, vector<8x2048xf32>, vector<512x2048xf32> -> vector<512x2048xf32>
    %add3A = vector.broadcast %broadcast_in_dim3A : vector<512x1xf32> to vector<512x2048xf32>
    %add3A_15 = vector.broadcast %broadcast_in_dim3A_13 : vector<1x2048xf32> to vector<512x2048xf32>
    %add3A_16 = arith.addf %add3A, %add3A_15 : vector<512x2048xf32>
    %mul3A_17 = arith.constant 2.000000e+00 : f32
    %mul3A_18 = vector.broadcast %mul3A_17 : f32 to vector<512x2048xf32>
    %mul3A_19 = arith.mulf %mul3A_18, %dot_general3A_14 : vector<512x2048xf32>
    %sub3A = arith.subf %add3A_16, %mul3A_19 : vector<512x2048xf32>
    %iota3A = tpu.iota {dimensions = array<i32: 1>} : vector<512x2048xi32>
    %reshape3A = vector.shape_cast %sub3A : vector<512x2048xf32> to vector<512x16x128xf32>
    %reduce_min3A = arith.constant dense<0x7F800000> : vector<512x16xf32>
    %reduce_min3A_20 = vector.multi_reduction <minimumf>, %reshape3A, %reduce_min3A [2] : vector<512x16x128xf32> to vector<512x16xf32>
    %reduce_max3A = arith.constant dense<0xFF800000> : vector<512xf32>
    %reduce_max3A_21 = vector.multi_reduction <maximumf>, %reduce_min3A_20, %reduce_max3A [1] : vector<512x16xf32> to vector<512xf32>
    %broadcast_in_dim3A_22 = vector.shape_cast %reduce_max3A_21 : vector<512xf32> to vector<512x1xf32>
    %max3A = arith.constant 1.000000e-30 : f32
    %max3A_23 = vector.broadcast %max3A : f32 to vector<512x1xf32>
    %max3A_24 = arith.maximumf %broadcast_in_dim3A_22, %max3A_23 : vector<512x1xf32>
    %div3A = arith.constant 5.242860e+05 : f32
    %div3A_25 = vector.broadcast %div3A : f32 to vector<512x1xf32>
    %div3A_26 = arith.divf %div3A_25, %max3A_24 : vector<512x1xf32>
    %mul3A_27 = vector.broadcast %div3A_26 : vector<512x1xf32> to vector<512x2048xf32>
    %mul3A_28 = arith.mulf %sub3A, %mul3A_27 : vector<512x2048xf32>
    %convert_element_type3A = arith.fptosi %mul3A_28 : vector<512x2048xf32> to vector<512x2048xi32>
    %jit3A = arith.constant 0 : i32
    %jit3A_29 = arith.constant 524287 : i32
    %max3A_30 = vector.broadcast %jit3A : i32 to vector<512x2048xi32>
    %max3A_31 = arith.maxsi %max3A_30, %convert_element_type3A : vector<512x2048xi32>
    %min3A = vector.broadcast %jit3A_29 : i32 to vector<512x2048xi32>
    %min3A_32 = arith.minsi %min3A, %max3A_31 : vector<512x2048xi32>
    %shift_left3A = arith.constant 11 : i32
    %shift_left3A_33 = vector.broadcast %shift_left3A : i32 to vector<512x2048xi32>
    %shift_left3A_34 = arith.shli %min3A_32, %shift_left3A_33 : vector<512x2048xi32>
    %or3A = arith.ori %shift_left3A_34, %iota3A : vector<512x2048xi32>
    %add3A_35 = arith.constant 268435456 : i32
    %add3A_36 = vector.broadcast %add3A_35 : i32 to vector<512x2048xi32>
    %add3A_37 = arith.addi %or3A, %add3A_36 : vector<512x2048xi32>
    %bitcast_convert_type3A = tpu.bitcast %add3A_37 : vector<512x2048xi32> -> vector<512x2048xf32>
    %broadcast_in_dim3A_38 = arith.constant 0.000000e+00 : f32
    %broadcast_in_dim3A_39 = vector.broadcast %broadcast_in_dim3A_38 : f32 to vector<512x1xf32>
    %gt3A = vector.broadcast %broadcast_in_dim3A_39 : vector<512x1xf32> to vector<512x2048xf32>
    %gt3A_40 = arith.cmpf ogt, %bitcast_convert_type3A, %gt3A : vector<512x2048xf32>
    %jit3A_41 = arith.constant 1.000000e+30 : f32
    %broadcast_in_dim3A_42 = vector.broadcast %jit3A_41 : f32 to vector<512x2048xf32>
    %select_n3A = arith.select %gt3A_40, %bitcast_convert_type3A, %broadcast_in_dim3A_42 : vector<512x2048xi1>, vector<512x2048xf32>
    %reduce_min3A_43 = arith.constant dense<0x7F800000> : vector<512xf32>
    %reduce_min3A_44 = vector.multi_reduction <minimumf>, %select_n3A, %reduce_min3A_43 [1] : vector<512x2048xf32> to vector<512xf32>
    %broadcast_in_dim3A_45 = vector.shape_cast %reduce_min3A_44 : vector<512xf32> to vector<512x1xf32>
    %gt3A_46 = vector.broadcast %broadcast_in_dim3A_45 : vector<512x1xf32> to vector<512x2048xf32>
    %gt3A_47 = arith.cmpf ogt, %bitcast_convert_type3A, %gt3A_46 : vector<512x2048xf32>
    %jit3A_48 = arith.constant 1.000000e+30 : f32
    %broadcast_in_dim3A_49 = vector.broadcast %jit3A_48 : f32 to vector<512x2048xf32>
    %select_n3A_50 = arith.select %gt3A_47, %bitcast_convert_type3A, %broadcast_in_dim3A_49 : vector<512x2048xi1>, vector<512x2048xf32>
    %reduce_min3A_51 = arith.constant dense<0x7F800000> : vector<512xf32>
    %reduce_min3A_52 = vector.multi_reduction <minimumf>, %select_n3A_50, %reduce_min3A_51 [1] : vector<512x2048xf32> to vector<512xf32>
    %broadcast_in_dim3A_53 = vector.shape_cast %reduce_min3A_52 : vector<512xf32> to vector<512x1xf32>
    %gt3A_54 = vector.broadcast %broadcast_in_dim3A_53 : vector<512x1xf32> to vector<512x2048xf32>
    %gt3A_55 = arith.cmpf ogt, %bitcast_convert_type3A, %gt3A_54 : vector<512x2048xf32>
    %jit3A_56 = arith.constant 1.000000e+30 : f32
    %broadcast_in_dim3A_57 = vector.broadcast %jit3A_56 : f32 to vector<512x2048xf32>
    %select_n3A_58 = arith.select %gt3A_55, %bitcast_convert_type3A, %broadcast_in_dim3A_57 : vector<512x2048xi1>, vector<512x2048xf32>
    %reduce_min3A_59 = arith.constant dense<0x7F800000> : vector<512xf32>
    %reduce_min3A_60 = vector.multi_reduction <minimumf>, %select_n3A_58, %reduce_min3A_59 [1] : vector<512x2048xf32> to vector<512xf32>
    %broadcast_in_dim3A_61 = vector.shape_cast %reduce_min3A_60 : vector<512xf32> to vector<512x1xf32>
    %gt3A_62 = vector.broadcast %broadcast_in_dim3A_61 : vector<512x1xf32> to vector<512x2048xf32>
    %gt3A_63 = arith.cmpf ogt, %bitcast_convert_type3A, %gt3A_62 : vector<512x2048xf32>
    %jit3A_64 = arith.constant 1.000000e+30 : f32
    %broadcast_in_dim3A_65 = vector.broadcast %jit3A_64 : f32 to vector<512x2048xf32>
    %select_n3A_66 = arith.select %gt3A_63, %bitcast_convert_type3A, %broadcast_in_dim3A_65 : vector<512x2048xi1>, vector<512x2048xf32>
    %reduce_min3A_67 = arith.constant dense<0x7F800000> : vector<512xf32>
    %reduce_min3A_68 = vector.multi_reduction <minimumf>, %select_n3A_66, %reduce_min3A_67 [1] : vector<512x2048xf32> to vector<512xf32>
    %broadcast_in_dim3A_69 = vector.shape_cast %reduce_min3A_68 : vector<512xf32> to vector<512x1xf32>
    %gt3A_70 = vector.broadcast %broadcast_in_dim3A_69 : vector<512x1xf32> to vector<512x2048xf32>
    %gt3A_71 = arith.cmpf ogt, %bitcast_convert_type3A, %gt3A_70 : vector<512x2048xf32>
    %jit3A_72 = arith.constant 1.000000e+30 : f32
    %broadcast_in_dim3A_73 = vector.broadcast %jit3A_72 : f32 to vector<512x2048xf32>
    %select_n3A_74 = arith.select %gt3A_71, %bitcast_convert_type3A, %broadcast_in_dim3A_73 : vector<512x2048xi1>, vector<512x2048xf32>
    %reduce_min3A_75 = arith.constant dense<0x7F800000> : vector<512xf32>
    %reduce_min3A_76 = vector.multi_reduction <minimumf>, %select_n3A_74, %reduce_min3A_75 [1] : vector<512x2048xf32> to vector<512xf32>
    %broadcast_in_dim3A_77 = vector.shape_cast %reduce_min3A_76 : vector<512xf32> to vector<512x1xf32>
    %gt3A_78 = vector.broadcast %broadcast_in_dim3A_77 : vector<512x1xf32> to vector<512x2048xf32>
    %gt3A_79 = arith.cmpf ogt, %bitcast_convert_type3A, %gt3A_78 : vector<512x2048xf32>
    %jit3A_80 = arith.constant 1.000000e+30 : f32
    %broadcast_in_dim3A_81 = vector.broadcast %jit3A_80 : f32 to vector<512x2048xf32>
    %select_n3A_82 = arith.select %gt3A_79, %bitcast_convert_type3A, %broadcast_in_dim3A_81 : vector<512x2048xi1>, vector<512x2048xf32>
    %reduce_min3A_83 = arith.constant dense<0x7F800000> : vector<512xf32>
    %reduce_min3A_84 = vector.multi_reduction <minimumf>, %select_n3A_82, %reduce_min3A_83 [1] : vector<512x2048xf32> to vector<512xf32>
    %broadcast_in_dim3A_85 = vector.shape_cast %reduce_min3A_84 : vector<512xf32> to vector<512x1xf32>
    %gt3A_86 = vector.broadcast %broadcast_in_dim3A_85 : vector<512x1xf32> to vector<512x2048xf32>
    %gt3A_87 = arith.cmpf ogt, %bitcast_convert_type3A, %gt3A_86 : vector<512x2048xf32>
    %jit3A_88 = arith.constant 1.000000e+30 : f32
    %broadcast_in_dim3A_89 = vector.broadcast %jit3A_88 : f32 to vector<512x2048xf32>
    %select_n3A_90 = arith.select %gt3A_87, %bitcast_convert_type3A, %broadcast_in_dim3A_89 : vector<512x2048xi1>, vector<512x2048xf32>
    %reduce_min3A_91 = arith.constant dense<0x7F800000> : vector<512xf32>
    %reduce_min3A_92 = vector.multi_reduction <minimumf>, %select_n3A_90, %reduce_min3A_91 [1] : vector<512x2048xf32> to vector<512xf32>
    %broadcast_in_dim3A_93 = vector.shape_cast %reduce_min3A_92 : vector<512xf32> to vector<512x1xf32>
    %gt3A_94 = vector.broadcast %broadcast_in_dim3A_93 : vector<512x1xf32> to vector<512x2048xf32>
    %gt3A_95 = arith.cmpf ogt, %bitcast_convert_type3A, %gt3A_94 : vector<512x2048xf32>
    %jit3A_96 = arith.constant 1.000000e+30 : f32
    %broadcast_in_dim3A_97 = vector.broadcast %jit3A_96 : f32 to vector<512x2048xf32>
    %select_n3A_98 = arith.select %gt3A_95, %bitcast_convert_type3A, %broadcast_in_dim3A_97 : vector<512x2048xi1>, vector<512x2048xf32>
    %reduce_min3A_99 = arith.constant dense<0x7F800000> : vector<512xf32>
    %reduce_min3A_100 = vector.multi_reduction <minimumf>, %select_n3A_98, %reduce_min3A_99 [1] : vector<512x2048xf32> to vector<512xf32>
    %broadcast_in_dim3A_101 = vector.shape_cast %reduce_min3A_100 : vector<512xf32> to vector<512x1xf32>
    %gt3A_102 = vector.broadcast %broadcast_in_dim3A_101 : vector<512x1xf32> to vector<512x2048xf32>
    %gt3A_103 = arith.cmpf ogt, %bitcast_convert_type3A, %gt3A_102 : vector<512x2048xf32>
    %jit3A_104 = arith.constant 1.000000e+30 : f32
    %broadcast_in_dim3A_105 = vector.broadcast %jit3A_104 : f32 to vector<512x2048xf32>
    %select_n3A_106 = arith.select %gt3A_103, %bitcast_convert_type3A, %broadcast_in_dim3A_105 : vector<512x2048xi1>, vector<512x2048xf32>
    %reduce_min3A_107 = arith.constant dense<0x7F800000> : vector<512xf32>
    %reduce_min3A_108 = vector.multi_reduction <minimumf>, %select_n3A_106, %reduce_min3A_107 [1] : vector<512x2048xf32> to vector<512xf32>
    %broadcast_in_dim3A_109 = vector.shape_cast %reduce_min3A_108 : vector<512xf32> to vector<512x1xf32>
    %gt3A_110 = vector.broadcast %broadcast_in_dim3A_109 : vector<512x1xf32> to vector<512x2048xf32>
    %gt3A_111 = arith.cmpf ogt, %bitcast_convert_type3A, %gt3A_110 : vector<512x2048xf32>
    %jit3A_112 = arith.constant 1.000000e+30 : f32
    %broadcast_in_dim3A_113 = vector.broadcast %jit3A_112 : f32 to vector<512x2048xf32>
    %select_n3A_114 = arith.select %gt3A_111, %bitcast_convert_type3A, %broadcast_in_dim3A_113 : vector<512x2048xi1>, vector<512x2048xf32>
    %reduce_min3A_115 = arith.constant dense<0x7F800000> : vector<512xf32>
    %reduce_min3A_116 = vector.multi_reduction <minimumf>, %select_n3A_114, %reduce_min3A_115 [1] : vector<512x2048xf32> to vector<512xf32>
    %broadcast_in_dim3A_117 = vector.shape_cast %reduce_min3A_116 : vector<512xf32> to vector<512x1xf32>
    %gt3A_118 = vector.broadcast %broadcast_in_dim3A_117 : vector<512x1xf32> to vector<512x2048xf32>
    %gt3A_119 = arith.cmpf ogt, %bitcast_convert_type3A, %gt3A_118 : vector<512x2048xf32>
    %jit3A_120 = arith.constant 1.000000e+30 : f32
    %broadcast_in_dim3A_121 = vector.broadcast %jit3A_120 : f32 to vector<512x2048xf32>
    %select_n3A_122 = arith.select %gt3A_119, %bitcast_convert_type3A, %broadcast_in_dim3A_121 : vector<512x2048xi1>, vector<512x2048xf32>
    %reduce_min3A_123 = arith.constant dense<0x7F800000> : vector<512xf32>
    %reduce_min3A_124 = vector.multi_reduction <minimumf>, %select_n3A_122, %reduce_min3A_123 [1] : vector<512x2048xf32> to vector<512xf32>
    %broadcast_in_dim3A_125 = vector.shape_cast %reduce_min3A_124 : vector<512xf32> to vector<512x1xf32>
    %gt3A_126 = vector.broadcast %broadcast_in_dim3A_125 : vector<512x1xf32> to vector<512x2048xf32>
    %gt3A_127 = arith.cmpf ogt, %bitcast_convert_type3A, %gt3A_126 : vector<512x2048xf32>
    %jit3A_128 = arith.constant 1.000000e+30 : f32
    %broadcast_in_dim3A_129 = vector.broadcast %jit3A_128 : f32 to vector<512x2048xf32>
    %select_n3A_130 = arith.select %gt3A_127, %bitcast_convert_type3A, %broadcast_in_dim3A_129 : vector<512x2048xi1>, vector<512x2048xf32>
    %reduce_min3A_131 = arith.constant dense<0x7F800000> : vector<512xf32>
    %reduce_min3A_132 = vector.multi_reduction <minimumf>, %select_n3A_130, %reduce_min3A_131 [1] : vector<512x2048xf32> to vector<512xf32>
    %broadcast_in_dim3A_133 = vector.shape_cast %reduce_min3A_132 : vector<512xf32> to vector<512x1xf32>
    %gt3A_134 = vector.broadcast %broadcast_in_dim3A_133 : vector<512x1xf32> to vector<512x2048xf32>
    %gt3A_135 = arith.cmpf ogt, %bitcast_convert_type3A, %gt3A_134 : vector<512x2048xf32>
    %jit3A_136 = arith.constant 1.000000e+30 : f32
    %broadcast_in_dim3A_137 = vector.broadcast %jit3A_136 : f32 to vector<512x2048xf32>
    %select_n3A_138 = arith.select %gt3A_135, %bitcast_convert_type3A, %broadcast_in_dim3A_137 : vector<512x2048xi1>, vector<512x2048xf32>
    %reduce_min3A_139 = arith.constant dense<0x7F800000> : vector<512xf32>
    %reduce_min3A_140 = vector.multi_reduction <minimumf>, %select_n3A_138, %reduce_min3A_139 [1] : vector<512x2048xf32> to vector<512xf32>
    %broadcast_in_dim3A_141 = vector.shape_cast %reduce_min3A_140 : vector<512xf32> to vector<512x1xf32>
    %gt3A_142 = vector.broadcast %broadcast_in_dim3A_141 : vector<512x1xf32> to vector<512x2048xf32>
    %gt3A_143 = arith.cmpf ogt, %bitcast_convert_type3A, %gt3A_142 : vector<512x2048xf32>
    %jit3A_144 = arith.constant 1.000000e+30 : f32
    %broadcast_in_dim3A_145 = vector.broadcast %jit3A_144 : f32 to vector<512x2048xf32>
    %select_n3A_146 = arith.select %gt3A_143, %bitcast_convert_type3A, %broadcast_in_dim3A_145 : vector<512x2048xi1>, vector<512x2048xf32>
    %reduce_min3A_147 = arith.constant dense<0x7F800000> : vector<512xf32>
    %reduce_min3A_148 = vector.multi_reduction <minimumf>, %select_n3A_146, %reduce_min3A_147 [1] : vector<512x2048xf32> to vector<512xf32>
    %broadcast_in_dim3A_149 = vector.shape_cast %reduce_min3A_148 : vector<512xf32> to vector<512x1xf32>
    %gt3A_150 = vector.broadcast %broadcast_in_dim3A_149 : vector<512x1xf32> to vector<512x2048xf32>
    %gt3A_151 = arith.cmpf ogt, %bitcast_convert_type3A, %gt3A_150 : vector<512x2048xf32>
    %jit3A_152 = arith.constant 1.000000e+30 : f32
    %broadcast_in_dim3A_153 = vector.broadcast %jit3A_152 : f32 to vector<512x2048xf32>
    %select_n3A_154 = arith.select %gt3A_151, %bitcast_convert_type3A, %broadcast_in_dim3A_153 : vector<512x2048xi1>, vector<512x2048xf32>
    %reduce_min3A_155 = arith.constant dense<0x7F800000> : vector<512xf32>
    %reduce_min3A_156 = vector.multi_reduction <minimumf>, %select_n3A_154, %reduce_min3A_155 [1] : vector<512x2048xf32> to vector<512xf32>
    %broadcast_in_dim3A_157 = vector.shape_cast %reduce_min3A_156 : vector<512xf32> to vector<512x1xf32>
    %gt3A_158 = vector.broadcast %broadcast_in_dim3A_157 : vector<512x1xf32> to vector<512x2048xf32>
    %gt3A_159 = arith.cmpf ogt, %bitcast_convert_type3A, %gt3A_158 : vector<512x2048xf32>
    %jit3A_160 = arith.constant 1.000000e+30 : f32
    %broadcast_in_dim3A_161 = vector.broadcast %jit3A_160 : f32 to vector<512x2048xf32>
    %select_n3A_162 = arith.select %gt3A_159, %bitcast_convert_type3A, %broadcast_in_dim3A_161 : vector<512x2048xi1>, vector<512x2048xf32>
    %reduce_min3A_163 = arith.constant dense<0x7F800000> : vector<512xf32>
    %reduce_min3A_164 = vector.multi_reduction <minimumf>, %select_n3A_162, %reduce_min3A_163 [1] : vector<512x2048xf32> to vector<512xf32>
    %broadcast_in_dim3A_165 = vector.shape_cast %reduce_min3A_164 : vector<512xf32> to vector<512x1xf32>
    %concatenate3A = tpu.concatenate %broadcast_in_dim3A_45, %broadcast_in_dim3A_53, %broadcast_in_dim3A_61, %broadcast_in_dim3A_69, %broadcast_in_dim3A_77, %broadcast_in_dim3A_85, %broadcast_in_dim3A_93, %broadcast_in_dim3A_101, %broadcast_in_dim3A_109, %broadcast_in_dim3A_117, %broadcast_in_dim3A_125, %broadcast_in_dim3A_133, %broadcast_in_dim3A_141, %broadcast_in_dim3A_149, %broadcast_in_dim3A_157, %broadcast_in_dim3A_165 in 1 : vector<512x1xf32>, vector<512x1xf32>, vector<512x1xf32>, vector<512x1xf32>, vector<512x1xf32>, vector<512x1xf32>, vector<512x1xf32>, vector<512x1xf32>, vector<512x1xf32>, vector<512x1xf32>, vector<512x1xf32>, vector<512x1xf32>, vector<512x1xf32>, vector<512x1xf32>, vector<512x1xf32>, vector<512x1xf32> -> vector<512x16xf32>
    %bitcast_convert_type3A_166 = tpu.bitcast %concatenate3A : vector<512x16xf32> -> vector<512x16xi32>
    %and3A = arith.constant 2047 : i32
    %and3A_167 = vector.broadcast %and3A : i32 to vector<512x16xi32>
    %and3A_168 = arith.andi %bitcast_convert_type3A_166, %and3A_167 : vector<512x16xi32>
    %transpose3A_169 = tpu.transpose %and3A_168, [1, 0] : vector<512x16xi32> -> vector<16x512xi32>
    %mul3A_170 = arith.constant 2048 : i32
    %mul3A_171 = arith.muli %arg0, %mul3A_170 : i32
    %add3A_172 = vector.broadcast %mul3A_171 : i32 to vector<16x512xi32>
    %add3A_173 = arith.addi %transpose3A_169, %add3A_172 : vector<16x512xi32>
    %swap3A = arith.constant 0 : index
    %swap3A_174 = arith.constant 0 : index
    %swap3A_175 = arith.constant 0 : index
    %swap3A_176 = vector.load %arg4[%swap3A, %swap3A_174, %swap3A_175] : memref<1x16x512xi32, #tpu.memory_space<vmem>>, vector<1x16x512xi32>
    %swap3A_177 = vector.shape_cast %swap3A_176 : vector<1x16x512xi32> to vector<16x512xi32>
    %swap3A_178 = vector.shape_cast %add3A_173 : vector<16x512xi32> to vector<1x16x512xi32>
    tpu.vector_store %arg4[%swap3A, %swap3A_174, %swap3A_175], %swap3A_178 {strides = array<i32>} : memref<1x16x512xi32, #tpu.memory_space<vmem>>, vector<1x16x512xi32>,
    return
  }
  func.func @transform_0(%arg0: i32, %arg1: i32) -> (i32, i32, i32) {
    %c0_i32 = arith.constant 0 : i32
    %c0_i32_0 = arith.constant 0 : i32
    return %arg0, %c0_i32, %arg1 : i32, i32, i32
  }
  func.func @transform_1(%arg0: i32, %arg1: i32) -> (i32, i32, i32) {
    %c0_i32 = arith.constant 0 : i32
    %c0_i32_0 = arith.constant 0 : i32
    %c0_i32_1 = arith.constant 0 : i32
    return %arg0, %c0_i32, %c0_i32_0 : i32, i32, i32
  }
  func.func @transform_2(%arg0: i32, %arg1: i32) -> (i32, i32, i32) {
    %c0_i32 = arith.constant 0 : i32
    %c0_i32_0 = arith.constant 0 : i32
    return %arg0, %c0_i32, %arg1 : i32, i32, i32
  }
}

module attributes {stable_mosaic.version = 14 : i64} {
  func.func @_mlp_body(%arg0: i32, %arg1: i32, %arg2: memref<1x16x256x128xi32, #tpu.memory_space<vmem>>, %arg3: memref<1x8x256xf32, #tpu.memory_space<vmem>>, %arg4: memref<128x128xbf16, #tpu.memory_space<vmem>>, %arg5: memref<8x128xbf16, #tpu.memory_space<vmem>>, %arg6: memref<8x128xbf16, #tpu.memory_space<vmem>>, %arg7: memref<1x128xf32, #tpu.memory_space<vmem>>, %arg8: memref<128x128xbf16, #tpu.memory_space<vmem>>, %arg9: memref<1x128xf32, #tpu.memory_space<vmem>>, %arg10: memref<128x256xbf16, #tpu.memory_space<vmem>>, %arg11: memref<1x256xf32, #tpu.memory_space<vmem>>, %arg12: memref<128x256xbf16, #tpu.memory_space<vmem>>, %arg13: memref<8x256xbf16, #tpu.memory_space<vmem>>, %arg14: memref<8x256xbf16, #tpu.memory_space<vmem>>, %arg15: memref<1x256xf32, #tpu.memory_space<vmem>>, %arg16: memref<16x256x256xbf16, #tpu.memory_space<vmem>>, %arg17: memref<1x256xf32, #tpu.memory_space<vmem>>, %arg18: memref<256x256xbf16, #tpu.memory_space<vmem>>, %arg19: memref<1x256xf32, #tpu.memory_space<vmem>>, %arg20: memref<1x256x256xf32, #tpu.memory_space<vmem>>) attributes {dimension_semantics = [#tpu.dimension_semantics<arbitrary>, #tpu.dimension_semantics<arbitrary>], iteration_bounds = array<i64: 1, 8>, scalar_prefetch = 0 : i64, scratch_operands = 0 : i64, tpu.core_type = #tpu.core_type<tc>, window_params = [{transform_indices = @transform_0, window_bounds = array<i64: 1, 16, 256, 128>}, {transform_indices = @transform_1, window_bounds = array<i64: 1, 8, 256>}, {pipeline_mode = #tpu.pipeline_mode<synchronous>, transform_indices = @transform_2, window_bounds = array<i64: 128, 128>}, {pipeline_mode = #tpu.pipeline_mode<synchronous>, transform_indices = @transform_3, window_bounds = array<i64: 8, 128>}, {pipeline_mode = #tpu.pipeline_mode<synchronous>, transform_indices = @transform_4, window_bounds = array<i64: 8, 128>}, {pipeline_mode = #tpu.pipeline_mode<synchronous>, transform_indices = @transform_5, window_bounds = array<i64: 1, 128>}, {pipeline_mode = #tpu.pipeline_mode<synchronous>, transform_indices = @transform_6, window_bounds = array<i64: 128, 128>}, {pipeline_mode = #tpu.pipeline_mode<synchronous>, transform_indices = @transform_7, window_bounds = array<i64: 1, 128>}, {pipeline_mode = #tpu.pipeline_mode<synchronous>, transform_indices = @transform_8, window_bounds = array<i64: 128, 256>}, {pipeline_mode = #tpu.pipeline_mode<synchronous>, transform_indices = @transform_9, window_bounds = array<i64: 1, 256>}, {pipeline_mode = #tpu.pipeline_mode<synchronous>, transform_indices = @transform_10, window_bounds = array<i64: 128, 256>}, {pipeline_mode = #tpu.pipeline_mode<synchronous>, transform_indices = @transform_11, window_bounds = array<i64: 8, 256>}, {pipeline_mode = #tpu.pipeline_mode<synchronous>, transform_indices = @transform_12, window_bounds = array<i64: 8, 256>}, {pipeline_mode = #tpu.pipeline_mode<synchronous>, transform_indices = @transform_13, window_bounds = array<i64: 1, 256>}, {pipeline_mode = #tpu.pipeline_mode<synchronous>, transform_indices = @transform_14, window_bounds = array<i64: 16, 256, 256>}, {pipeline_mode = #tpu.pipeline_mode<synchronous>, transform_indices = @transform_15, window_bounds = array<i64: 1, 256>}, {pipeline_mode = #tpu.pipeline_mode<synchronous>, transform_indices = @transform_16, window_bounds = array<i64: 256, 256>}, {pipeline_mode = #tpu.pipeline_mode<synchronous>, transform_indices = @transform_17, window_bounds = array<i64: 1, 256>}, {transform_indices = @transform_18, window_bounds = array<i64: 1, 256, 256>}]} {
    %get3A = arith.constant 0 : index
    %get3A_0 = arith.constant 0 : index
    %get3A_1 = arith.constant 0 : index
    %get3A_2 = arith.constant 0 : index
    %get3A_3 = vector.load %arg2[%get3A, %get3A_0, %get3A_1, %get3A_2] : memref<1x16x256x128xi32, #tpu.memory_space<vmem>>, vector<1x16x256x128xi32>
    %get3A_4 = vector.shape_cast %get3A_3 : vector<1x16x256x128xi32> to vector<16x256x128xi32>
    %shift_left3A = arith.constant 16 : i32
    %shift_left3A_5 = vector.broadcast %shift_left3A : i32 to vector<16x256x128xi32>
    %shift_left3A_6 = arith.shli %get3A_4, %shift_left3A_5 : vector<16x256x128xi32>
    %bitcast_convert_type3A = tpu.bitcast %shift_left3A_6 : vector<16x256x128xi32> -> vector<16x256x128xf32>
    %convert_element_type3A = arith.truncf %bitcast_convert_type3A : vector<16x256x128xf32> to vector<16x256x128xbf16>
    %slice3A = vector.extract_strided_slice %get3A_4 {offsets = [0, 0, 0], sizes = [16, 256, 8], strides = [1, 1, 1]} : vector<16x256x128xi32> to vector<16x256x8xi32>
    %and3A = arith.constant -65536 : i32
    %and3A_7 = vector.broadcast %and3A : i32 to vector<16x256x8xi32>
    %and3A_8 = arith.andi %slice3A, %and3A_7 : vector<16x256x8xi32>
    %bitcast_convert_type3A_9 = tpu.bitcast %and3A_8 : vector<16x256x8xi32> -> vector<16x256x8xf32>
    %convert_element_type3A_10 = arith.truncf %bitcast_convert_type3A_9 : vector<16x256x8xf32> to vector<16x256x8xbf16>
    %get3A_11 = arith.constant 0 : index
    %get3A_12 = arith.constant 0 : index
    %get3A_13 = arith.constant 0 : index
    %get3A_14 = vector.load %arg3[%get3A_11, %get3A_12, %get3A_13] : memref<1x8x256xf32, #tpu.memory_space<vmem>>, vector<1x8x256xf32>
    %get3A_15 = vector.shape_cast %get3A_14 : vector<1x8x256xf32> to vector<8x256xf32>
    %transpose3A = tpu.transpose %get3A_15, [1, 0] : vector<8x256xf32> -> vector<256x8xf32>
    %convert_element_type3A_16 = arith.truncf %transpose3A : vector<256x8xf32> to vector<256x8xbf16>
    %reshape3A = vector.shape_cast %convert_element_type3A : vector<16x256x128xbf16> to vector<4096x128xbf16>
    %reshape3A_17 = vector.shape_cast %convert_element_type3A_10 : vector<16x256x8xbf16> to vector<4096x8xbf16>
    %get3A_18 = arith.constant 0 : index
    %get3A_19 = arith.constant 0 : index
    %get3A_20 = vector.load %arg4[%get3A_18, %get3A_19] : memref<128x128xbf16, #tpu.memory_space<vmem>>, vector<128x128xbf16>
    %dot_general3A = arith.constant dense<0.000000e+00> : vector<4096x128xf32>
    %dot_general3A_21 = tpu.matmul %reshape3A, %get3A_20, %dot_general3A {dimension_numbers = #tpu.dot_dimension_numbers<[1], [0], [0], [1], [0, 0, 1, 1], [], []>, transpose_lhs_hint = false} : vector<4096x128xbf16>, vector<128x128xbf16>, vector<4096x128xf32> -> vector<4096x128xf32>
    %get3A_22 = arith.constant 0 : index
    %get3A_23 = arith.constant 0 : index
    %get3A_24 = vector.load %arg5[%get3A_22, %get3A_23] : memref<8x128xbf16, #tpu.memory_space<vmem>>, vector<8x128xbf16>
    %dot_general3A_25 = arith.constant dense<0.000000e+00> : vector<4096x128xf32>
    %dot_general3A_26 = tpu.matmul %reshape3A_17, %get3A_24, %dot_general3A_25 {dimension_numbers = #tpu.dot_dimension_numbers<[1], [0], [0], [1], [0, 0, 1, 1], [], []>, transpose_lhs_hint = false} : vector<4096x8xbf16>, vector<8x128xbf16>, vector<4096x128xf32> -> vector<4096x128xf32>
    %add3A = arith.addf %dot_general3A_21, %dot_general3A_26 : vector<4096x128xf32>
    %reshape3A_27 = vector.shape_cast %add3A : vector<4096x128xf32> to vector<16x256x128xf32>
    %get3A_28 = arith.constant 0 : index
    %get3A_29 = arith.constant 0 : index
    %get3A_30 = vector.load %arg6[%get3A_28, %get3A_29] : memref<8x128xbf16, #tpu.memory_space<vmem>>, vector<8x128xbf16>
    %dot_general3A_31 = arith.constant dense<0.000000e+00> : vector<256x128xf32>
    %dot_general3A_32 = tpu.matmul %convert_element_type3A_16, %get3A_30, %dot_general3A_31 {dimension_numbers = #tpu.dot_dimension_numbers<[1], [0], [0], [1], [0, 0, 1, 1], [], []>, transpose_lhs_hint = false} : vector<256x8xbf16>, vector<8x128xbf16>, vector<256x128xf32> -> vector<256x128xf32>
    %broadcast_in_dim3A = vector.shape_cast %dot_general3A_32 : vector<256x128xf32> to vector<1x256x128xf32>
    %sub3A = vector.broadcast %broadcast_in_dim3A : vector<1x256x128xf32> to vector<16x256x128xf32>
    %sub3A_33 = arith.subf %reshape3A_27, %sub3A : vector<16x256x128xf32>
    %get3A_34 = arith.constant 0 : index
    %get3A_35 = arith.constant 0 : index
    %get3A_36 = vector.load %arg7[%get3A_34, %get3A_35] : memref<1x128xf32, #tpu.memory_space<vmem>>, vector<1x128xf32>
    %broadcast_in_dim3A_37 = vector.shape_cast %get3A_36 : vector<1x128xf32> to vector<1x1x128xf32>
    %add3A_38 = vector.broadcast %broadcast_in_dim3A_37 : vector<1x1x128xf32> to vector<16x256x128xf32>
    %add3A_39 = arith.addf %sub3A_33, %add3A_38 : vector<16x256x128xf32>
    %max3A = arith.constant 0.000000e+00 : f32
    %max3A_40 = vector.broadcast %max3A : f32 to vector<16x256x128xf32>
    %max3A_41 = arith.maximumf %add3A_39, %max3A_40 : vector<16x256x128xf32>
    %reshape3A_42 = vector.shape_cast %max3A_41 : vector<16x256x128xf32> to vector<4096x128xf32>
    %convert_element_type3A_43 = arith.truncf %reshape3A_42 : vector<4096x128xf32> to vector<4096x128xbf16>
    %get3A_44 = arith.constant 0 : index
    %get3A_45 = arith.constant 0 : index
    %get3A_46 = vector.load %arg8[%get3A_44, %get3A_45] : memref<128x128xbf16, #tpu.memory_space<vmem>>, vector<128x128xbf16>
    %dot_general3A_47 = arith.constant dense<0.000000e+00> : vector<4096x128xf32>
    %dot_general3A_48 = tpu.matmul %convert_element_type3A_43, %get3A_46, %dot_general3A_47 {dimension_numbers = #tpu.dot_dimension_numbers<[1], [0], [0], [1], [0, 0, 1, 1], [], []>, transpose_lhs_hint = false} : vector<4096x128xbf16>, vector<128x128xbf16>, vector<4096x128xf32> -> vector<4096x128xf32>
    %get3A_49 = arith.constant 0 : index
    %get3A_50 = arith.constant 0 : index
    %get3A_51 = vector.load %arg9[%get3A_49, %get3A_50] : memref<1x128xf32, #tpu.memory_space<vmem>>, vector<1x128xf32>
    %add3A_52 = vector.broadcast %get3A_51 : vector<1x128xf32> to vector<4096x128xf32>
    %add3A_53 = arith.addf %dot_general3A_48, %add3A_52 : vector<4096x128xf32>
    %max3A_54 = arith.constant 0.000000e+00 : f32
    %max3A_55 = vector.broadcast %max3A_54 : f32 to vector<4096x128xf32>
    %max3A_56 = arith.maximumf %add3A_53, %max3A_55 : vector<4096x128xf32>
    %convert_element_type3A_57 = arith.truncf %max3A_56 : vector<4096x128xf32> to vector<4096x128xbf16>
    %get3A_58 = arith.constant 0 : index
    %get3A_59 = arith.constant 0 : index
    %get3A_60 = vector.load %arg10[%get3A_58, %get3A_59] : memref<128x256xbf16, #tpu.memory_space<vmem>>, vector<128x256xbf16>
    %dot_general3A_61 = arith.constant dense<0.000000e+00> : vector<4096x256xf32>
    %dot_general3A_62 = tpu.matmul %convert_element_type3A_57, %get3A_60, %dot_general3A_61 {dimension_numbers = #tpu.dot_dimension_numbers<[1], [0], [0], [1], [0, 0, 1, 1], [], []>, transpose_lhs_hint = false} : vector<4096x128xbf16>, vector<128x256xbf16>, vector<4096x256xf32> -> vector<4096x256xf32>
    %get3A_63 = arith.constant 0 : index
    %get3A_64 = arith.constant 0 : index
    %get3A_65 = vector.load %arg11[%get3A_63, %get3A_64] : memref<1x256xf32, #tpu.memory_space<vmem>>, vector<1x256xf32>
    %add3A_66 = vector.broadcast %get3A_65 : vector<1x256xf32> to vector<4096x256xf32>
    %add3A_67 = arith.addf %dot_general3A_62, %add3A_66 : vector<4096x256xf32>
    %max3A_68 = arith.constant 0.000000e+00 : f32
    %max3A_69 = vector.broadcast %max3A_68 : f32 to vector<4096x256xf32>
    %max3A_70 = arith.maximumf %add3A_67, %max3A_69 : vector<4096x256xf32>
    %convert_element_type3A_71 = arith.truncf %max3A_70 : vector<4096x256xf32> to vector<4096x256xbf16>
    %slice3A_72 = vector.extract_strided_slice %convert_element_type3A {offsets = [0, 0, 0], sizes = [1, 256, 128], strides = [1, 1, 1]} : vector<16x256x128xbf16> to vector<1x256x128xbf16>
    %squeeze3A = vector.shape_cast %slice3A_72 : vector<1x256x128xbf16> to vector<256x128xbf16>
    %slice3A_73 = vector.extract_strided_slice %convert_element_type3A_10 {offsets = [0, 0, 0], sizes = [1, 256, 8], strides = [1, 1, 1]} : vector<16x256x8xbf16> to vector<1x256x8xbf16>
    %squeeze3A_74 = vector.shape_cast %slice3A_73 : vector<1x256x8xbf16> to vector<256x8xbf16>
    %slice3A_75 = vector.extract_strided_slice %convert_element_type3A {offsets = [1, 0, 0], sizes = [1, 256, 128], strides = [1, 1, 1]} : vector<16x256x128xbf16> to vector<1x256x128xbf16>
    %squeeze3A_76 = vector.shape_cast %slice3A_75 : vector<1x256x128xbf16> to vector<256x128xbf16>
    %max3A_77 = arith.maximumf %squeeze3A, %squeeze3A_76 : vector<256x128xbf16>
    %slice3A_78 = vector.extract_strided_slice %convert_element_type3A_10 {offsets = [1, 0, 0], sizes = [1, 256, 8], strides = [1, 1, 1]} : vector<16x256x8xbf16> to vector<1x256x8xbf16>
    %squeeze3A_79 = vector.shape_cast %slice3A_78 : vector<1x256x8xbf16> to vector<256x8xbf16>
    %max3A_80 = arith.maximumf %squeeze3A_74, %squeeze3A_79 : vector<256x8xbf16>
    %slice3A_81 = vector.extract_strided_slice %convert_element_type3A {offsets = [2, 0, 0], sizes = [1, 256, 128], strides = [1, 1, 1]} : vector<16x256x128xbf16> to vector<1x256x128xbf16>
    %squeeze3A_82 = vector.shape_cast %slice3A_81 : vector<1x256x128xbf16> to vector<256x128xbf16>
    %max3A_83 = arith.maximumf %max3A_77, %squeeze3A_82 : vector<256x128xbf16>
    %slice3A_84 = vector.extract_strided_slice %convert_element_type3A_10 {offsets = [2, 0, 0], sizes = [1, 256, 8], strides = [1, 1, 1]} : vector<16x256x8xbf16> to vector<1x256x8xbf16>
    %squeeze3A_85 = vector.shape_cast %slice3A_84 : vector<1x256x8xbf16> to vector<256x8xbf16>
    %max3A_86 = arith.maximumf %max3A_80, %squeeze3A_85 : vector<256x8xbf16>
    %slice3A_87 = vector.extract_strided_slice %convert_element_type3A {offsets = [3, 0, 0], sizes = [1, 256, 128], strides = [1, 1, 1]} : vector<16x256x128xbf16> to vector<1x256x128xbf16>
    %squeeze3A_88 = vector.shape_cast %slice3A_87 : vector<1x256x128xbf16> to vector<256x128xbf16>
    %max3A_89 = arith.maximumf %max3A_83, %squeeze3A_88 : vector<256x128xbf16>
    %slice3A_90 = vector.extract_strided_slice %convert_element_type3A_10 {offsets = [3, 0, 0], sizes = [1, 256, 8], strides = [1, 1, 1]} : vector<16x256x8xbf16> to vector<1x256x8xbf16>
    %squeeze3A_91 = vector.shape_cast %slice3A_90 : vector<1x256x8xbf16> to vector<256x8xbf16>
    %max3A_92 = arith.maximumf %max3A_86, %squeeze3A_91 : vector<256x8xbf16>
    %slice3A_93 = vector.extract_strided_slice %convert_element_type3A {offsets = [4, 0, 0], sizes = [1, 256, 128], strides = [1, 1, 1]} : vector<16x256x128xbf16> to vector<1x256x128xbf16>
    %squeeze3A_94 = vector.shape_cast %slice3A_93 : vector<1x256x128xbf16> to vector<256x128xbf16>
    %max3A_95 = arith.maximumf %max3A_89, %squeeze3A_94 : vector<256x128xbf16>
    %slice3A_96 = vector.extract_strided_slice %convert_element_type3A_10 {offsets = [4, 0, 0], sizes = [1, 256, 8], strides = [1, 1, 1]} : vector<16x256x8xbf16> to vector<1x256x8xbf16>
    %squeeze3A_97 = vector.shape_cast %slice3A_96 : vector<1x256x8xbf16> to vector<256x8xbf16>
    %max3A_98 = arith.maximumf %max3A_92, %squeeze3A_97 : vector<256x8xbf16>
    %slice3A_99 = vector.extract_strided_slice %convert_element_type3A {offsets = [5, 0, 0], sizes = [1, 256, 128], strides = [1, 1, 1]} : vector<16x256x128xbf16> to vector<1x256x128xbf16>
    %squeeze3A_100 = vector.shape_cast %slice3A_99 : vector<1x256x128xbf16> to vector<256x128xbf16>
    %max3A_101 = arith.maximumf %max3A_95, %squeeze3A_100 : vector<256x128xbf16>
    %slice3A_102 = vector.extract_strided_slice %convert_element_type3A_10 {offsets = [5, 0, 0], sizes = [1, 256, 8], strides = [1, 1, 1]} : vector<16x256x8xbf16> to vector<1x256x8xbf16>
    %squeeze3A_103 = vector.shape_cast %slice3A_102 : vector<1x256x8xbf16> to vector<256x8xbf16>
    %max3A_104 = arith.maximumf %max3A_98, %squeeze3A_103 : vector<256x8xbf16>
    %slice3A_105 = vector.extract_strided_slice %convert_element_type3A {offsets = [6, 0, 0], sizes = [1, 256, 128], strides = [1, 1, 1]} : vector<16x256x128xbf16> to vector<1x256x128xbf16>
    %squeeze3A_106 = vector.shape_cast %slice3A_105 : vector<1x256x128xbf16> to vector<256x128xbf16>
    %max3A_107 = arith.maximumf %max3A_101, %squeeze3A_106 : vector<256x128xbf16>
    %slice3A_108 = vector.extract_strided_slice %convert_element_type3A_10 {offsets = [6, 0, 0], sizes = [1, 256, 8], strides = [1, 1, 1]} : vector<16x256x8xbf16> to vector<1x256x8xbf16>
    %squeeze3A_109 = vector.shape_cast %slice3A_108 : vector<1x256x8xbf16> to vector<256x8xbf16>
    %max3A_110 = arith.maximumf %max3A_104, %squeeze3A_109 : vector<256x8xbf16>
    %slice3A_111 = vector.extract_strided_slice %convert_element_type3A {offsets = [7, 0, 0], sizes = [1, 256, 128], strides = [1, 1, 1]} : vector<16x256x128xbf16> to vector<1x256x128xbf16>
    %squeeze3A_112 = vector.shape_cast %slice3A_111 : vector<1x256x128xbf16> to vector<256x128xbf16>
    %max3A_113 = arith.maximumf %max3A_107, %squeeze3A_112 : vector<256x128xbf16>
    %slice3A_114 = vector.extract_strided_slice %convert_element_type3A_10 {offsets = [7, 0, 0], sizes = [1, 256, 8], strides = [1, 1, 1]} : vector<16x256x8xbf16> to vector<1x256x8xbf16>
    %squeeze3A_115 = vector.shape_cast %slice3A_114 : vector<1x256x8xbf16> to vector<256x8xbf16>
    %max3A_116 = arith.maximumf %max3A_110, %squeeze3A_115 : vector<256x8xbf16>
    %slice3A_117 = vector.extract_strided_slice %convert_element_type3A {offsets = [8, 0, 0], sizes = [1, 256, 128], strides = [1, 1, 1]} : vector<16x256x128xbf16> to vector<1x256x128xbf16>
    %squeeze3A_118 = vector.shape_cast %slice3A_117 : vector<1x256x128xbf16> to vector<256x128xbf16>
    %max3A_119 = arith.maximumf %max3A_113, %squeeze3A_118 : vector<256x128xbf16>
    %slice3A_120 = vector.extract_strided_slice %convert_element_type3A_10 {offsets = [8, 0, 0], sizes = [1, 256, 8], strides = [1, 1, 1]} : vector<16x256x8xbf16> to vector<1x256x8xbf16>
    %squeeze3A_121 = vector.shape_cast %slice3A_120 : vector<1x256x8xbf16> to vector<256x8xbf16>
    %max3A_122 = arith.maximumf %max3A_116, %squeeze3A_121 : vector<256x8xbf16>
    %slice3A_123 = vector.extract_strided_slice %convert_element_type3A {offsets = [9, 0, 0], sizes = [1, 256, 128], strides = [1, 1, 1]} : vector<16x256x128xbf16> to vector<1x256x128xbf16>
    %squeeze3A_124 = vector.shape_cast %slice3A_123 : vector<1x256x128xbf16> to vector<256x128xbf16>
    %max3A_125 = arith.maximumf %max3A_119, %squeeze3A_124 : vector<256x128xbf16>
    %slice3A_126 = vector.extract_strided_slice %convert_element_type3A_10 {offsets = [9, 0, 0], sizes = [1, 256, 8], strides = [1, 1, 1]} : vector<16x256x8xbf16> to vector<1x256x8xbf16>
    %squeeze3A_127 = vector.shape_cast %slice3A_126 : vector<1x256x8xbf16> to vector<256x8xbf16>
    %max3A_128 = arith.maximumf %max3A_122, %squeeze3A_127 : vector<256x8xbf16>
    %slice3A_129 = vector.extract_strided_slice %convert_element_type3A {offsets = [10, 0, 0], sizes = [1, 256, 128], strides = [1, 1, 1]} : vector<16x256x128xbf16> to vector<1x256x128xbf16>
    %squeeze3A_130 = vector.shape_cast %slice3A_129 : vector<1x256x128xbf16> to vector<256x128xbf16>
    %max3A_131 = arith.maximumf %max3A_125, %squeeze3A_130 : vector<256x128xbf16>
    %slice3A_132 = vector.extract_strided_slice %convert_element_type3A_10 {offsets = [10, 0, 0], sizes = [1, 256, 8], strides = [1, 1, 1]} : vector<16x256x8xbf16> to vector<1x256x8xbf16>
    %squeeze3A_133 = vector.shape_cast %slice3A_132 : vector<1x256x8xbf16> to vector<256x8xbf16>
    %max3A_134 = arith.maximumf %max3A_128, %squeeze3A_133 : vector<256x8xbf16>
    %slice3A_135 = vector.extract_strided_slice %convert_element_type3A {offsets = [11, 0, 0], sizes = [1, 256, 128], strides = [1, 1, 1]} : vector<16x256x128xbf16> to vector<1x256x128xbf16>
    %squeeze3A_136 = vector.shape_cast %slice3A_135 : vector<1x256x128xbf16> to vector<256x128xbf16>
    %max3A_137 = arith.maximumf %max3A_131, %squeeze3A_136 : vector<256x128xbf16>
    %slice3A_138 = vector.extract_strided_slice %convert_element_type3A_10 {offsets = [11, 0, 0], sizes = [1, 256, 8], strides = [1, 1, 1]} : vector<16x256x8xbf16> to vector<1x256x8xbf16>
    %squeeze3A_139 = vector.shape_cast %slice3A_138 : vector<1x256x8xbf16> to vector<256x8xbf16>
    %max3A_140 = arith.maximumf %max3A_134, %squeeze3A_139 : vector<256x8xbf16>
    %slice3A_141 = vector.extract_strided_slice %convert_element_type3A {offsets = [12, 0, 0], sizes = [1, 256, 128], strides = [1, 1, 1]} : vector<16x256x128xbf16> to vector<1x256x128xbf16>
    %squeeze3A_142 = vector.shape_cast %slice3A_141 : vector<1x256x128xbf16> to vector<256x128xbf16>
    %max3A_143 = arith.maximumf %max3A_137, %squeeze3A_142 : vector<256x128xbf16>
    %slice3A_144 = vector.extract_strided_slice %convert_element_type3A_10 {offsets = [12, 0, 0], sizes = [1, 256, 8], strides = [1, 1, 1]} : vector<16x256x8xbf16> to vector<1x256x8xbf16>
    %squeeze3A_145 = vector.shape_cast %slice3A_144 : vector<1x256x8xbf16> to vector<256x8xbf16>
    %max3A_146 = arith.maximumf %max3A_140, %squeeze3A_145 : vector<256x8xbf16>
    %slice3A_147 = vector.extract_strided_slice %convert_element_type3A {offsets = [13, 0, 0], sizes = [1, 256, 128], strides = [1, 1, 1]} : vector<16x256x128xbf16> to vector<1x256x128xbf16>
    %squeeze3A_148 = vector.shape_cast %slice3A_147 : vector<1x256x128xbf16> to vector<256x128xbf16>
    %max3A_149 = arith.maximumf %max3A_143, %squeeze3A_148 : vector<256x128xbf16>
    %slice3A_150 = vector.extract_strided_slice %convert_element_type3A_10 {offsets = [13, 0, 0], sizes = [1, 256, 8], strides = [1, 1, 1]} : vector<16x256x8xbf16> to vector<1x256x8xbf16>
    %squeeze3A_151 = vector.shape_cast %slice3A_150 : vector<1x256x8xbf16> to vector<256x8xbf16>
    %max3A_152 = arith.maximumf %max3A_146, %squeeze3A_151 : vector<256x8xbf16>
    %slice3A_153 = vector.extract_strided_slice %convert_element_type3A {offsets = [14, 0, 0], sizes = [1, 256, 128], strides = [1, 1, 1]} : vector<16x256x128xbf16> to vector<1x256x128xbf16>
    %squeeze3A_154 = vector.shape_cast %slice3A_153 : vector<1x256x128xbf16> to vector<256x128xbf16>
    %max3A_155 = arith.maximumf %max3A_149, %squeeze3A_154 : vector<256x128xbf16>
    %slice3A_156 = vector.extract_strided_slice %convert_element_type3A_10 {offsets = [14, 0, 0], sizes = [1, 256, 8], strides = [1, 1, 1]} : vector<16x256x8xbf16> to vector<1x256x8xbf16>
    %squeeze3A_157 = vector.shape_cast %slice3A_156 : vector<1x256x8xbf16> to vector<256x8xbf16>
    %max3A_158 = arith.maximumf %max3A_152, %squeeze3A_157 : vector<256x8xbf16>
    %slice3A_159 = vector.extract_strided_slice %convert_element_type3A {offsets = [15, 0, 0], sizes = [1, 256, 128], strides = [1, 1, 1]} : vector<16x256x128xbf16> to vector<1x256x128xbf16>
    %squeeze3A_160 = vector.shape_cast %slice3A_159 : vector<1x256x128xbf16> to vector<256x128xbf16>
    %max3A_161 = arith.maximumf %max3A_155, %squeeze3A_160 : vector<256x128xbf16>
    %slice3A_162 = vector.extract_strided_slice %convert_element_type3A_10 {offsets = [15, 0, 0], sizes = [1, 256, 8], strides = [1, 1, 1]} : vector<16x256x8xbf16> to vector<1x256x8xbf16>
    %squeeze3A_163 = vector.shape_cast %slice3A_162 : vector<1x256x8xbf16> to vector<256x8xbf16>
    %max3A_164 = arith.maximumf %max3A_158, %squeeze3A_163 : vector<256x8xbf16>
    %get3A_165 = arith.constant 0 : index
    %get3A_166 = arith.constant 0 : index
    %get3A_167 = vector.load %arg12[%get3A_165, %get3A_166] : memref<128x256xbf16, #tpu.memory_space<vmem>>, vector<128x256xbf16>
    %dot_general3A_168 = arith.constant dense<0.000000e+00> : vector<256x256xf32>
    %dot_general3A_169 = tpu.matmul %max3A_161, %get3A_167, %dot_general3A_168 {dimension_numbers = #tpu.dot_dimension_numbers<[1], [0], [0], [1], [0, 0, 1, 1], [], []>, transpose_lhs_hint = false} : vector<256x128xbf16>, vector<128x256xbf16>, vector<256x256xf32> -> vector<256x256xf32>
    %get3A_170 = arith.constant 0 : index
    %get3A_171 = arith.constant 0 : index
    %get3A_172 = vector.load %arg13[%get3A_170, %get3A_171] : memref<8x256xbf16, #tpu.memory_space<vmem>>, vector<8x256xbf16>
    %dot_general3A_173 = arith.constant dense<0.000000e+00> : vector<256x256xf32>
    %dot_general3A_174 = tpu.matmul %max3A_164, %get3A_172, %dot_general3A_173 {dimension_numbers = #tpu.dot_dimension_numbers<[1], [0], [0], [1], [0, 0, 1, 1], [], []>, transpose_lhs_hint = false} : vector<256x8xbf16>, vector<8x256xbf16>, vector<256x256xf32> -> vector<256x256xf32>
    %add3A_175 = arith.addf %dot_general3A_169, %dot_general3A_174 : vector<256x256xf32>
    %get3A_176 = arith.constant 0 : index
    %get3A_177 = arith.constant 0 : index
    %get3A_178 = vector.load %arg14[%get3A_176, %get3A_177] : memref<8x256xbf16, #tpu.memory_space<vmem>>, vector<8x256xbf16>
    %dot_general3A_179 = arith.constant dense<0.000000e+00> : vector<256x256xf32>
    %dot_general3A_180 = tpu.matmul %convert_element_type3A_16, %get3A_178, %dot_general3A_179 {dimension_numbers = #tpu.dot_dimension_numbers<[1], [0], [0], [1], [0, 0, 1, 1], [], []>, transpose_lhs_hint = false} : vector<256x8xbf16>, vector<8x256xbf16>, vector<256x256xf32> -> vector<256x256xf32>
    %sub3A_181 = arith.subf %add3A_175, %dot_general3A_180 : vector<256x256xf32>
    %get3A_182 = arith.constant 0 : index
    %get3A_183 = arith.constant 0 : index
    %get3A_184 = vector.load %arg15[%get3A_182, %get3A_183] : memref<1x256xf32, #tpu.memory_space<vmem>>, vector<1x256xf32>
    %add3A_185 = vector.broadcast %get3A_184 : vector<1x256xf32> to vector<256x256xf32>
    %add3A_186 = arith.addf %sub3A_181, %add3A_185 : vector<256x256xf32>
    %max3A_187 = arith.constant 0.000000e+00 : f32
    %max3A_188 = vector.broadcast %max3A_187 : f32 to vector<256x256xf32>
    %max3A_189 = arith.maximumf %add3A_186, %max3A_188 : vector<256x256xf32>
    %slice3A_190 = vector.extract_strided_slice %convert_element_type3A_71 {offsets = [0, 0], sizes = [256, 256], strides = [1, 1]} : vector<4096x256xbf16> to vector<256x256xbf16>
    %get3A_191 = arith.constant 0 : index
    %get3A_192 = arith.constant 0 : index
    %get3A_193 = arith.constant 0 : index
    %get3A_194 = vector.load %arg16[%get3A_191, %get3A_192, %get3A_193] : memref<16x256x256xbf16, #tpu.memory_space<vmem>>, vector<1x256x256xbf16>
    %get3A_195 = vector.shape_cast %get3A_194 : vector<1x256x256xbf16> to vector<256x256xbf16>
    %dot_general3A_196 = arith.constant dense<0.000000e+00> : vector<256x256xf32>
    %dot_general3A_197 = tpu.matmul %slice3A_190, %get3A_195, %dot_general3A_196 {dimension_numbers = #tpu.dot_dimension_numbers<[1], [0], [0], [1], [0, 0, 1, 1], [], []>, transpose_lhs_hint = false} : vector<256x256xbf16>, vector<256x256xbf16>, vector<256x256xf32> -> vector<256x256xf32>
    %slice3A_198 = vector.extract_strided_slice %convert_element_type3A_71 {offsets = [256, 0], sizes = [256, 256], strides = [1, 1]} : vector<4096x256xbf16> to vector<256x256xbf16>
    %get3A_199 = arith.constant 1 : index
    %get3A_200 = arith.constant 0 : index
    %get3A_201 = arith.constant 0 : index
    %get3A_202 = vector.load %arg16[%get3A_199, %get3A_200, %get3A_201] : memref<16x256x256xbf16, #tpu.memory_space<vmem>>, vector<1x256x256xbf16>
    %get3A_203 = vector.shape_cast %get3A_202 : vector<1x256x256xbf16> to vector<256x256xbf16>
    %dot_general3A_204 = arith.constant dense<0.000000e+00> : vector<256x256xf32>
    %dot_general3A_205 = tpu.matmul %slice3A_198, %get3A_203, %dot_general3A_204 {dimension_numbers = #tpu.dot_dimension_numbers<[1], [0], [0], [1], [0, 0, 1, 1], [], []>, transpose_lhs_hint = false} : vector<256x256xbf16>, vector<256x256xbf16>, vector<256x256xf32> -> vector<256x256xf32>
    %add3A_206 = arith.addf %dot_general3A_197, %dot_general3A_205 : vector<256x256xf32>
    %slice3A_207 = vector.extract_strided_slice %convert_element_type3A_71 {offsets = [512, 0], sizes = [256, 256], strides = [1, 1]} : vector<4096x256xbf16> to vector<256x256xbf16>
    %get3A_208 = arith.constant 2 : index
    %get3A_209 = arith.constant 0 : index
    %get3A_210 = arith.constant 0 : index
    %get3A_211 = vector.load %arg16[%get3A_208, %get3A_209, %get3A_210] : memref<16x256x256xbf16, #tpu.memory_space<vmem>>, vector<1x256x256xbf16>
    %get3A_212 = vector.shape_cast %get3A_211 : vector<1x256x256xbf16> to vector<256x256xbf16>
    %dot_general3A_213 = arith.constant dense<0.000000e+00> : vector<256x256xf32>
    %dot_general3A_214 = tpu.matmul %slice3A_207, %get3A_212, %dot_general3A_213 {dimension_numbers = #tpu.dot_dimension_numbers<[1], [0], [0], [1], [0, 0, 1, 1], [], []>, transpose_lhs_hint = false} : vector<256x256xbf16>, vector<256x256xbf16>, vector<256x256xf32> -> vector<256x256xf32>
    %add3A_215 = arith.addf %add3A_206, %dot_general3A_214 : vector<256x256xf32>
    %slice3A_216 = vector.extract_strided_slice %convert_element_type3A_71 {offsets = [768, 0], sizes = [256, 256], strides = [1, 1]} : vector<4096x256xbf16> to vector<256x256xbf16>
    %get3A_217 = arith.constant 3 : index
    %get3A_218 = arith.constant 0 : index
    %get3A_219 = arith.constant 0 : index
    %get3A_220 = vector.load %arg16[%get3A_217, %get3A_218, %get3A_219] : memref<16x256x256xbf16, #tpu.memory_space<vmem>>, vector<1x256x256xbf16>
    %get3A_221 = vector.shape_cast %get3A_220 : vector<1x256x256xbf16> to vector<256x256xbf16>
    %dot_general3A_222 = arith.constant dense<0.000000e+00> : vector<256x256xf32>
    %dot_general3A_223 = tpu.matmul %slice3A_216, %get3A_221, %dot_general3A_222 {dimension_numbers = #tpu.dot_dimension_numbers<[1], [0], [0], [1], [0, 0, 1, 1], [], []>, transpose_lhs_hint = false} : vector<256x256xbf16>, vector<256x256xbf16>, vector<256x256xf32> -> vector<256x256xf32>
    %add3A_224 = arith.addf %add3A_215, %dot_general3A_223 : vector<256x256xf32>
    %slice3A_225 = vector.extract_strided_slice %convert_element_type3A_71 {offsets = [1024, 0], sizes = [256, 256], strides = [1, 1]} : vector<4096x256xbf16> to vector<256x256xbf16>
    %get3A_226 = arith.constant 4 : index
    %get3A_227 = arith.constant 0 : index
    %get3A_228 = arith.constant 0 : index
    %get3A_229 = vector.load %arg16[%get3A_226, %get3A_227, %get3A_228] : memref<16x256x256xbf16, #tpu.memory_space<vmem>>, vector<1x256x256xbf16>
    %get3A_230 = vector.shape_cast %get3A_229 : vector<1x256x256xbf16> to vector<256x256xbf16>
    %dot_general3A_231 = arith.constant dense<0.000000e+00> : vector<256x256xf32>
    %dot_general3A_232 = tpu.matmul %slice3A_225, %get3A_230, %dot_general3A_231 {dimension_numbers = #tpu.dot_dimension_numbers<[1], [0], [0], [1], [0, 0, 1, 1], [], []>, transpose_lhs_hint = false} : vector<256x256xbf16>, vector<256x256xbf16>, vector<256x256xf32> -> vector<256x256xf32>
    %add3A_233 = arith.addf %add3A_224, %dot_general3A_232 : vector<256x256xf32>
    %slice3A_234 = vector.extract_strided_slice %convert_element_type3A_71 {offsets = [1280, 0], sizes = [256, 256], strides = [1, 1]} : vector<4096x256xbf16> to vector<256x256xbf16>
    %get3A_235 = arith.constant 5 : index
    %get3A_236 = arith.constant 0 : index
    %get3A_237 = arith.constant 0 : index
    %get3A_238 = vector.load %arg16[%get3A_235, %get3A_236, %get3A_237] : memref<16x256x256xbf16, #tpu.memory_space<vmem>>, vector<1x256x256xbf16>
    %get3A_239 = vector.shape_cast %get3A_238 : vector<1x256x256xbf16> to vector<256x256xbf16>
    %dot_general3A_240 = arith.constant dense<0.000000e+00> : vector<256x256xf32>
    %dot_general3A_241 = tpu.matmul %slice3A_234, %get3A_239, %dot_general3A_240 {dimension_numbers = #tpu.dot_dimension_numbers<[1], [0], [0], [1], [0, 0, 1, 1], [], []>, transpose_lhs_hint = false} : vector<256x256xbf16>, vector<256x256xbf16>, vector<256x256xf32> -> vector<256x256xf32>
    %add3A_242 = arith.addf %add3A_233, %dot_general3A_241 : vector<256x256xf32>
    %slice3A_243 = vector.extract_strided_slice %convert_element_type3A_71 {offsets = [1536, 0], sizes = [256, 256], strides = [1, 1]} : vector<4096x256xbf16> to vector<256x256xbf16>
    %get3A_244 = arith.constant 6 : index
    %get3A_245 = arith.constant 0 : index
    %get3A_246 = arith.constant 0 : index
    %get3A_247 = vector.load %arg16[%get3A_244, %get3A_245, %get3A_246] : memref<16x256x256xbf16, #tpu.memory_space<vmem>>, vector<1x256x256xbf16>
    %get3A_248 = vector.shape_cast %get3A_247 : vector<1x256x256xbf16> to vector<256x256xbf16>
    %dot_general3A_249 = arith.constant dense<0.000000e+00> : vector<256x256xf32>
    %dot_general3A_250 = tpu.matmul %slice3A_243, %get3A_248, %dot_general3A_249 {dimension_numbers = #tpu.dot_dimension_numbers<[1], [0], [0], [1], [0, 0, 1, 1], [], []>, transpose_lhs_hint = false} : vector<256x256xbf16>, vector<256x256xbf16>, vector<256x256xf32> -> vector<256x256xf32>
    %add3A_251 = arith.addf %add3A_242, %dot_general3A_250 : vector<256x256xf32>
    %slice3A_252 = vector.extract_strided_slice %convert_element_type3A_71 {offsets = [1792, 0], sizes = [256, 256], strides = [1, 1]} : vector<4096x256xbf16> to vector<256x256xbf16>
    %get3A_253 = arith.constant 7 : index
    %get3A_254 = arith.constant 0 : index
    %get3A_255 = arith.constant 0 : index
    %get3A_256 = vector.load %arg16[%get3A_253, %get3A_254, %get3A_255] : memref<16x256x256xbf16, #tpu.memory_space<vmem>>, vector<1x256x256xbf16>
    %get3A_257 = vector.shape_cast %get3A_256 : vector<1x256x256xbf16> to vector<256x256xbf16>
    %dot_general3A_258 = arith.constant dense<0.000000e+00> : vector<256x256xf32>
    %dot_general3A_259 = tpu.matmul %slice3A_252, %get3A_257, %dot_general3A_258 {dimension_numbers = #tpu.dot_dimension_numbers<[1], [0], [0], [1], [0, 0, 1, 1], [], []>, transpose_lhs_hint = false} : vector<256x256xbf16>, vector<256x256xbf16>, vector<256x256xf32> -> vector<256x256xf32>
    %add3A_260 = arith.addf %add3A_251, %dot_general3A_259 : vector<256x256xf32>
    %slice3A_261 = vector.extract_strided_slice %convert_element_type3A_71 {offsets = [2048, 0], sizes = [256, 256], strides = [1, 1]} : vector<4096x256xbf16> to vector<256x256xbf16>
    %get3A_262 = arith.constant 8 : index
    %get3A_263 = arith.constant 0 : index
    %get3A_264 = arith.constant 0 : index
    %get3A_265 = vector.load %arg16[%get3A_262, %get3A_263, %get3A_264] : memref<16x256x256xbf16, #tpu.memory_space<vmem>>, vector<1x256x256xbf16>
    %get3A_266 = vector.shape_cast %get3A_265 : vector<1x256x256xbf16> to vector<256x256xbf16>
    %dot_general3A_267 = arith.constant dense<0.000000e+00> : vector<256x256xf32>
    %dot_general3A_268 = tpu.matmul %slice3A_261, %get3A_266, %dot_general3A_267 {dimension_numbers = #tpu.dot_dimension_numbers<[1], [0], [0], [1], [0, 0, 1, 1], [], []>, transpose_lhs_hint = false} : vector<256x256xbf16>, vector<256x256xbf16>, vector<256x256xf32> -> vector<256x256xf32>
    %add3A_269 = arith.addf %add3A_260, %dot_general3A_268 : vector<256x256xf32>
    %slice3A_270 = vector.extract_strided_slice %convert_element_type3A_71 {offsets = [2304, 0], sizes = [256, 256], strides = [1, 1]} : vector<4096x256xbf16> to vector<256x256xbf16>
    %get3A_271 = arith.constant 9 : index
    %get3A_272 = arith.constant 0 : index
    %get3A_273 = arith.constant 0 : index
    %get3A_274 = vector.load %arg16[%get3A_271, %get3A_272, %get3A_273] : memref<16x256x256xbf16, #tpu.memory_space<vmem>>, vector<1x256x256xbf16>
    %get3A_275 = vector.shape_cast %get3A_274 : vector<1x256x256xbf16> to vector<256x256xbf16>
    %dot_general3A_276 = arith.constant dense<0.000000e+00> : vector<256x256xf32>
    %dot_general3A_277 = tpu.matmul %slice3A_270, %get3A_275, %dot_general3A_276 {dimension_numbers = #tpu.dot_dimension_numbers<[1], [0], [0], [1], [0, 0, 1, 1], [], []>, transpose_lhs_hint = false} : vector<256x256xbf16>, vector<256x256xbf16>, vector<256x256xf32> -> vector<256x256xf32>
    %add3A_278 = arith.addf %add3A_269, %dot_general3A_277 : vector<256x256xf32>
    %slice3A_279 = vector.extract_strided_slice %convert_element_type3A_71 {offsets = [2560, 0], sizes = [256, 256], strides = [1, 1]} : vector<4096x256xbf16> to vector<256x256xbf16>
    %get3A_280 = arith.constant 10 : index
    %get3A_281 = arith.constant 0 : index
    %get3A_282 = arith.constant 0 : index
    %get3A_283 = vector.load %arg16[%get3A_280, %get3A_281, %get3A_282] : memref<16x256x256xbf16, #tpu.memory_space<vmem>>, vector<1x256x256xbf16>
    %get3A_284 = vector.shape_cast %get3A_283 : vector<1x256x256xbf16> to vector<256x256xbf16>
    %dot_general3A_285 = arith.constant dense<0.000000e+00> : vector<256x256xf32>
    %dot_general3A_286 = tpu.matmul %slice3A_279, %get3A_284, %dot_general3A_285 {dimension_numbers = #tpu.dot_dimension_numbers<[1], [0], [0], [1], [0, 0, 1, 1], [], []>, transpose_lhs_hint = false} : vector<256x256xbf16>, vector<256x256xbf16>, vector<256x256xf32> -> vector<256x256xf32>
    %add3A_287 = arith.addf %add3A_278, %dot_general3A_286 : vector<256x256xf32>
    %slice3A_288 = vector.extract_strided_slice %convert_element_type3A_71 {offsets = [2816, 0], sizes = [256, 256], strides = [1, 1]} : vector<4096x256xbf16> to vector<256x256xbf16>
    %get3A_289 = arith.constant 11 : index
    %get3A_290 = arith.constant 0 : index
    %get3A_291 = arith.constant 0 : index
    %get3A_292 = vector.load %arg16[%get3A_289, %get3A_290, %get3A_291] : memref<16x256x256xbf16, #tpu.memory_space<vmem>>, vector<1x256x256xbf16>
    %get3A_293 = vector.shape_cast %get3A_292 : vector<1x256x256xbf16> to vector<256x256xbf16>
    %dot_general3A_294 = arith.constant dense<0.000000e+00> : vector<256x256xf32>
    %dot_general3A_295 = tpu.matmul %slice3A_288, %get3A_293, %dot_general3A_294 {dimension_numbers = #tpu.dot_dimension_numbers<[1], [0], [0], [1], [0, 0, 1, 1], [], []>, transpose_lhs_hint = false} : vector<256x256xbf16>, vector<256x256xbf16>, vector<256x256xf32> -> vector<256x256xf32>
    %add3A_296 = arith.addf %add3A_287, %dot_general3A_295 : vector<256x256xf32>
    %slice3A_297 = vector.extract_strided_slice %convert_element_type3A_71 {offsets = [3072, 0], sizes = [256, 256], strides = [1, 1]} : vector<4096x256xbf16> to vector<256x256xbf16>
    %get3A_298 = arith.constant 12 : index
    %get3A_299 = arith.constant 0 : index
    %get3A_300 = arith.constant 0 : index
    %get3A_301 = vector.load %arg16[%get3A_298, %get3A_299, %get3A_300] : memref<16x256x256xbf16, #tpu.memory_space<vmem>>, vector<1x256x256xbf16>
    %get3A_302 = vector.shape_cast %get3A_301 : vector<1x256x256xbf16> to vector<256x256xbf16>
    %dot_general3A_303 = arith.constant dense<0.000000e+00> : vector<256x256xf32>
    %dot_general3A_304 = tpu.matmul %slice3A_297, %get3A_302, %dot_general3A_303 {dimension_numbers = #tpu.dot_dimension_numbers<[1], [0], [0], [1], [0, 0, 1, 1], [], []>, transpose_lhs_hint = false} : vector<256x256xbf16>, vector<256x256xbf16>, vector<256x256xf32> -> vector<256x256xf32>
    %add3A_305 = arith.addf %add3A_296, %dot_general3A_304 : vector<256x256xf32>
    %slice3A_306 = vector.extract_strided_slice %convert_element_type3A_71 {offsets = [3328, 0], sizes = [256, 256], strides = [1, 1]} : vector<4096x256xbf16> to vector<256x256xbf16>
    %get3A_307 = arith.constant 13 : index
    %get3A_308 = arith.constant 0 : index
    %get3A_309 = arith.constant 0 : index
    %get3A_310 = vector.load %arg16[%get3A_307, %get3A_308, %get3A_309] : memref<16x256x256xbf16, #tpu.memory_space<vmem>>, vector<1x256x256xbf16>
    %get3A_311 = vector.shape_cast %get3A_310 : vector<1x256x256xbf16> to vector<256x256xbf16>
    %dot_general3A_312 = arith.constant dense<0.000000e+00> : vector<256x256xf32>
    %dot_general3A_313 = tpu.matmul %slice3A_306, %get3A_311, %dot_general3A_312 {dimension_numbers = #tpu.dot_dimension_numbers<[1], [0], [0], [1], [0, 0, 1, 1], [], []>, transpose_lhs_hint = false} : vector<256x256xbf16>, vector<256x256xbf16>, vector<256x256xf32> -> vector<256x256xf32>
    %add3A_314 = arith.addf %add3A_305, %dot_general3A_313 : vector<256x256xf32>
    %slice3A_315 = vector.extract_strided_slice %convert_element_type3A_71 {offsets = [3584, 0], sizes = [256, 256], strides = [1, 1]} : vector<4096x256xbf16> to vector<256x256xbf16>
    %get3A_316 = arith.constant 14 : index
    %get3A_317 = arith.constant 0 : index
    %get3A_318 = arith.constant 0 : index
    %get3A_319 = vector.load %arg16[%get3A_316, %get3A_317, %get3A_318] : memref<16x256x256xbf16, #tpu.memory_space<vmem>>, vector<1x256x256xbf16>
    %get3A_320 = vector.shape_cast %get3A_319 : vector<1x256x256xbf16> to vector<256x256xbf16>
    %dot_general3A_321 = arith.constant dense<0.000000e+00> : vector<256x256xf32>
    %dot_general3A_322 = tpu.matmul %slice3A_315, %get3A_320, %dot_general3A_321 {dimension_numbers = #tpu.dot_dimension_numbers<[1], [0], [0], [1], [0, 0, 1, 1], [], []>, transpose_lhs_hint = false} : vector<256x256xbf16>, vector<256x256xbf16>, vector<256x256xf32> -> vector<256x256xf32>
    %add3A_323 = arith.addf %add3A_314, %dot_general3A_322 : vector<256x256xf32>
    %slice3A_324 = vector.extract_strided_slice %convert_element_type3A_71 {offsets = [3840, 0], sizes = [256, 256], strides = [1, 1]} : vector<4096x256xbf16> to vector<256x256xbf16>
    %get3A_325 = arith.constant 15 : index
    %get3A_326 = arith.constant 0 : index
    %get3A_327 = arith.constant 0 : index
    %get3A_328 = vector.load %arg16[%get3A_325, %get3A_326, %get3A_327] : memref<16x256x256xbf16, #tpu.memory_space<vmem>>, vector<1x256x256xbf16>
    %get3A_329 = vector.shape_cast %get3A_328 : vector<1x256x256xbf16> to vector<256x256xbf16>
    %dot_general3A_330 = arith.constant dense<0.000000e+00> : vector<256x256xf32>
    %dot_general3A_331 = tpu.matmul %slice3A_324, %get3A_329, %dot_general3A_330 {dimension_numbers = #tpu.dot_dimension_numbers<[1], [0], [0], [1], [0, 0, 1, 1], [], []>, transpose_lhs_hint = false} : vector<256x256xbf16>, vector<256x256xbf16>, vector<256x256xf32> -> vector<256x256xf32>
    %add3A_332 = arith.addf %add3A_323, %dot_general3A_331 : vector<256x256xf32>
    %get3A_333 = arith.constant 0 : index
    %get3A_334 = arith.constant 0 : index
    %get3A_335 = vector.load %arg17[%get3A_333, %get3A_334] : memref<1x256xf32, #tpu.memory_space<vmem>>, vector<1x256xf32>
    %add3A_336 = vector.broadcast %get3A_335 : vector<1x256xf32> to vector<256x256xf32>
    %add3A_337 = arith.addf %add3A_332, %add3A_336 : vector<256x256xf32>
    %max3A_338 = arith.constant 0.000000e+00 : f32
    %max3A_339 = vector.broadcast %max3A_338 : f32 to vector<256x256xf32>
    %max3A_340 = arith.maximumf %add3A_337, %max3A_339 : vector<256x256xf32>
    %add3A_341 = arith.addf %max3A_340, %max3A_189 : vector<256x256xf32>
    %convert_element_type3A_342 = arith.truncf %add3A_341 : vector<256x256xf32> to vector<256x256xbf16>
    %get3A_343 = arith.constant 0 : index
    %get3A_344 = arith.constant 0 : index
    %get3A_345 = vector.load %arg18[%get3A_343, %get3A_344] : memref<256x256xbf16, #tpu.memory_space<vmem>>, vector<256x256xbf16>
    %dot_general3A_346 = arith.constant dense<0.000000e+00> : vector<256x256xf32>
    %dot_general3A_347 = tpu.matmul %convert_element_type3A_342, %get3A_345, %dot_general3A_346 {dimension_numbers = #tpu.dot_dimension_numbers<[1], [0], [0], [1], [0, 0, 1, 1], [], []>, transpose_lhs_hint = false} : vector<256x256xbf16>, vector<256x256xbf16>, vector<256x256xf32> -> vector<256x256xf32>
    %get3A_348 = arith.constant 0 : index
    %get3A_349 = arith.constant 0 : index
    %get3A_350 = vector.load %arg19[%get3A_348, %get3A_349] : memref<1x256xf32, #tpu.memory_space<vmem>>, vector<1x256xf32>
    %add3A_351 = vector.broadcast %get3A_350 : vector<1x256xf32> to vector<256x256xf32>
    %add3A_352 = arith.addf %dot_general3A_347, %add3A_351 : vector<256x256xf32>
    %max3A_353 = arith.constant 0.000000e+00 : f32
    %max3A_354 = vector.broadcast %max3A_353 : f32 to vector<256x256xf32>
    %max3A_355 = arith.maximumf %add3A_352, %max3A_354 : vector<256x256xf32>
    %swap3A = arith.constant 0 : index
    %swap3A_356 = arith.constant 0 : index
    %swap3A_357 = arith.constant 0 : index
    %swap3A_358 = vector.load %arg20[%swap3A, %swap3A_356, %swap3A_357] : memref<1x256x256xf32, #tpu.memory_space<vmem>>, vector<1x256x256xf32>
    %swap3A_359 = vector.shape_cast %swap3A_358 : vector<1x256x256xf32> to vector<256x256xf32>
    %swap3A_360 = vector.shape_cast %max3A_355 : vector<256x256xf32> to vector<1x256x256xf32>
    tpu.vector_store %arg20[%swap3A, %swap3A_356, %swap3A_357], %swap3A_360 {strides = array<i32>} : memref<1x256x256xf32, #tpu.memory_space<vmem>>, vector<1x256x256xf32>,
    return
  }
  func.func @transform_0(%arg0: i32, %arg1: i32) -> (i32, i32, i32, i32) {
    %c0_i32 = arith.constant 0 : i32
    %c0_i32_0 = arith.constant 0 : i32
    %c0_i32_1 = arith.constant 0 : i32
    return %arg0, %c0_i32, %arg1, %c0_i32_0 : i32, i32, i32, i32
  }
  func.func @transform_1(%arg0: i32, %arg1: i32) -> (i32, i32, i32) {
    %c0_i32 = arith.constant 0 : i32
    %c0_i32_0 = arith.constant 0 : i32
    return %arg0, %c0_i32, %arg1 : i32, i32, i32
  }
  func.func @transform_2(%arg0: i32, %arg1: i32) -> (i32, i32) {
    %c0_i32 = arith.constant 0 : i32
    %c0_i32_0 = arith.constant 0 : i32
    %c0_i32_1 = arith.constant 0 : i32
    return %c0_i32, %c0_i32_0 : i32, i32
  }
  func.func @transform_3(%arg0: i32, %arg1: i32) -> (i32, i32) {
    %c0_i32 = arith.constant 0 : i32
    %c0_i32_0 = arith.constant 0 : i32
    %c0_i32_1 = arith.constant 0 : i32
    return %c0_i32, %c0_i32_0 : i32, i32
  }
  func.func @transform_4(%arg0: i32, %arg1: i32) -> (i32, i32) {
    %c0_i32 = arith.constant 0 : i32
    %c0_i32_0 = arith.constant 0 : i32
    %c0_i32_1 = arith.constant 0 : i32
    return %c0_i32, %c0_i32_0 : i32, i32
  }
  func.func @transform_5(%arg0: i32, %arg1: i32) -> (i32, i32) {
    %c0_i32 = arith.constant 0 : i32
    %c0_i32_0 = arith.constant 0 : i32
    %c0_i32_1 = arith.constant 0 : i32
    return %c0_i32, %c0_i32_0 : i32, i32
  }
  func.func @transform_6(%arg0: i32, %arg1: i32) -> (i32, i32) {
    %c0_i32 = arith.constant 0 : i32
    %c0_i32_0 = arith.constant 0 : i32
    %c0_i32_1 = arith.constant 0 : i32
    return %c0_i32, %c0_i32_0 : i32, i32
  }
  func.func @transform_7(%arg0: i32, %arg1: i32) -> (i32, i32) {
    %c0_i32 = arith.constant 0 : i32
    %c0_i32_0 = arith.constant 0 : i32
    %c0_i32_1 = arith.constant 0 : i32
    return %c0_i32, %c0_i32_0 : i32, i32
  }
  func.func @transform_8(%arg0: i32, %arg1: i32) -> (i32, i32) {
    %c0_i32 = arith.constant 0 : i32
    %c0_i32_0 = arith.constant 0 : i32
    %c0_i32_1 = arith.constant 0 : i32
    return %c0_i32, %c0_i32_0 : i32, i32
  }
  func.func @transform_9(%arg0: i32, %arg1: i32) -> (i32, i32) {
    %c0_i32 = arith.constant 0 : i32
    %c0_i32_0 = arith.constant 0 : i32
    %c0_i32_1 = arith.constant 0 : i32
    return %c0_i32, %c0_i32_0 : i32, i32
  }
  func.func @transform_10(%arg0: i32, %arg1: i32) -> (i32, i32) {
    %c0_i32 = arith.constant 0 : i32
    %c0_i32_0 = arith.constant 0 : i32
    %c0_i32_1 = arith.constant 0 : i32
    return %c0_i32, %c0_i32_0 : i32, i32
  }
  func.func @transform_11(%arg0: i32, %arg1: i32) -> (i32, i32) {
    %c0_i32 = arith.constant 0 : i32
    %c0_i32_0 = arith.constant 0 : i32
    %c0_i32_1 = arith.constant 0 : i32
    return %c0_i32, %c0_i32_0 : i32, i32
  }
  func.func @transform_12(%arg0: i32, %arg1: i32) -> (i32, i32) {
    %c0_i32 = arith.constant 0 : i32
    %c0_i32_0 = arith.constant 0 : i32
    %c0_i32_1 = arith.constant 0 : i32
    return %c0_i32, %c0_i32_0 : i32, i32
  }
  func.func @transform_13(%arg0: i32, %arg1: i32) -> (i32, i32) {
    %c0_i32 = arith.constant 0 : i32
    %c0_i32_0 = arith.constant 0 : i32
    %c0_i32_1 = arith.constant 0 : i32
    return %c0_i32, %c0_i32_0 : i32, i32
  }
  func.func @transform_14(%arg0: i32, %arg1: i32) -> (i32, i32, i32) {
    %c0_i32 = arith.constant 0 : i32
    %c0_i32_0 = arith.constant 0 : i32
    %c0_i32_1 = arith.constant 0 : i32
    %c0_i32_2 = arith.constant 0 : i32
    return %c0_i32, %c0_i32_0, %c0_i32_1 : i32, i32, i32
  }
  func.func @transform_15(%arg0: i32, %arg1: i32) -> (i32, i32) {
    %c0_i32 = arith.constant 0 : i32
    %c0_i32_0 = arith.constant 0 : i32
    %c0_i32_1 = arith.constant 0 : i32
    return %c0_i32, %c0_i32_0 : i32, i32
  }
  func.func @transform_16(%arg0: i32, %arg1: i32) -> (i32, i32) {
    %c0_i32 = arith.constant 0 : i32
    %c0_i32_0 = arith.constant 0 : i32
    %c0_i32_1 = arith.constant 0 : i32
    return %c0_i32, %c0_i32_0 : i32, i32
  }
  func.func @transform_17(%arg0: i32, %arg1: i32) -> (i32, i32) {
    %c0_i32 = arith.constant 0 : i32
    %c0_i32_0 = arith.constant 0 : i32
    %c0_i32_1 = arith.constant 0 : i32
    return %c0_i32, %c0_i32_0 : i32, i32
  }
  func.func @transform_18(%arg0: i32, %arg1: i32) -> (i32, i32, i32) {
    %c0_i32 = arith.constant 0 : i32
    %c0_i32_0 = arith.constant 0 : i32
    return %arg0, %arg1, %c0_i32 : i32, i32, i32
  }
}

</mosaic_0001>

<sc_bundles>
// kernel: kernel.15.cloned.1.call-start
scs
__scs_entry_jumppad:
0x0: {  	(pc) =	sbr.rel $0x88, $3  }
0x1: {  	(tag) =	ssettag $0x0;
	lr =	simm.s32 $0x1  }
0x2: {  	[smem:$0x3F92] =	sst lr;
	_ =	strace $0xD0000000  }
0x3: {  	_ = 	snop  }
0x4: {  	_ = 	snop  }
0x5: {  	_ = 	snop  }
0x6: {  	_ = 	snop  }
0x7: {  	_ = 	snop  }
__scs_overlays_trampoline_lowered:
0x8: {  	[smem:$0x3FA1] =	sst s0  }
0x9: {  	[smem:$0x3FA2] =	sst s1  }
0xa: {  	[smem:$0x3FA3] =	sst s2  }
0xb: {  	[smem:$0x3FA4] =	sst s3  }
0xc: {  	[smem:$0x3FA5] =	sst s4  }
0xd: {  	[smem:$0x3FA6] =	sst s5  }
0xe: {  	[smem:$0x3FA7] =	sst s6  }
0xf: {  	[smem:$0x3FA8] =	sst s7  }
0x10: {  	[smem:$0x3FA9] =	sst s8  }
0x11: {  	[smem:$0x3FAA] =	sst s9;
	s0 =	simm.s32 @!p0 $0x0  }
0x12: {  	s1 =	sld [smem:$0x3F90];
	s0 =	simm.s32 @p0 $0x1  }
0x13: {  	[smem:$0x3FAB] =	sst s0;
	s0 =	simm.s32 @!p1 $0x0  }
0x14: {  	s2 =	sld [smem:$0x3F8F];
	s0 =	simm.s32 @p1 $0x1  }
0x15: {  	[smem:$0x3FAC] =	sst s0;
	s0 =	simm.s32 @!p2 $0x0  }
0x16: {  	s3 =	sld [smem:$0x3FDB];
	s0 =	simm.s32 @p2 $0x1  }
0x17: {  	s4 =	simm.s32 $0x1BF5;
	[smem:$0x3FAE] =	sst s0  }
0x18: {  	s0 =	sld [smem:$0x3F91];
	_ =	swait.ge [sflag:s4], $0x0  }
0x19: {  	s7 =	sld [smem:$0x3F92]  }
0x1a: {  	s8 =	sadd.s32 $0xFFFFE003, lr  }
0x1b: {  	s9 =	sadd.s32 $0xFFFFFEF7, lr;
	s5 =	simm.s32 $0xFFFFFFFF;
	p2 =	slt.u32 s8, $0xFFFFF086  }
0x1c: {  	p1 =	slt.u32 s9, $0xF7A;
	s5 =	simm.s32 @!p2 $0x0  }
0x1d: {  	s5 =	simm.s32 @p1 $0x1;
	p0 =	seq.s32 s7, s2  }
0x1e: {  	s7 =	smul.u32 @!p0 $0xF7A, s2;
	p2 =	seq.s32 @!p0 s5, $0x0  }
0x1f: {  	s9 =	smul.u32 $0xF7A, s1;
	s8 =	simm.s32 @!p0 $0x1BF5;
	p2 =	por !p2, p0  }
0x20: {  	[sflag:s8] =	ssyncset.s32 @!p0 $0xFFFFF086;
	s6 =	sadd.s32 @!p0 s3, s7;
	s7 =	simm.s32 @!p0 $0x108  }
0x21: {  	s3 =	sadd.s32 s3, s9;
	s6 =	sadd.s32 @!p0 $0x88, s6;
	s7 =	simm.s32 @p2 $0x1082  }
0x22: {  	[simem:s7], [sflag:s8] =	dma.local @!p0 [hbm:s6], $0xF7A  }
0x23: {  	s9 =	sor.u32 $0xD0000000, s2;
	s6 =	simm.s32 $0x108;
	_ =	swait.ge @!p0 [sflag:s8], $0x0  }
0x24: {  	s3 =	sadd.s32 $0x88, s3;
	s6 =	simm.s32 @!p1 $0x1082;
	[sflag:s4] =	ssyncset.s32 $0xFFFFF086  }
0x25: {  	[simem:s6], [sflag:s4] =	dma.local [hbm:s3], $0xF7A  }
0x26: {  	[smem:$0x3F92] =	sst s1;
	(tag) =	ssettag s2;
	_ =	strace s9  }
0x27: {  	s1 =	sld [smem:$0x3FA2]  }
0x28: {  	s2 =	sld [smem:$0x3FA3]  }
0x29: {  	s4 =	sld [smem:$0x3FA5]  }
0x2a: {  	p0 =	seq.s32 s5, $0x0;
	s5 =	sld [smem:$0x3FA6]  }
0x2b: {  	s6 =	sld [smem:$0x3FA7]  }
0x2c: {  	s7 =	sld [smem:$0x3FA8]  }
0x2d: {  	s3 =	simm.s32 $0x108;
	s8 =	sld [smem:$0x3FA9]  }
0x2e: {  	s3 =	simm.s32 @!p0 $0x1082;
	s9 =	sld [smem:$0x3FAA]  }
0x2f: {  	lr =	sadd.s32 s0, s3;
	s0 =	sld [smem:$0x3FA1]  }
0x30: {  	s3 =	sld [smem:$0x3FA4]  }
0x31: {  	[smem:$0x3FAD] =	sst s10  }
0x32: {  	s10 =	sld [smem:$0x3FAB];
	_ =	sdelay $0x3  }
0x33: {  	p0 =	seq.s32 s10, $0x1;
	s10 =	sld [smem:$0x3FAD];
	_ =	sdelay $0x3  }
0x34: {  	[smem:$0x3FAD] =	sst s10  }
0x35: {  	s10 =	sld [smem:$0x3FAC];
	_ =	sdelay $0x3  }
0x36: {  	p1 =	seq.s32 s10, $0x1;
	s10 =	sld [smem:$0x3FAD];
	_ =	sdelay $0x3  }
0x37: {  	[smem:$0x3FAD] =	sst s10  }
0x38: {  	s10 =	sld [smem:$0x3FAE]  }
0x39: {  	_ = 	snop;
	(pc) =	sbr.ind lr, $3  }
0x3a: {  	_ = 	snop  }
0x3b: {  	_ = 	snop  }
0x3c: {  	p2 =	seq.s32 s10, $0x1;
	s10 =	sld [smem:$0x3FAD]  }
0x3d: {  	_ =	shalt  }
0x3e: {  	_ =	shalt  }
0x3f: {  	_ =	shalt  }
0x40: {  	_ =	shalt  }
0x41: {  	_ =	shalt  }
0x42: {  	_ =	shalt  }
0x43: {  	_ =	shalt  }
0x44: {  	_ =	shalt  }
0x45: {  	_ =	shalt  }
0x46: {  	_ =	shalt  }
0x47: {  	_ =	shalt  }
0x48: {  	_ =	shalt  }
0x49: {  	_ =	shalt  }
0x4a: {  	_ =	shalt  }
0x4b: {  	_ =	shalt  }
0x4c: {  	_ =	shalt  }
0x4d: {  	_ =	shalt  }
0x4e: {  	_ =	shalt  }
0x4f: {  	_ =	shalt  }
0x50: {  	_ =	shalt  }
0x51: {  	_ =	shalt  }
0x52: {  	_ =	shalt  }
0x53: {  	_ =	shalt  }
0x54: {  	_ =	shalt  }
0x55: {  	_ =	shalt  }
0x56: {  	_ =	shalt  }
0x57: {  	_ =	shalt  }
0x58: {  	_ =	shalt  }
0x59: {  	_ =	shalt  }
0x5a: {  	_ =	shalt  }
0x5b: {  	_ =	shalt  }
0x5c: {  	_ =	shalt  }
0x5d: {  	_ =	shalt  }
0x5e: {  	_ =	shalt  }
0x5f: {  	_ =	shalt  }
0x60: {  	_ =	shalt  }
0x61: {  	_ =	shalt  }
0x62: {  	_ =	shalt  }
0x63: {  	_ =	shalt  }
0x64: {  	_ =	shalt  }
0x65: {  	_ =	shalt  }
0x66: {  	_ =	shalt  }
0x67: {  	_ =	shalt  }
0x68: {  	_ =	shalt  }
0x69: {  	_ =	shalt  }
0x6a: {  	_ =	shalt  }
0x6b: {  	_ =	shalt  }
0x6c: {  	_ =	shalt  }
0x6d: {  	_ =	shalt  }
0x6e: {  	_ =	shalt  }
0x6f: {  	_ =	shalt  }
0x70: {  	_ =	shalt  }
0x71: {  	_ =	shalt  }
0x72: {  	_ =	shalt  }
0x73: {  	_ =	shalt  }
0x74: {  	_ =	shalt  }
0x75: {  	_ =	shalt  }
0x76: {  	_ =	shalt  }
0x77: {  	_ =	shalt  }
0x78: {  	_ =	shalt  }
0x79: {  	_ =	shalt  }
0x7a: {  	_ =	shalt  }
0x7b: {  	_ =	shalt  }
0x7c: {  	_ =	shalt  }
0x7d: {  	_ =	shalt  }
0x7e: {  	_ =	shalt  }
0x7f: {  	_ =	shalt  }
0x80: {  	_ =	shalt  }
0x81: {  	_ =	shalt  }
0x82: {  	_ =	shalt  }
0x83: {  	_ =	shalt  }
0x84: {  	_ =	shalt  }
0x85: {  	_ =	shalt  }
0x86: {  	_ =	shalt  }
0x87: {  	_ =	shalt  }
.Lfunc_end0:
.L_simem_size_0:
called_computation_lowered:
.L_overlay_start_0:
0x88: {  	s2 =	sld [smem:$0x3FD9]  }
0x89: {  	s3 =	sld [smem:$0x3FFE];
	_ =	sdelay $0x1  }
0x8a: {  	s1 =	srdreg.scid  }
0x8b: {  	s0 =	sand.u32 $0x1, s1  }
0x8c: {  	s14 =	sshll.u32 s0, $0xA;
	s2 =	sadd.s32 s3, s2  }
0x8d: {  	s2 =	sadd.s32 s2, s14  }
0x8e: {  	[smem:$0x3FB9] =	sst s2  }
0x8f: {  	_ = 	snop  }
0x90: {  	s2 =	sld [smem:$0x3FD0];
	_ =	sdelay $0x2  }
0x91: {  	s15 =	simm.s32 $0xD;
	s4 =	simm.s32 $0x10  }
0x92: {  	[smem:s4], [sflag:s15] =	dma.local [hbm:s2], $0x1  }
0x93: {  	_ =	swait.eq [sflag:s15], $0x1  }
0x94: {  	[sflag:s15] =	ssyncset.done $0x0  }
0x95: {  	[sflag:s15] =	ssyncadd.s32 $0xFFFFFFFF  }
0x96: {  	s16 =	sld [smem:$0x11];
	(tm) =	ssettm $0x1  }
0x97: {  	s17 =	sld [smem:$0x3FFB];
	_ =	sdelay $0x3  }
0x98: {  	_ =	strace s17  }
0x99: {  	s3 =	sld [smem:$0x3FFC];
	_ =	sdelay $0x3  }
0x9a: {  	_ =	strace s3  }
0x9b: {  	s3 =	sld [smem:$0x3FFD];
	_ =	sdelay $0x3  }
0x9c: {  	_ =	strace s3  }
0x9d: {  	_ =	strace $0x8FFFFFFF  }
0x9e: {  	s18 =	sld [smem:$0x3FDB];
	_ =	sdelay $0x1  }
0x9f: {  	s19 =	simm.s32 $_scs_section_size  }
0xa0: {  	s5 =	simm.s32 $_size__tile_overlayer_lowered;
	s6 =	simm.s32 $_tile_overlayer_lowered  }
0xa1: {  	s22 =	simm.s32 $0x1BFF;
	s21 =	sshll.u32 s6, $0x1;
	s3 =	sadd.s32 s19, s18  }
0xa2: {  	s7 =	simm.s32 $0x0;
	s20 =	sshll.u32 s5, $0x1;
	s5 =	sadd.s32 s21, s3  }
0xa3: {  	[timem:s7], [sflag:s22] =	dma.local [hbm:s5], s20  }
0xa4: {  	_ =	swait.ge [sflag:s22], s20  }
0xa5: {  	s4 =	ssub.s32 $0x0, s20;
	[sflag:s22] =	ssyncset.done $0x0  }
0xa6: {  	[sflag:s22] =	ssyncadd.s32 s4;
	_ =	sdelay $0x1  }
0xa7: {  	s23 =	simm.s32 $0x1B8B  }
0xa8: {  	_ =	swait.ge [sflag:s23], $0x1  }
0xa9: {  	[sflag:s23] =	ssyncset.done $0x0  }
0xaa: {  	s25 =	simm.s32 $0x1B8E;
	s24 =	sld [smem:$0x3FFE];
	[sflag:s23] =	ssyncadd.s32 $0xFFFFFFFF  }
0xab: {  	s26 =	simm.s32 $execute0_lowered;
	[smem:$0x3FD2] =	sst s25  }
0xac: {  	s5 =	sshll.u32 s26, $0x1;
	_ =	strace $0x80000046;
	[dreg:$0x1] =	wrdreg $0xFFFFFFFF  }
0xad: {  	s28 =	simm.s32 $_size_execute0_lowered;
	s3 =	sadd.s32 s3, s5;
	[dreg:$0x0] =	wrdreg $0x0  }
0xae: {  	s5 =	sshll.u32 s28, $0x1;
	[dreg:$0x2] =	wrdreg s3  }
0xaf: {  	[dreg:$0x3] =	wrdreg s5  }
0xb0: {  	[dreg:$0x4] =	wrdreg $0xC0  }
0xb1: {  	_ =	task [dreg:s7], $0x5FFFF  }
0xb2: {  	[dreg:$0x1] =	wrdreg $0xFFFFFFFF  }
0xb3: {  	[dreg:$0x0] =	wrdreg $0x60  }
0xb4: {  	[dreg:$0x2] =	wrdreg s16  }
0xb5: {  	[dreg:$0x3] =	wrdreg s24  }
0xb6: {  	[dreg:$0x4] =	wrdreg $0x9  }
0xb7: {  	_ =	task.clear_ibuf [dreg:s7], $0x5FFFF;
	_ =	strace $0x90000046  }
0xb8: {  	s29 =	simm.s32 $0x9;
	_ =	strace $0x8000004F  }
0xb9: {  	_ =	swait.ge [sflag:s29], $0x1  }
0xba: {  	[sflag:s29] =	ssyncadd.s32 $0xFFFFFFFF  }
0xbb: {  	_ =	strace $0x9000004F  }
0xbc: {  	_ =	sfence  }
0xbd: {  	s30 =	sld [smem:$0x0];
	_ =	sdelay $0x2  }
0xbe: {  	s31 =	sshll.u32 s1, $0xD;
	s1 =	sshrl.u32 s1, $0x2  }
0xbf: {  	s3 =	sand.u32 $0x4000, s31;
	s1 =	sadd.s32 s1, s30  }
0xc0: {  	s0 =	sor.u32 s3, s0;
	s1 =	sshll.u32 s1, $0x11  }
0xc1: {  	s0 =	sor.u32 s1, s0  }
0xc2: {  	s0 =	sadd.s32 $0x8F2B, s0  }
0xc3: {  	[sflag:s0] =	ssyncadd.remote.s32 $0x1  }
0xc4: {  	_ =	sfence.sel $0xFFFF  }
0xc5: {  	[dreg:$0x0] =	wrdreg $0xFFFFFFFF;
	(pc) =	sbr.abs _section_cstart, $3  }
0xc6: {  	[dreg:$0x1] =	wrdreg $0xFFFFFFFF  }
0xc7: {  	_ =	task.clear_ibuf [dreg:s7], $0x2FFFF;
	_ =	strace $0x9FFFFFFF  }
0xc8: {  	(tm) =	ssettm $0x7FFFFFFF  }
0xc9: {  	_ =	shalt  }
tec
execute0_lowered:
.L_overlay_start_1:
0x0: {  	(tag) =	ssettag $0x1  }
0x1: {  	s1 =	srdreg.scid  }
0x2: {  	s3 =	sand.u32 $0x1, s1  }
0x3: {  	p0 =	seq.s32 s3, $0x1  }
.Ltmp0:
0x4: {  	s0 =	rddreg [dreg:$0x0];
	(pc) =	sbr.rel @p0 .LBB2_4-.Ltmp0, $4  }
0x5: {  	s5 =	rddreg [dreg:$0x1]  }
0x6: {  	s2 =	simm.s32 $0x0;
	[dreg:$0x3] =	wrdreg s0  }
0x7: {  	[smem:$0x7FF] =	sst s2  }
0x8: {  	s0 =	rddreg [dreg:$0x2];
	s1 =	stileid.u32;
	_ =	strace $0x80000047  }
0x9: {  	s4 =	sshll.u32 s3, $0x4;
	s9 =	sadd.s32 $0x1C000, s5;
	s22 =	sadd.s32 $0x1D000, s5  }
0xa: {  	p0 =	por $0x0, $0x0;
	p1 =	seq.s32 s3, $0x0;
	s4 =	sor.u32 s1, s4  }
0xb: {  	s10 =	simm.s32 $0xF;
	s0 =	simm.s32 $0x1;
	s4 =	smin.u32 s4, $0x10  }
0xc: {  	s25 =	simm.s32 $0x80;
	s8 =	simm.s32 $0x5;
	s6 =	sshll.u32 s4, $0x4  }
0xd: {  	s18 =	sand.u32 $0x1, s2;
	s7 =	sshll.u32 s4, $0x8;
	s6 =	sand.u32 $0x70, s6  }
0xe: {  	[dreg:$0x5] =	wrdreg s22;
	s24 =	sand.u32 $0x800, s7;
	s23 =	sadd.s32 s9, s6  }
0xf: {  	s16 =	simm.s32 $0x1;
	_ =	strace $0x80000048;
	s5 =	sadd.s32 s24, s23  }
0x10: {  	[tilespmem:s2], [sflag:$0x1] =	stream.linear.gather [hbm4b:s5+s2], $0x80, $0x200038;
	[tilespmem:$0x8100] =	vst v63  }
0x11: {  	p3 =	por $0x1, $0x1;
	s28 =	simm.s32 $0x0;
	s5 =	simm.s32 $0x1  }
0x12: {  	s10 =	simm.s32 @!p1 $0xFFFFFFFF;
	s26 =	sadd.s32 $0x1, s18;
	s5 =	simm.s32 @!p0 $0x0  }
0x13: {  	s29 =	sshll.u32 s18, $0xE;
	s30 =	sand.u32 $0x80, s28;
	s7 =	sadd.s32 $0x0, s5  }
0x14: {  	p5 =	sgt.s32 s10, $0x0;
	s6 =	simm.s32 $0x1;
	p1 =	seq.s32 s7, $0x1  }
0x15: {  	s11 =	sadd.s32 $0x0, s4;
	s6 =	simm.s32 @p0 $0x0;
	s7 =	simm.s32 @p1 $0x0  }
0x16: {  	s11 =	sshll.u32 s11, $0x4;
	p0 =	sne.s32 s6, $0x0;
	p1 =	sne.s32 s7, $0x0  }
0x17: {  	s22 =	sor.u32 $0x100, s29;
	s20 =	sadd.s32 $0x0, s11;
	p2 =	por p0, p1  }
0x18: {  	_ =	strace $0x90000048;
	[dreg:$0x4] =	wrdreg s25;
	p0 =	por !p5, !p2  }
0x19: {  	s5 =	simm.s32 $0x1;
	s12 =	sadd.s32 s4, s7;
	p1 =	por !p0, !p0  }
0x1a: {  	p5 =	por $0x0, $0x0;
	p0 =	seq.s32 s10, $0x0;
	s13 =	sshll.u32 @p1 s12, $0xB  }
0x1b: {  	p2 =	por p0, p2;
	s14 =	sshll.u32 @p1 s12, $0x7;
	s15 =	sand.u32 @p1 $0x1, s0  }
0x1c: {  	s17 =	sshll.u32 @p1 s6, $0xA;
	s16 =	simm.s32 @!p1 $0x0;
	_ =	strace @p1 $0x80000049  }
0x1d: {  	s13 =	sand.u32 @p1 $0xFFFFC000, s13;
	s14 =	sand.u32 @p1 $0x380, s14;
	s19 =	sshll.u32 @p1 s15, $0x7  }
0x1e: {  	s15 =	sadd.s32 @p1 $0x1, s15;
	s17 =	sadd.s32 @p1 s17, s13;
	s13 =	sshll.u32 s12, $0x4  }
0x1f: {  	s12 =	sadd.s32 $0x1, s16;
	s14 =	sor.u32 @p1 s14, s17;
	s17 =	simm.s32 $0x1  }
0x20: {  	s16 =	simm.s32 $0x2;
	s21 =	sadd.s32 s6, s13;
	s17 =	simm.s32 @!p2 $0x0  }
0x21: {  	s14 =	sshrl.u32 @p1 s14, $0x3;
	p6 =	sne.s32 s20, s21;
	s21 =	simm.s32 $0x1  }
0x22: {  	s11 =	sadd.s32 $0x0, s17;
	s14 =	sadd.s32 @p1 s9, s14;
	s17 =	simm.s32 @p1 $0x0  }
0x23: {  	[tilespmem:s19], [sflag:s15] =	stream.linear.gather @p1 [hbm4b:s14+s17], $0x80, $0x200038;
	[tilespmem:$0x8100] =	vst v63  }
0x24: {  	p0 =	por p0, p6;
	s15 =	simm.s32 $0x1;
	_ =	strace @p1 $0x90000049  }
0x25: {  	s14 =	sand.u32 $0x1, s11;
	s15 =	simm.s32 @!p3 $0x0;
	_ =	strace $0x8000004A  }
0x26: {  	s19 =	simm.s32 $0xFFFFFFFF;
	s15 =	ssub.s32 $0x0, s15;
	_ =	swait.ge [sflag:s26], $0x80  }
0x27: {  	s17 =	simm.s32 $0x1;
	p4 =	seq.s32 s15, $0xFFFFFFFF;
	[sflag:s26] =	ssyncset.done $0x0  }
0x28: {  	s19 =	simm.s32 @p3 $0xF;
	s15 =	simm.s32 @p4 $0x0;
	[sflag:s26] =	ssyncadd.s32 $0xFFFFFF80  }
0x29: {  	s17 =	simm.s32 @!p0 $0x0;
	s15 =	sadd.s32 s4, s15;
	_ =	strace $0x9000004A  }
0x2a: {  	s17 =	sadd.s32 $0x0, s17;
	s15 =	sshll.u32 s15, $0x4;
	_ =	strace $0x8000004B  }
0x2b: {  	s19 =	sadd.s32 s19, s15;
	s15 =	sadd.s32 $0x1, s6;
	s23 =	rddreg [dreg:$0x3]  }
0x2c: {  	p6 =	sne.s32 s20, s19;
	p3 =	seq.s32 s15, $0x10;
	s19 =	simm.s32 $0x1  }
0x2d: {  	s31 =	rddreg [dreg:$0x4];
	p1 =	por !p5, !p6;
	s19 =	simm.s32 @!p3 $0x0  }
0x2e: {  	[tilespmem:s22], [sflag:$0x5] =	stream.indirect.gather [hbm4b:s23+s31], $0x80, s30, s31, $0x2000b8;
	[tilespmem:$0x8100] =	vst v63  }
0x2f: {  	s15 =	simm.s32 @p3 $0x0;
	s23 =	simm.s32 @p0 $0x0;
	s19 =	sadd.s32 s19, s7  }
0x30: {  	p4 =	sne.s32 s6, s15;
	p1 =	por !p1, !p1;
	p2 =	seq.s32 s19, $0x1  }
0x31: {  	_ =	swait.ge [sflag:s8], $0x4000;
	s21 =	simm.s32 @!p1 $0x0;
	s19 =	simm.s32 @p2 $0x0  }
.LBB2_2:
0x32: {  	s26 =	smov.u32 s13;
	p3 =	sne.s32 s7, s19  }
0x33: {  	p2 =	seq.s32 s10, s5;
	s13 =	sshll.u32 @p0 s20, $0xB;
	s25 =	smov.u32 s5  }
0x34: {  	s5 =	smov.u32 s16;
	s24 =	smov.u32 s11;
	[sflag:s8] =	ssyncset.done $0x0  }
0x35: {  	s3 =	simm.s32 $0x1;
	s18 =	sadd.s32 @p0 $0x3, s18;
	s16 =	sadd.s32 $0x1, s16  }
0x36: {  	p3 =	por p4, p3;
	p6 =	slt.s32 s25, s10;
	s28 =	sand.u32 @p0 $0x1FFFF800, s13  }
0x37: {  	s13 =	sadd.s32 s4, s19;
	[sflag:s8] =	ssyncadd.s32 $0xFFFFC000;
	p4 =	por !p6, !p3  }
0x38: {  	p3 =	por p2, p3;
	_ =	strace $0x9000004B;
	p4 =	por !p4, !p4  }
0x39: {  	_ =	strace @p0 $0x8000004C;
	s3 =	simm.s32 @!p3 $0x0;
	p3 =	sne.s32 s16, $0x10  }
0x3a: {  	s20 =	sshll.u32 @p4 s13, $0xB;
	s29 =	sshll.u32 @p4 s13, $0x7;
	s30 =	sand.u32 @p4 $0x1, s12  }
0x3b: {  	s31 =	sshll.u32 @p4 s15, $0xA;
	s13 =	sshll.u32 s13, $0x4;
	s1 =	rddreg [dreg:$0x5]  }
0x3c: {  	s11 =	sadd.s32 s3, s11;
	s3 =	sand.u32 @p1 $0x1, s2;
	s2 =	sadd.s32 s21, s2  }
0x3d: {  	s21 =	simm.s32 @p4 $0x0;
	s20 =	sand.u32 @p4 $0xFFFFC000, s20;
	s29 =	sand.u32 @p4 $0x380, s29  }
0x3e: {  	s0 =	sshll.u32 @p4 s30, $0x7;
	s1 =	sadd.s32 @p0 s1, s28;
	s3 =	sadd.s32 @p1 $0x3, s3  }
0x3f: {  	[hbm4b:s1+s23] =	stream.linear.scatter @p0 [tilespmem:s22], [sflag:s18], $0x4000, $0x200038;
	[tilespmem:$0x8100] =	vst v63  }
0x40: {  	s20 =	sadd.s32 @p4 s31, s20;
	s31 =	simm.s32 $0x1;
	s1 =	sadd.s32 @p4 $0x1, s30  }
0x41: {  	s22 =	smov.u32 s6;
	s23 =	smov.u32 s7;
	s7 =	smov.u32 s19  }
0x42: {  	s31 =	simm.s32 @!p4 $0x0;
	s29 =	sor.u32 @p4 s29, s20;
	_ =	strace @p0 $0x9000004C  }
0x43: {  	s20 =	sadd.s32 s6, s26;
	s26 =	smov.u32 s14;
	_ =	strace @p1 $0x8000004D  }
0x44: {  	s14 =	sand.u32 $0x1, s11;
	s6 =	smov.u32 s15;
	_ =	swait.ge @p1 [sflag:s3], $0x4000  }
0x45: {  	p6 =	seq.s32 s22, $0x0;
	s12 =	sadd.s32 s31, s12;
	[sflag:s3] =	ssyncset.done @p1 $0x0  }
0x46: {  	s31 =	sadd.s32 s15, s13;
	s18 =	sshrl.u32 @p4 s29, $0x3;
	[sflag:s3] =	ssyncadd.s32 @p1 $0xFFFFC000  }
0x47: {  	s15 =	sadd.s32 $0x1, s15;
	p5 =	sne.s32 s20, s31;
	_ =	strace @p1 $0x9000004D  }
0x48: {  	s18 =	sadd.s32 @p4 s9, s18;
	s3 =	sadd.s32 $0xFFFFFFFF, s22;
	_ =	strace @p4 $0x80000049  }
0x49: {  	[tilespmem:s0], [sflag:s1] =	stream.linear.gather @p4 [hbm4b:s18+s21], $0x80, $0x200038;
	[tilespmem:$0x8100] =	vst v63  }
0x4a: {  	s3 =	simm.s32 @p6 $0xF;
	s0 =	simm.s32 $0x1;
	s18 =	sand.u32 $0x1, s17  }
0x4b: {  	s21 =	simm.s32 $0x1;
	_ =	strace @p4 $0x90000049;
	p4 =	sne.s32 s25, $0x0  }
0x4c: {  	s0 =	simm.s32 @!p6 $0x0;
	s25 =	sadd.s32 $0x1, s26;
	s26 =	sshll.u32 s24, $0x7  }
0x4d: {  	s28 =	sshll.u32 s18, $0xE;
	_ =	strace $0x8000004A;
	s0 =	ssub.s32 s23, s0  }
0x4e: {  	s22 =	sor.u32 $0x100, s28;
	_ =	swait.ge [sflag:s25], $0x80;
	p0 =	seq.s32 s0, $0xFFFFFFFF  }
0x4f: {  	s30 =	sand.u32 $0x80, s26;
	[sflag:s25] =	ssyncset.done $0x0;
	s0 =	simm.s32 @p0 $0x0  }
0x50: {  	p0 =	por p2, p5;
	p2 =	seq.s32 s15, $0x10;
	[sflag:s25] =	ssyncadd.s32 $0xFFFFFF80  }
0x51: {  	s0 =	sadd.s32 s4, s0;
	s23 =	simm.s32 @p0 $0x0;
	_ =	strace $0x9000004A  }
0x52: {  	s15 =	simm.s32 @p2 $0x0;
	s0 =	sshll.u32 s0, $0x4;
	_ =	strace $0x8000004B  }
0x53: {  	s0 =	sadd.s32 s3, s0;
	s3 =	simm.s32 $0x1;
	s29 =	rddreg [dreg:$0x3]  }
0x54: {  	p6 =	sne.s32 s20, s0;
	s31 =	rddreg [dreg:$0x4];
	s3 =	simm.s32 @!p2 $0x0  }
.Ltmp1:
0x55: {  	s0 =	simm.s32 $0x1;
	p1 =	por !p4, !p6;
	(pc) =	sbr.rel @p3 .LBB2_2-.Ltmp1, $4  }
0x56: {  	[tilespmem:s22], [sflag:$0x5] =	stream.indirect.gather [hbm4b:s29+s31], $0x80, s30, s31, $0x2000b8;
	[tilespmem:$0x8100] =	vst v63  }
0x57: {  	s19 =	sadd.s32 s3, s19;
	p4 =	sne.s32 s6, s15;
	s0 =	simm.s32 @!p0 $0x0  }
0x58: {  	_ =	swait.ge [sflag:s8], $0x4000;
	p2 =	seq.s32 s19, $0x1;
	p1 =	por !p1, !p1  }
0x59: {  	s17 =	sadd.s32 s0, s17;
	s19 =	simm.s32 @p2 $0x0;
	s21 =	simm.s32 @!p1 $0x0  }
0x5a: {  	[sflag:s8] =	ssyncset.done $0x0;
	p2 =	sne.s32 s7, s19  }
0x5b: {  	p3 =	slt.s32 s5, s10;
	s1 =	sshll.u32 @p0 s20, $0xB;
	[sflag:s8] =	ssyncadd.s32 $0xFFFFC000  }
0x5c: {  	s3 =	sadd.s32 s4, s19;
	p2 =	por p4, p2;
	_ =	strace $0x9000004B  }
0x5d: {  	s18 =	sadd.s32 @p0 $0x3, s18;
	p2 =	por !p3, !p2;
	_ =	strace @p0 $0x8000004C  }
0x5e: {  	s1 =	sand.u32 @p0 $0x1FFFF800, s1;
	p2 =	por !p2, !p2;
	s0 =	rddreg [dreg:$0x5]  }
0x5f: {  	s16 =	sshll.u32 @p2 s3, $0xB;
	s0 =	sadd.s32 @p0 s0, s1;
	s1 =	sand.u32 @p1 $0x1, s2  }
0x60: {  	[hbm4b:s0+s23] =	stream.linear.scatter @p0 [tilespmem:s22], [sflag:s18], $0x4000, $0x200038;
	[tilespmem:$0x8100] =	vst v63  }
0x61: {  	s16 =	sand.u32 @p2 $0xFFFFC000, s16;
	s0 =	sshll.u32 @p2 s3, $0x7;
	_ =	strace @p0 $0x9000004C  }
0x62: {  	s1 =	sadd.s32 @p1 $0x3, s1;
	s18 =	sshll.u32 @p2 s15, $0xA;
	_ =	strace @p1 $0x8000004D  }
0x63: {  	s0 =	sand.u32 @p2 $0x380, s0;
	s16 =	sadd.s32 @p2 s18, s16;
	_ =	swait.ge @p1 [sflag:s1], $0x4000  }
0x64: {  	s0 =	sor.u32 @p2 s0, s16;
	[sflag:s1] =	ssyncset.done @p1 $0x0  }
0x65: {  	s12 =	sand.u32 @p2 $0x1, s12;
	s0 =	sshrl.u32 @p2 s0, $0x3;
	[sflag:s1] =	ssyncadd.s32 @p1 $0xFFFFC000  }
0x66: {  	s18 =	sshll.u32 @p2 s12, $0x7;
	s0 =	sadd.s32 @p2 s9, s0;
	_ =	strace @p1 $0x9000004D  }
0x67: {  	s9 =	simm.s32 @p2 $0x0;
	s1 =	sadd.s32 @p2 $0x1, s12;
	_ =	strace @p2 $0x80000049  }
0x68: {  	[tilespmem:s18], [sflag:s1] =	stream.linear.gather @p2 [hbm4b:s0+s9], $0x80, $0x200038;
	[tilespmem:$0x8100] =	vst v63  }
0x69: {  	s24 =	sadd.s32 $0x1, s14;
	s11 =	sshll.u32 s11, $0x7;
	_ =	strace @p2 $0x90000049  }
0x6a: {  	p5 =	sne.s32 s5, $0x0;
	s25 =	sshll.u32 s3, $0x4;
	_ =	strace $0x8000004A  }
0x6b: {  	s11 =	sand.u32 $0x80, s11;
	s3 =	sand.u32 $0x1, s17;
	_ =	swait.ge [sflag:s24], $0x80  }
0x6c: {  	s2 =	sadd.s32 s21, s2;
	s29 =	sshll.u32 s3, $0xE;
	[sflag:s24] =	ssyncset.done $0x0  }
0x6d: {  	s12 =	sor.u32 $0x100, s29;
	p1 =	seq.s32 s6, $0x0;
	[sflag:s24] =	ssyncadd.s32 $0xFFFFFF80  }
0x6e: {  	p2 =	seq.s32 s10, s5;
	s10 =	simm.s32 $0x1;
	_ =	strace $0x9000004A  }
0x6f: {  	s0 =	sadd.s32 s15, s25;
	s10 =	simm.s32 @!p1 $0x0;
	_ =	strace $0x8000004B  }
0x70: {  	s1 =	sadd.s32 s6, s13;
	s7 =	ssub.s32 s7, s10;
	s26 =	rddreg [dreg:$0x3]  }
0x71: {  	p4 =	sne.s32 s1, s0;
	p3 =	seq.s32 s7, $0xFFFFFFFF;
	s28 =	rddreg [dreg:$0x4]  }
0x72: {  	[tilespmem:s12], [sflag:$0x5] =	stream.indirect.gather [hbm4b:s26+s28], $0x80, s11, s28, $0x2000b8;
	[tilespmem:$0x8100] =	vst v63  }
0x73: {  	s0 =	sadd.s32 $0xFFFFFFFF, s6;
	s7 =	simm.s32 @p3 $0x0;
	_ =	swait.ge [sflag:s8], $0x4000  }
0x74: {  	p0 =	por p2, p4;
	s30 =	sadd.s32 s4, s7;
	[sflag:s8] =	ssyncset.done $0x0  }
0x75: {  	s0 =	simm.s32 @p1 $0xF;
	s4 =	sshll.u32 s30, $0x4;
	[sflag:s8] =	ssyncadd.s32 $0xFFFFC000  }
0x76: {  	s3 =	sadd.s32 @p0 $0x3, s3;
	s0 =	sadd.s32 s0, s4;
	_ =	strace $0x9000004B  }
0x77: {  	p6 =	sne.s32 s1, s0;
	s0 =	sshll.u32 @p0 s1, $0xB;
	_ =	strace @p0 $0x8000004C  }
0x78: {  	p1 =	por !p5, !p6;
	s0 =	sand.u32 @p0 $0x1FFFF800, s0;
	s4 =	rddreg [dreg:$0x5]  }
0x79: {  	s1 =	simm.s32 @p0 $0x0;
	p1 =	por !p1, !p1;
	s0 =	sadd.s32 @p0 s4, s0  }
0x7a: {  	[hbm4b:s0+s1] =	stream.linear.scatter @p0 [tilespmem:s12], [sflag:s3], $0x4000, $0x200038;
	[tilespmem:$0x8100] =	vst v63  }
0x7b: {  	s0 =	sand.u32 @p1 $0x1, s2;
	_ =	strace @p0 $0x9000004C  }
0x7c: {  	s0 =	sadd.s32 @p1 $0x3, s0;
	_ =	strace @p1 $0x8000004D  }
0x7d: {  	s1 =	simm.s32 $0x1;
	_ =	swait.ge @p1 [sflag:s0], $0x4000  }
0x7e: {  	s1 =	simm.s32 @!p1 $0x0;
	[sflag:s0] =	ssyncset.done @p1 $0x0  }
0x7f: {  	s1 =	sadd.s32 s1, s2;
	[sflag:s0] =	ssyncadd.s32 @p1 $0xFFFFC000  }
0x80: {  	s31 =	sand.u32 $0x1, s1;
	_ =	strace @p1 $0x9000004D  }
0x81: {  	s0 =	sadd.s32 $0x3, s31;
	_ =	strace $0x8000004E  }
0x82: {  	_ =	swait.ge [sflag:s0], $0x4000  }
0x83: {  	[sflag:s0] =	ssyncset.done $0x0  }
0x84: {  	[sflag:s0] =	ssyncadd.s32 $0xFFFFC000  }
0x85: {  	_ =	strace $0x9000004E  }
0x86: {  	s1 =	stileid.u32;
	s0 =	rddreg [dreg:$0x2]  }
.LBB2_4:
0x87: {  	_ =	sfence.sel $0x180000  }
0x88: {  	[bflag:$0x0] =	sbarrier.arrive $0xFFFF  }
0x89: {  	p0 =	sne.s32 s1, $0x0;
	_ =	strace $0x90000047  }
0x8a: {  	s0 =	sadd.s32 @!p0 $0x100000, s0;
	[bflag:$0x2] =	sbarrier.arrive $0xFFFF  }
0x8b: {  	[sflag:s0] =	ssyncadd.tile.s32 @!p0 $0x1;
	_ =	shalt  }
.Lfunc_end2:
_tile_overlayer_lowered:
.L_overlay_start_2:
0x8c: {  	(tag) =	ssettag $0x2  }
0x8d: {  	s0 =	rddreg [dreg:$0x0];
	s2 =	stileid.u32  }
0x8e: {  	s1 =	rddreg [dreg:$0x1];
	p0 =	sne.s32 s2, $0x0  }
0x8f: {  	s3 =	rddreg [dreg:$0x2];
	[bflag:$0x3] =	sbarrier.arrive $0xFFFF;
	s2 =	simm.s32 @!p0 $0x1C01  }
0x90: {  	[timem:s3], [sflag:s2] =	dma.local @!p0 [hbm:s0], s1  }
0x91: {  	s0 =	simm.s32 @!p0 $0x1  }
0x92: {  	_ =	swait.ge @!p0 [sflag:s0], s1  }
0x93: {  	s1 =	ssub.s32 @!p0 $0x0, s1;
	[sflag:s0] =	ssyncset.done @!p0 $0x0  }
0x94: {  	[sflag:s0] =	ssyncadd.s32 @!p0 s1  }
0x95: {  	[bflag:$0x3] =	sbarrier.arrive $0xFFFF  }
0x96: {  	_ =	shalt  }

// kernel: kernel.18.cloned.1.call-start
scs
__scs_entry_jumppad:
0x0: {  	(pc) =	sbr.rel $0x88, $3  }
0x1: {  	(tag) =	ssettag $0x0;
	lr =	simm.s32 $0x1  }
0x2: {  	[smem:$0x3F92] =	sst lr;
	_ =	strace $0xD0000000  }
0x3: {  	_ = 	snop  }
0x4: {  	_ = 	snop  }
0x5: {  	_ = 	snop  }
0x6: {  	_ = 	snop  }
0x7: {  	_ = 	snop  }
__scs_overlays_trampoline_lowered:
0x8: {  	[smem:$0x3FA1] =	sst s0  }
0x9: {  	[smem:$0x3FA2] =	sst s1  }
0xa: {  	[smem:$0x3FA3] =	sst s2  }
0xb: {  	[smem:$0x3FA4] =	sst s3  }
0xc: {  	[smem:$0x3FA5] =	sst s4  }
0xd: {  	[smem:$0x3FA6] =	sst s5  }
0xe: {  	[smem:$0x3FA7] =	sst s6  }
0xf: {  	[smem:$0x3FA8] =	sst s7  }
0x10: {  	[smem:$0x3FA9] =	sst s8  }
0x11: {  	[smem:$0x3FAA] =	sst s9;
	s0 =	simm.s32 @!p0 $0x0  }
0x12: {  	s1 =	sld [smem:$0x3F90];
	s0 =	simm.s32 @p0 $0x1  }
0x13: {  	[smem:$0x3FAB] =	sst s0;
	s0 =	simm.s32 @!p1 $0x0  }
0x14: {  	s2 =	sld [smem:$0x3F8F];
	s0 =	simm.s32 @p1 $0x1  }
0x15: {  	[smem:$0x3FAC] =	sst s0;
	s0 =	simm.s32 @!p2 $0x0  }
0x16: {  	s3 =	sld [smem:$0x3FDB];
	s0 =	simm.s32 @p2 $0x1  }
0x17: {  	s4 =	simm.s32 $0x1BF5;
	[smem:$0x3FAE] =	sst s0  }
0x18: {  	s0 =	sld [smem:$0x3F91];
	_ =	swait.ge [sflag:s4], $0x0  }
0x19: {  	s7 =	sld [smem:$0x3F92]  }
0x1a: {  	s8 =	sadd.s32 $0xFFFFE003, lr  }
0x1b: {  	s9 =	sadd.s32 $0xFFFFFEF7, lr;
	s5 =	simm.s32 $0xFFFFFFFF;
	p2 =	slt.u32 s8, $0xFFFFF086  }
0x1c: {  	p1 =	slt.u32 s9, $0xF7A;
	s5 =	simm.s32 @!p2 $0x0  }
0x1d: {  	s5 =	simm.s32 @p1 $0x1;
	p0 =	seq.s32 s7, s2  }
0x1e: {  	s7 =	smul.u32 @!p0 $0xF7A, s2;
	p2 =	seq.s32 @!p0 s5, $0x0  }
0x1f: {  	s9 =	smul.u32 $0xF7A, s1;
	s8 =	simm.s32 @!p0 $0x1BF5;
	p2 =	por !p2, p0  }
0x20: {  	[sflag:s8] =	ssyncset.s32 @!p0 $0xFFFFF086;
	s6 =	sadd.s32 @!p0 s3, s7;
	s7 =	simm.s32 @!p0 $0x108  }
0x21: {  	s3 =	sadd.s32 s3, s9;
	s6 =	sadd.s32 @!p0 $0x88, s6;
	s7 =	simm.s32 @p2 $0x1082  }
0x22: {  	[simem:s7], [sflag:s8] =	dma.local @!p0 [hbm:s6], $0xF7A  }
0x23: {  	s9 =	sor.u32 $0xD0000000, s2;
	s6 =	simm.s32 $0x108;
	_ =	swait.ge @!p0 [sflag:s8], $0x0  }
0x24: {  	s3 =	sadd.s32 $0x88, s3;
	s6 =	simm.s32 @!p1 $0x1082;
	[sflag:s4] =	ssyncset.s32 $0xFFFFF086  }
0x25: {  	[simem:s6], [sflag:s4] =	dma.local [hbm:s3], $0xF7A  }
0x26: {  	[smem:$0x3F92] =	sst s1;
	(tag) =	ssettag s2;
	_ =	strace s9  }
0x27: {  	s1 =	sld [smem:$0x3FA2]  }
0x28: {  	s2 =	sld [smem:$0x3FA3]  }
0x29: {  	s4 =	sld [smem:$0x3FA5]  }
0x2a: {  	p0 =	seq.s32 s5, $0x0;
	s5 =	sld [smem:$0x3FA6]  }
0x2b: {  	s6 =	sld [smem:$0x3FA7]  }
0x2c: {  	s7 =	sld [smem:$0x3FA8]  }
0x2d: {  	s3 =	simm.s32 $0x108;
	s8 =	sld [smem:$0x3FA9]  }
0x2e: {  	s3 =	simm.s32 @!p0 $0x1082;
	s9 =	sld [smem:$0x3FAA]  }
0x2f: {  	lr =	sadd.s32 s0, s3;
	s0 =	sld [smem:$0x3FA1]  }
0x30: {  	s3 =	sld [smem:$0x3FA4]  }
0x31: {  	[smem:$0x3FAD] =	sst s10  }
0x32: {  	s10 =	sld [smem:$0x3FAB];
	_ =	sdelay $0x3  }
0x33: {  	p0 =	seq.s32 s10, $0x1;
	s10 =	sld [smem:$0x3FAD];
	_ =	sdelay $0x3  }
0x34: {  	[smem:$0x3FAD] =	sst s10  }
0x35: {  	s10 =	sld [smem:$0x3FAC];
	_ =	sdelay $0x3  }
0x36: {  	p1 =	seq.s32 s10, $0x1;
	s10 =	sld [smem:$0x3FAD];
	_ =	sdelay $0x3  }
0x37: {  	[smem:$0x3FAD] =	sst s10  }
0x38: {  	s10 =	sld [smem:$0x3FAE]  }
0x39: {  	_ = 	snop;
	(pc) =	sbr.ind lr, $3  }
0x3a: {  	_ = 	snop  }
0x3b: {  	_ = 	snop  }
0x3c: {  	p2 =	seq.s32 s10, $0x1;
	s10 =	sld [smem:$0x3FAD]  }
0x3d: {  	_ =	shalt  }
0x3e: {  	_ =	shalt  }
0x3f: {  	_ =	shalt  }
0x40: {  	_ =	shalt  }
0x41: {  	_ =	shalt  }
0x42: {  	_ =	shalt  }
0x43: {  	_ =	shalt  }
0x44: {  	_ =	shalt  }
0x45: {  	_ =	shalt  }
0x46: {  	_ =	shalt  }
0x47: {  	_ =	shalt  }
0x48: {  	_ =	shalt  }
0x49: {  	_ =	shalt  }
0x4a: {  	_ =	shalt  }
0x4b: {  	_ =	shalt  }
0x4c: {  	_ =	shalt  }
0x4d: {  	_ =	shalt  }
0x4e: {  	_ =	shalt  }
0x4f: {  	_ =	shalt  }
0x50: {  	_ =	shalt  }
0x51: {  	_ =	shalt  }
0x52: {  	_ =	shalt  }
0x53: {  	_ =	shalt  }
0x54: {  	_ =	shalt  }
0x55: {  	_ =	shalt  }
0x56: {  	_ =	shalt  }
0x57: {  	_ =	shalt  }
0x58: {  	_ =	shalt  }
0x59: {  	_ =	shalt  }
0x5a: {  	_ =	shalt  }
0x5b: {  	_ =	shalt  }
0x5c: {  	_ =	shalt  }
0x5d: {  	_ =	shalt  }
0x5e: {  	_ =	shalt  }
0x5f: {  	_ =	shalt  }
0x60: {  	_ =	shalt  }
0x61: {  	_ =	shalt  }
0x62: {  	_ =	shalt  }
0x63: {  	_ =	shalt  }
0x64: {  	_ =	shalt  }
0x65: {  	_ =	shalt  }
0x66: {  	_ =	shalt  }
0x67: {  	_ =	shalt  }
0x68: {  	_ =	shalt  }
0x69: {  	_ =	shalt  }
0x6a: {  	_ =	shalt  }
0x6b: {  	_ =	shalt  }
0x6c: {  	_ =	shalt  }
0x6d: {  	_ =	shalt  }
0x6e: {  	_ =	shalt  }
0x6f: {  	_ =	shalt  }
0x70: {  	_ =	shalt  }
0x71: {  	_ =	shalt  }
0x72: {  	_ =	shalt  }
0x73: {  	_ =	shalt  }
0x74: {  	_ =	shalt  }
0x75: {  	_ =	shalt  }
0x76: {  	_ =	shalt  }
0x77: {  	_ =	shalt  }
0x78: {  	_ =	shalt  }
0x79: {  	_ =	shalt  }
0x7a: {  	_ =	shalt  }
0x7b: {  	_ =	shalt  }
0x7c: {  	_ =	shalt  }
0x7d: {  	_ =	shalt  }
0x7e: {  	_ =	shalt  }
0x7f: {  	_ =	shalt  }
0x80: {  	_ =	shalt  }
0x81: {  	_ =	shalt  }
0x82: {  	_ =	shalt  }
0x83: {  	_ =	shalt  }
0x84: {  	_ =	shalt  }
0x85: {  	_ =	shalt  }
0x86: {  	_ =	shalt  }
0x87: {  	_ =	shalt  }
.Lfunc_end0:
.L_simem_size_0:
called_computation.1_lowered:
.L_overlay_start_0:
0x88: {  	s2 =	sld [smem:$0x3FD9]  }
0x89: {  	s3 =	sld [smem:$0x3FFE];
	_ =	sdelay $0x1  }
0x8a: {  	s1 =	srdreg.scid  }
0x8b: {  	s0 =	sand.u32 $0x1, s1  }
0x8c: {  	s17 =	sshll.u32 s0, $0xA;
	s2 =	sadd.s32 s3, s2  }
0x8d: {  	s2 =	sadd.s32 s2, s17  }
0x8e: {  	[smem:$0x3FB9] =	sst s2  }
0x8f: {  	_ = 	snop  }
0x90: {  	(tm) =	ssettm $0x1  }
0x91: {  	s18 =	sld [smem:$0x3FFB];
	_ =	sdelay $0x3  }
0x92: {  	_ =	strace s18  }
0x93: {  	s2 =	sld [smem:$0x3FFC];
	_ =	sdelay $0x3  }
0x94: {  	_ =	strace s2  }
0x95: {  	s2 =	sld [smem:$0x3FFD];
	_ =	sdelay $0x3  }
0x96: {  	_ =	strace s2  }
0x97: {  	_ =	strace $0x8FFFFFFF  }
0x98: {  	s19 =	sld [smem:$0x3FDB];
	_ =	sdelay $0x1  }
0x99: {  	s20 =	simm.s32 $_scs_section_size  }
0x9a: {  	s4 =	simm.s32 $_size__tile_overlayer_lowered;
	s5 =	simm.s32 $_tile_overlayer_lowered  }
0x9b: {  	s6 =	simm.s32 $0x1BFF;
	s21 =	sshll.u32 s5, $0x1;
	s3 =	sadd.s32 s20, s19  }
0x9c: {  	s22 =	simm.s32 $0x0;
	s4 =	sshll.u32 s4, $0x1;
	s5 =	sadd.s32 s21, s3  }
0x9d: {  	[timem:s22], [sflag:s6] =	dma.local [hbm:s5], s4  }
0x9e: {  	_ =	swait.ge [sflag:s6], s4  }
0x9f: {  	s4 =	ssub.s32 $0x0, s4;
	[sflag:s6] =	ssyncset.done $0x0  }
0xa0: {  	[sflag:s6] =	ssyncadd.s32 s4;
	_ =	sdelay $0x1  }
0xa1: {  	s23 =	simm.s32 $0x1B8B  }
0xa2: {  	_ =	swait.ge [sflag:s23], $0x1  }
0xa3: {  	[sflag:s23] =	ssyncset.done $0x0  }
0xa4: {  	[sflag:s23] =	ssyncadd.s32 $0xFFFFFFFF  }
0xa5: {  	s4 =	sld [smem:$0x0]  }
0xa6: {  	s5 =	sand.u32 $0xFFFFFFFE, s1  }
0xa7: {  	p0 =	sne.s32 s1, s5  }
0xa8: {  	s5 =	sshll.u32 @p0 s5, $0xE  }
0xa9: {  	s5 =	sadd.s32 @p0 $0x11B8D, s5;
	s6 =	sshll.u32 @p0 s4, $0x11  }
0xaa: {  	s5 =	sor.u32 @p0 s6, s5  }
0xab: {  	[sflag:s5] =	ssyncadd.remote.s32 @p0 $0x1;
	_ =	sdelay $0x1  }
0xac: {  	s5 =	simm.s32 @p0 $0x1B8D  }
0xad: {  	_ =	swait.eq @p0 [sflag:s5], $0x1  }
0xae: {  	[sflag:s5] =	ssyncadd.s32 @p0 $0xFFFFFFFF  }
0xaf: {  	s6 =	sshll.u32 @!p0 s1, $0xE  }
0xb0: {  	s6 =	sor.u32 @!p0 $0x4000, s6;
	s5 =	simm.s32 @!p0 $0x1B8D  }
0xb1: {  	s4 =	sshll.u32 @!p0 s4, $0x11;
	s6 =	sadd.s32 @!p0 $0x11B8D, s6;
	_ =	swait.eq @!p0 [sflag:s5], $0x1  }
0xb2: {  	s4 =	sor.u32 @!p0 s4, s6;
	[sflag:s5] =	ssyncadd.s32 @!p0 $0xFFFFFFFF  }
0xb3: {  	s25 =	simm.s32 $0x1B8E;
	s24 =	sld [smem:$0x3FFE];
	[sflag:s4] =	ssyncadd.remote.s32 @!p0 $0x1  }
0xb4: {  	s26 =	simm.s32 $execute0_lowered;
	[smem:$0x3FD2] =	sst s25  }
0xb5: {  	s5 =	sshll.u32 s26, $0x1;
	_ =	strace $0x80000050;
	[dreg:$0x1] =	wrdreg $0xFFFFFFFF  }
0xb6: {  	s28 =	simm.s32 $_size_execute0_lowered;
	s3 =	sadd.s32 s3, s5;
	[dreg:$0x0] =	wrdreg $0x0  }
0xb7: {  	s5 =	sshll.u32 s28, $0x1;
	[dreg:$0x2] =	wrdreg s3  }
0xb8: {  	[dreg:$0x3] =	wrdreg s5  }
0xb9: {  	[dreg:$0x4] =	wrdreg $0xC0  }
0xba: {  	_ =	task [dreg:s22], $0x5FFFF  }
0xbb: {  	[dreg:$0x1] =	wrdreg $0xFFFFFFFF  }
0xbc: {  	[dreg:$0x0] =	wrdreg $0x60  }
0xbd: {  	[dreg:$0x2] =	wrdreg s24  }
0xbe: {  	[dreg:$0x3] =	wrdreg $0xA  }
0xbf: {  	_ =	task.clear_ibuf [dreg:s22], $0x4FFFF;
	_ =	strace $0x90000050  }
0xc0: {  	s29 =	simm.s32 $0xA;
	_ =	strace $0x80000059  }
0xc1: {  	_ =	swait.ge [sflag:s29], $0x1  }
0xc2: {  	[sflag:s29] =	ssyncadd.s32 $0xFFFFFFFF  }
0xc3: {  	_ =	strace $0x90000059  }
0xc4: {  	_ =	sfence  }
0xc5: {  	s30 =	sld [smem:$0x0];
	_ =	sdelay $0x2  }
0xc6: {  	s31 =	sshll.u32 s1, $0xD;
	s1 =	sshrl.u32 s1, $0x2  }
0xc7: {  	s4 =	sand.u32 $0x4000, s31;
	s1 =	sadd.s32 s1, s30  }
0xc8: {  	s0 =	sor.u32 s4, s0;
	s1 =	sshll.u32 s1, $0x11  }
0xc9: {  	s0 =	sor.u32 s1, s0  }
0xca: {  	s0 =	sadd.s32 $0x8F2B, s0  }
0xcb: {  	[sflag:s0] =	ssyncadd.remote.s32 $0x1  }
0xcc: {  	_ =	sfence.sel $0xFFFF  }
0xcd: {  	[dreg:$0x0] =	wrdreg $0xFFFFFFFF;
	(pc) =	sbr.abs _section_cstart, $3  }
0xce: {  	[dreg:$0x1] =	wrdreg $0xFFFFFFFF  }
0xcf: {  	_ =	task.clear_ibuf [dreg:s22], $0x2FFFF;
	_ =	strace $0x9FFFFFFF  }
0xd0: {  	(tm) =	ssettm $0x7FFFFFFF  }
0xd1: {  	_ =	shalt  }
tec
execute0_lowered:
.L_overlay_start_1:
0x0: {  	(tag) =	ssettag $0x1  }
0x1: {  	s1 =	srdreg.scid  }
0x2: {  	s3 =	sand.u32 $0x1, s1  }
0x3: {  	p0 =	seq.s32 s3, $0x1  }
.Ltmp0:
0x4: {  	_ = 	snop;
	(pc) =	sbr.rel @p0 .LBB2_4-.Ltmp0, $4  }
0x5: {  	_ = 	snop  }
0x6: {  	s5 =	rddreg [dreg:$0x0];
	s2 =	simm.s32 $0x0  }
0x7: {  	[smem:$0x7FF] =	sst s2  }
0x8: {  	s0 =	rddreg [dreg:$0x1];
	s1 =	stileid.u32;
	_ =	strace $0x80000051  }
0x9: {  	s4 =	sshll.u32 s3, $0x4;
	s6 =	sadd.s32 $0x4000, s5  }
0xa: {  	s9 =	sadd.s32 $0x9D000, s5;
	s22 =	sadd.s32 $0x9E000, s5;
	p0 =	por $0x0, $0x0  }
0xb: {  	p1 =	seq.s32 s3, $0x0;
	s10 =	simm.s32 $0xF;
	s4 =	sor.u32 s1, s4  }
0xc: {  	s0 =	simm.s32 $0x1;
	s25 =	simm.s32 $0x80;
	s4 =	smin.u32 s4, $0x10  }
0xd: {  	s8 =	simm.s32 $0x5;
	s18 =	sand.u32 $0x1, s2;
	s21 =	sshll.u32 s4, $0x4  }
0xe: {  	[dreg:$0x2] =	wrdreg s6;
	s7 =	sshll.u32 s4, $0x8;
	s6 =	sand.u32 $0x70, s21  }
0xf: {  	[dreg:$0x4] =	wrdreg s22;
	s24 =	sand.u32 $0x800, s7;
	s23 =	sadd.s32 s9, s6  }
0x10: {  	s16 =	simm.s32 $0x1;
	_ =	strace $0x80000052;
	s5 =	sadd.s32 s24, s23  }
0x11: {  	[tilespmem:s2], [sflag:$0x1] =	stream.linear.gather [hbm4b:s5+s2], $0x80, $0x200038;
	[tilespmem:$0x8100] =	vst v63  }
0x12: {  	p3 =	por $0x1, $0x1;
	s28 =	simm.s32 $0x0;
	s5 =	simm.s32 $0x1  }
0x13: {  	s10 =	simm.s32 @!p1 $0xFFFFFFFF;
	s26 =	sadd.s32 $0x1, s18;
	s5 =	simm.s32 @!p0 $0x0  }
0x14: {  	s29 =	sshll.u32 s18, $0xE;
	s30 =	sand.u32 $0x80, s28;
	s7 =	sadd.s32 $0x0, s5  }
0x15: {  	p5 =	sgt.s32 s10, $0x0;
	s6 =	simm.s32 $0x1;
	p1 =	seq.s32 s7, $0x1  }
0x16: {  	s11 =	sadd.s32 $0x0, s4;
	s6 =	simm.s32 @p0 $0x0;
	s7 =	simm.s32 @p1 $0x0  }
0x17: {  	s11 =	sshll.u32 s11, $0x4;
	p0 =	sne.s32 s6, $0x0;
	p1 =	sne.s32 s7, $0x0  }
0x18: {  	s22 =	sor.u32 $0x100, s29;
	s20 =	sadd.s32 $0x0, s11;
	p2 =	por p0, p1  }
0x19: {  	_ =	strace $0x90000052;
	[dreg:$0x3] =	wrdreg s25;
	p0 =	por !p5, !p2  }
0x1a: {  	s5 =	simm.s32 $0x1;
	s12 =	sadd.s32 s4, s7;
	p1 =	por !p0, !p0  }
0x1b: {  	p5 =	por $0x0, $0x0;
	p0 =	seq.s32 s10, $0x0;
	s13 =	sshll.u32 @p1 s12, $0xB  }
0x1c: {  	p2 =	por p0, p2;
	s14 =	sshll.u32 @p1 s12, $0x7;
	s15 =	sand.u32 @p1 $0x1, s0  }
0x1d: {  	s17 =	sshll.u32 @p1 s6, $0xA;
	s16 =	simm.s32 @!p1 $0x0;
	_ =	strace @p1 $0x80000053  }
0x1e: {  	s13 =	sand.u32 @p1 $0xFFFFC000, s13;
	s14 =	sand.u32 @p1 $0x380, s14;
	s19 =	sshll.u32 @p1 s15, $0x7  }
0x1f: {  	s15 =	sadd.s32 @p1 $0x1, s15;
	s17 =	sadd.s32 @p1 s17, s13;
	s13 =	sshll.u32 s12, $0x4  }
0x20: {  	s12 =	sadd.s32 $0x1, s16;
	s14 =	sor.u32 @p1 s14, s17;
	s17 =	simm.s32 $0x1  }
0x21: {  	s16 =	simm.s32 $0x2;
	s21 =	sadd.s32 s6, s13;
	s17 =	simm.s32 @!p2 $0x0  }
0x22: {  	s14 =	sshrl.u32 @p1 s14, $0x3;
	p6 =	sne.s32 s20, s21;
	s21 =	simm.s32 $0x1  }
0x23: {  	s11 =	sadd.s32 $0x0, s17;
	s14 =	sadd.s32 @p1 s9, s14;
	s17 =	simm.s32 @p1 $0x0  }
0x24: {  	[tilespmem:s19], [sflag:s15] =	stream.linear.gather @p1 [hbm4b:s14+s17], $0x80, $0x200038;
	[tilespmem:$0x8100] =	vst v63  }
0x25: {  	p0 =	por p0, p6;
	s15 =	simm.s32 $0x1;
	_ =	strace @p1 $0x90000053  }
0x26: {  	s14 =	sand.u32 $0x1, s11;
	s15 =	simm.s32 @!p3 $0x0;
	_ =	strace $0x80000054  }
0x27: {  	s19 =	simm.s32 $0xFFFFFFFF;
	s15 =	ssub.s32 $0x0, s15;
	_ =	swait.ge [sflag:s26], $0x80  }
0x28: {  	s17 =	simm.s32 $0x1;
	p4 =	seq.s32 s15, $0xFFFFFFFF;
	[sflag:s26] =	ssyncset.done $0x0  }
0x29: {  	s19 =	simm.s32 @p3 $0xF;
	s15 =	simm.s32 @p4 $0x0;
	[sflag:s26] =	ssyncadd.s32 $0xFFFFFF80  }
0x2a: {  	s17 =	simm.s32 @!p0 $0x0;
	s15 =	sadd.s32 s4, s15;
	_ =	strace $0x90000054  }
0x2b: {  	s17 =	sadd.s32 $0x0, s17;
	s15 =	sshll.u32 s15, $0x4;
	_ =	strace $0x80000055  }
0x2c: {  	s19 =	sadd.s32 s19, s15;
	s15 =	sadd.s32 $0x1, s6;
	s23 =	rddreg [dreg:$0x2]  }
0x2d: {  	p6 =	sne.s32 s20, s19;
	p3 =	seq.s32 s15, $0x10;
	s19 =	simm.s32 $0x1  }
0x2e: {  	s31 =	rddreg [dreg:$0x3];
	p1 =	por !p5, !p6;
	s19 =	simm.s32 @!p3 $0x0  }
0x2f: {  	[tilespmem:s22], [sflag:$0x5] =	stream.indirect.gather [hbm4b:s23+s31], $0x80, s30, s31, $0x2000b8;
	[tilespmem:$0x8100] =	vst v63  }
0x30: {  	s15 =	simm.s32 @p3 $0x0;
	s23 =	simm.s32 @p0 $0x0;
	s19 =	sadd.s32 s19, s7  }
0x31: {  	p4 =	sne.s32 s6, s15;
	p1 =	por !p1, !p1;
	p2 =	seq.s32 s19, $0x1  }
0x32: {  	_ =	swait.ge [sflag:s8], $0x4000;
	s21 =	simm.s32 @!p1 $0x0;
	s19 =	simm.s32 @p2 $0x0  }
.LBB2_2:
0x33: {  	s26 =	smov.u32 s13;
	p3 =	sne.s32 s7, s19  }
0x34: {  	p2 =	seq.s32 s10, s5;
	s13 =	sshll.u32 @p0 s20, $0xB;
	s25 =	smov.u32 s5  }
0x35: {  	s5 =	smov.u32 s16;
	s24 =	smov.u32 s11;
	[sflag:s8] =	ssyncset.done $0x0  }
0x36: {  	s3 =	simm.s32 $0x1;
	s18 =	sadd.s32 @p0 $0x3, s18;
	s16 =	sadd.s32 $0x1, s16  }
0x37: {  	p3 =	por p4, p3;
	p6 =	slt.s32 s25, s10;
	s28 =	sand.u32 @p0 $0x1FFFF800, s13  }
0x38: {  	s13 =	sadd.s32 s4, s19;
	[sflag:s8] =	ssyncadd.s32 $0xFFFFC000;
	p4 =	por !p6, !p3  }
0x39: {  	p3 =	por p2, p3;
	_ =	strace $0x90000055;
	p4 =	por !p4, !p4  }
0x3a: {  	_ =	strace @p0 $0x80000056;
	s3 =	simm.s32 @!p3 $0x0;
	p3 =	sne.s32 s16, $0x10  }
0x3b: {  	s20 =	sshll.u32 @p4 s13, $0xB;
	s29 =	sshll.u32 @p4 s13, $0x7;
	s30 =	sand.u32 @p4 $0x1, s12  }
0x3c: {  	s31 =	sshll.u32 @p4 s15, $0xA;
	s13 =	sshll.u32 s13, $0x4;
	s1 =	rddreg [dreg:$0x4]  }
0x3d: {  	s11 =	sadd.s32 s3, s11;
	s3 =	sand.u32 @p1 $0x1, s2;
	s2 =	sadd.s32 s21, s2  }
0x3e: {  	s21 =	simm.s32 @p4 $0x0;
	s20 =	sand.u32 @p4 $0xFFFFC000, s20;
	s29 =	sand.u32 @p4 $0x380, s29  }
0x3f: {  	s0 =	sshll.u32 @p4 s30, $0x7;
	s1 =	sadd.s32 @p0 s1, s28;
	s3 =	sadd.s32 @p1 $0x3, s3  }
0x40: {  	[hbm4b:s1+s23] =	stream.linear.scatter @p0 [tilespmem:s22], [sflag:s18], $0x4000, $0x200038;
	[tilespmem:$0x8100] =	vst v63  }
0x41: {  	s20 =	sadd.s32 @p4 s31, s20;
	s31 =	simm.s32 $0x1;
	s1 =	sadd.s32 @p4 $0x1, s30  }
0x42: {  	s22 =	smov.u32 s6;
	s23 =	smov.u32 s7;
	s7 =	smov.u32 s19  }
0x43: {  	s31 =	simm.s32 @!p4 $0x0;
	s29 =	sor.u32 @p4 s29, s20;
	_ =	strace @p0 $0x90000056  }
0x44: {  	s20 =	sadd.s32 s6, s26;
	s26 =	smov.u32 s14;
	_ =	strace @p1 $0x80000057  }
0x45: {  	s14 =	sand.u32 $0x1, s11;
	s6 =	smov.u32 s15;
	_ =	swait.ge @p1 [sflag:s3], $0x4000  }
0x46: {  	p6 =	seq.s32 s22, $0x0;
	s12 =	sadd.s32 s31, s12;
	[sflag:s3] =	ssyncset.done @p1 $0x0  }
0x47: {  	s31 =	sadd.s32 s15, s13;
	s18 =	sshrl.u32 @p4 s29, $0x3;
	[sflag:s3] =	ssyncadd.s32 @p1 $0xFFFFC000  }
0x48: {  	s15 =	sadd.s32 $0x1, s15;
	p5 =	sne.s32 s20, s31;
	_ =	strace @p1 $0x90000057  }
0x49: {  	s18 =	sadd.s32 @p4 s9, s18;
	s3 =	sadd.s32 $0xFFFFFFFF, s22;
	_ =	strace @p4 $0x80000053  }
0x4a: {  	[tilespmem:s0], [sflag:s1] =	stream.linear.gather @p4 [hbm4b:s18+s21], $0x80, $0x200038;
	[tilespmem:$0x8100] =	vst v63  }
0x4b: {  	s3 =	simm.s32 @p6 $0xF;
	s0 =	simm.s32 $0x1;
	s18 =	sand.u32 $0x1, s17  }
0x4c: {  	s21 =	simm.s32 $0x1;
	_ =	strace @p4 $0x90000053;
	p4 =	sne.s32 s25, $0x0  }
0x4d: {  	s0 =	simm.s32 @!p6 $0x0;
	s25 =	sadd.s32 $0x1, s26;
	s26 =	sshll.u32 s24, $0x7  }
0x4e: {  	s28 =	sshll.u32 s18, $0xE;
	_ =	strace $0x80000054;
	s0 =	ssub.s32 s23, s0  }
0x4f: {  	s22 =	sor.u32 $0x100, s28;
	_ =	swait.ge [sflag:s25], $0x80;
	p0 =	seq.s32 s0, $0xFFFFFFFF  }
0x50: {  	s30 =	sand.u32 $0x80, s26;
	[sflag:s25] =	ssyncset.done $0x0;
	s0 =	simm.s32 @p0 $0x0  }
0x51: {  	p0 =	por p2, p5;
	p2 =	seq.s32 s15, $0x10;
	[sflag:s25] =	ssyncadd.s32 $0xFFFFFF80  }
0x52: {  	s0 =	sadd.s32 s4, s0;
	s23 =	simm.s32 @p0 $0x0;
	_ =	strace $0x90000054  }
0x53: {  	s15 =	simm.s32 @p2 $0x0;
	s0 =	sshll.u32 s0, $0x4;
	_ =	strace $0x80000055  }
0x54: {  	s0 =	sadd.s32 s3, s0;
	s3 =	simm.s32 $0x1;
	s29 =	rddreg [dreg:$0x2]  }
0x55: {  	p6 =	sne.s32 s20, s0;
	s31 =	rddreg [dreg:$0x3];
	s3 =	simm.s32 @!p2 $0x0  }
.Ltmp1:
0x56: {  	s0 =	simm.s32 $0x1;
	p1 =	por !p4, !p6;
	(pc) =	sbr.rel @p3 .LBB2_2-.Ltmp1, $4  }
0x57: {  	[tilespmem:s22], [sflag:$0x5] =	stream.indirect.gather [hbm4b:s29+s31], $0x80, s30, s31, $0x2000b8;
	[tilespmem:$0x8100] =	vst v63  }
0x58: {  	s19 =	sadd.s32 s3, s19;
	p4 =	sne.s32 s6, s15;
	s0 =	simm.s32 @!p0 $0x0  }
0x59: {  	_ =	swait.ge [sflag:s8], $0x4000;
	p2 =	seq.s32 s19, $0x1;
	p1 =	por !p1, !p1  }
0x5a: {  	s17 =	sadd.s32 s0, s17;
	s19 =	simm.s32 @p2 $0x0;
	s21 =	simm.s32 @!p1 $0x0  }
0x5b: {  	[sflag:s8] =	ssyncset.done $0x0;
	p2 =	sne.s32 s7, s19  }
0x5c: {  	p3 =	slt.s32 s5, s10;
	s1 =	sshll.u32 @p0 s20, $0xB;
	[sflag:s8] =	ssyncadd.s32 $0xFFFFC000  }
0x5d: {  	s3 =	sadd.s32 s4, s19;
	p2 =	por p4, p2;
	_ =	strace $0x90000055  }
0x5e: {  	s18 =	sadd.s32 @p0 $0x3, s18;
	p2 =	por !p3, !p2;
	_ =	strace @p0 $0x80000056  }
0x5f: {  	s1 =	sand.u32 @p0 $0x1FFFF800, s1;
	p2 =	por !p2, !p2;
	s0 =	rddreg [dreg:$0x4]  }
0x60: {  	s16 =	sshll.u32 @p2 s3, $0xB;
	s0 =	sadd.s32 @p0 s0, s1;
	s1 =	sand.u32 @p1 $0x1, s2  }
0x61: {  	[hbm4b:s0+s23] =	stream.linear.scatter @p0 [tilespmem:s22], [sflag:s18], $0x4000, $0x200038;
	[tilespmem:$0x8100] =	vst v63  }
0x62: {  	s16 =	sand.u32 @p2 $0xFFFFC000, s16;
	s0 =	sshll.u32 @p2 s3, $0x7;
	_ =	strace @p0 $0x90000056  }
0x63: {  	s1 =	sadd.s32 @p1 $0x3, s1;
	s18 =	sshll.u32 @p2 s15, $0xA;
	_ =	strace @p1 $0x80000057  }
0x64: {  	s0 =	sand.u32 @p2 $0x380, s0;
	s16 =	sadd.s32 @p2 s18, s16;
	_ =	swait.ge @p1 [sflag:s1], $0x4000  }
0x65: {  	s0 =	sor.u32 @p2 s0, s16;
	[sflag:s1] =	ssyncset.done @p1 $0x0  }
0x66: {  	s12 =	sand.u32 @p2 $0x1, s12;
	s0 =	sshrl.u32 @p2 s0, $0x3;
	[sflag:s1] =	ssyncadd.s32 @p1 $0xFFFFC000  }
0x67: {  	s18 =	sshll.u32 @p2 s12, $0x7;
	s0 =	sadd.s32 @p2 s9, s0;
	_ =	strace @p1 $0x90000057  }
0x68: {  	s9 =	simm.s32 @p2 $0x0;
	s1 =	sadd.s32 @p2 $0x1, s12;
	_ =	strace @p2 $0x80000053  }
0x69: {  	[tilespmem:s18], [sflag:s1] =	stream.linear.gather @p2 [hbm4b:s0+s9], $0x80, $0x200038;
	[tilespmem:$0x8100] =	vst v63  }
0x6a: {  	s24 =	sadd.s32 $0x1, s14;
	s11 =	sshll.u32 s11, $0x7;
	_ =	strace @p2 $0x90000053  }
0x6b: {  	p5 =	sne.s32 s5, $0x0;
	s25 =	sshll.u32 s3, $0x4;
	_ =	strace $0x80000054  }
0x6c: {  	s11 =	sand.u32 $0x80, s11;
	s3 =	sand.u32 $0x1, s17;
	_ =	swait.ge [sflag:s24], $0x80  }
0x6d: {  	s2 =	sadd.s32 s21, s2;
	s29 =	sshll.u32 s3, $0xE;
	[sflag:s24] =	ssyncset.done $0x0  }
0x6e: {  	s12 =	sor.u32 $0x100, s29;
	p1 =	seq.s32 s6, $0x0;
	[sflag:s24] =	ssyncadd.s32 $0xFFFFFF80  }
0x6f: {  	p2 =	seq.s32 s10, s5;
	s10 =	simm.s32 $0x1;
	_ =	strace $0x90000054  }
0x70: {  	s0 =	sadd.s32 s15, s25;
	s10 =	simm.s32 @!p1 $0x0;
	_ =	strace $0x80000055  }
0x71: {  	s1 =	sadd.s32 s6, s13;
	s7 =	ssub.s32 s7, s10;
	s26 =	rddreg [dreg:$0x2]  }
0x72: {  	p4 =	sne.s32 s1, s0;
	p3 =	seq.s32 s7, $0xFFFFFFFF;
	s28 =	rddreg [dreg:$0x3]  }
0x73: {  	[tilespmem:s12], [sflag:$0x5] =	stream.indirect.gather [hbm4b:s26+s28], $0x80, s11, s28, $0x2000b8;
	[tilespmem:$0x8100] =	vst v63  }
0x74: {  	s0 =	sadd.s32 $0xFFFFFFFF, s6;
	s7 =	simm.s32 @p3 $0x0;
	_ =	swait.ge [sflag:s8], $0x4000  }
0x75: {  	p0 =	por p2, p4;
	s30 =	sadd.s32 s4, s7;
	[sflag:s8] =	ssyncset.done $0x0  }
0x76: {  	s0 =	simm.s32 @p1 $0xF;
	s4 =	sshll.u32 s30, $0x4;
	[sflag:s8] =	ssyncadd.s32 $0xFFFFC000  }
0x77: {  	s3 =	sadd.s32 @p0 $0x3, s3;
	s0 =	sadd.s32 s0, s4;
	_ =	strace $0x90000055  }
0x78: {  	p6 =	sne.s32 s1, s0;
	s0 =	sshll.u32 @p0 s1, $0xB;
	_ =	strace @p0 $0x80000056  }
0x79: {  	p1 =	por !p5, !p6;
	s0 =	sand.u32 @p0 $0x1FFFF800, s0;
	s4 =	rddreg [dreg:$0x4]  }
0x7a: {  	s1 =	simm.s32 @p0 $0x0;
	p1 =	por !p1, !p1;
	s0 =	sadd.s32 @p0 s4, s0  }
0x7b: {  	[hbm4b:s0+s1] =	stream.linear.scatter @p0 [tilespmem:s12], [sflag:s3], $0x4000, $0x200038;
	[tilespmem:$0x8100] =	vst v63  }
0x7c: {  	s0 =	sand.u32 @p1 $0x1, s2;
	_ =	strace @p0 $0x90000056  }
0x7d: {  	s0 =	sadd.s32 @p1 $0x3, s0;
	_ =	strace @p1 $0x80000057  }
0x7e: {  	s1 =	simm.s32 $0x1;
	_ =	swait.ge @p1 [sflag:s0], $0x4000  }
0x7f: {  	s1 =	simm.s32 @!p1 $0x0;
	[sflag:s0] =	ssyncset.done @p1 $0x0  }
0x80: {  	s1 =	sadd.s32 s1, s2;
	[sflag:s0] =	ssyncadd.s32 @p1 $0xFFFFC000  }
0x81: {  	s31 =	sand.u32 $0x1, s1;
	_ =	strace @p1 $0x90000057  }
0x82: {  	s0 =	sadd.s32 $0x3, s31;
	_ =	strace $0x80000058  }
0x83: {  	_ =	swait.ge [sflag:s0], $0x4000  }
0x84: {  	[sflag:s0] =	ssyncset.done $0x0  }
0x85: {  	[sflag:s0] =	ssyncadd.s32 $0xFFFFC000  }
0x86: {  	_ =	strace $0x90000058  }
0x87: {  	s1 =	stileid.u32;
	s0 =	rddreg [dreg:$0x1]  }
.LBB2_4:
0x88: {  	_ =	sfence.sel $0x180000  }
0x89: {  	[bflag:$0x0] =	sbarrier.arrive $0xFFFF  }
0x8a: {  	p0 =	sne.s32 s1, $0x0;
	_ =	strace $0x90000051  }
0x8b: {  	s0 =	sadd.s32 @!p0 $0x100000, s0;
	[bflag:$0x2] =	sbarrier.arrive $0xFFFF  }
0x8c: {  	[sflag:s0] =	ssyncadd.tile.s32 @!p0 $0x1;
	_ =	shalt  }
.Lfunc_end2:
_tile_overlayer_lowered:
.L_overlay_start_2:
0x8d: {  	(tag) =	ssettag $0x2  }
0x8e: {  	s0 =	rddreg [dreg:$0x0];
	s2 =	stileid.u32  }
0x8f: {  	s1 =	rddreg [dreg:$0x1];
	p0 =	sne.s32 s2, $0x0  }
0x90: {  	s3 =	rddreg [dreg:$0x2];
	[bflag:$0x3] =	sbarrier.arrive $0xFFFF;
	s2 =	simm.s32 @!p0 $0x1C01  }
0x91: {  	[timem:s3], [sflag:s2] =	dma.local @!p0 [hbm:s0], s1  }
0x92: {  	s0 =	simm.s32 @!p0 $0x1  }
0x93: {  	_ =	swait.ge @!p0 [sflag:s0], s1  }
0x94: {  	s1 =	ssub.s32 @!p0 $0x0, s1;
	[sflag:s0] =	ssyncset.done @!p0 $0x0  }
0x95: {  	[sflag:s0] =	ssyncadd.s32 @!p0 s1  }
0x96: {  	[bflag:$0x3] =	sbarrier.arrive $0xFFFF  }
0x97: {  	_ =	shalt  }

// kernel: kernel.21.cloned.1.call-start
scs
__scs_entry_jumppad:
0x0: {  	(pc) =	sbr.rel $0x88, $3  }
0x1: {  	(tag) =	ssettag $0x0;
	lr =	simm.s32 $0x1  }
0x2: {  	[smem:$0x3F92] =	sst lr;
	_ =	strace $0xD0000000  }
0x3: {  	_ = 	snop  }
0x4: {  	_ = 	snop  }
0x5: {  	_ = 	snop  }
0x6: {  	_ = 	snop  }
0x7: {  	_ = 	snop  }
__scs_overlays_trampoline_lowered:
0x8: {  	[smem:$0x3FA1] =	sst s0  }
0x9: {  	[smem:$0x3FA2] =	sst s1  }
0xa: {  	[smem:$0x3FA3] =	sst s2  }
0xb: {  	[smem:$0x3FA4] =	sst s3  }
0xc: {  	[smem:$0x3FA5] =	sst s4  }
0xd: {  	[smem:$0x3FA6] =	sst s5  }
0xe: {  	[smem:$0x3FA7] =	sst s6  }
0xf: {  	[smem:$0x3FA8] =	sst s7  }
0x10: {  	[smem:$0x3FA9] =	sst s8  }
0x11: {  	[smem:$0x3FAA] =	sst s9;
	s0 =	simm.s32 @!p0 $0x0  }
0x12: {  	s1 =	sld [smem:$0x3F90];
	s0 =	simm.s32 @p0 $0x1  }
0x13: {  	[smem:$0x3FAB] =	sst s0;
	s0 =	simm.s32 @!p1 $0x0  }
0x14: {  	s2 =	sld [smem:$0x3F8F];
	s0 =	simm.s32 @p1 $0x1  }
0x15: {  	[smem:$0x3FAC] =	sst s0;
	s0 =	simm.s32 @!p2 $0x0  }
0x16: {  	s3 =	sld [smem:$0x3FDB];
	s0 =	simm.s32 @p2 $0x1  }
0x17: {  	s4 =	simm.s32 $0x1BF5;
	[smem:$0x3FAE] =	sst s0  }
0x18: {  	s0 =	sld [smem:$0x3F91];
	_ =	swait.ge [sflag:s4], $0x0  }
0x19: {  	s7 =	sld [smem:$0x3F92]  }
0x1a: {  	s8 =	sadd.s32 $0xFFFFE003, lr  }
0x1b: {  	s9 =	sadd.s32 $0xFFFFFEF7, lr;
	s5 =	simm.s32 $0xFFFFFFFF;
	p2 =	slt.u32 s8, $0xFFFFF086  }
0x1c: {  	p1 =	slt.u32 s9, $0xF7A;
	s5 =	simm.s32 @!p2 $0x0  }
0x1d: {  	s5 =	simm.s32 @p1 $0x1;
	p0 =	seq.s32 s7, s2  }
0x1e: {  	s7 =	smul.u32 @!p0 $0xF7A, s2;
	p2 =	seq.s32 @!p0 s5, $0x0  }
0x1f: {  	s9 =	smul.u32 $0xF7A, s1;
	s8 =	simm.s32 @!p0 $0x1BF5;
	p2 =	por !p2, p0  }
0x20: {  	[sflag:s8] =	ssyncset.s32 @!p0 $0xFFFFF086;
	s6 =	sadd.s32 @!p0 s3, s7;
	s7 =	simm.s32 @!p0 $0x108  }
0x21: {  	s3 =	sadd.s32 s3, s9;
	s6 =	sadd.s32 @!p0 $0x88, s6;
	s7 =	simm.s32 @p2 $0x1082  }
0x22: {  	[simem:s7], [sflag:s8] =	dma.local @!p0 [hbm:s6], $0xF7A  }
0x23: {  	s9 =	sor.u32 $0xD0000000, s2;
	s6 =	simm.s32 $0x108;
	_ =	swait.ge @!p0 [sflag:s8], $0x0  }
0x24: {  	s3 =	sadd.s32 $0x88, s3;
	s6 =	simm.s32 @!p1 $0x1082;
	[sflag:s4] =	ssyncset.s32 $0xFFFFF086  }
0x25: {  	[simem:s6], [sflag:s4] =	dma.local [hbm:s3], $0xF7A  }
0x26: {  	[smem:$0x3F92] =	sst s1;
	(tag) =	ssettag s2;
	_ =	strace s9  }
0x27: {  	s1 =	sld [smem:$0x3FA2]  }
0x28: {  	s2 =	sld [smem:$0x3FA3]  }
0x29: {  	s4 =	sld [smem:$0x3FA5]  }
0x2a: {  	p0 =	seq.s32 s5, $0x0;
	s5 =	sld [smem:$0x3FA6]  }
0x2b: {  	s6 =	sld [smem:$0x3FA7]  }
0x2c: {  	s7 =	sld [smem:$0x3FA8]  }
0x2d: {  	s3 =	simm.s32 $0x108;
	s8 =	sld [smem:$0x3FA9]  }
0x2e: {  	s3 =	simm.s32 @!p0 $0x1082;
	s9 =	sld [smem:$0x3FAA]  }
0x2f: {  	lr =	sadd.s32 s0, s3;
	s0 =	sld [smem:$0x3FA1]  }
0x30: {  	s3 =	sld [smem:$0x3FA4]  }
0x31: {  	[smem:$0x3FAD] =	sst s10  }
0x32: {  	s10 =	sld [smem:$0x3FAB];
	_ =	sdelay $0x3  }
0x33: {  	p0 =	seq.s32 s10, $0x1;
	s10 =	sld [smem:$0x3FAD];
	_ =	sdelay $0x3  }
0x34: {  	[smem:$0x3FAD] =	sst s10  }
0x35: {  	s10 =	sld [smem:$0x3FAC];
	_ =	sdelay $0x3  }
0x36: {  	p1 =	seq.s32 s10, $0x1;
	s10 =	sld [smem:$0x3FAD];
	_ =	sdelay $0x3  }
0x37: {  	[smem:$0x3FAD] =	sst s10  }
0x38: {  	s10 =	sld [smem:$0x3FAE]  }
0x39: {  	_ = 	snop;
	(pc) =	sbr.ind lr, $3  }
0x3a: {  	_ = 	snop  }
0x3b: {  	_ = 	snop  }
0x3c: {  	p2 =	seq.s32 s10, $0x1;
	s10 =	sld [smem:$0x3FAD]  }
0x3d: {  	_ =	shalt  }
0x3e: {  	_ =	shalt  }
0x3f: {  	_ =	shalt  }
0x40: {  	_ =	shalt  }
0x41: {  	_ =	shalt  }
0x42: {  	_ =	shalt  }
0x43: {  	_ =	shalt  }
0x44: {  	_ =	shalt  }
0x45: {  	_ =	shalt  }
0x46: {  	_ =	shalt  }
0x47: {  	_ =	shalt  }
0x48: {  	_ =	shalt  }
0x49: {  	_ =	shalt  }
0x4a: {  	_ =	shalt  }
0x4b: {  	_ =	shalt  }
0x4c: {  	_ =	shalt  }
0x4d: {  	_ =	shalt  }
0x4e: {  	_ =	shalt  }
0x4f: {  	_ =	shalt  }
0x50: {  	_ =	shalt  }
0x51: {  	_ =	shalt  }
0x52: {  	_ =	shalt  }
0x53: {  	_ =	shalt  }
0x54: {  	_ =	shalt  }
0x55: {  	_ =	shalt  }
0x56: {  	_ =	shalt  }
0x57: {  	_ =	shalt  }
0x58: {  	_ =	shalt  }
0x59: {  	_ =	shalt  }
0x5a: {  	_ =	shalt  }
0x5b: {  	_ =	shalt  }
0x5c: {  	_ =	shalt  }
0x5d: {  	_ =	shalt  }
0x5e: {  	_ =	shalt  }
0x5f: {  	_ =	shalt  }
0x60: {  	_ =	shalt  }
0x61: {  	_ =	shalt  }
0x62: {  	_ =	shalt  }
0x63: {  	_ =	shalt  }
0x64: {  	_ =	shalt  }
0x65: {  	_ =	shalt  }
0x66: {  	_ =	shalt  }
0x67: {  	_ =	shalt  }
0x68: {  	_ =	shalt  }
0x69: {  	_ =	shalt  }
0x6a: {  	_ =	shalt  }
0x6b: {  	_ =	shalt  }
0x6c: {  	_ =	shalt  }
0x6d: {  	_ =	shalt  }
0x6e: {  	_ =	shalt  }
0x6f: {  	_ =	shalt  }
0x70: {  	_ =	shalt  }
0x71: {  	_ =	shalt  }
0x72: {  	_ =	shalt  }
0x73: {  	_ =	shalt  }
0x74: {  	_ =	shalt  }
0x75: {  	_ =	shalt  }
0x76: {  	_ =	shalt  }
0x77: {  	_ =	shalt  }
0x78: {  	_ =	shalt  }
0x79: {  	_ =	shalt  }
0x7a: {  	_ =	shalt  }
0x7b: {  	_ =	shalt  }
0x7c: {  	_ =	shalt  }
0x7d: {  	_ =	shalt  }
0x7e: {  	_ =	shalt  }
0x7f: {  	_ =	shalt  }
0x80: {  	_ =	shalt  }
0x81: {  	_ =	shalt  }
0x82: {  	_ =	shalt  }
0x83: {  	_ =	shalt  }
0x84: {  	_ =	shalt  }
0x85: {  	_ =	shalt  }
0x86: {  	_ =	shalt  }
0x87: {  	_ =	shalt  }
.Lfunc_end0:
.L_simem_size_0:
called_computation.2_lowered:
.L_overlay_start_0:
0x88: {  	s2 =	sld [smem:$0x3FD9]  }
0x89: {  	s3 =	sld [smem:$0x3FFE];
	_ =	sdelay $0x1  }
0x8a: {  	s1 =	srdreg.scid  }
0x8b: {  	s0 =	sand.u32 $0x1, s1  }
0x8c: {  	s17 =	sshll.u32 s0, $0xA;
	s2 =	sadd.s32 s3, s2  }
0x8d: {  	s2 =	sadd.s32 s2, s17  }
0x8e: {  	[smem:$0x3FB9] =	sst s2  }
0x8f: {  	_ = 	snop  }
0x90: {  	(tm) =	ssettm $0x1  }
0x91: {  	s18 =	sld [smem:$0x3FFB];
	_ =	sdelay $0x3  }
0x92: {  	_ =	strace s18  }
0x93: {  	s2 =	sld [smem:$0x3FFC];
	_ =	sdelay $0x3  }
0x94: {  	_ =	strace s2  }
0x95: {  	s2 =	sld [smem:$0x3FFD];
	_ =	sdelay $0x3  }
0x96: {  	_ =	strace s2  }
0x97: {  	_ =	strace $0x8FFFFFFF  }
0x98: {  	s19 =	sld [smem:$0x3FDB];
	_ =	sdelay $0x1  }
0x99: {  	s20 =	simm.s32 $_scs_section_size  }
0x9a: {  	s4 =	simm.s32 $_size__tile_overlayer_lowered;
	s5 =	simm.s32 $_tile_overlayer_lowered  }
0x9b: {  	s6 =	simm.s32 $0x1BFF;
	s21 =	sshll.u32 s5, $0x1;
	s3 =	sadd.s32 s20, s19  }
0x9c: {  	s22 =	simm.s32 $0x0;
	s4 =	sshll.u32 s4, $0x1;
	s5 =	sadd.s32 s21, s3  }
0x9d: {  	[timem:s22], [sflag:s6] =	dma.local [hbm:s5], s4  }
0x9e: {  	_ =	swait.ge [sflag:s6], s4  }
0x9f: {  	s4 =	ssub.s32 $0x0, s4;
	[sflag:s6] =	ssyncset.done $0x0  }
0xa0: {  	[sflag:s6] =	ssyncadd.s32 s4;
	_ =	sdelay $0x1  }
0xa1: {  	s23 =	simm.s32 $0x1B8B  }
0xa2: {  	_ =	swait.ge [sflag:s23], $0x1  }
0xa3: {  	[sflag:s23] =	ssyncset.done $0x0  }
0xa4: {  	[sflag:s23] =	ssyncadd.s32 $0xFFFFFFFF  }
0xa5: {  	s4 =	sld [smem:$0x0]  }
0xa6: {  	s5 =	sand.u32 $0xFFFFFFFE, s1  }
0xa7: {  	p0 =	sne.s32 s1, s5  }
0xa8: {  	s5 =	sshll.u32 @p0 s5, $0xE  }
0xa9: {  	s5 =	sadd.s32 @p0 $0x11B8D, s5;
	s6 =	sshll.u32 @p0 s4, $0x11  }
0xaa: {  	s5 =	sor.u32 @p0 s6, s5  }
0xab: {  	[sflag:s5] =	ssyncadd.remote.s32 @p0 $0x1;
	_ =	sdelay $0x1  }
0xac: {  	s5 =	simm.s32 @p0 $0x1B8D  }
0xad: {  	_ =	swait.eq @p0 [sflag:s5], $0x1  }
0xae: {  	[sflag:s5] =	ssyncadd.s32 @p0 $0xFFFFFFFF  }
0xaf: {  	s6 =	sshll.u32 @!p0 s1, $0xE  }
0xb0: {  	s6 =	sor.u32 @!p0 $0x4000, s6;
	s5 =	simm.s32 @!p0 $0x1B8D  }
0xb1: {  	s4 =	sshll.u32 @!p0 s4, $0x11;
	s6 =	sadd.s32 @!p0 $0x11B8D, s6;
	_ =	swait.eq @!p0 [sflag:s5], $0x1  }
0xb2: {  	s4 =	sor.u32 @!p0 s4, s6;
	[sflag:s5] =	ssyncadd.s32 @!p0 $0xFFFFFFFF  }
0xb3: {  	s25 =	simm.s32 $0x1B8E;
	s24 =	sld [smem:$0x3FFE];
	[sflag:s4] =	ssyncadd.remote.s32 @!p0 $0x1  }
0xb4: {  	s26 =	simm.s32 $execute0_lowered;
	[smem:$0x3FD2] =	sst s25  }
0xb5: {  	s5 =	sshll.u32 s26, $0x1;
	_ =	strace $0x8000005A;
	[dreg:$0x1] =	wrdreg $0xFFFFFFFF  }
0xb6: {  	s28 =	simm.s32 $_size_execute0_lowered;
	s3 =	sadd.s32 s3, s5;
	[dreg:$0x0] =	wrdreg $0x0  }
0xb7: {  	s5 =	sshll.u32 s28, $0x1;
	[dreg:$0x2] =	wrdreg s3  }
0xb8: {  	[dreg:$0x3] =	wrdreg s5  }
0xb9: {  	[dreg:$0x4] =	wrdreg $0xC0  }
0xba: {  	_ =	task [dreg:s22], $0x5FFFF  }
0xbb: {  	[dreg:$0x1] =	wrdreg $0xFFFFFFFF  }
0xbc: {  	[dreg:$0x0] =	wrdreg $0x60  }
0xbd: {  	[dreg:$0x2] =	wrdreg s24  }
0xbe: {  	[dreg:$0x3] =	wrdreg $0xB  }
0xbf: {  	_ =	task.clear_ibuf [dreg:s22], $0x4FFFF;
	_ =	strace $0x9000005A  }
0xc0: {  	s29 =	simm.s32 $0xB;
	_ =	strace $0x80000063  }
0xc1: {  	_ =	swait.ge [sflag:s29], $0x1  }
0xc2: {  	[sflag:s29] =	ssyncadd.s32 $0xFFFFFFFF  }
0xc3: {  	_ =	strace $0x90000063  }
0xc4: {  	_ =	sfence  }
0xc5: {  	s30 =	sld [smem:$0x0];
	_ =	sdelay $0x2  }
0xc6: {  	s31 =	sshll.u32 s1, $0xD;
	s1 =	sshrl.u32 s1, $0x2  }
0xc7: {  	s4 =	sand.u32 $0x4000, s31;
	s1 =	sadd.s32 s1, s30  }
0xc8: {  	s0 =	sor.u32 s4, s0;
	s1 =	sshll.u32 s1, $0x11  }
0xc9: {  	s0 =	sor.u32 s1, s0  }
0xca: {  	s0 =	sadd.s32 $0x8F2B, s0  }
0xcb: {  	[sflag:s0] =	ssyncadd.remote.s32 $0x1  }
0xcc: {  	_ =	sfence.sel $0xFFFF  }
0xcd: {  	[dreg:$0x0] =	wrdreg $0xFFFFFFFF;
	(pc) =	sbr.abs _section_cstart, $3  }
0xce: {  	[dreg:$0x1] =	wrdreg $0xFFFFFFFF  }
0xcf: {  	_ =	task.clear_ibuf [dreg:s22], $0x2FFFF;
	_ =	strace $0x9FFFFFFF  }
0xd0: {  	(tm) =	ssettm $0x7FFFFFFF  }
0xd1: {  	_ =	shalt  }
tec
execute0_lowered:
.L_overlay_start_1:
0x0: {  	(tag) =	ssettag $0x1  }
0x1: {  	s1 =	srdreg.scid  }
0x2: {  	s3 =	sand.u32 $0x1, s1  }
0x3: {  	p0 =	seq.s32 s3, $0x1  }
.Ltmp0:
0x4: {  	_ = 	snop;
	(pc) =	sbr.rel @p0 .LBB2_4-.Ltmp0, $4  }
0x5: {  	_ = 	snop  }
0x6: {  	s5 =	rddreg [dreg:$0x0];
	s2 =	simm.s32 $0x0  }
0x7: {  	[smem:$0x7FF] =	sst s2  }
0x8: {  	s0 =	rddreg [dreg:$0x1];
	s1 =	stileid.u32;
	_ =	strace $0x8000005B  }
0x9: {  	s4 =	sshll.u32 s3, $0x4;
	s6 =	sadd.s32 $0xC000, s5  }
0xa: {  	s9 =	sadd.s32 $0x11E000, s5;
	s22 =	sadd.s32 $0x11F000, s5;
	p0 =	por $0x0, $0x0  }
0xb: {  	p1 =	seq.s32 s3, $0x0;
	s10 =	simm.s32 $0xF;
	s4 =	sor.u32 s1, s4  }
0xc: {  	s0 =	simm.s32 $0x1;
	s25 =	simm.s32 $0x80;
	s4 =	smin.u32 s4, $0x10  }
0xd: {  	s8 =	simm.s32 $0x5;
	s18 =	sand.u32 $0x1, s2;
	s21 =	sshll.u32 s4, $0x4  }
0xe: {  	[dreg:$0x2] =	wrdreg s6;
	s7 =	sshll.u32 s4, $0x8;
	s6 =	sand.u32 $0x70, s21  }
0xf: {  	[dreg:$0x4] =	wrdreg s22;
	s24 =	sand.u32 $0x800, s7;
	s23 =	sadd.s32 s9, s6  }
0x10: {  	s16 =	simm.s32 $0x1;
	_ =	strace $0x8000005C;
	s5 =	sadd.s32 s24, s23  }
0x11: {  	[tilespmem:s2], [sflag:$0x1] =	stream.linear.gather [hbm4b:s5+s2], $0x80, $0x200038;
	[tilespmem:$0x8100] =	vst v63  }
0x12: {  	p3 =	por $0x1, $0x1;
	s28 =	simm.s32 $0x0;
	s5 =	simm.s32 $0x1  }
0x13: {  	s10 =	simm.s32 @!p1 $0xFFFFFFFF;
	s26 =	sadd.s32 $0x1, s18;
	s5 =	simm.s32 @!p0 $0x0  }
0x14: {  	s29 =	sshll.u32 s18, $0xE;
	s30 =	sand.u32 $0x80, s28;
	s7 =	sadd.s32 $0x0, s5  }
0x15: {  	p5 =	sgt.s32 s10, $0x0;
	s6 =	simm.s32 $0x1;
	p1 =	seq.s32 s7, $0x1  }
0x16: {  	s11 =	sadd.s32 $0x0, s4;
	s6 =	simm.s32 @p0 $0x0;
	s7 =	simm.s32 @p1 $0x0  }
0x17: {  	s11 =	sshll.u32 s11, $0x4;
	p0 =	sne.s32 s6, $0x0;
	p1 =	sne.s32 s7, $0x0  }
0x18: {  	s22 =	sor.u32 $0x100, s29;
	s20 =	sadd.s32 $0x0, s11;
	p2 =	por p0, p1  }
0x19: {  	_ =	strace $0x9000005C;
	[dreg:$0x3] =	wrdreg s25;
	p0 =	por !p5, !p2  }
0x1a: {  	s5 =	simm.s32 $0x1;
	s12 =	sadd.s32 s4, s7;
	p1 =	por !p0, !p0  }
0x1b: {  	p5 =	por $0x0, $0x0;
	p0 =	seq.s32 s10, $0x0;
	s13 =	sshll.u32 @p1 s12, $0xB  }
0x1c: {  	p2 =	por p0, p2;
	s14 =	sshll.u32 @p1 s12, $0x7;
	s15 =	sand.u32 @p1 $0x1, s0  }
0x1d: {  	s17 =	sshll.u32 @p1 s6, $0xA;
	s16 =	simm.s32 @!p1 $0x0;
	_ =	strace @p1 $0x8000005D  }
0x1e: {  	s13 =	sand.u32 @p1 $0xFFFFC000, s13;
	s14 =	sand.u32 @p1 $0x380, s14;
	s19 =	sshll.u32 @p1 s15, $0x7  }
0x1f: {  	s15 =	sadd.s32 @p1 $0x1, s15;
	s17 =	sadd.s32 @p1 s17, s13;
	s13 =	sshll.u32 s12, $0x4  }
0x20: {  	s12 =	sadd.s32 $0x1, s16;
	s14 =	sor.u32 @p1 s14, s17;
	s17 =	simm.s32 $0x1  }
0x21: {  	s16 =	simm.s32 $0x2;
	s21 =	sadd.s32 s6, s13;
	s17 =	simm.s32 @!p2 $0x0  }
0x22: {  	s14 =	sshrl.u32 @p1 s14, $0x3;
	p6 =	sne.s32 s20, s21;
	s21 =	simm.s32 $0x1  }
0x23: {  	s11 =	sadd.s32 $0x0, s17;
	s14 =	sadd.s32 @p1 s9, s14;
	s17 =	simm.s32 @p1 $0x0  }
0x24: {  	[tilespmem:s19], [sflag:s15] =	stream.linear.gather @p1 [hbm4b:s14+s17], $0x80, $0x200038;
	[tilespmem:$0x8100] =	vst v63  }
0x25: {  	p0 =	por p0, p6;
	s15 =	simm.s32 $0x1;
	_ =	strace @p1 $0x9000005D  }
0x26: {  	s14 =	sand.u32 $0x1, s11;
	s15 =	simm.s32 @!p3 $0x0;
	_ =	strace $0x8000005E  }
0x27: {  	s19 =	simm.s32 $0xFFFFFFFF;
	s15 =	ssub.s32 $0x0, s15;
	_ =	swait.ge [sflag:s26], $0x80  }
0x28: {  	s17 =	simm.s32 $0x1;
	p4 =	seq.s32 s15, $0xFFFFFFFF;
	[sflag:s26] =	ssyncset.done $0x0  }
0x29: {  	s19 =	simm.s32 @p3 $0xF;
	s15 =	simm.s32 @p4 $0x0;
	[sflag:s26] =	ssyncadd.s32 $0xFFFFFF80  }
0x2a: {  	s17 =	simm.s32 @!p0 $0x0;
	s15 =	sadd.s32 s4, s15;
	_ =	strace $0x9000005E  }
0x2b: {  	s17 =	sadd.s32 $0x0, s17;
	s15 =	sshll.u32 s15, $0x4;
	_ =	strace $0x8000005F  }
0x2c: {  	s19 =	sadd.s32 s19, s15;
	s15 =	sadd.s32 $0x1, s6;
	s23 =	rddreg [dreg:$0x2]  }
0x2d: {  	p6 =	sne.s32 s20, s19;
	p3 =	seq.s32 s15, $0x10;
	s19 =	simm.s32 $0x1  }
0x2e: {  	s31 =	rddreg [dreg:$0x3];
	p1 =	por !p5, !p6;
	s19 =	simm.s32 @!p3 $0x0  }
0x2f: {  	[tilespmem:s22], [sflag:$0x5] =	stream.indirect.gather [hbm4b:s23+s31], $0x80, s30, s31, $0x2000b8;
	[tilespmem:$0x8100] =	vst v63  }
0x30: {  	s15 =	simm.s32 @p3 $0x0;
	s23 =	simm.s32 @p0 $0x0;
	s19 =	sadd.s32 s19, s7  }
0x31: {  	p4 =	sne.s32 s6, s15;
	p1 =	por !p1, !p1;
	p2 =	seq.s32 s19, $0x1  }
0x32: {  	_ =	swait.ge [sflag:s8], $0x4000;
	s21 =	simm.s32 @!p1 $0x0;
	s19 =	simm.s32 @p2 $0x0  }
.LBB2_2:
0x33: {  	s26 =	smov.u32 s13;
	p3 =	sne.s32 s7, s19  }
0x34: {  	p2 =	seq.s32 s10, s5;
	s13 =	sshll.u32 @p0 s20, $0xB;
	s25 =	smov.u32 s5  }
0x35: {  	s5 =	smov.u32 s16;
	s24 =	smov.u32 s11;
	[sflag:s8] =	ssyncset.done $0x0  }
0x36: {  	s3 =	simm.s32 $0x1;
	s18 =	sadd.s32 @p0 $0x3, s18;
	s16 =	sadd.s32 $0x1, s16  }
0x37: {  	p3 =	por p4, p3;
	p6 =	slt.s32 s25, s10;
	s28 =	sand.u32 @p0 $0x1FFFF800, s13  }
0x38: {  	s13 =	sadd.s32 s4, s19;
	[sflag:s8] =	ssyncadd.s32 $0xFFFFC000;
	p4 =	por !p6, !p3  }
0x39: {  	p3 =	por p2, p3;
	_ =	strace $0x9000005F;
	p4 =	por !p4, !p4  }
0x3a: {  	_ =	strace @p0 $0x80000060;
	s3 =	simm.s32 @!p3 $0x0;
	p3 =	sne.s32 s16, $0x10  }
0x3b: {  	s20 =	sshll.u32 @p4 s13, $0xB;
	s29 =	sshll.u32 @p4 s13, $0x7;
	s30 =	sand.u32 @p4 $0x1, s12  }
0x3c: {  	s31 =	sshll.u32 @p4 s15, $0xA;
	s13 =	sshll.u32 s13, $0x4;
	s1 =	rddreg [dreg:$0x4]  }
0x3d: {  	s11 =	sadd.s32 s3, s11;
	s3 =	sand.u32 @p1 $0x1, s2;
	s2 =	sadd.s32 s21, s2  }
0x3e: {  	s21 =	simm.s32 @p4 $0x0;
	s20 =	sand.u32 @p4 $0xFFFFC000, s20;
	s29 =	sand.u32 @p4 $0x380, s29  }
0x3f: {  	s0 =	sshll.u32 @p4 s30, $0x7;
	s1 =	sadd.s32 @p0 s1, s28;
	s3 =	sadd.s32 @p1 $0x3, s3  }
0x40: {  	[hbm4b:s1+s23] =	stream.linear.scatter @p0 [tilespmem:s22], [sflag:s18], $0x4000, $0x200038;
	[tilespmem:$0x8100] =	vst v63  }
0x41: {  	s20 =	sadd.s32 @p4 s31, s20;
	s31 =	simm.s32 $0x1;
	s1 =	sadd.s32 @p4 $0x1, s30  }
0x42: {  	s22 =	smov.u32 s6;
	s23 =	smov.u32 s7;
	s7 =	smov.u32 s19  }
0x43: {  	s31 =	simm.s32 @!p4 $0x0;
	s29 =	sor.u32 @p4 s29, s20;
	_ =	strace @p0 $0x90000060  }
0x44: {  	s20 =	sadd.s32 s6, s26;
	s26 =	smov.u32 s14;
	_ =	strace @p1 $0x80000061  }
0x45: {  	s14 =	sand.u32 $0x1, s11;
	s6 =	smov.u32 s15;
	_ =	swait.ge @p1 [sflag:s3], $0x4000  }
0x46: {  	p6 =	seq.s32 s22, $0x0;
	s12 =	sadd.s32 s31, s12;
	[sflag:s3] =	ssyncset.done @p1 $0x0  }
0x47: {  	s31 =	sadd.s32 s15, s13;
	s18 =	sshrl.u32 @p4 s29, $0x3;
	[sflag:s3] =	ssyncadd.s32 @p1 $0xFFFFC000  }
0x48: {  	s15 =	sadd.s32 $0x1, s15;
	p5 =	sne.s32 s20, s31;
	_ =	strace @p1 $0x90000061  }
0x49: {  	s18 =	sadd.s32 @p4 s9, s18;
	s3 =	sadd.s32 $0xFFFFFFFF, s22;
	_ =	strace @p4 $0x8000005D  }
0x4a: {  	[tilespmem:s0], [sflag:s1] =	stream.linear.gather @p4 [hbm4b:s18+s21], $0x80, $0x200038;
	[tilespmem:$0x8100] =	vst v63  }
0x4b: {  	s3 =	simm.s32 @p6 $0xF;
	s0 =	simm.s32 $0x1;
	s18 =	sand.u32 $0x1, s17  }
0x4c: {  	s21 =	simm.s32 $0x1;
	_ =	strace @p4 $0x9000005D;
	p4 =	sne.s32 s25, $0x0  }
0x4d: {  	s0 =	simm.s32 @!p6 $0x0;
	s25 =	sadd.s32 $0x1, s26;
	s26 =	sshll.u32 s24, $0x7  }
0x4e: {  	s28 =	sshll.u32 s18, $0xE;
	_ =	strace $0x8000005E;
	s0 =	ssub.s32 s23, s0  }
0x4f: {  	s22 =	sor.u32 $0x100, s28;
	_ =	swait.ge [sflag:s25], $0x80;
	p0 =	seq.s32 s0, $0xFFFFFFFF  }
0x50: {  	s30 =	sand.u32 $0x80, s26;
	[sflag:s25] =	ssyncset.done $0x0;
	s0 =	simm.s32 @p0 $0x0  }
0x51: {  	p0 =	por p2, p5;
	p2 =	seq.s32 s15, $0x10;
	[sflag:s25] =	ssyncadd.s32 $0xFFFFFF80  }
0x52: {  	s0 =	sadd.s32 s4, s0;
	s23 =	simm.s32 @p0 $0x0;
	_ =	strace $0x9000005E  }
0x53: {  	s15 =	simm.s32 @p2 $0x0;
	s0 =	sshll.u32 s0, $0x4;
	_ =	strace $0x8000005F  }
0x54: {  	s0 =	sadd.s32 s3, s0;
	s3 =	simm.s32 $0x1;
	s29 =	rddreg [dreg:$0x2]  }
0x55: {  	p6 =	sne.s32 s20, s0;
	s31 =	rddreg [dreg:$0x3];
	s3 =	simm.s32 @!p2 $0x0  }
.Ltmp1:
0x56: {  	s0 =	simm.s32 $0x1;
	p1 =	por !p4, !p6;
	(pc) =	sbr.rel @p3 .LBB2_2-.Ltmp1, $4  }
0x57: {  	[tilespmem:s22], [sflag:$0x5] =	stream.indirect.gather [hbm4b:s29+s31], $0x80, s30, s31, $0x2000b8;
	[tilespmem:$0x8100] =	vst v63  }
0x58: {  	s19 =	sadd.s32 s3, s19;
	p4 =	sne.s32 s6, s15;
	s0 =	simm.s32 @!p0 $0x0  }
0x59: {  	_ =	swait.ge [sflag:s8], $0x4000;
	p2 =	seq.s32 s19, $0x1;
	p1 =	por !p1, !p1  }
0x5a: {  	s17 =	sadd.s32 s0, s17;
	s19 =	simm.s32 @p2 $0x0;
	s21 =	simm.s32 @!p1 $0x0  }
0x5b: {  	[sflag:s8] =	ssyncset.done $0x0;
	p2 =	sne.s32 s7, s19  }
0x5c: {  	p3 =	slt.s32 s5, s10;
	s1 =	sshll.u32 @p0 s20, $0xB;
	[sflag:s8] =	ssyncadd.s32 $0xFFFFC000  }
0x5d: {  	s3 =	sadd.s32 s4, s19;
	p2 =	por p4, p2;
	_ =	strace $0x9000005F  }
0x5e: {  	s18 =	sadd.s32 @p0 $0x3, s18;
	p2 =	por !p3, !p2;
	_ =	strace @p0 $0x80000060  }
0x5f: {  	s1 =	sand.u32 @p0 $0x1FFFF800, s1;
	p2 =	por !p2, !p2;
	s0 =	rddreg [dreg:$0x4]  }
0x60: {  	s16 =	sshll.u32 @p2 s3, $0xB;
	s0 =	sadd.s32 @p0 s0, s1;
	s1 =	sand.u32 @p1 $0x1, s2  }
0x61: {  	[hbm4b:s0+s23] =	stream.linear.scatter @p0 [tilespmem:s22], [sflag:s18], $0x4000, $0x200038;
	[tilespmem:$0x8100] =	vst v63  }
0x62: {  	s16 =	sand.u32 @p2 $0xFFFFC000, s16;
	s0 =	sshll.u32 @p2 s3, $0x7;
	_ =	strace @p0 $0x90000060  }
0x63: {  	s1 =	sadd.s32 @p1 $0x3, s1;
	s18 =	sshll.u32 @p2 s15, $0xA;
	_ =	strace @p1 $0x80000061  }
0x64: {  	s0 =	sand.u32 @p2 $0x380, s0;
	s16 =	sadd.s32 @p2 s18, s16;
	_ =	swait.ge @p1 [sflag:s1], $0x4000  }
0x65: {  	s0 =	sor.u32 @p2 s0, s16;
	[sflag:s1] =	ssyncset.done @p1 $0x0  }
0x66: {  	s12 =	sand.u32 @p2 $0x1, s12;
	s0 =	sshrl.u32 @p2 s0, $0x3;
	[sflag:s1] =	ssyncadd.s32 @p1 $0xFFFFC000  }
0x67: {  	s18 =	sshll.u32 @p2 s12, $0x7;
	s0 =	sadd.s32 @p2 s9, s0;
	_ =	strace @p1 $0x90000061  }
0x68: {  	s9 =	simm.s32 @p2 $0x0;
	s1 =	sadd.s32 @p2 $0x1, s12;
	_ =	strace @p2 $0x8000005D  }
0x69: {  	[tilespmem:s18], [sflag:s1] =	stream.linear.gather @p2 [hbm4b:s0+s9], $0x80, $0x200038;
	[tilespmem:$0x8100] =	vst v63  }
0x6a: {  	s24 =	sadd.s32 $0x1, s14;
	s11 =	sshll.u32 s11, $0x7;
	_ =	strace @p2 $0x9000005D  }
0x6b: {  	p5 =	sne.s32 s5, $0x0;
	s25 =	sshll.u32 s3, $0x4;
	_ =	strace $0x8000005E  }
0x6c: {  	s11 =	sand.u32 $0x80, s11;
	s3 =	sand.u32 $0x1, s17;
	_ =	swait.ge [sflag:s24], $0x80  }
0x6d: {  	s2 =	sadd.s32 s21, s2;
	s29 =	sshll.u32 s3, $0xE;
	[sflag:s24] =	ssyncset.done $0x0  }
0x6e: {  	s12 =	sor.u32 $0x100, s29;
	p1 =	seq.s32 s6, $0x0;
	[sflag:s24] =	ssyncadd.s32 $0xFFFFFF80  }
0x6f: {  	p2 =	seq.s32 s10, s5;
	s10 =	simm.s32 $0x1;
	_ =	strace $0x9000005E  }
0x70: {  	s0 =	sadd.s32 s15, s25;
	s10 =	simm.s32 @!p1 $0x0;
	_ =	strace $0x8000005F  }
0x71: {  	s1 =	sadd.s32 s6, s13;
	s7 =	ssub.s32 s7, s10;
	s26 =	rddreg [dreg:$0x2]  }
0x72: {  	p4 =	sne.s32 s1, s0;
	p3 =	seq.s32 s7, $0xFFFFFFFF;
	s28 =	rddreg [dreg:$0x3]  }
0x73: {  	[tilespmem:s12], [sflag:$0x5] =	stream.indirect.gather [hbm4b:s26+s28], $0x80, s11, s28, $0x2000b8;
	[tilespmem:$0x8100] =	vst v63  }
0x74: {  	s0 =	sadd.s32 $0xFFFFFFFF, s6;
	s7 =	simm.s32 @p3 $0x0;
	_ =	swait.ge [sflag:s8], $0x4000  }
0x75: {  	p0 =	por p2, p4;
	s30 =	sadd.s32 s4, s7;
	[sflag:s8] =	ssyncset.done $0x0  }
0x76: {  	s0 =	simm.s32 @p1 $0xF;
	s4 =	sshll.u32 s30, $0x4;
	[sflag:s8] =	ssyncadd.s32 $0xFFFFC000  }
0x77: {  	s3 =	sadd.s32 @p0 $0x3, s3;
	s0 =	sadd.s32 s0, s4;
	_ =	strace $0x9000005F  }
0x78: {  	p6 =	sne.s32 s1, s0;
	s0 =	sshll.u32 @p0 s1, $0xB;
	_ =	strace @p0 $0x80000060  }
0x79: {  	p1 =	por !p5, !p6;
	s0 =	sand.u32 @p0 $0x1FFFF800, s0;
	s4 =	rddreg [dreg:$0x4]  }
0x7a: {  	s1 =	simm.s32 @p0 $0x0;
	p1 =	por !p1, !p1;
	s0 =	sadd.s32 @p0 s4, s0  }
0x7b: {  	[hbm4b:s0+s1] =	stream.linear.scatter @p0 [tilespmem:s12], [sflag:s3], $0x4000, $0x200038;
	[tilespmem:$0x8100] =	vst v63  }
0x7c: {  	s0 =	sand.u32 @p1 $0x1, s2;
	_ =	strace @p0 $0x90000060  }
0x7d: {  	s0 =	sadd.s32 @p1 $0x3, s0;
	_ =	strace @p1 $0x80000061  }
0x7e: {  	s1 =	simm.s32 $0x1;
	_ =	swait.ge @p1 [sflag:s0], $0x4000  }
0x7f: {  	s1 =	simm.s32 @!p1 $0x0;
	[sflag:s0] =	ssyncset.done @p1 $0x0  }
0x80: {  	s1 =	sadd.s32 s1, s2;
	[sflag:s0] =	ssyncadd.s32 @p1 $0xFFFFC000  }
0x81: {  	s31 =	sand.u32 $0x1, s1;
	_ =	strace @p1 $0x90000061  }
0x82: {  	s0 =	sadd.s32 $0x3, s31;
	_ =	strace $0x80000062  }
0x83: {  	_ =	swait.ge [sflag:s0], $0x4000  }
0x84: {  	[sflag:s0] =	ssyncset.done $0x0  }
0x85: {  	[sflag:s0] =	ssyncadd.s32 $0xFFFFC000  }
0x86: {  	_ =	strace $0x90000062  }
0x87: {  	s1 =	stileid.u32;
	s0 =	rddreg [dreg:$0x1]  }
.LBB2_4:
0x88: {  	_ =	sfence.sel $0x180000  }
0x89: {  	[bflag:$0x0] =	sbarrier.arrive $0xFFFF  }
0x8a: {  	p0 =	sne.s32 s1, $0x0;
	_ =	strace $0x9000005B  }
0x8b: {  	s0 =	sadd.s32 @!p0 $0x100000, s0;
	[bflag:$0x2] =	sbarrier.arrive $0xFFFF  }
0x8c: {  	[sflag:s0] =	ssyncadd.tile.s32 @!p0 $0x1;
	_ =	shalt  }
.Lfunc_end2:
_tile_overlayer_lowered:
.L_overlay_start_2:
0x8d: {  	(tag) =	ssettag $0x2  }
0x8e: {  	s0 =	rddreg [dreg:$0x0];
	s2 =	stileid.u32  }
0x8f: {  	s1 =	rddreg [dreg:$0x1];
	p0 =	sne.s32 s2, $0x0  }
0x90: {  	s3 =	rddreg [dreg:$0x2];
	[bflag:$0x3] =	sbarrier.arrive $0xFFFF;
	s2 =	simm.s32 @!p0 $0x1C01  }
0x91: {  	[timem:s3], [sflag:s2] =	dma.local @!p0 [hbm:s0], s1  }
0x92: {  	s0 =	simm.s32 @!p0 $0x1  }
0x93: {  	_ =	swait.ge @!p0 [sflag:s0], s1  }
0x94: {  	s1 =	ssub.s32 @!p0 $0x0, s1;
	[sflag:s0] =	ssyncset.done @!p0 $0x0  }
0x95: {  	[sflag:s0] =	ssyncadd.s32 @!p0 s1  }
0x96: {  	[bflag:$0x3] =	sbarrier.arrive $0xFFFF  }
0x97: {  	_ =	shalt  }

// kernel: kernel.24.cloned.1.call-start
scs
__scs_entry_jumppad:
0x0: {  	(pc) =	sbr.rel $0x88, $3  }
0x1: {  	(tag) =	ssettag $0x0;
	lr =	simm.s32 $0x1  }
0x2: {  	[smem:$0x3F92] =	sst lr;
	_ =	strace $0xD0000000  }
0x3: {  	_ = 	snop  }
0x4: {  	_ = 	snop  }
0x5: {  	_ = 	snop  }
0x6: {  	_ = 	snop  }
0x7: {  	_ = 	snop  }
__scs_overlays_trampoline_lowered:
0x8: {  	[smem:$0x3FA1] =	sst s0  }
0x9: {  	[smem:$0x3FA2] =	sst s1  }
0xa: {  	[smem:$0x3FA3] =	sst s2  }
0xb: {  	[smem:$0x3FA4] =	sst s3  }
0xc: {  	[smem:$0x3FA5] =	sst s4  }
0xd: {  	[smem:$0x3FA6] =	sst s5  }
0xe: {  	[smem:$0x3FA7] =	sst s6  }
0xf: {  	[smem:$0x3FA8] =	sst s7  }
0x10: {  	[smem:$0x3FA9] =	sst s8  }
0x11: {  	[smem:$0x3FAA] =	sst s9;
	s0 =	simm.s32 @!p0 $0x0  }
0x12: {  	s1 =	sld [smem:$0x3F90];
	s0 =	simm.s32 @p0 $0x1  }
0x13: {  	[smem:$0x3FAB] =	sst s0;
	s0 =	simm.s32 @!p1 $0x0  }
0x14: {  	s2 =	sld [smem:$0x3F8F];
	s0 =	simm.s32 @p1 $0x1  }
0x15: {  	[smem:$0x3FAC] =	sst s0;
	s0 =	simm.s32 @!p2 $0x0  }
0x16: {  	s3 =	sld [smem:$0x3FDB];
	s0 =	simm.s32 @p2 $0x1  }
0x17: {  	s4 =	simm.s32 $0x1BF5;
	[smem:$0x3FAE] =	sst s0  }
0x18: {  	s0 =	sld [smem:$0x3F91];
	_ =	swait.ge [sflag:s4], $0x0  }
0x19: {  	s7 =	sld [smem:$0x3F92]  }
0x1a: {  	s8 =	sadd.s32 $0xFFFFE003, lr  }
0x1b: {  	s9 =	sadd.s32 $0xFFFFFEF7, lr;
	s5 =	simm.s32 $0xFFFFFFFF;
	p2 =	slt.u32 s8, $0xFFFFF086  }
0x1c: {  	p1 =	slt.u32 s9, $0xF7A;
	s5 =	simm.s32 @!p2 $0x0  }
0x1d: {  	s5 =	simm.s32 @p1 $0x1;
	p0 =	seq.s32 s7, s2  }
0x1e: {  	s7 =	smul.u32 @!p0 $0xF7A, s2;
	p2 =	seq.s32 @!p0 s5, $0x0  }
0x1f: {  	s9 =	smul.u32 $0xF7A, s1;
	s8 =	simm.s32 @!p0 $0x1BF5;
	p2 =	por !p2, p0  }
0x20: {  	[sflag:s8] =	ssyncset.s32 @!p0 $0xFFFFF086;
	s6 =	sadd.s32 @!p0 s3, s7;
	s7 =	simm.s32 @!p0 $0x108  }
0x21: {  	s3 =	sadd.s32 s3, s9;
	s6 =	sadd.s32 @!p0 $0x88, s6;
	s7 =	simm.s32 @p2 $0x1082  }
0x22: {  	[simem:s7], [sflag:s8] =	dma.local @!p0 [hbm:s6], $0xF7A  }
0x23: {  	s9 =	sor.u32 $0xD0000000, s2;
	s6 =	simm.s32 $0x108;
	_ =	swait.ge @!p0 [sflag:s8], $0x0  }
0x24: {  	s3 =	sadd.s32 $0x88, s3;
	s6 =	simm.s32 @!p1 $0x1082;
	[sflag:s4] =	ssyncset.s32 $0xFFFFF086  }
0x25: {  	[simem:s6], [sflag:s4] =	dma.local [hbm:s3], $0xF7A  }
0x26: {  	[smem:$0x3F92] =	sst s1;
	(tag) =	ssettag s2;
	_ =	strace s9  }
0x27: {  	s1 =	sld [smem:$0x3FA2]  }
0x28: {  	s2 =	sld [smem:$0x3FA3]  }
0x29: {  	s4 =	sld [smem:$0x3FA5]  }
0x2a: {  	p0 =	seq.s32 s5, $0x0;
	s5 =	sld [smem:$0x3FA6]  }
0x2b: {  	s6 =	sld [smem:$0x3FA7]  }
0x2c: {  	s7 =	sld [smem:$0x3FA8]  }
0x2d: {  	s3 =	simm.s32 $0x108;
	s8 =	sld [smem:$0x3FA9]  }
0x2e: {  	s3 =	simm.s32 @!p0 $0x1082;
	s9 =	sld [smem:$0x3FAA]  }
0x2f: {  	lr =	sadd.s32 s0, s3;
	s0 =	sld [smem:$0x3FA1]  }
0x30: {  	s3 =	sld [smem:$0x3FA4]  }
0x31: {  	[smem:$0x3FAD] =	sst s10  }
0x32: {  	s10 =	sld [smem:$0x3FAB];
	_ =	sdelay $0x3  }
0x33: {  	p0 =	seq.s32 s10, $0x1;
	s10 =	sld [smem:$0x3FAD];
	_ =	sdelay $0x3  }
0x34: {  	[smem:$0x3FAD] =	sst s10  }
0x35: {  	s10 =	sld [smem:$0x3FAC];
	_ =	sdelay $0x3  }
0x36: {  	p1 =	seq.s32 s10, $0x1;
	s10 =	sld [smem:$0x3FAD];
	_ =	sdelay $0x3  }
0x37: {  	[smem:$0x3FAD] =	sst s10  }
0x38: {  	s10 =	sld [smem:$0x3FAE]  }
0x39: {  	_ = 	snop;
	(pc) =	sbr.ind lr, $3  }
0x3a: {  	_ = 	snop  }
0x3b: {  	_ = 	snop  }
0x3c: {  	p2 =	seq.s32 s10, $0x1;
	s10 =	sld [smem:$0x3FAD]  }
0x3d: {  	_ =	shalt  }
0x3e: {  	_ =	shalt  }
0x3f: {  	_ =	shalt  }
0x40: {  	_ =	shalt  }
0x41: {  	_ =	shalt  }
0x42: {  	_ =	shalt  }
0x43: {  	_ =	shalt  }
0x44: {  	_ =	shalt  }
0x45: {  	_ =	shalt  }
0x46: {  	_ =	shalt  }
0x47: {  	_ =	shalt  }
0x48: {  	_ =	shalt  }
0x49: {  	_ =	shalt  }
0x4a: {  	_ =	shalt  }
0x4b: {  	_ =	shalt  }
0x4c: {  	_ =	shalt  }
0x4d: {  	_ =	shalt  }
0x4e: {  	_ =	shalt  }
0x4f: {  	_ =	shalt  }
0x50: {  	_ =	shalt  }
0x51: {  	_ =	shalt  }
0x52: {  	_ =	shalt  }
0x53: {  	_ =	shalt  }
0x54: {  	_ =	shalt  }
0x55: {  	_ =	shalt  }
0x56: {  	_ =	shalt  }
0x57: {  	_ =	shalt  }
0x58: {  	_ =	shalt  }
0x59: {  	_ =	shalt  }
0x5a: {  	_ =	shalt  }
0x5b: {  	_ =	shalt  }
0x5c: {  	_ =	shalt  }
0x5d: {  	_ =	shalt  }
0x5e: {  	_ =	shalt  }
0x5f: {  	_ =	shalt  }
0x60: {  	_ =	shalt  }
0x61: {  	_ =	shalt  }
0x62: {  	_ =	shalt  }
0x63: {  	_ =	shalt  }
0x64: {  	_ =	shalt  }
0x65: {  	_ =	shalt  }
0x66: {  	_ =	shalt  }
0x67: {  	_ =	shalt  }
0x68: {  	_ =	shalt  }
0x69: {  	_ =	shalt  }
0x6a: {  	_ =	shalt  }
0x6b: {  	_ =	shalt  }
0x6c: {  	_ =	shalt  }
0x6d: {  	_ =	shalt  }
0x6e: {  	_ =	shalt  }
0x6f: {  	_ =	shalt  }
0x70: {  	_ =	shalt  }
0x71: {  	_ =	shalt  }
0x72: {  	_ =	shalt  }
0x73: {  	_ =	shalt  }
0x74: {  	_ =	shalt  }
0x75: {  	_ =	shalt  }
0x76: {  	_ =	shalt  }
0x77: {  	_ =	shalt  }
0x78: {  	_ =	shalt  }
0x79: {  	_ =	shalt  }
0x7a: {  	_ =	shalt  }
0x7b: {  	_ =	shalt  }
0x7c: {  	_ =	shalt  }
0x7d: {  	_ =	shalt  }
0x7e: {  	_ =	shalt  }
0x7f: {  	_ =	shalt  }
0x80: {  	_ =	shalt  }
0x81: {  	_ =	shalt  }
0x82: {  	_ =	shalt  }
0x83: {  	_ =	shalt  }
0x84: {  	_ =	shalt  }
0x85: {  	_ =	shalt  }
0x86: {  	_ =	shalt  }
0x87: {  	_ =	shalt  }
.Lfunc_end0:
.L_simem_size_0:
called_computation.3_lowered:
.L_overlay_start_0:
0x88: {  	s2 =	sld [smem:$0x3FD9]  }
0x89: {  	s3 =	sld [smem:$0x3FFE];
	_ =	sdelay $0x1  }
0x8a: {  	s1 =	srdreg.scid  }
0x8b: {  	s0 =	sand.u32 $0x1, s1  }
0x8c: {  	s17 =	sshll.u32 s0, $0xA;
	s2 =	sadd.s32 s3, s2  }
0x8d: {  	s2 =	sadd.s32 s2, s17  }
0x8e: {  	[smem:$0x3FB9] =	sst s2  }
0x8f: {  	_ = 	snop  }
0x90: {  	(tm) =	ssettm $0x1  }
0x91: {  	s18 =	sld [smem:$0x3FFB];
	_ =	sdelay $0x3  }
0x92: {  	_ =	strace s18  }
0x93: {  	s2 =	sld [smem:$0x3FFC];
	_ =	sdelay $0x3  }
0x94: {  	_ =	strace s2  }
0x95: {  	s2 =	sld [smem:$0x3FFD];
	_ =	sdelay $0x3  }
0x96: {  	_ =	strace s2  }
0x97: {  	_ =	strace $0x8FFFFFFF  }
0x98: {  	s19 =	sld [smem:$0x3FDB];
	_ =	sdelay $0x1  }
0x99: {  	s20 =	simm.s32 $_scs_section_size  }
0x9a: {  	s4 =	simm.s32 $_size__tile_overlayer_lowered;
	s5 =	simm.s32 $_tile_overlayer_lowered  }
0x9b: {  	s6 =	simm.s32 $0x1BFF;
	s21 =	sshll.u32 s5, $0x1;
	s3 =	sadd.s32 s20, s19  }
0x9c: {  	s22 =	simm.s32 $0x0;
	s4 =	sshll.u32 s4, $0x1;
	s5 =	sadd.s32 s21, s3  }
0x9d: {  	[timem:s22], [sflag:s6] =	dma.local [hbm:s5], s4  }
0x9e: {  	_ =	swait.ge [sflag:s6], s4  }
0x9f: {  	s4 =	ssub.s32 $0x0, s4;
	[sflag:s6] =	ssyncset.done $0x0  }
0xa0: {  	[sflag:s6] =	ssyncadd.s32 s4;
	_ =	sdelay $0x1  }
0xa1: {  	s23 =	simm.s32 $0x1B8B  }
0xa2: {  	_ =	swait.ge [sflag:s23], $0x1  }
0xa3: {  	[sflag:s23] =	ssyncset.done $0x0  }
0xa4: {  	[sflag:s23] =	ssyncadd.s32 $0xFFFFFFFF  }
0xa5: {  	s4 =	sld [smem:$0x0]  }
0xa6: {  	s5 =	sand.u32 $0xFFFFFFFE, s1  }
0xa7: {  	p0 =	sne.s32 s1, s5  }
0xa8: {  	s5 =	sshll.u32 @p0 s5, $0xE  }
0xa9: {  	s5 =	sadd.s32 @p0 $0x11B8D, s5;
	s6 =	sshll.u32 @p0 s4, $0x11  }
0xaa: {  	s5 =	sor.u32 @p0 s6, s5  }
0xab: {  	[sflag:s5] =	ssyncadd.remote.s32 @p0 $0x1;
	_ =	sdelay $0x1  }
0xac: {  	s5 =	simm.s32 @p0 $0x1B8D  }
0xad: {  	_ =	swait.eq @p0 [sflag:s5], $0x1  }
0xae: {  	[sflag:s5] =	ssyncadd.s32 @p0 $0xFFFFFFFF  }
0xaf: {  	s6 =	sshll.u32 @!p0 s1, $0xE  }
0xb0: {  	s6 =	sor.u32 @!p0 $0x4000, s6;
	s5 =	simm.s32 @!p0 $0x1B8D  }
0xb1: {  	s4 =	sshll.u32 @!p0 s4, $0x11;
	s6 =	sadd.s32 @!p0 $0x11B8D, s6;
	_ =	swait.eq @!p0 [sflag:s5], $0x1  }
0xb2: {  	s4 =	sor.u32 @!p0 s4, s6;
	[sflag:s5] =	ssyncadd.s32 @!p0 $0xFFFFFFFF  }
0xb3: {  	s25 =	simm.s32 $0x1B8E;
	s24 =	sld [smem:$0x3FFE];
	[sflag:s4] =	ssyncadd.remote.s32 @!p0 $0x1  }
0xb4: {  	s26 =	simm.s32 $execute0_lowered;
	[smem:$0x3FD2] =	sst s25  }
0xb5: {  	s5 =	sshll.u32 s26, $0x1;
	_ =	strace $0x80000064;
	[dreg:$0x1] =	wrdreg $0xFFFFFFFF  }
0xb6: {  	s28 =	simm.s32 $_size_execute0_lowered;
	s3 =	sadd.s32 s3, s5;
	[dreg:$0x0] =	wrdreg $0x0  }
0xb7: {  	s5 =	sshll.u32 s28, $0x1;
	[dreg:$0x2] =	wrdreg s3  }
0xb8: {  	[dreg:$0x3] =	wrdreg s5  }
0xb9: {  	[dreg:$0x4] =	wrdreg $0xC0  }
0xba: {  	_ =	task [dreg:s22], $0x5FFFF  }
0xbb: {  	[dreg:$0x1] =	wrdreg $0xFFFFFFFF  }
0xbc: {  	[dreg:$0x0] =	wrdreg $0x60  }
0xbd: {  	[dreg:$0x2] =	wrdreg s24  }
0xbe: {  	[dreg:$0x3] =	wrdreg $0xC  }
0xbf: {  	_ =	task.clear_ibuf [dreg:s22], $0x4FFFF;
	_ =	strace $0x90000064  }
0xc0: {  	s29 =	simm.s32 $0xC;
	_ =	strace $0x8000006D  }
0xc1: {  	_ =	swait.ge [sflag:s29], $0x1  }
0xc2: {  	[sflag:s29] =	ssyncadd.s32 $0xFFFFFFFF  }
0xc3: {  	_ =	strace $0x9000006D  }
0xc4: {  	_ =	sfence  }
0xc5: {  	s30 =	sld [smem:$0x0];
	_ =	sdelay $0x2  }
0xc6: {  	s31 =	sshll.u32 s1, $0xD;
	s1 =	sshrl.u32 s1, $0x2  }
0xc7: {  	s4 =	sand.u32 $0x4000, s31;
	s1 =	sadd.s32 s1, s30  }
0xc8: {  	s0 =	sor.u32 s4, s0;
	s1 =	sshll.u32 s1, $0x11  }
0xc9: {  	s0 =	sor.u32 s1, s0  }
0xca: {  	s0 =	sadd.s32 $0x8F2B, s0  }
0xcb: {  	[sflag:s0] =	ssyncadd.remote.s32 $0x1  }
0xcc: {  	_ =	sfence.sel $0xFFFF  }
0xcd: {  	[dreg:$0x0] =	wrdreg $0xFFFFFFFF;
	(pc) =	sbr.abs _section_cstart, $3  }
0xce: {  	[dreg:$0x1] =	wrdreg $0xFFFFFFFF  }
0xcf: {  	_ =	task.clear_ibuf [dreg:s22], $0x2FFFF;
	_ =	strace $0x9FFFFFFF  }
0xd0: {  	(tm) =	ssettm $0x7FFFFFFF  }
0xd1: {  	_ =	shalt  }
tec
execute0_lowered:
.L_overlay_start_1:
0x0: {  	(tag) =	ssettag $0x1  }
0x1: {  	s1 =	srdreg.scid  }
0x2: {  	s3 =	sand.u32 $0x1, s1  }
0x3: {  	p0 =	seq.s32 s3, $0x1  }
.Ltmp0:
0x4: {  	_ = 	snop;
	(pc) =	sbr.rel @p0 .LBB2_4-.Ltmp0, $4  }
0x5: {  	_ = 	snop  }
0x6: {  	s5 =	rddreg [dreg:$0x0];
	s2 =	simm.s32 $0x0  }
0x7: {  	[smem:$0x7FF] =	sst s2  }
0x8: {  	s0 =	rddreg [dreg:$0x1];
	s1 =	stileid.u32;
	_ =	strace $0x80000065  }
0x9: {  	s4 =	sshll.u32 s3, $0x4;
	s6 =	sadd.s32 $0x14000, s5  }
0xa: {  	s9 =	sadd.s32 $0x19F000, s5;
	s22 =	sadd.s32 $0x1A0000, s5;
	p0 =	por $0x0, $0x0  }
0xb: {  	p1 =	seq.s32 s3, $0x0;
	s10 =	simm.s32 $0xF;
	s4 =	sor.u32 s1, s4  }
0xc: {  	s0 =	simm.s32 $0x1;
	s25 =	simm.s32 $0x80;
	s4 =	smin.u32 s4, $0x10  }
0xd: {  	s8 =	simm.s32 $0x5;
	s18 =	sand.u32 $0x1, s2;
	s21 =	sshll.u32 s4, $0x4  }
0xe: {  	[dreg:$0x2] =	wrdreg s6;
	s7 =	sshll.u32 s4, $0x8;
	s6 =	sand.u32 $0x70, s21  }
0xf: {  	[dreg:$0x4] =	wrdreg s22;
	s24 =	sand.u32 $0x800, s7;
	s23 =	sadd.s32 s9, s6  }
0x10: {  	s16 =	simm.s32 $0x1;
	_ =	strace $0x80000066;
	s5 =	sadd.s32 s24, s23  }
0x11: {  	[tilespmem:s2], [sflag:$0x1] =	stream.linear.gather [hbm4b:s5+s2], $0x80, $0x200038;
	[tilespmem:$0x8100] =	vst v63  }
0x12: {  	p3 =	por $0x1, $0x1;
	s28 =	simm.s32 $0x0;
	s5 =	simm.s32 $0x1  }
0x13: {  	s10 =	simm.s32 @!p1 $0xFFFFFFFF;
	s26 =	sadd.s32 $0x1, s18;
	s5 =	simm.s32 @!p0 $0x0  }
0x14: {  	s29 =	sshll.u32 s18, $0xE;
	s30 =	sand.u32 $0x80, s28;
	s7 =	sadd.s32 $0x0, s5  }
0x15: {  	p5 =	sgt.s32 s10, $0x0;
	s6 =	simm.s32 $0x1;
	p1 =	seq.s32 s7, $0x1  }
0x16: {  	s11 =	sadd.s32 $0x0, s4;
	s6 =	simm.s32 @p0 $0x0;
	s7 =	simm.s32 @p1 $0x0  }
0x17: {  	s11 =	sshll.u32 s11, $0x4;
	p0 =	sne.s32 s6, $0x0;
	p1 =	sne.s32 s7, $0x0  }
0x18: {  	s22 =	sor.u32 $0x100, s29;
	s20 =	sadd.s32 $0x0, s11;
	p2 =	por p0, p1  }
0x19: {  	_ =	strace $0x90000066;
	[dreg:$0x3] =	wrdreg s25;
	p0 =	por !p5, !p2  }
0x1a: {  	s5 =	simm.s32 $0x1;
	s12 =	sadd.s32 s4, s7;
	p1 =	por !p0, !p0  }
0x1b: {  	p5 =	por $0x0, $0x0;
	p0 =	seq.s32 s10, $0x0;
	s13 =	sshll.u32 @p1 s12, $0xB  }
0x1c: {  	p2 =	por p0, p2;
	s14 =	sshll.u32 @p1 s12, $0x7;
	s15 =	sand.u32 @p1 $0x1, s0  }
0x1d: {  	s17 =	sshll.u32 @p1 s6, $0xA;
	s16 =	simm.s32 @!p1 $0x0;
	_ =	strace @p1 $0x80000067  }
0x1e: {  	s13 =	sand.u32 @p1 $0xFFFFC000, s13;
	s14 =	sand.u32 @p1 $0x380, s14;
	s19 =	sshll.u32 @p1 s15, $0x7  }
0x1f: {  	s15 =	sadd.s32 @p1 $0x1, s15;
	s17 =	sadd.s32 @p1 s17, s13;
	s13 =	sshll.u32 s12, $0x4  }
0x20: {  	s12 =	sadd.s32 $0x1, s16;
	s14 =	sor.u32 @p1 s14, s17;
	s17 =	simm.s32 $0x1  }
0x21: {  	s16 =	simm.s32 $0x2;
	s21 =	sadd.s32 s6, s13;
	s17 =	simm.s32 @!p2 $0x0  }
0x22: {  	s14 =	sshrl.u32 @p1 s14, $0x3;
	p6 =	sne.s32 s20, s21;
	s21 =	simm.s32 $0x1  }
0x23: {  	s11 =	sadd.s32 $0x0, s17;
	s14 =	sadd.s32 @p1 s9, s14;
	s17 =	simm.s32 @p1 $0x0  }
0x24: {  	[tilespmem:s19], [sflag:s15] =	stream.linear.gather @p1 [hbm4b:s14+s17], $0x80, $0x200038;
	[tilespmem:$0x8100] =	vst v63  }
0x25: {  	p0 =	por p0, p6;
	s15 =	simm.s32 $0x1;
	_ =	strace @p1 $0x90000067  }
0x26: {  	s14 =	sand.u32 $0x1, s11;
	s15 =	simm.s32 @!p3 $0x0;
	_ =	strace $0x80000068  }
0x27: {  	s19 =	simm.s32 $0xFFFFFFFF;
	s15 =	ssub.s32 $0x0, s15;
	_ =	swait.ge [sflag:s26], $0x80  }
0x28: {  	s17 =	simm.s32 $0x1;
	p4 =	seq.s32 s15, $0xFFFFFFFF;
	[sflag:s26] =	ssyncset.done $0x0  }
0x29: {  	s19 =	simm.s32 @p3 $0xF;
	s15 =	simm.s32 @p4 $0x0;
	[sflag:s26] =	ssyncadd.s32 $0xFFFFFF80  }
0x2a: {  	s17 =	simm.s32 @!p0 $0x0;
	s15 =	sadd.s32 s4, s15;
	_ =	strace $0x90000068  }
0x2b: {  	s17 =	sadd.s32 $0x0, s17;
	s15 =	sshll.u32 s15, $0x4;
	_ =	strace $0x80000069  }
0x2c: {  	s19 =	sadd.s32 s19, s15;
	s15 =	sadd.s32 $0x1, s6;
	s23 =	rddreg [dreg:$0x2]  }
0x2d: {  	p6 =	sne.s32 s20, s19;
	p3 =	seq.s32 s15, $0x10;
	s19 =	simm.s32 $0x1  }
0x2e: {  	s31 =	rddreg [dreg:$0x3];
	p1 =	por !p5, !p6;
	s19 =	simm.s32 @!p3 $0x0  }
0x2f: {  	[tilespmem:s22], [sflag:$0x5] =	stream.indirect.gather [hbm4b:s23+s31], $0x80, s30, s31, $0x2000b8;
	[tilespmem:$0x8100] =	vst v63  }
0x30: {  	s15 =	simm.s32 @p3 $0x0;
	s23 =	simm.s32 @p0 $0x0;
	s19 =	sadd.s32 s19, s7  }
0x31: {  	p4 =	sne.s32 s6, s15;
	p1 =	por !p1, !p1;
	p2 =	seq.s32 s19, $0x1  }
0x32: {  	_ =	swait.ge [sflag:s8], $0x4000;
	s21 =	simm.s32 @!p1 $0x0;
	s19 =	simm.s32 @p2 $0x0  }
.LBB2_2:
0x33: {  	s26 =	smov.u32 s13;
	p3 =	sne.s32 s7, s19  }
0x34: {  	p2 =	seq.s32 s10, s5;
	s13 =	sshll.u32 @p0 s20, $0xB;
	s25 =	smov.u32 s5  }
0x35: {  	s5 =	smov.u32 s16;
	s24 =	smov.u32 s11;
	[sflag:s8] =	ssyncset.done $0x0  }
0x36: {  	s3 =	simm.s32 $0x1;
	s18 =	sadd.s32 @p0 $0x3, s18;
	s16 =	sadd.s32 $0x1, s16  }
0x37: {  	p3 =	por p4, p3;
	p6 =	slt.s32 s25, s10;
	s28 =	sand.u32 @p0 $0x1FFFF800, s13  }
0x38: {  	s13 =	sadd.s32 s4, s19;
	[sflag:s8] =	ssyncadd.s32 $0xFFFFC000;
	p4 =	por !p6, !p3  }
0x39: {  	p3 =	por p2, p3;
	_ =	strace $0x90000069;
	p4 =	por !p4, !p4  }
0x3a: {  	_ =	strace @p0 $0x8000006A;
	s3 =	simm.s32 @!p3 $0x0;
	p3 =	sne.s32 s16, $0x10  }
0x3b: {  	s20 =	sshll.u32 @p4 s13, $0xB;
	s29 =	sshll.u32 @p4 s13, $0x7;
	s30 =	sand.u32 @p4 $0x1, s12  }
0x3c: {  	s31 =	sshll.u32 @p4 s15, $0xA;
	s13 =	sshll.u32 s13, $0x4;
	s1 =	rddreg [dreg:$0x4]  }
0x3d: {  	s11 =	sadd.s32 s3, s11;
	s3 =	sand.u32 @p1 $0x1, s2;
	s2 =	sadd.s32 s21, s2  }
0x3e: {  	s21 =	simm.s32 @p4 $0x0;
	s20 =	sand.u32 @p4 $0xFFFFC000, s20;
	s29 =	sand.u32 @p4 $0x380, s29  }
0x3f: {  	s0 =	sshll.u32 @p4 s30, $0x7;
	s1 =	sadd.s32 @p0 s1, s28;
	s3 =	sadd.s32 @p1 $0x3, s3  }
0x40: {  	[hbm4b:s1+s23] =	stream.linear.scatter @p0 [tilespmem:s22], [sflag:s18], $0x4000, $0x200038;
	[tilespmem:$0x8100] =	vst v63  }
0x41: {  	s20 =	sadd.s32 @p4 s31, s20;
	s31 =	simm.s32 $0x1;
	s1 =	sadd.s32 @p4 $0x1, s30  }
0x42: {  	s22 =	smov.u32 s6;
	s23 =	smov.u32 s7;
	s7 =	smov.u32 s19  }
0x43: {  	s31 =	simm.s32 @!p4 $0x0;
	s29 =	sor.u32 @p4 s29, s20;
	_ =	strace @p0 $0x9000006A  }
0x44: {  	s20 =	sadd.s32 s6, s26;
	s26 =	smov.u32 s14;
	_ =	strace @p1 $0x8000006B  }
0x45: {  	s14 =	sand.u32 $0x1, s11;
	s6 =	smov.u32 s15;
	_ =	swait.ge @p1 [sflag:s3], $0x4000  }
0x46: {  	p6 =	seq.s32 s22, $0x0;
	s12 =	sadd.s32 s31, s12;
	[sflag:s3] =	ssyncset.done @p1 $0x0  }
0x47: {  	s31 =	sadd.s32 s15, s13;
	s18 =	sshrl.u32 @p4 s29, $0x3;
	[sflag:s3] =	ssyncadd.s32 @p1 $0xFFFFC000  }
0x48: {  	s15 =	sadd.s32 $0x1, s15;
	p5 =	sne.s32 s20, s31;
	_ =	strace @p1 $0x9000006B  }
0x49: {  	s18 =	sadd.s32 @p4 s9, s18;
	s3 =	sadd.s32 $0xFFFFFFFF, s22;
	_ =	strace @p4 $0x80000067  }
0x4a: {  	[tilespmem:s0], [sflag:s1] =	stream.linear.gather @p4 [hbm4b:s18+s21], $0x80, $0x200038;
	[tilespmem:$0x8100] =	vst v63  }
0x4b: {  	s3 =	simm.s32 @p6 $0xF;
	s0 =	simm.s32 $0x1;
	s18 =	sand.u32 $0x1, s17  }
0x4c: {  	s21 =	simm.s32 $0x1;
	_ =	strace @p4 $0x90000067;
	p4 =	sne.s32 s25, $0x0  }
0x4d: {  	s0 =	simm.s32 @!p6 $0x0;
	s25 =	sadd.s32 $0x1, s26;
	s26 =	sshll.u32 s24, $0x7  }
0x4e: {  	s28 =	sshll.u32 s18, $0xE;
	_ =	strace $0x80000068;
	s0 =	ssub.s32 s23, s0  }
0x4f: {  	s22 =	sor.u32 $0x100, s28;
	_ =	swait.ge [sflag:s25], $0x80;
	p0 =	seq.s32 s0, $0xFFFFFFFF  }
0x50: {  	s30 =	sand.u32 $0x80, s26;
	[sflag:s25] =	ssyncset.done $0x0;
	s0 =	simm.s32 @p0 $0x0  }
0x51: {  	p0 =	por p2, p5;
	p2 =	seq.s32 s15, $0x10;
	[sflag:s25] =	ssyncadd.s32 $0xFFFFFF80  }
0x52: {  	s0 =	sadd.s32 s4, s0;
	s23 =	simm.s32 @p0 $0x0;
	_ =	strace $0x90000068  }
0x53: {  	s15 =	simm.s32 @p2 $0x0;
	s0 =	sshll.u32 s0, $0x4;
	_ =	strace $0x80000069  }
0x54: {  	s0 =	sadd.s32 s3, s0;
	s3 =	simm.s32 $0x1;
	s29 =	rddreg [dreg:$0x2]  }
0x55: {  	p6 =	sne.s32 s20, s0;
	s31 =	rddreg [dreg:$0x3];
	s3 =	simm.s32 @!p2 $0x0  }
.Ltmp1:
0x56: {  	s0 =	simm.s32 $0x1;
	p1 =	por !p4, !p6;
	(pc) =	sbr.rel @p3 .LBB2_2-.Ltmp1, $4  }
0x57: {  	[tilespmem:s22], [sflag:$0x5] =	stream.indirect.gather [hbm4b:s29+s31], $0x80, s30, s31, $0x2000b8;
	[tilespmem:$0x8100] =	vst v63  }
0x58: {  	s19 =	sadd.s32 s3, s19;
	p4 =	sne.s32 s6, s15;
	s0 =	simm.s32 @!p0 $0x0  }
0x59: {  	_ =	swait.ge [sflag:s8], $0x4000;
	p2 =	seq.s32 s19, $0x1;
	p1 =	por !p1, !p1  }
0x5a: {  	s17 =	sadd.s32 s0, s17;
	s19 =	simm.s32 @p2 $0x0;
	s21 =	simm.s32 @!p1 $0x0  }
0x5b: {  	[sflag:s8] =	ssyncset.done $0x0;
	p2 =	sne.s32 s7, s19  }
0x5c: {  	p3 =	slt.s32 s5, s10;
	s1 =	sshll.u32 @p0 s20, $0xB;
	[sflag:s8] =	ssyncadd.s32 $0xFFFFC000  }
0x5d: {  	s3 =	sadd.s32 s4, s19;
	p2 =	por p4, p2;
	_ =	strace $0x90000069  }
0x5e: {  	s18 =	sadd.s32 @p0 $0x3, s18;
	p2 =	por !p3, !p2;
	_ =	strace @p0 $0x8000006A  }
0x5f: {  	s1 =	sand.u32 @p0 $0x1FFFF800, s1;
	p2 =	por !p2, !p2;
	s0 =	rddreg [dreg:$0x4]  }
0x60: {  	s16 =	sshll.u32 @p2 s3, $0xB;
	s0 =	sadd.s32 @p0 s0, s1;
	s1 =	sand.u32 @p1 $0x1, s2  }
0x61: {  	[hbm4b:s0+s23] =	stream.linear.scatter @p0 [tilespmem:s22], [sflag:s18], $0x4000, $0x200038;
	[tilespmem:$0x8100] =	vst v63  }
0x62: {  	s16 =	sand.u32 @p2 $0xFFFFC000, s16;
	s0 =	sshll.u32 @p2 s3, $0x7;
	_ =	strace @p0 $0x9000006A  }
0x63: {  	s1 =	sadd.s32 @p1 $0x3, s1;
	s18 =	sshll.u32 @p2 s15, $0xA;
	_ =	strace @p1 $0x8000006B  }
0x64: {  	s0 =	sand.u32 @p2 $0x380, s0;
	s16 =	sadd.s32 @p2 s18, s16;
	_ =	swait.ge @p1 [sflag:s1], $0x4000  }
0x65: {  	s0 =	sor.u32 @p2 s0, s16;
	[sflag:s1] =	ssyncset.done @p1 $0x0  }
0x66: {  	s12 =	sand.u32 @p2 $0x1, s12;
	s0 =	sshrl.u32 @p2 s0, $0x3;
	[sflag:s1] =	ssyncadd.s32 @p1 $0xFFFFC000  }
0x67: {  	s18 =	sshll.u32 @p2 s12, $0x7;
	s0 =	sadd.s32 @p2 s9, s0;
	_ =	strace @p1 $0x9000006B  }
0x68: {  	s9 =	simm.s32 @p2 $0x0;
	s1 =	sadd.s32 @p2 $0x1, s12;
	_ =	strace @p2 $0x80000067  }
0x69: {  	[tilespmem:s18], [sflag:s1] =	stream.linear.gather @p2 [hbm4b:s0+s9], $0x80, $0x200038;
	[tilespmem:$0x8100] =	vst v63  }
0x6a: {  	s24 =	sadd.s32 $0x1, s14;
	s11 =	sshll.u32 s11, $0x7;
	_ =	strace @p2 $0x90000067  }
0x6b: {  	p5 =	sne.s32 s5, $0x0;
	s25 =	sshll.u32 s3, $0x4;
	_ =	strace $0x80000068  }
0x6c: {  	s11 =	sand.u32 $0x80, s11;
	s3 =	sand.u32 $0x1, s17;
	_ =	swait.ge [sflag:s24], $0x80  }
0x6d: {  	s2 =	sadd.s32 s21, s2;
	s29 =	sshll.u32 s3, $0xE;
	[sflag:s24] =	ssyncset.done $0x0  }
0x6e: {  	s12 =	sor.u32 $0x100, s29;
	p1 =	seq.s32 s6, $0x0;
	[sflag:s24] =	ssyncadd.s32 $0xFFFFFF80  }
0x6f: {  	p2 =	seq.s32 s10, s5;
	s10 =	simm.s32 $0x1;
	_ =	strace $0x90000068  }
0x70: {  	s0 =	sadd.s32 s15, s25;
	s10 =	simm.s32 @!p1 $0x0;
	_ =	strace $0x80000069  }
0x71: {  	s1 =	sadd.s32 s6, s13;
	s7 =	ssub.s32 s7, s10;
	s26 =	rddreg [dreg:$0x2]  }
0x72: {  	p4 =	sne.s32 s1, s0;
	p3 =	seq.s32 s7, $0xFFFFFFFF;
	s28 =	rddreg [dreg:$0x3]  }
0x73: {  	[tilespmem:s12], [sflag:$0x5] =	stream.indirect.gather [hbm4b:s26+s28], $0x80, s11, s28, $0x2000b8;
	[tilespmem:$0x8100] =	vst v63  }
0x74: {  	s0 =	sadd.s32 $0xFFFFFFFF, s6;
	s7 =	simm.s32 @p3 $0x0;
	_ =	swait.ge [sflag:s8], $0x4000  }
0x75: {  	p0 =	por p2, p4;
	s30 =	sadd.s32 s4, s7;
	[sflag:s8] =	ssyncset.done $0x0  }
0x76: {  	s0 =	simm.s32 @p1 $0xF;
	s4 =	sshll.u32 s30, $0x4;
	[sflag:s8] =	ssyncadd.s32 $0xFFFFC000  }
0x77: {  	s3 =	sadd.s32 @p0 $0x3, s3;
	s0 =	sadd.s32 s0, s4;
	_ =	strace $0x90000069  }
0x78: {  	p6 =	sne.s32 s1, s0;
	s0 =	sshll.u32 @p0 s1, $0xB;
	_ =	strace @p0 $0x8000006A  }
0x79: {  	p1 =	por !p5, !p6;
	s0 =	sand.u32 @p0 $0x1FFFF800, s0;
	s4 =	rddreg [dreg:$0x4]  }
0x7a: {  	s1 =	simm.s32 @p0 $0x0;
	p1 =	por !p1, !p1;
	s0 =	sadd.s32 @p0 s4, s0  }
0x7b: {  	[hbm4b:s0+s1] =	stream.linear.scatter @p0 [tilespmem:s12], [sflag:s3], $0x4000, $0x200038;
	[tilespmem:$0x8100] =	vst v63  }
0x7c: {  	s0 =	sand.u32 @p1 $0x1, s2;
	_ =	strace @p0 $0x9000006A  }
0x7d: {  	s0 =	sadd.s32 @p1 $0x3, s0;
	_ =	strace @p1 $0x8000006B  }
0x7e: {  	s1 =	simm.s32 $0x1;
	_ =	swait.ge @p1 [sflag:s0], $0x4000  }
0x7f: {  	s1 =	simm.s32 @!p1 $0x0;
	[sflag:s0] =	ssyncset.done @p1 $0x0  }
0x80: {  	s1 =	sadd.s32 s1, s2;
	[sflag:s0] =	ssyncadd.s32 @p1 $0xFFFFC000  }
0x81: {  	s31 =	sand.u32 $0x1, s1;
	_ =	strace @p1 $0x9000006B  }
0x82: {  	s0 =	sadd.s32 $0x3, s31;
	_ =	strace $0x8000006C  }
0x83: {  	_ =	swait.ge [sflag:s0], $0x4000  }
0x84: {  	[sflag:s0] =	ssyncset.done $0x0  }
0x85: {  	[sflag:s0] =	ssyncadd.s32 $0xFFFFC000  }
0x86: {  	_ =	strace $0x9000006C  }
0x87: {  	s1 =	stileid.u32;
	s0 =	rddreg [dreg:$0x1]  }
.LBB2_4:
0x88: {  	_ =	sfence.sel $0x180000  }
0x89: {  	[bflag:$0x0] =	sbarrier.arrive $0xFFFF  }
0x8a: {  	p0 =	sne.s32 s1, $0x0;
	_ =	strace $0x90000065  }
0x8b: {  	s0 =	sadd.s32 @!p0 $0x100000, s0;
	[bflag:$0x2] =	sbarrier.arrive $0xFFFF  }
0x8c: {  	[sflag:s0] =	ssyncadd.tile.s32 @!p0 $0x1;
	_ =	shalt  }
.Lfunc_end2:
_tile_overlayer_lowered:
.L_overlay_start_2:
0x8d: {  	(tag) =	ssettag $0x2  }
0x8e: {  	s0 =	rddreg [dreg:$0x0];
	s2 =	stileid.u32  }
0x8f: {  	s1 =	rddreg [dreg:$0x1];
	p0 =	sne.s32 s2, $0x0  }
0x90: {  	s3 =	rddreg [dreg:$0x2];
	[bflag:$0x3] =	sbarrier.arrive $0xFFFF;
	s2 =	simm.s32 @!p0 $0x1C01  }
0x91: {  	[timem:s3], [sflag:s2] =	dma.local @!p0 [hbm:s0], s1  }
0x92: {  	s0 =	simm.s32 @!p0 $0x1  }
0x93: {  	_ =	swait.ge @!p0 [sflag:s0], s1  }
0x94: {  	s1 =	ssub.s32 @!p0 $0x0, s1;
	[sflag:s0] =	ssyncset.done @!p0 $0x0  }
0x95: {  	[sflag:s0] =	ssyncadd.s32 @!p0 s1  }
0x96: {  	[bflag:$0x3] =	sbarrier.arrive $0xFFFF  }
0x97: {  	_ =	shalt  }

</sc_bundles>
